<compile_context>
chip_gen: v7x
topology: tpu7x:2x2x1
jax: 0.10.2.dev20260603
libtpu: 0.0.44.dev20260713+nightly
codegen_flags: <defaults>
</compile_context>

<pallas_src>
import functools

import jax
import jax.numpy as jnp
from jax import lax
from jax.experimental import pallas as pl
from jax.experimental.pallas import tpu as pltpu
from jax.experimental.pallas import tpu_sc as plsc

D_MODEL = 128
KSZ = 8
D_EDGE = 16
PAD_VAL = -999.0
_INV_SQRT_K = 1.0 / (KSZ ** 0.5)

_BE = 3200
_CH = 128


def _dot(a, b):
    return jnp.dot(a, b, preferred_element_type=jnp.float32)


def _ln(h, g, be):
    ones = jnp.full((D_MODEL, D_MODEL), 1.0 / D_MODEL, jnp.bfloat16)
    mu = _dot(h.astype(jnp.bfloat16), ones)
    var = _dot((h * h).astype(jnp.bfloat16), ones) - mu * mu
    v = var + 1e-5
    r = lax.rsqrt(v)
    r = r * (1.5 - 0.5 * v * r * r)
    return (h - mu) * r * g + be


def _kh_body(edges_t_ref,
             w0_ref, b0_ref, g0_ref, be0_ref,
             w1_ref, b1_ref, g1_ref, be1_ref,
             w2_ref, b2_ref, g2_ref, be2_ref,
             h_ref):
    e = edges_t_ref[...]
    keep = (e[0:1, :] != PAD_VAL).astype(jnp.float32)
    e = (e * keep).astype(jnp.bfloat16)
    h = lax.dot_general(e, w0_ref[...], (((0,), (0,)), ((), ())),
                        preferred_element_type=jnp.float32) + b0_ref[...]
    h = jnp.maximum(h, 0.0)
    h = _ln(h, g0_ref[...], be0_ref[...])
    for w_ref, b_ref, g_ref, be_ref in (
            (w1_ref, b1_ref, g1_ref, be1_ref),
            (w2_ref, b2_ref, g2_ref, be2_ref)):
        h = _dot(h.astype(jnp.bfloat16), w_ref[...]) + b_ref[...]
        h = jnp.maximum(h, 0.0)
        h = _ln(h, g_ref[...], be_ref[...])
    h_ref[...] = h.astype(jnp.bfloat16)


def _run_kh(edges_t, weights):
    E = edges_t.shape[1]
    nb = E // _BE
    full = lambda *dims: pl.BlockSpec(dims, lambda i: (0,) * len(dims))
    return pl.pallas_call(
        _kh_body,
        grid=(nb,),
        in_specs=[
            pl.BlockSpec((D_EDGE, _BE), lambda i: (0, i)),
            full(D_EDGE, D_MODEL), full(1, D_MODEL), full(1, D_MODEL), full(1, D_MODEL),
            full(D_MODEL, D_MODEL), full(1, D_MODEL), full(1, D_MODEL), full(1, D_MODEL),
            full(D_MODEL, D_MODEL), full(1, D_MODEL), full(1, D_MODEL), full(1, D_MODEL),
        ],
        out_specs=pl.BlockSpec((_BE, D_MODEL), lambda i: (i, 0)),
        out_shape=jax.ShapeDtypeStruct((E, D_MODEL), jnp.bfloat16),
    )(edges_t, *weights)


def _shift_lanes(v, s):
    n = v.shape[1]
    if s == 0:
        return v
    if s < 0:
        z = jnp.zeros((v.shape[0], -s), v.dtype)
        return jnp.concatenate([z, v[:, : n + s]], axis=1)
    z = jnp.zeros((v.shape[0], s), v.dtype)
    return jnp.concatenate([v[:, s:], z], axis=1)


def _kax_body(h_ref, x_ref, w3p_ref, b3p_ref, ax_ref):
    a = _dot(h_ref[...], w3p_ref[...]) + b3p_ref[...]
    xv = x_ref[...]
    ax = jnp.zeros_like(xv)
    for k in range(KSZ):
        a_k = a[:, k * D_MODEL:(k + 1) * D_MODEL]
        s = k - KSZ // 2
        ax = ax + _shift_lanes(xv, s) * a_k
    ax_ref[...] = ax


def _run_kax(h_all, xs, h_block_off, x_block_off, nblocks, w3p, b3p):
    full = lambda *dims: pl.BlockSpec(dims, lambda i: (0,) * len(dims))
    return pl.pallas_call(
        _kax_body,
        grid=(nblocks,),
        in_specs=[
            pl.BlockSpec((_BE, D_MODEL),
                         lambda i: (i + h_block_off, 0)),
            pl.BlockSpec((_BE, D_MODEL),
                         lambda i: (i + x_block_off, 0)),
            full(D_MODEL, KSZ * D_MODEL), full(1, KSZ * D_MODEL),
        ],
        out_specs=pl.BlockSpec((_BE, D_MODEL), lambda i: (i, 0)),
        out_shape=jax.ShapeDtypeStruct((nblocks * _BE, D_MODEL), jnp.float32),
    )(h_all, xs, w3p, b3p)


def _sc_mesh():
    return plsc.VectorSubcoreMesh(core_axis_name="core",
                                  subcore_axis_name="subcore")


def _sc_gather(x2, src2d):
    M = src2d.shape[1]

    @functools.partial(
        pl.kernel,
        out_type=jax.ShapeDtypeStruct((M, D_MODEL), jnp.float32),
        mesh=_sc_mesh(),
    )
    def k(x_hbm, i_hbm, o_hbm):
        def body(i_vmem, o_vmem):
            pltpu.sync_copy(x_hbm.at[i_vmem.at[0]], o_vmem)

        pltpu.emit_pipeline(
            body,
            grid=(M // _CH,),
            in_specs=[pl.BlockSpec((1, _CH), lambda i: (0, i))],
            out_specs=[pl.BlockSpec((_CH, D_MODEL), lambda i: (i, 0))],
            core_axis_name=("core", "subcore"),
            dimension_semantics=(pltpu.PARALLEL,),
        )(i_hbm, o_hbm)

    return k(x2, src2d)


def _sc_scatter(ax, dst, zeros_nd):
    E = ax.shape[0]
    NP = zeros_nd.shape[0]
    n_sub = 16
    rp = NP // n_sub

    @functools.partial(
        pl.kernel,
        out_type=jax.ShapeDtypeStruct((2, NP, D_MODEL), jnp.float32),
        mesh=_sc_mesh(),
        scratch_types=[pltpu.VMEM_SHARED((NP, D_MODEL), jnp.float32)],
    )
    def k(ax_hbm, dst_hbm, z_hbm, o_hbm, m_sh):
        c = lax.axis_index("core")
        s = lax.axis_index("subcore")
        pltpu.sync_copy(z_hbm.at[pl.ds(s * rp, rp)],
                        m_sh.at[pl.ds(s * rp, rp)])
        plsc.subcore_barrier()

        def body(ax_vmem, i_vmem):
            pltpu.sync_copy(ax_vmem, m_sh.at[i_vmem.at[0]], add=True)

        pltpu.emit_pipeline(
            body,
            grid=(E // _CH,),
            in_specs=[pl.BlockSpec((_CH, D_MODEL), lambda i: (i, 0)),
                      pl.BlockSpec((1, _CH), lambda i: (0, i))],
            out_specs=[],
            core_axis_name=("core", "subcore"),
            dimension_semantics=(pltpu.PARALLEL,),
        )(ax_hbm, dst_hbm)
        plsc.subcore_barrier()
        pltpu.sync_copy(m_sh.at[pl.ds(s * rp, rp)],
                        o_hbm.at[c, pl.ds(s * rp, rp)])

    return k(ax, dst, zeros_nd)


def _add_body(p0_ref, p1_ref, p2_ref, o_ref):
    o_ref[0] = ((p0_ref[0] + p0_ref[1]) + (p1_ref[0] + p1_ref[1])
                + (p2_ref[0] + p2_ref[1]))


def _run_add(parts, N, BN=2000):
    spec = pl.BlockSpec((2, BN, D_MODEL), lambda i: (0, i, 0))
    return pl.pallas_call(
        _add_body,
        grid=(N // BN,),
        in_specs=[spec] * len(parts),
        out_specs=pl.BlockSpec((1, BN, D_MODEL), lambda i: (0, i, 0)),
        out_shape=jax.ShapeDtypeStruct((1, N, D_MODEL), jnp.float32),
    )(*parts)


def kernel(x, edges, pairs_idx,
           W0, b0, g0, be0, W1, b1, g1, be1, W2, b2, g2, be2, W3, b3):
    B, N, D = x.shape
    _, E, _ = edges.shape
    x2 = x[0]
    edges_t = edges[0].T
    p = pairs_idx[0]

    nb = E // _BE
    nb_r1 = nb // 2
    e_r1 = nb_r1 * _BE
    src2d = jnp.concatenate([p[:, 1], p[:, 0]]).reshape(1, 2 * E)
    dstf = p[:, 0].reshape(1, E)
    dstr1 = p[:e_r1, 1].reshape(1, e_r1)
    dstr2 = p[e_r1:, 1].reshape(1, E - e_r1)

    w3p = jnp.transpose(W3.reshape(D, D, KSZ), (0, 2, 1)).reshape(D, KSZ * D)
    w3p = (w3p * _INV_SQRT_K).astype(jnp.bfloat16)
    b3p = (jnp.transpose(b3.reshape(D, KSZ), (1, 0)).reshape(1, KSZ * D)
           * _INV_SQRT_K)
    weights = (W0.astype(jnp.bfloat16), b0.reshape(1, D), g0.reshape(1, D), be0.reshape(1, D),
               W1.astype(jnp.bfloat16), b1.reshape(1, D), g1.reshape(1, D), be1.reshape(1, D),
               W2.astype(jnp.bfloat16), b2.reshape(1, D), g2.reshape(1, D), be2.reshape(1, D))

    NP = ((N + 127) // 128) * 128
    zeros_nd = jnp.zeros((NP, D), jnp.float32)
    h_all = _run_kh(edges_t, weights)
    xs = _sc_gather(x2, src2d)
    axf = _run_kax(h_all, xs, 0, 0, nb, w3p, b3p)
    pf = _sc_scatter(axf, dstf, zeros_nd)
    axr1 = _run_kax(h_all, xs, 0, nb, nb_r1, w3p, b3p)
    pr1 = _sc_scatter(axr1, dstr1, zeros_nd)
    axr2 = _run_kax(h_all, xs, nb_r1, nb + nb_r1, nb - nb_r1, w3p, b3p)
    pr2 = _sc_scatter(axr2, dstr2, zeros_nd)
    return _run_add((pf, pr1, pr2), N)

# --- scband reference (transcript-rebuilt; emitter-appended) ---
"""Pipeline reference for scband-ennmessage-16484084482413 (READ-ONLY COPY).

The authoritative reference and input builder live on the scoring server;
editing this copy changes nothing except your own understanding.
"""

import jax, jax.numpy as jnp
import numpy as np

D_MODEL = 128
KSZ = 8
D_EDGE = 16
PAD_VAL = -999.0


def _layer_norm(h, g, b):
    mu = h.mean(-1, keepdims=True)
    var = ((h - mu) ** 2).mean(-1, keepdims=True)
    return (h - mu) / jnp.sqrt(var + 1e-5) * g + b


def setup_inputs(seed: int = 0):
    key = jax.random.key(seed)

    def k(i):
        return jax.random.fold_in(key, i)

    B, N, E = 1, 10000, 80000
    inp = {}
    inp["x"] = jax.random.normal(k(0), (B, N, D_MODEL), dtype=jnp.float32)
    inp["edges"] = jax.random.normal(k(1), (B, E, D_EDGE), dtype=jnp.float32)
    inp["pairs_idx"] = jax.random.randint(k(2), (B, E, 2), 0, N, dtype=jnp.int32)
    dims = [D_EDGE, 128, 128, 128]
    for i in range(3):
        inp[f"W{i}"] = jax.random.normal(k(10 + i), (dims[i], dims[i + 1]), dtype=jnp.float32) / np.sqrt(dims[i])
        inp[f"b{i}"] = jnp.zeros((dims[i + 1],), dtype=jnp.float32)
        inp[f"g{i}"] = jax.random.uniform(k(20 + i), (dims[i + 1],), dtype=jnp.float32)
        inp[f"be{i}"] = jnp.zeros((dims[i + 1],), dtype=jnp.float32)
    inp["W3"] = jax.random.normal(k(30), (128, D_MODEL * KSZ), dtype=jnp.float32) / np.sqrt(128)
    inp["b3"] = jnp.zeros((D_MODEL * KSZ,), dtype=jnp.float32)
    return inp


def reference(x, edges, pairs_idx, W0, b0, g0, be0, W1, b1, g1, be1, W2, b2, g2, be2, W3, b3):
    B, E, _ = edges.shape
    # enn: 3 hidden layers (Linear -> ReLU -> LayerNorm) + final Linear
    h = edges
    for (W, bb, g, be) in ((W0, b0, g0, be0), (W1, b1, g1, be1), (W2, b2, g2, be2)):
        h = jax.nn.relu(h @ W + bb)
        h = _layer_norm(h, g, be)
    a_vect = (h @ W3 + b3) / (KSZ ** 0.5)
    mask = edges[:, :, 0:1] == PAD_VAL
    a_vect = jnp.where(mask, 0.0, a_vect)
    a_mat = a_vect.reshape(B, E, D_MODEL, KSZ)
    a_mat = jnp.concatenate([a_mat, a_mat], axis=1)
    # bidirectional pairs
    pairs = jnp.concatenate([pairs_idx, pairs_idx[:, :, ::-1]], axis=1)
    # gather source node features: x_in[b, e, :] = x[b, pairs[b, e, 1], :]
    x_in = jnp.take_along_axis(x, pairs[:, :, 1][:, :, None], axis=1)
    # unfold path (kernel_sz < d_model)
    pad_l = KSZ // 2
    pad_r = KSZ // 2 - (1 if KSZ % 2 == 0 else 0)
    xp = jnp.pad(x_in, ((0, 0), (0, 0), (pad_l, pad_r)))
    win = jnp.arange(D_MODEL)[:, None] + jnp.arange(KSZ)[None, :]
    xu = xp[:, :, win]
    ax = (xu * a_mat).sum(-1)
    # scatter-add messages to destination nodes
    idx0 = pairs[:, :, 0]
    bidx = jnp.broadcast_to(jnp.arange(B)[:, None], idx0.shape)
    m = jnp.zeros_like(x).at[bidx, idx0].add(ax)
    return m

if __name__ == "__main__":
    import jax
    _d = setup_inputs()
    print(jax.jit(kernel)(*tuple(_d.values())))

</pallas_src>

<mosaic_0001>
#map = affine_map<(d0, d1) -> (0, 0)>
#map1 = affine_map<(d0, d1) -> (0, 0, 0)>
module attributes {stable_mosaic.version = 14 : i64} {
  func.func @k(%arg0: i32, %arg1: i32, %arg2: memref<80000x128xf32, #tpu.memory_space<hbm>>, %arg3: memref<1x80000xi32, #tpu.memory_space<hbm>>, %arg4: memref<10112x128xf32, #tpu.memory_space<hbm>>, %arg5: memref<2x10112x128xf32, #tpu.memory_space<hbm>>, %arg6: memref<10112x128xf32, #tpu.memory_space<vmem_shared>>) attributes {dimension_semantics = [#tpu.dimension_semantics<core_parallel>, #tpu.dimension_semantics<subcore_parallel>], iteration_bounds = array<i64: 2, 16>, scalar_prefetch = 0 : i64, scratch_operands = 1 : i64, tpu.core_type = #tpu.core_type<sc_vector_subcore>, window_params = [{transform_indices = #map}, {transform_indices = #map}, {transform_indices = #map}, {transform_indices = #map1}]} {
    %mul3A = arith.constant 632 : i32
    %mul3A_0 = arith.muli %arg1, %mul3A : i32
    %mul3A_1 = arith.constant 632 : i32
    %mul3A_2 = arith.muli %arg1, %mul3A_1 : i32
    "tpu.region"() ({
      %run_scoped3A = tpu.sem_alloc : memref<!tpu.dma_semaphore, #tpu.memory_space<semaphore_mem>>
      %dma_start3A = arith.constant 0 : i32
      %dma_start3A_26 = tpu.memref_slice %arg6[%mul3A_2, %dma_start3A] : memref<10112x128xf32, #tpu.memory_space<vmem_shared>> -> memref<632x128xf32, #tpu.memory_space<vmem_shared>>
      %dma_start3A_27 = arith.constant 0 : i32
      %dma_start3A_28 = tpu.memref_slice %arg4[%mul3A_0, %dma_start3A_27] : memref<10112x128xf32, #tpu.memory_space<hbm>> -> memref<632x128xf32, #tpu.memory_space<hbm>>
      tpu.enqueue_dma source(%dma_start3A_28 : memref<632x128xf32, #tpu.memory_space<hbm>>) target(%dma_start3A_26 : memref<632x128xf32, #tpu.memory_space<vmem_shared>>) target_semaphore(%run_scoped3A : memref<!tpu.dma_semaphore, #tpu.memory_space<semaphore_mem>>)
      %dma_wait3A = arith.constant 0 : i32
      %dma_wait3A_29 = tpu.memref_slice %arg6[%mul3A_2, %dma_wait3A] : memref<10112x128xf32, #tpu.memory_space<vmem_shared>> -> memref<632x128xf32, #tpu.memory_space<vmem_shared>>
      %dma_wait3A_30 = arith.constant 0 : i32
      %dma_wait3A_31 = tpu.memref_slice %arg4[%mul3A_0, %dma_wait3A_30] : memref<10112x128xf32, #tpu.memory_space<hbm>> -> memref<632x128xf32, #tpu.memory_space<hbm>>
      tpu.wait_dma2 semaphore(%run_scoped3A : memref<!tpu.dma_semaphore, #tpu.memory_space<semaphore_mem>>) src(%dma_wait3A_31 : memref<632x128xf32, #tpu.memory_space<hbm>>) dst(%dma_wait3A_29 : memref<632x128xf32, #tpu.memory_space<vmem_shared>>)
      tpu.yield
    }) : () -> ()
    %barrier3A = arith.constant 0 : index
    tpu.barrier barrier_id(%barrier3A)
    %mul3A_3 = arith.constant 1 : i32
    %mul3A_4 = arith.muli %arg1, %mul3A_3 : i32
    %add3A = arith.constant 0 : i32
    %add3A_5 = arith.addi %add3A, %mul3A_4 : i32
    %mul3A_6 = arith.constant 16 : i32
    %mul3A_7 = arith.muli %arg0, %mul3A_6 : i32
    %add3A_8 = arith.addi %add3A_5, %mul3A_7 : i32
    %lt3A = arith.constant 17 : i32
    %lt3A_9 = arith.cmpi slt, %add3A_8, %lt3A : i32
    %jit3A = arith.constant 20 : i32
    %jit3A_10 = arith.constant 19 : i32
    %select_n3A = arith.select %lt3A_9, %jit3A, %jit3A_10 : i32
    %lt3A_11 = arith.constant 17 : i32
    %lt3A_12 = arith.cmpi slt, %add3A_8, %lt3A_11 : i32
    %mul3A_13 = arith.muli %add3A_8, %select_n3A : i32
    %mul3A_14 = arith.constant 19 : i32
    %mul3A_15 = arith.muli %add3A_8, %mul3A_14 : i32
    %add3A_16 = arith.constant 17 : i32
    %add3A_17 = arith.addi %mul3A_15, %add3A_16 : i32
    %select_n3A_18 = arith.select %lt3A_12, %mul3A_13, %add3A_17 : i32
    %mul3A_19 = arith.constant 1 : i32
    %mul3A_20 = arith.muli %mul3A_19, %select_n3A : i32
    "tpu.region"() ({
      %run_scoped3A = memref.alloca() : memref<2x128x128xf32, #tpu.memory_space<vmem>>
      %run_scoped3A_26 = tpu.sem_alloc : memref<2x!tpu.dma_semaphore, #tpu.memory_space<semaphore_mem>>
      %run_scoped3A_27 = memref.alloca() : memref<2x1x128xi32, #tpu.memory_space<vmem>>
      %run_scoped3A_28 = tpu.sem_alloc : memref<2x!tpu.dma_semaphore, #tpu.memory_space<semaphore_mem>>
      %gt3A = arith.constant 0 : i32
      %gt3A_29 = arith.cmpi sgt, %mul3A_20, %gt3A : i32
      %convert_element_type3A = arith.extui %gt3A_29 : i1 to i32
      %cond3A = arith.constant 0 : i32
      %cond3A_30 = arith.cmpi ne, %convert_element_type3A, %cond3A : i32
      scf.if %cond3A_30 {
        %mul3A_31 = arith.constant 1 : i32
        %mul3A_32 = arith.muli %mul3A_31, %select_n3A : i32
        %sub3A = arith.constant 1 : i32
        %sub3A_33 = arith.subi %mul3A_32, %sub3A : i32
        %eq3A = arith.constant 0 : i32
        %eq3A_34 = arith.cmpi eq, %sub3A_33, %eq3A : i32
        %add3A_35 = arith.constant 0 : i32
        %add3A_36 = arith.addi %add3A_35, %select_n3A_18 : i32
        %select_n3A_37 = arith.constant true
        %select_n3A_38 = arith.constant 0 : i32
        %select_n3A_39 = arith.constant -1 : i32
        %select_n3A_40 = arith.select %select_n3A_37, %select_n3A_39, %select_n3A_38 : i32
        %eq3A_41 = arith.constant -1 : i32
        %eq3A_42 = arith.cmpi eq, %select_n3A_40, %eq3A_41 : i32
        %sub3A_43 = arith.constant 1 : i32
        %sub3A_44 = arith.subi %select_n3A, %sub3A_43 : i32
        %select_n3A_45 = arith.select %eq3A_42, %sub3A_44, %select_n3A_40 : i32
        %add3A_46 = arith.addi %select_n3A_45, %select_n3A_18 : i32
        %select_n3A_47 = arith.constant true
        %select_n3A_48 = arith.constant 0 : i32
        %select_n3A_49 = arith.constant 1 : i32
        %select_n3A_50 = arith.select %select_n3A_47, %select_n3A_49, %select_n3A_48 : i32
        %eq3A_51 = arith.cmpi eq, %select_n3A_50, %select_n3A : i32
        %select_n3A_52 = arith.constant 0 : i32
        %select_n3A_53 = arith.select %eq3A_51, %select_n3A_52, %select_n3A_50 : i32
        %add3A_54 = arith.addi %select_n3A_53, %select_n3A_18 : i32
        %add3A_55 = arith.constant 1 : i32
        %add3A_56 = arith.addi %select_n3A_53, %add3A_55 : i32
        %select_n3A_57 = arith.constant true
        %select_n3A_58 = arith.select %select_n3A_57, %add3A_56, %select_n3A_53 : i32
        %eq3A_59 = arith.cmpi eq, %select_n3A_58, %select_n3A : i32
        %select_n3A_60 = arith.constant 0 : i32
        %select_n3A_61 = arith.select %eq3A_59, %select_n3A_60, %select_n3A_58 : i32
        %add3A_62 = arith.addi %select_n3A_61, %select_n3A_18 : i32
        "tpu.trace_start"() <{level = 10 : i32, message = "ep_initialize_0"}> : () -> ()
        %rem3A = arith.constant 0 : i32
        %rem3A_63 = arith.constant 2 : i32
        %rem3A_64 = arith.remui %rem3A, %rem3A_63 : i32
        %mul3A_65 = arith.constant 128 : i32
        %mul3A_66 = arith.muli %mul3A_65, %add3A_36 : i32
        %dma_start3A = arith.constant 0 : i32
        %dma_start3A_67 = arith.constant 0 : i32
        %dma_start3A_68 = tpu.memref_slice %run_scoped3A[%rem3A_64, %dma_start3A, %dma_start3A_67] : memref<2x128x128xf32, #tpu.memory_space<vmem>> -> memref<1x128x128xf32, #tpu.memory_space<vmem>>
        %dma_start3A_69 = tpu.memref_squeeze %dma_start3A_68 : memref<1x128x128xf32, #tpu.memory_space<vmem>> -> memref<128x128xf32, #tpu.memory_space<vmem>>
        %dma_start3A_70 = arith.constant 0 : i32
        %dma_start3A_71 = tpu.memref_slice %arg2[%mul3A_66, %dma_start3A_70] : memref<80000x128xf32, #tpu.memory_space<hbm>> -> memref<128x128xf32, #tpu.memory_space<hbm>>
        %dma_start3A_72 = tpu.memref_slice %run_scoped3A_26[%rem3A_64] : memref<2x!tpu.dma_semaphore, #tpu.memory_space<semaphore_mem>> -> memref<1x!tpu.dma_semaphore, #tpu.memory_space<semaphore_mem>>
        %dma_start3A_73 = tpu.memref_squeeze %dma_start3A_72 : memref<1x!tpu.dma_semaphore, #tpu.memory_space<semaphore_mem>> -> memref<!tpu.dma_semaphore, #tpu.memory_space<semaphore_mem>>
        %dma_start3A_74 = arith.constant 0 : i32
        %dma_start3A_75 = arith.constant 0 : i32
        %dma_start3A_76 = tpu.memref_slice %run_scoped3A[%rem3A_64, %dma_start3A_74, %dma_start3A_75] : memref<2x128x128xf32, #tpu.memory_space<vmem>> -> memref<1x128x128xf32, #tpu.memory_space<vmem>>
        %dma_start3A_77 = tpu.memref_squeeze %dma_start3A_76 : memref<1x128x128xf32, #tpu.memory_space<vmem>> -> memref<128x128xf32, #tpu.memory_space<vmem>>
        %dma_start3A_78 = arith.constant 0 : i32
        %dma_start3A_79 = tpu.memref_slice %arg2[%mul3A_66, %dma_start3A_78] : memref<80000x128xf32, #tpu.memory_space<hbm>> -> memref<128x128xf32, #tpu.memory_space<hbm>>
        tpu.enqueue_dma source(%dma_start3A_79 : memref<128x128xf32, #tpu.memory_space<hbm>>) target(%dma_start3A_77 : memref<128x128xf32, #tpu.memory_space<vmem>>) target_semaphore(%dma_start3A_73 : memref<!tpu.dma_semaphore, #tpu.memory_space<semaphore_mem>>)
        %add3A_80 = arith.constant 0 : i32
        %add3A_81 = arith.constant 1 : i32
        %add3A_82 = arith.addi %add3A_80, %add3A_81 : i32
        %select_n3A_83 = arith.constant true
        %select_n3A_84 = arith.constant 0 : i32
        %select_n3A_85 = arith.select %select_n3A_83, %add3A_82, %select_n3A_84 : i32
        %rem3A_86 = arith.constant 0 : i32
        %rem3A_87 = arith.constant 2 : i32
        %rem3A_88 = arith.remui %rem3A_86, %rem3A_87 : i32
        %mul3A_89 = arith.constant 128 : i32
        %mul3A_90 = arith.muli %mul3A_89, %add3A_36 : i32
        %dma_start3A_91 = arith.constant 0 : i32
        %dma_start3A_92 = arith.constant 0 : i32
        %dma_start3A_93 = tpu.memref_slice %run_scoped3A_27[%rem3A_88, %dma_start3A_91, %dma_start3A_92] : memref<2x1x128xi32, #tpu.memory_space<vmem>> -> memref<1x1x128xi32, #tpu.memory_space<vmem>>
        %dma_start3A_94 = tpu.memref_squeeze %dma_start3A_93 : memref<1x1x128xi32, #tpu.memory_space<vmem>> -> memref<1x128xi32, #tpu.memory_space<vmem>>
        %dma_start3A_95 = arith.constant 0 : i32
        %dma_start3A_96 = tpu.memref_slice %arg3[%dma_start3A_95, %mul3A_90] : memref<1x80000xi32, #tpu.memory_space<hbm>> -> memref<1x128xi32, #tpu.memory_space<hbm>>
        %dma_start3A_97 = tpu.memref_slice %run_scoped3A_28[%rem3A_88] : memref<2x!tpu.dma_semaphore, #tpu.memory_space<semaphore_mem>> -> memref<1x!tpu.dma_semaphore, #tpu.memory_space<semaphore_mem>>
        %dma_start3A_98 = tpu.memref_squeeze %dma_start3A_97 : memref<1x!tpu.dma_semaphore, #tpu.memory_space<semaphore_mem>> -> memref<!tpu.dma_semaphore, #tpu.memory_space<semaphore_mem>>
        %dma_start3A_99 = arith.constant 0 : i32
        %dma_start3A_100 = arith.constant 0 : i32
        %dma_start3A_101 = tpu.memref_slice %run_scoped3A_27[%rem3A_88, %dma_start3A_99, %dma_start3A_100] : memref<2x1x128xi32, #tpu.memory_space<vmem>> -> memref<1x1x128xi32, #tpu.memory_space<vmem>>
        %dma_start3A_102 = tpu.memref_squeeze %dma_start3A_101 : memref<1x1x128xi32, #tpu.memory_space<vmem>> -> memref<1x128xi32, #tpu.memory_space<vmem>>
        %dma_start3A_103 = arith.constant 0 : i32
        %dma_start3A_104 = tpu.memref_slice %arg3[%dma_start3A_103, %mul3A_90] : memref<1x80000xi32, #tpu.memory_space<hbm>> -> memref<1x128xi32, #tpu.memory_space<hbm>>
        tpu.enqueue_dma source(%dma_start3A_104 : memref<1x128xi32, #tpu.memory_space<hbm>>) target(%dma_start3A_102 : memref<1x128xi32, #tpu.memory_space<vmem>>) target_semaphore(%dma_start3A_98 : memref<!tpu.dma_semaphore, #tpu.memory_space<semaphore_mem>>)
        %add3A_105 = arith.constant 0 : i32
        %add3A_106 = arith.constant 1 : i32
        %add3A_107 = arith.addi %add3A_105, %add3A_106 : i32
        %select_n3A_108 = arith.constant true
        %select_n3A_109 = arith.constant 0 : i32
        %select_n3A_110 = arith.select %select_n3A_108, %add3A_107, %select_n3A_109 : i32
        %while3A = arith.constant 0 : i32
        %while3A_111 = arith.constant 0 : i32
        %while3A_112 = arith.constant 0 : i32
        %while3A_113 = arith.constant 0 : i32
        "tpu.trace_stop"() : () -> ()
        %while3A_114 = arith.subi %mul3A_20, %while3A : i32
        %while3A_115 = arith.addi %while3A, %while3A_114 : i32
        %while3A_116 = arith.constant 1 : i32
        %while3A_117 = arith.divsi %while3A_114, %while3A_116 : i32
        %while3A_118 = arith.muli %while3A_117, %while3A_116 : i32
        %while3A_119 = arith.addi %while3A, %while3A_118 : i32
        %while3A_120 = arith.constant 1 : i32
        %while3A_121:5 = scf.for %while3A_175 = %while3A to %while3A_119 step %while3A_120 iter_args(%while3A_176 = %select_n3A_85, %while3A_177 = %while3A_111, %while3A_178 = %select_n3A_110, %while3A_179 = %while3A_112, %while3A_180 = %while3A_113) -> (i32, i32, i32, i32, i32)  : i32 {
          %mul3A_181 = arith.constant 1 : i32
          %mul3A_182 = arith.muli %mul3A_181, %select_n3A : i32
          %eq3A_183 = arith.constant 0 : i32
          %eq3A_184 = arith.cmpi eq, %while3A_175, %eq3A_183 : i32
          %sub3A_185 = arith.constant 1 : i32
          %sub3A_186 = arith.subi %mul3A_182, %sub3A_185 : i32
          %eq3A_187 = arith.cmpi eq, %while3A_175, %sub3A_186 : i32
          %add3A_188 = arith.addi %while3A_180, %select_n3A_18 : i32
          %sub3A_189 = arith.constant 1 : i32
          %sub3A_190 = arith.subi %while3A_180, %sub3A_189 : i32
          %select_n3A_191 = arith.constant true
          %select_n3A_192 = arith.select %select_n3A_191, %sub3A_190, %while3A_180 : i32
          %eq3A_193 = arith.constant -1 : i32
          %eq3A_194 = arith.cmpi eq, %select_n3A_192, %eq3A_193 : i32
          %sub3A_195 = arith.constant 1 : i32
          %sub3A_196 = arith.subi %select_n3A, %sub3A_195 : i32
          %select_n3A_197 = arith.select %eq3A_194, %sub3A_196, %select_n3A_192 : i32
          %add3A_198 = arith.addi %select_n3A_197, %select_n3A_18 : i32
          %add3A_199 = arith.constant 1 : i32
          %add3A_200 = arith.addi %while3A_180, %add3A_199 : i32
          %select_n3A_201 = arith.constant true
          %select_n3A_202 = arith.select %select_n3A_201, %add3A_200, %while3A_180 : i32
          %eq3A_203 = arith.cmpi eq, %select_n3A_202, %select_n3A : i32
          %select_n3A_204 = arith.constant 0 : i32
          %select_n3A_205 = arith.select %eq3A_203, %select_n3A_204, %select_n3A_202 : i32
          %add3A_206 = arith.addi %select_n3A_205, %select_n3A_18 : i32
          %add3A_207 = arith.constant 1 : i32
          %add3A_208 = arith.addi %select_n3A_205, %add3A_207 : i32
          %select_n3A_209 = arith.constant true
          %select_n3A_210 = arith.select %select_n3A_209, %add3A_208, %select_n3A_205 : i32
          %eq3A_211 = arith.cmpi eq, %select_n3A_210, %select_n3A : i32
          %select_n3A_212 = arith.constant 0 : i32
          %select_n3A_213 = arith.select %eq3A_211, %select_n3A_212, %select_n3A_210 : i32
          %add3A_214 = arith.addi %select_n3A_213, %select_n3A_18 : i32
          %ne3A = arith.cmpi ne, %add3A_188, %add3A_206 : i32
          %or3A = arith.constant false
          %or3A_215 = arith.ori %or3A, %ne3A : i1
          %or3A_216 = arith.constant false
          %or3A_217 = arith.ori %or3A_215, %or3A_216 : i1
          %sub3A_218 = arith.constant 2 : i32
          %sub3A_219 = arith.subi %mul3A_182, %sub3A_218 : i32
          %add3A_220 = arith.constant 1 : i32
          %add3A_221 = arith.addi %sub3A_219, %add3A_220 : i32
          %ge3A = arith.cmpi sge, %while3A_175, %add3A_221 : i32
          %not3A = arith.constant true
          %not3A_222 = arith.xori %ge3A, %not3A : i1
          %and3A = arith.andi %or3A_217, %not3A_222 : i1
          %convert_element_type3A_223 = arith.extui %and3A : i1 to i32
          %cond3A_224 = arith.constant 0 : i32
          %cond3A_225 = arith.cmpi ne, %convert_element_type3A_223, %cond3A_224 : i32
          scf.if %cond3A_225 {
            "tpu.trace_start"() <{level = 10 : i32, message = "ep_copy_in"}> : () -> ()
            %rem3A_338 = arith.constant 2 : i32
            %rem3A_339 = arith.remui %while3A_176, %rem3A_338 : i32
            %mul3A_340 = arith.constant 128 : i32
            %mul3A_341 = arith.muli %mul3A_340, %add3A_206 : i32
            %dma_start3A_342 = arith.constant 0 : i32
            %dma_start3A_343 = arith.constant 0 : i32
            %dma_start3A_344 = tpu.memref_slice %run_scoped3A[%rem3A_339, %dma_start3A_342, %dma_start3A_343] : memref<2x128x128xf32, #tpu.memory_space<vmem>> -> memref<1x128x128xf32, #tpu.memory_space<vmem>>
            %dma_start3A_345 = tpu.memref_squeeze %dma_start3A_344 : memref<1x128x128xf32, #tpu.memory_space<vmem>> -> memref<128x128xf32, #tpu.memory_space<vmem>>
            %dma_start3A_346 = arith.constant 0 : i32
            %dma_start3A_347 = tpu.memref_slice %arg2[%mul3A_341, %dma_start3A_346] : memref<80000x128xf32, #tpu.memory_space<hbm>> -> memref<128x128xf32, #tpu.memory_space<hbm>>
            %dma_start3A_348 = tpu.memref_slice %run_scoped3A_26[%rem3A_339] : memref<2x!tpu.dma_semaphore, #tpu.memory_space<semaphore_mem>> -> memref<1x!tpu.dma_semaphore, #tpu.memory_space<semaphore_mem>>
            %dma_start3A_349 = tpu.memref_squeeze %dma_start3A_348 : memref<1x!tpu.dma_semaphore, #tpu.memory_space<semaphore_mem>> -> memref<!tpu.dma_semaphore, #tpu.memory_space<semaphore_mem>>
            %dma_start3A_350 = arith.constant 0 : i32
            %dma_start3A_351 = arith.constant 0 : i32
            %dma_start3A_352 = tpu.memref_slice %run_scoped3A[%rem3A_339, %dma_start3A_350, %dma_start3A_351] : memref<2x128x128xf32, #tpu.memory_space<vmem>> -> memref<1x128x128xf32, #tpu.memory_space<vmem>>
            %dma_start3A_353 = tpu.memref_squeeze %dma_start3A_352 : memref<1x128x128xf32, #tpu.memory_space<vmem>> -> memref<128x128xf32, #tpu.memory_space<vmem>>
            %dma_start3A_354 = arith.constant 0 : i32
            %dma_start3A_355 = tpu.memref_slice %arg2[%mul3A_341, %dma_start3A_354] : memref<80000x128xf32, #tpu.memory_space<hbm>> -> memref<128x128xf32, #tpu.memory_space<hbm>>
            tpu.enqueue_dma source(%dma_start3A_355 : memref<128x128xf32, #tpu.memory_space<hbm>>) target(%dma_start3A_353 : memref<128x128xf32, #tpu.memory_space<vmem>>) target_semaphore(%dma_start3A_349 : memref<!tpu.dma_semaphore, #tpu.memory_space<semaphore_mem>>)
            "tpu.trace_stop"() : () -> ()
          } else {
          }
          %and3A_226 = arith.constant true
          %and3A_227 = arith.andi %and3A, %and3A_226 : i1
          %add3A_228 = arith.constant 1 : i32
          %add3A_229 = arith.addi %while3A_176, %add3A_228 : i32
          %select_n3A_230 = arith.select %and3A_227, %add3A_229, %while3A_176 : i32
          %ne3A_231 = arith.cmpi ne, %add3A_188, %add3A_206 : i32
          %or3A_232 = arith.constant false
          %or3A_233 = arith.ori %or3A_232, %ne3A_231 : i1
          %sub3A_234 = arith.constant 2 : i32
          %sub3A_235 = arith.subi %mul3A_182, %sub3A_234 : i32
          %add3A_236 = arith.constant 1 : i32
          %add3A_237 = arith.addi %sub3A_235, %add3A_236 : i32
          %ge3A_238 = arith.cmpi sge, %while3A_175, %add3A_237 : i32
          %not3A_239 = arith.constant true
          %not3A_240 = arith.xori %ge3A_238, %not3A_239 : i1
          %and3A_241 = arith.andi %or3A_233, %not3A_240 : i1
          %convert_element_type3A_242 = arith.extui %and3A_241 : i1 to i32
          %cond3A_243 = arith.constant 0 : i32
          %cond3A_244 = arith.cmpi ne, %convert_element_type3A_242, %cond3A_243 : i32
          scf.if %cond3A_244 {
            "tpu.trace_start"() <{level = 10 : i32, message = "ep_copy_in"}> : () -> ()
            %rem3A_338 = arith.constant 2 : i32
            %rem3A_339 = arith.remui %while3A_178, %rem3A_338 : i32
            %mul3A_340 = arith.constant 128 : i32
            %mul3A_341 = arith.muli %mul3A_340, %add3A_206 : i32
            %dma_start3A_342 = arith.constant 0 : i32
            %dma_start3A_343 = arith.constant 0 : i32
            %dma_start3A_344 = tpu.memref_slice %run_scoped3A_27[%rem3A_339, %dma_start3A_342, %dma_start3A_343] : memref<2x1x128xi32, #tpu.memory_space<vmem>> -> memref<1x1x128xi32, #tpu.memory_space<vmem>>
            %dma_start3A_345 = tpu.memref_squeeze %dma_start3A_344 : memref<1x1x128xi32, #tpu.memory_space<vmem>> -> memref<1x128xi32, #tpu.memory_space<vmem>>
            %dma_start3A_346 = arith.constant 0 : i32
            %dma_start3A_347 = tpu.memref_slice %arg3[%dma_start3A_346, %mul3A_341] : memref<1x80000xi32, #tpu.memory_space<hbm>> -> memref<1x128xi32, #tpu.memory_space<hbm>>
            %dma_start3A_348 = tpu.memref_slice %run_scoped3A_28[%rem3A_339] : memref<2x!tpu.dma_semaphore, #tpu.memory_space<semaphore_mem>> -> memref<1x!tpu.dma_semaphore, #tpu.memory_space<semaphore_mem>>
            %dma_start3A_349 = tpu.memref_squeeze %dma_start3A_348 : memref<1x!tpu.dma_semaphore, #tpu.memory_space<semaphore_mem>> -> memref<!tpu.dma_semaphore, #tpu.memory_space<semaphore_mem>>
            %dma_start3A_350 = arith.constant 0 : i32
            %dma_start3A_351 = arith.constant 0 : i32
            %dma_start3A_352 = tpu.memref_slice %run_scoped3A_27[%rem3A_339, %dma_start3A_350, %dma_start3A_351] : memref<2x1x128xi32, #tpu.memory_space<vmem>> -> memref<1x1x128xi32, #tpu.memory_space<vmem>>
            %dma_start3A_353 = tpu.memref_squeeze %dma_start3A_352 : memref<1x1x128xi32, #tpu.memory_space<vmem>> -> memref<1x128xi32, #tpu.memory_space<vmem>>
            %dma_start3A_354 = arith.constant 0 : i32
            %dma_start3A_355 = tpu.memref_slice %arg3[%dma_start3A_354, %mul3A_341] : memref<1x80000xi32, #tpu.memory_space<hbm>> -> memref<1x128xi32, #tpu.memory_space<hbm>>
            tpu.enqueue_dma source(%dma_start3A_355 : memref<1x128xi32, #tpu.memory_space<hbm>>) target(%dma_start3A_353 : memref<1x128xi32, #tpu.memory_space<vmem>>) target_semaphore(%dma_start3A_349 : memref<!tpu.dma_semaphore, #tpu.memory_space<semaphore_mem>>)
            "tpu.trace_stop"() : () -> ()
          } else {
          }
          %and3A_245 = arith.constant true
          %and3A_246 = arith.andi %and3A_241, %and3A_245 : i1
          %add3A_247 = arith.constant 1 : i32
          %add3A_248 = arith.addi %while3A_178, %add3A_247 : i32
          %select_n3A_249 = arith.select %and3A_246, %add3A_248, %while3A_178 : i32
          %ne3A_250 = arith.cmpi ne, %add3A_188, %add3A_198 : i32
          %or3A_251 = arith.constant false
          %or3A_252 = arith.ori %or3A_251, %ne3A_250 : i1
          %or3A_253 = arith.constant false
          %or3A_254 = arith.ori %or3A_252, %or3A_253 : i1
          %or3A_255 = arith.ori %or3A_254, %eq3A_184 : i1
          %convert_element_type3A_256 = arith.extui %or3A_255 : i1 to i32
          %cond3A_257 = arith.constant 0 : i32
          %cond3A_258 = arith.cmpi ne, %convert_element_type3A_256, %cond3A_257 : i32
          scf.if %cond3A_258 {
            "tpu.trace_start"() <{level = 10 : i32, message = "ep_wait_in"}> : () -> ()
            %mul3A_338 = arith.constant 128 : i32
            %mul3A_339 = arith.muli %mul3A_338, %add3A_188 : i32
            %rem3A_340 = arith.constant 2 : i32
            %rem3A_341 = arith.remui %while3A_177, %rem3A_340 : i32
            %dma_wait3A = arith.constant 0 : i32
            %dma_wait3A_342 = arith.constant 0 : i32
            %dma_wait3A_343 = tpu.memref_slice %run_scoped3A[%rem3A_341, %dma_wait3A, %dma_wait3A_342] : memref<2x128x128xf32, #tpu.memory_space<vmem>> -> memref<1x128x128xf32, #tpu.memory_space<vmem>>
            %dma_wait3A_344 = tpu.memref_squeeze %dma_wait3A_343 : memref<1x128x128xf32, #tpu.memory_space<vmem>> -> memref<128x128xf32, #tpu.memory_space<vmem>>
            %dma_wait3A_345 = arith.constant 0 : i32
            %dma_wait3A_346 = tpu.memref_slice %arg2[%mul3A_339, %dma_wait3A_345] : memref<80000x128xf32, #tpu.memory_space<hbm>> -> memref<128x128xf32, #tpu.memory_space<hbm>>
            %dma_wait3A_347 = tpu.memref_slice %run_scoped3A_26[%rem3A_341] : memref<2x!tpu.dma_semaphore, #tpu.memory_space<semaphore_mem>> -> memref<1x!tpu.dma_semaphore, #tpu.memory_space<semaphore_mem>>
            %dma_wait3A_348 = tpu.memref_squeeze %dma_wait3A_347 : memref<1x!tpu.dma_semaphore, #tpu.memory_space<semaphore_mem>> -> memref<!tpu.dma_semaphore, #tpu.memory_space<semaphore_mem>>
            %dma_wait3A_349 = arith.constant 0 : i32
            %dma_wait3A_350 = arith.constant 0 : i32
            %dma_wait3A_351 = tpu.memref_slice %run_scoped3A[%rem3A_341, %dma_wait3A_349, %dma_wait3A_350] : memref<2x128x128xf32, #tpu.memory_space<vmem>> -> memref<1x128x128xf32, #tpu.memory_space<vmem>>
            %dma_wait3A_352 = tpu.memref_squeeze %dma_wait3A_351 : memref<1x128x128xf32, #tpu.memory_space<vmem>> -> memref<128x128xf32, #tpu.memory_space<vmem>>
            %dma_wait3A_353 = arith.constant 0 : i32
            %dma_wait3A_354 = tpu.memref_slice %arg2[%mul3A_339, %dma_wait3A_353] : memref<80000x128xf32, #tpu.memory_space<hbm>> -> memref<128x128xf32, #tpu.memory_space<hbm>>
            tpu.wait_dma2 semaphore(%dma_wait3A_348 : memref<!tpu.dma_semaphore, #tpu.memory_space<semaphore_mem>>) src(%dma_wait3A_354 : memref<128x128xf32, #tpu.memory_space<hbm>>) dst(%dma_wait3A_352 : memref<128x128xf32, #tpu.memory_space<vmem>>)
            "tpu.trace_stop"() : () -> ()
          } else {
          }
          %ne3A_259 = arith.cmpi ne, %add3A_188, %add3A_198 : i32
          %or3A_260 = arith.constant false
          %or3A_261 = arith.ori %or3A_260, %ne3A_259 : i1
          %or3A_262 = arith.ori %or3A_261, %eq3A_184 : i1
          %convert_element_type3A_263 = arith.extui %or3A_262 : i1 to i32
          %cond3A_264 = arith.constant 0 : i32
          %cond3A_265 = arith.cmpi ne, %convert_element_type3A_263, %cond3A_264 : i32
          scf.if %cond3A_265 {
            "tpu.trace_start"() <{level = 10 : i32, message = "ep_wait_in"}> : () -> ()
            %mul3A_338 = arith.constant 128 : i32
            %mul3A_339 = arith.muli %mul3A_338, %add3A_188 : i32
            %rem3A_340 = arith.constant 2 : i32
            %rem3A_341 = arith.remui %while3A_179, %rem3A_340 : i32
            %dma_wait3A = arith.constant 0 : i32
            %dma_wait3A_342 = arith.constant 0 : i32
            %dma_wait3A_343 = tpu.memref_slice %run_scoped3A_27[%rem3A_341, %dma_wait3A, %dma_wait3A_342] : memref<2x1x128xi32, #tpu.memory_space<vmem>> -> memref<1x1x128xi32, #tpu.memory_space<vmem>>
            %dma_wait3A_344 = tpu.memref_squeeze %dma_wait3A_343 : memref<1x1x128xi32, #tpu.memory_space<vmem>> -> memref<1x128xi32, #tpu.memory_space<vmem>>
            %dma_wait3A_345 = arith.constant 0 : i32
            %dma_wait3A_346 = tpu.memref_slice %arg3[%dma_wait3A_345, %mul3A_339] : memref<1x80000xi32, #tpu.memory_space<hbm>> -> memref<1x128xi32, #tpu.memory_space<hbm>>
            %dma_wait3A_347 = tpu.memref_slice %run_scoped3A_28[%rem3A_341] : memref<2x!tpu.dma_semaphore, #tpu.memory_space<semaphore_mem>> -> memref<1x!tpu.dma_semaphore, #tpu.memory_space<semaphore_mem>>
            %dma_wait3A_348 = tpu.memref_squeeze %dma_wait3A_347 : memref<1x!tpu.dma_semaphore, #tpu.memory_space<semaphore_mem>> -> memref<!tpu.dma_semaphore, #tpu.memory_space<semaphore_mem>>
            %dma_wait3A_349 = arith.constant 0 : i32
            %dma_wait3A_350 = arith.constant 0 : i32
            %dma_wait3A_351 = tpu.memref_slice %run_scoped3A_27[%rem3A_341, %dma_wait3A_349, %dma_wait3A_350] : memref<2x1x128xi32, #tpu.memory_space<vmem>> -> memref<1x1x128xi32, #tpu.memory_space<vmem>>
            %dma_wait3A_352 = tpu.memref_squeeze %dma_wait3A_351 : memref<1x1x128xi32, #tpu.memory_space<vmem>> -> memref<1x128xi32, #tpu.memory_space<vmem>>
            %dma_wait3A_353 = arith.constant 0 : i32
            %dma_wait3A_354 = tpu.memref_slice %arg3[%dma_wait3A_353, %mul3A_339] : memref<1x80000xi32, #tpu.memory_space<hbm>> -> memref<1x128xi32, #tpu.memory_space<hbm>>
            tpu.wait_dma2 semaphore(%dma_wait3A_348 : memref<!tpu.dma_semaphore, #tpu.memory_space<semaphore_mem>>) src(%dma_wait3A_354 : memref<1x128xi32, #tpu.memory_space<hbm>>) dst(%dma_wait3A_352 : memref<1x128xi32, #tpu.memory_space<vmem>>)
            "tpu.trace_stop"() : () -> ()
          } else {
          }
          %rem3A_266 = arith.constant 2 : i32
          %rem3A_267 = arith.remui %while3A_177, %rem3A_266 : i32
          %rem3A_268 = arith.constant 2 : i32
          %rem3A_269 = arith.remui %while3A_179, %rem3A_268 : i32
          %run_scoped3A_270 = arith.constant 0 : i32
          "tpu.trace_start"() <{level = 10 : i32, message = "ep_run_kernel"}> : () -> ()
          "tpu.region"() ({
            %run_scoped3A_338 = tpu.sem_alloc : memref<!tpu.dma_semaphore, #tpu.memory_space<semaphore_mem>>
            %dma_start3A_339 = arith.constant 0 : i32
            %dma_start3A_340 = arith.constant 0 : i32
            %dma_start3A_341 = tpu.memref_slice %run_scoped3A[%rem3A_267, %dma_start3A_339, %dma_start3A_340] : memref<2x128x128xf32, #tpu.memory_space<vmem>> -> memref<1x128x128xf32, #tpu.memory_space<vmem>>
            %dma_start3A_342 = tpu.memref_squeeze %dma_start3A_341 : memref<1x128x128xf32, #tpu.memory_space<vmem>> -> memref<128x128xf32, #tpu.memory_space<vmem>>
            %dma_start3A_343 = arith.constant 0 : i32
            %dma_start3A_344 = arith.constant 0 : i32
            %dma_start3A_345 = tpu.memref_slice %run_scoped3A_27[%rem3A_269, %dma_start3A_343, %dma_start3A_344] : memref<2x1x128xi32, #tpu.memory_space<vmem>> -> memref<1x1x128xi32, #tpu.memory_space<vmem>>
            %dma_start3A_346 = tpu.memref_squeeze %dma_start3A_345 : memref<1x1x128xi32, #tpu.memory_space<vmem>> -> memref<1x128xi32, #tpu.memory_space<vmem>>
            %dma_start3A_347 = arith.constant 0 : i32
            %dma_start3A_348 = tpu.memref_slice %dma_start3A_346[%run_scoped3A_270, %dma_start3A_347] : memref<1x128xi32, #tpu.memory_space<vmem>> -> memref<1x128xi32, #tpu.memory_space<vmem>>
            %dma_start3A_349 = tpu.memref_squeeze %dma_start3A_348 : memref<1x128xi32, #tpu.memory_space<vmem>> -> memref<128xi32, #tpu.memory_space<vmem>>
            %dma_start3A_350 = arith.constant 0 : i32
            %dma_start3A_351 = arith.constant 0 : i32
            %dma_start3A_352 = tpu.memref_slice %arg6[%dma_start3A_350, %dma_start3A_351] : memref<10112x128xf32, #tpu.memory_space<vmem_shared>> -> memref<10112x128xf32, #tpu.memory_space<vmem_shared>>
            tpu.enqueue_indirect_dma source(%dma_start3A_342 : memref<128x128xf32, #tpu.memory_space<vmem>>) target(%dma_start3A_352 : memref<10112x128xf32, #tpu.memory_space<vmem_shared>>) offsets(%dma_start3A_349 : memref<128xi32, #tpu.memory_space<vmem>>) semaphore(%run_scoped3A_338 : memref<!tpu.dma_semaphore, #tpu.memory_space<semaphore_mem>>) {add = true}
            %dma_wait3A = arith.constant 0 : i32
            %dma_wait3A_353 = arith.constant 0 : i32
            %dma_wait3A_354 = tpu.memref_slice %run_scoped3A[%rem3A_267, %dma_wait3A, %dma_wait3A_353] : memref<2x128x128xf32, #tpu.memory_space<vmem>> -> memref<1x128x128xf32, #tpu.memory_space<vmem>>
            %dma_wait3A_355 = tpu.memref_squeeze %dma_wait3A_354 : memref<1x128x128xf32, #tpu.memory_space<vmem>> -> memref<128x128xf32, #tpu.memory_space<vmem>>
            %dma_wait3A_356 = arith.constant 0 : i32
            %dma_wait3A_357 = arith.constant 0 : i32
            %dma_wait3A_358 = tpu.memref_slice %run_scoped3A_27[%rem3A_269, %dma_wait3A_356, %dma_wait3A_357] : memref<2x1x128xi32, #tpu.memory_space<vmem>> -> memref<1x1x128xi32, #tpu.memory_space<vmem>>
            %dma_wait3A_359 = tpu.memref_squeeze %dma_wait3A_358 : memref<1x1x128xi32, #tpu.memory_space<vmem>> -> memref<1x128xi32, #tpu.memory_space<vmem>>
            %dma_wait3A_360 = arith.constant 0 : i32
            %dma_wait3A_361 = tpu.memref_slice %dma_wait3A_359[%run_scoped3A_270, %dma_wait3A_360] : memref<1x128xi32, #tpu.memory_space<vmem>> -> memref<1x128xi32, #tpu.memory_space<vmem>>
            %dma_wait3A_362 = tpu.memref_squeeze %dma_wait3A_361 : memref<1x128xi32, #tpu.memory_space<vmem>> -> memref<128xi32, #tpu.memory_space<vmem>>
            %dma_wait3A_363 = arith.constant 0 : i32
            %dma_wait3A_364 = arith.constant 0 : i32
            %dma_wait3A_365 = tpu.memref_slice %arg6[%dma_wait3A_363, %dma_wait3A_364] : memref<10112x128xf32, #tpu.memory_space<vmem_shared>> -> memref<10112x128xf32, #tpu.memory_space<vmem_shared>>
            tpu.wait_indirect_dma semaphore(%run_scoped3A_338 : memref<!tpu.dma_semaphore, #tpu.memory_space<semaphore_mem>>) src(%dma_wait3A_355 : memref<128x128xf32, #tpu.memory_space<vmem>>) dst(%dma_wait3A_365 : memref<10112x128xf32, #tpu.memory_space<vmem_shared>>)
            tpu.yield
          }) : () -> ()
          "tpu.trace_stop"() : () -> ()
          %ne3A_271 = arith.cmpi ne, %add3A_188, %add3A_206 : i32
          %or3A_272 = arith.constant false
          %or3A_273 = arith.ori %or3A_272, %ne3A_271 : i1
          %or3A_274 = arith.constant false
          %or3A_275 = arith.ori %or3A_273, %or3A_274 : i1
          %or3A_276 = arith.ori %or3A_275, %eq3A_187 : i1
          %convert_element_type3A_277 = arith.extui %or3A_276 : i1 to i32
          %cond3A_278 = arith.constant 0 : i32
          %cond3A_279 = arith.cmpi ne, %convert_element_type3A_277, %cond3A_278 : i32
          scf.if %cond3A_279 {
          } else {
          }
          %and3A_280 = arith.constant false
          %and3A_281 = arith.andi %or3A_276, %and3A_280 : i1
          %ne3A_282 = arith.cmpi ne, %add3A_188, %add3A_206 : i32
          %or3A_283 = arith.constant false
          %or3A_284 = arith.ori %or3A_283, %ne3A_282 : i1
          %or3A_285 = arith.ori %or3A_284, %eq3A_187 : i1
          %convert_element_type3A_286 = arith.extui %or3A_285 : i1 to i32
          %cond3A_287 = arith.constant 0 : i32
          %cond3A_288 = arith.cmpi ne, %convert_element_type3A_286, %cond3A_287 : i32
          scf.if %cond3A_288 {
          } else {
          }
          %and3A_289 = arith.constant false
          %and3A_290 = arith.andi %or3A_285, %and3A_289 : i1
          %ne3A_291 = arith.cmpi ne, %add3A_188, %add3A_198 : i32
          %or3A_292 = arith.constant false
          %or3A_293 = arith.ori %or3A_292, %ne3A_291 : i1
          %or3A_294 = arith.constant false
          %or3A_295 = arith.ori %or3A_293, %or3A_294 : i1
          %not3A_296 = arith.constant true
          %not3A_297 = arith.xori %eq3A_184, %not3A_296 : i1
          %and3A_298 = arith.andi %or3A_295, %not3A_297 : i1
          %convert_element_type3A_299 = arith.extui %and3A_298 : i1 to i32
          %cond3A_300 = arith.constant 0 : i32
          %cond3A_301 = arith.cmpi ne, %convert_element_type3A_299, %cond3A_300 : i32
          scf.if %cond3A_301 {
          } else {
          }
          %and3A_302 = arith.constant false
          %and3A_303 = arith.andi %and3A_298, %and3A_302 : i1
          %ne3A_304 = arith.cmpi ne, %add3A_188, %add3A_198 : i32
          %or3A_305 = arith.constant false
          %or3A_306 = arith.ori %or3A_305, %ne3A_304 : i1
          %not3A_307 = arith.constant true
          %not3A_308 = arith.xori %eq3A_184, %not3A_307 : i1
          %and3A_309 = arith.andi %or3A_306, %not3A_308 : i1
          %convert_element_type3A_310 = arith.extui %and3A_309 : i1 to i32
          %cond3A_311 = arith.constant 0 : i32
          %cond3A_312 = arith.cmpi ne, %convert_element_type3A_310, %cond3A_311 : i32
          scf.if %cond3A_312 {
          } else {
          }
          %and3A_313 = arith.constant false
          %and3A_314 = arith.andi %and3A_309, %and3A_313 : i1
          %ne3A_315 = arith.cmpi ne, %add3A_188, %add3A_206 : i32
          %or3A_316 = arith.constant false
          %or3A_317 = arith.ori %or3A_316, %ne3A_315 : i1
          %or3A_318 = arith.constant false
          %or3A_319 = arith.ori %or3A_317, %or3A_318 : i1
          %or3A_320 = arith.ori %or3A_319, %eq3A_187 : i1
          %add3A_321 = arith.constant 1 : i32
          %add3A_322 = arith.addi %while3A_177, %add3A_321 : i32
          %select_n3A_323 = arith.select %or3A_320, %add3A_322, %while3A_177 : i32
          %ne3A_324 = arith.cmpi ne, %add3A_188, %add3A_206 : i32
          %or3A_325 = arith.constant false
          %or3A_326 = arith.ori %or3A_325, %ne3A_324 : i1
          %or3A_327 = arith.ori %or3A_326, %eq3A_187 : i1
          %add3A_328 = arith.constant 1 : i32
          %add3A_329 = arith.addi %while3A_179, %add3A_328 : i32
          %select_n3A_330 = arith.select %or3A_327, %add3A_329, %while3A_179 : i32
          %add3A_331 = arith.constant 1 : i32
          %add3A_332 = arith.addi %while3A_180, %add3A_331 : i32
          %select_n3A_333 = arith.constant true
          %select_n3A_334 = arith.select %select_n3A_333, %add3A_332, %while3A_180 : i32
          %eq3A_335 = arith.cmpi eq, %select_n3A_334, %select_n3A : i32
          %select_n3A_336 = arith.constant 0 : i32
          %select_n3A_337 = arith.select %eq3A_335, %select_n3A_336, %select_n3A_334 : i32
          scf.yield %select_n3A_230, %select_n3A_323, %select_n3A_249, %select_n3A_330, %select_n3A_337 : i32, i32, i32, i32, i32
        }
        %while3A_122 = arith.constant 1 : i32
        %while3A_123:5 = scf.for %while3A_175 = %while3A_119 to %while3A_115 step %while3A_122 iter_args(%while3A_176 = %while3A_121#0, %while3A_177 = %while3A_121#1, %while3A_178 = %while3A_121#2, %while3A_179 = %while3A_121#3, %while3A_180 = %while3A_121#4) -> (i32, i32, i32, i32, i32)  : i32 {
          %mul3A_181 = arith.constant 1 : i32
          %mul3A_182 = arith.muli %mul3A_181, %select_n3A : i32
          %eq3A_183 = arith.constant 0 : i32
          %eq3A_184 = arith.cmpi eq, %while3A_175, %eq3A_183 : i32
          %sub3A_185 = arith.constant 1 : i32
          %sub3A_186 = arith.subi %mul3A_182, %sub3A_185 : i32
          %eq3A_187 = arith.cmpi eq, %while3A_175, %sub3A_186 : i32
          %add3A_188 = arith.addi %while3A_180, %select_n3A_18 : i32
          %sub3A_189 = arith.constant 1 : i32
          %sub3A_190 = arith.subi %while3A_180, %sub3A_189 : i32
          %select_n3A_191 = arith.constant true
          %select_n3A_192 = arith.select %select_n3A_191, %sub3A_190, %while3A_180 : i32
          %eq3A_193 = arith.constant -1 : i32
          %eq3A_194 = arith.cmpi eq, %select_n3A_192, %eq3A_193 : i32
          %sub3A_195 = arith.constant 1 : i32
          %sub3A_196 = arith.subi %select_n3A, %sub3A_195 : i32
          %select_n3A_197 = arith.select %eq3A_194, %sub3A_196, %select_n3A_192 : i32
          %add3A_198 = arith.addi %select_n3A_197, %select_n3A_18 : i32
          %add3A_199 = arith.constant 1 : i32
          %add3A_200 = arith.addi %while3A_180, %add3A_199 : i32
          %select_n3A_201 = arith.constant true
          %select_n3A_202 = arith.select %select_n3A_201, %add3A_200, %while3A_180 : i32
          %eq3A_203 = arith.cmpi eq, %select_n3A_202, %select_n3A : i32
          %select_n3A_204 = arith.constant 0 : i32
          %select_n3A_205 = arith.select %eq3A_203, %select_n3A_204, %select_n3A_202 : i32
          %add3A_206 = arith.addi %select_n3A_205, %select_n3A_18 : i32
          %add3A_207 = arith.constant 1 : i32
          %add3A_208 = arith.addi %select_n3A_205, %add3A_207 : i32
          %select_n3A_209 = arith.constant true
          %select_n3A_210 = arith.select %select_n3A_209, %add3A_208, %select_n3A_205 : i32
          %eq3A_211 = arith.cmpi eq, %select_n3A_210, %select_n3A : i32
          %select_n3A_212 = arith.constant 0 : i32
          %select_n3A_213 = arith.select %eq3A_211, %select_n3A_212, %select_n3A_210 : i32
          %add3A_214 = arith.addi %select_n3A_213, %select_n3A_18 : i32
          %ne3A = arith.cmpi ne, %add3A_188, %add3A_206 : i32
          %or3A = arith.constant false
          %or3A_215 = arith.ori %or3A, %ne3A : i1
          %or3A_216 = arith.constant false
          %or3A_217 = arith.ori %or3A_215, %or3A_216 : i1
          %sub3A_218 = arith.constant 2 : i32
          %sub3A_219 = arith.subi %mul3A_182, %sub3A_218 : i32
          %add3A_220 = arith.constant 1 : i32
          %add3A_221 = arith.addi %sub3A_219, %add3A_220 : i32
          %ge3A = arith.cmpi sge, %while3A_175, %add3A_221 : i32
          %not3A = arith.constant true
          %not3A_222 = arith.xori %ge3A, %not3A : i1
          %and3A = arith.andi %or3A_217, %not3A_222 : i1
          %convert_element_type3A_223 = arith.extui %and3A : i1 to i32
          %cond3A_224 = arith.constant 0 : i32
          %cond3A_225 = arith.cmpi ne, %convert_element_type3A_223, %cond3A_224 : i32
          scf.if %cond3A_225 {
            "tpu.trace_start"() <{level = 10 : i32, message = "ep_copy_in"}> : () -> ()
            %rem3A_338 = arith.constant 2 : i32
            %rem3A_339 = arith.remui %while3A_176, %rem3A_338 : i32
            %mul3A_340 = arith.constant 128 : i32
            %mul3A_341 = arith.muli %mul3A_340, %add3A_206 : i32
            %dma_start3A_342 = arith.constant 0 : i32
            %dma_start3A_343 = arith.constant 0 : i32
            %dma_start3A_344 = tpu.memref_slice %run_scoped3A[%rem3A_339, %dma_start3A_342, %dma_start3A_343] : memref<2x128x128xf32, #tpu.memory_space<vmem>> -> memref<1x128x128xf32, #tpu.memory_space<vmem>>
            %dma_start3A_345 = tpu.memref_squeeze %dma_start3A_344 : memref<1x128x128xf32, #tpu.memory_space<vmem>> -> memref<128x128xf32, #tpu.memory_space<vmem>>
            %dma_start3A_346 = arith.constant 0 : i32
            %dma_start3A_347 = tpu.memref_slice %arg2[%mul3A_341, %dma_start3A_346] : memref<80000x128xf32, #tpu.memory_space<hbm>> -> memref<128x128xf32, #tpu.memory_space<hbm>>
            %dma_start3A_348 = tpu.memref_slice %run_scoped3A_26[%rem3A_339] : memref<2x!tpu.dma_semaphore, #tpu.memory_space<semaphore_mem>> -> memref<1x!tpu.dma_semaphore, #tpu.memory_space<semaphore_mem>>
            %dma_start3A_349 = tpu.memref_squeeze %dma_start3A_348 : memref<1x!tpu.dma_semaphore, #tpu.memory_space<semaphore_mem>> -> memref<!tpu.dma_semaphore, #tpu.memory_space<semaphore_mem>>
            %dma_start3A_350 = arith.constant 0 : i32
            %dma_start3A_351 = arith.constant 0 : i32
            %dma_start3A_352 = tpu.memref_slice %run_scoped3A[%rem3A_339, %dma_start3A_350, %dma_start3A_351] : memref<2x128x128xf32, #tpu.memory_space<vmem>> -> memref<1x128x128xf32, #tpu.memory_space<vmem>>
            %dma_start3A_353 = tpu.memref_squeeze %dma_start3A_352 : memref<1x128x128xf32, #tpu.memory_space<vmem>> -> memref<128x128xf32, #tpu.memory_space<vmem>>
            %dma_start3A_354 = arith.constant 0 : i32
            %dma_start3A_355 = tpu.memref_slice %arg2[%mul3A_341, %dma_start3A_354] : memref<80000x128xf32, #tpu.memory_space<hbm>> -> memref<128x128xf32, #tpu.memory_space<hbm>>
            tpu.enqueue_dma source(%dma_start3A_355 : memref<128x128xf32, #tpu.memory_space<hbm>>) target(%dma_start3A_353 : memref<128x128xf32, #tpu.memory_space<vmem>>) target_semaphore(%dma_start3A_349 : memref<!tpu.dma_semaphore, #tpu.memory_space<semaphore_mem>>)
            "tpu.trace_stop"() : () -> ()
          } else {
          }
          %and3A_226 = arith.constant true
          %and3A_227 = arith.andi %and3A, %and3A_226 : i1
          %add3A_228 = arith.constant 1 : i32
          %add3A_229 = arith.addi %while3A_176, %add3A_228 : i32
          %select_n3A_230 = arith.select %and3A_227, %add3A_229, %while3A_176 : i32
          %ne3A_231 = arith.cmpi ne, %add3A_188, %add3A_206 : i32
          %or3A_232 = arith.constant false
          %or3A_233 = arith.ori %or3A_232, %ne3A_231 : i1
          %sub3A_234 = arith.constant 2 : i32
          %sub3A_235 = arith.subi %mul3A_182, %sub3A_234 : i32
          %add3A_236 = arith.constant 1 : i32
          %add3A_237 = arith.addi %sub3A_235, %add3A_236 : i32
          %ge3A_238 = arith.cmpi sge, %while3A_175, %add3A_237 : i32
          %not3A_239 = arith.constant true
          %not3A_240 = arith.xori %ge3A_238, %not3A_239 : i1
          %and3A_241 = arith.andi %or3A_233, %not3A_240 : i1
          %convert_element_type3A_242 = arith.extui %and3A_241 : i1 to i32
          %cond3A_243 = arith.constant 0 : i32
          %cond3A_244 = arith.cmpi ne, %convert_element_type3A_242, %cond3A_243 : i32
          scf.if %cond3A_244 {
            "tpu.trace_start"() <{level = 10 : i32, message = "ep_copy_in"}> : () -> ()
            %rem3A_338 = arith.constant 2 : i32
            %rem3A_339 = arith.remui %while3A_178, %rem3A_338 : i32
            %mul3A_340 = arith.constant 128 : i32
            %mul3A_341 = arith.muli %mul3A_340, %add3A_206 : i32
            %dma_start3A_342 = arith.constant 0 : i32
            %dma_start3A_343 = arith.constant 0 : i32
            %dma_start3A_344 = tpu.memref_slice %run_scoped3A_27[%rem3A_339, %dma_start3A_342, %dma_start3A_343] : memref<2x1x128xi32, #tpu.memory_space<vmem>> -> memref<1x1x128xi32, #tpu.memory_space<vmem>>
            %dma_start3A_345 = tpu.memref_squeeze %dma_start3A_344 : memref<1x1x128xi32, #tpu.memory_space<vmem>> -> memref<1x128xi32, #tpu.memory_space<vmem>>
            %dma_start3A_346 = arith.constant 0 : i32
            %dma_start3A_347 = tpu.memref_slice %arg3[%dma_start3A_346, %mul3A_341] : memref<1x80000xi32, #tpu.memory_space<hbm>> -> memref<1x128xi32, #tpu.memory_space<hbm>>
            %dma_start3A_348 = tpu.memref_slice %run_scoped3A_28[%rem3A_339] : memref<2x!tpu.dma_semaphore, #tpu.memory_space<semaphore_mem>> -> memref<1x!tpu.dma_semaphore, #tpu.memory_space<semaphore_mem>>
            %dma_start3A_349 = tpu.memref_squeeze %dma_start3A_348 : memref<1x!tpu.dma_semaphore, #tpu.memory_space<semaphore_mem>> -> memref<!tpu.dma_semaphore, #tpu.memory_space<semaphore_mem>>
            %dma_start3A_350 = arith.constant 0 : i32
            %dma_start3A_351 = arith.constant 0 : i32
            %dma_start3A_352 = tpu.memref_slice %run_scoped3A_27[%rem3A_339, %dma_start3A_350, %dma_start3A_351] : memref<2x1x128xi32, #tpu.memory_space<vmem>> -> memref<1x1x128xi32, #tpu.memory_space<vmem>>
            %dma_start3A_353 = tpu.memref_squeeze %dma_start3A_352 : memref<1x1x128xi32, #tpu.memory_space<vmem>> -> memref<1x128xi32, #tpu.memory_space<vmem>>
            %dma_start3A_354 = arith.constant 0 : i32
            %dma_start3A_355 = tpu.memref_slice %arg3[%dma_start3A_354, %mul3A_341] : memref<1x80000xi32, #tpu.memory_space<hbm>> -> memref<1x128xi32, #tpu.memory_space<hbm>>
            tpu.enqueue_dma source(%dma_start3A_355 : memref<1x128xi32, #tpu.memory_space<hbm>>) target(%dma_start3A_353 : memref<1x128xi32, #tpu.memory_space<vmem>>) target_semaphore(%dma_start3A_349 : memref<!tpu.dma_semaphore, #tpu.memory_space<semaphore_mem>>)
            "tpu.trace_stop"() : () -> ()
          } else {
          }
          %and3A_245 = arith.constant true
          %and3A_246 = arith.andi %and3A_241, %and3A_245 : i1
          %add3A_247 = arith.constant 1 : i32
          %add3A_248 = arith.addi %while3A_178, %add3A_247 : i32
          %select_n3A_249 = arith.select %and3A_246, %add3A_248, %while3A_178 : i32
          %ne3A_250 = arith.cmpi ne, %add3A_188, %add3A_198 : i32
          %or3A_251 = arith.constant false
          %or3A_252 = arith.ori %or3A_251, %ne3A_250 : i1
          %or3A_253 = arith.constant false
          %or3A_254 = arith.ori %or3A_252, %or3A_253 : i1
          %or3A_255 = arith.ori %or3A_254, %eq3A_184 : i1
          %convert_element_type3A_256 = arith.extui %or3A_255 : i1 to i32
          %cond3A_257 = arith.constant 0 : i32
          %cond3A_258 = arith.cmpi ne, %convert_element_type3A_256, %cond3A_257 : i32
          scf.if %cond3A_258 {
            "tpu.trace_start"() <{level = 10 : i32, message = "ep_wait_in"}> : () -> ()
            %mul3A_338 = arith.constant 128 : i32
            %mul3A_339 = arith.muli %mul3A_338, %add3A_188 : i32
            %rem3A_340 = arith.constant 2 : i32
            %rem3A_341 = arith.remui %while3A_177, %rem3A_340 : i32
            %dma_wait3A = arith.constant 0 : i32
            %dma_wait3A_342 = arith.constant 0 : i32
            %dma_wait3A_343 = tpu.memref_slice %run_scoped3A[%rem3A_341, %dma_wait3A, %dma_wait3A_342] : memref<2x128x128xf32, #tpu.memory_space<vmem>> -> memref<1x128x128xf32, #tpu.memory_space<vmem>>
            %dma_wait3A_344 = tpu.memref_squeeze %dma_wait3A_343 : memref<1x128x128xf32, #tpu.memory_space<vmem>> -> memref<128x128xf32, #tpu.memory_space<vmem>>
            %dma_wait3A_345 = arith.constant 0 : i32
            %dma_wait3A_346 = tpu.memref_slice %arg2[%mul3A_339, %dma_wait3A_345] : memref<80000x128xf32, #tpu.memory_space<hbm>> -> memref<128x128xf32, #tpu.memory_space<hbm>>
            %dma_wait3A_347 = tpu.memref_slice %run_scoped3A_26[%rem3A_341] : memref<2x!tpu.dma_semaphore, #tpu.memory_space<semaphore_mem>> -> memref<1x!tpu.dma_semaphore, #tpu.memory_space<semaphore_mem>>
            %dma_wait3A_348 = tpu.memref_squeeze %dma_wait3A_347 : memref<1x!tpu.dma_semaphore, #tpu.memory_space<semaphore_mem>> -> memref<!tpu.dma_semaphore, #tpu.memory_space<semaphore_mem>>
            %dma_wait3A_349 = arith.constant 0 : i32
            %dma_wait3A_350 = arith.constant 0 : i32
            %dma_wait3A_351 = tpu.memref_slice %run_scoped3A[%rem3A_341, %dma_wait3A_349, %dma_wait3A_350] : memref<2x128x128xf32, #tpu.memory_space<vmem>> -> memref<1x128x128xf32, #tpu.memory_space<vmem>>
            %dma_wait3A_352 = tpu.memref_squeeze %dma_wait3A_351 : memref<1x128x128xf32, #tpu.memory_space<vmem>> -> memref<128x128xf32, #tpu.memory_space<vmem>>
            %dma_wait3A_353 = arith.constant 0 : i32
            %dma_wait3A_354 = tpu.memref_slice %arg2[%mul3A_339, %dma_wait3A_353] : memref<80000x128xf32, #tpu.memory_space<hbm>> -> memref<128x128xf32, #tpu.memory_space<hbm>>
            tpu.wait_dma2 semaphore(%dma_wait3A_348 : memref<!tpu.dma_semaphore, #tpu.memory_space<semaphore_mem>>) src(%dma_wait3A_354 : memref<128x128xf32, #tpu.memory_space<hbm>>) dst(%dma_wait3A_352 : memref<128x128xf32, #tpu.memory_space<vmem>>)
            "tpu.trace_stop"() : () -> ()
          } else {
          }
          %ne3A_259 = arith.cmpi ne, %add3A_188, %add3A_198 : i32
          %or3A_260 = arith.constant false
          %or3A_261 = arith.ori %or3A_260, %ne3A_259 : i1
          %or3A_262 = arith.ori %or3A_261, %eq3A_184 : i1
          %convert_element_type3A_263 = arith.extui %or3A_262 : i1 to i32
          %cond3A_264 = arith.constant 0 : i32
          %cond3A_265 = arith.cmpi ne, %convert_element_type3A_263, %cond3A_264 : i32
          scf.if %cond3A_265 {
            "tpu.trace_start"() <{level = 10 : i32, message = "ep_wait_in"}> : () -> ()
            %mul3A_338 = arith.constant 128 : i32
            %mul3A_339 = arith.muli %mul3A_338, %add3A_188 : i32
            %rem3A_340 = arith.constant 2 : i32
            %rem3A_341 = arith.remui %while3A_179, %rem3A_340 : i32
            %dma_wait3A = arith.constant 0 : i32
            %dma_wait3A_342 = arith.constant 0 : i32
            %dma_wait3A_343 = tpu.memref_slice %run_scoped3A_27[%rem3A_341, %dma_wait3A, %dma_wait3A_342] : memref<2x1x128xi32, #tpu.memory_space<vmem>> -> memref<1x1x128xi32, #tpu.memory_space<vmem>>
            %dma_wait3A_344 = tpu.memref_squeeze %dma_wait3A_343 : memref<1x1x128xi32, #tpu.memory_space<vmem>> -> memref<1x128xi32, #tpu.memory_space<vmem>>
            %dma_wait3A_345 = arith.constant 0 : i32
            %dma_wait3A_346 = tpu.memref_slice %arg3[%dma_wait3A_345, %mul3A_339] : memref<1x80000xi32, #tpu.memory_space<hbm>> -> memref<1x128xi32, #tpu.memory_space<hbm>>
            %dma_wait3A_347 = tpu.memref_slice %run_scoped3A_28[%rem3A_341] : memref<2x!tpu.dma_semaphore, #tpu.memory_space<semaphore_mem>> -> memref<1x!tpu.dma_semaphore, #tpu.memory_space<semaphore_mem>>
            %dma_wait3A_348 = tpu.memref_squeeze %dma_wait3A_347 : memref<1x!tpu.dma_semaphore, #tpu.memory_space<semaphore_mem>> -> memref<!tpu.dma_semaphore, #tpu.memory_space<semaphore_mem>>
            %dma_wait3A_349 = arith.constant 0 : i32
            %dma_wait3A_350 = arith.constant 0 : i32
            %dma_wait3A_351 = tpu.memref_slice %run_scoped3A_27[%rem3A_341, %dma_wait3A_349, %dma_wait3A_350] : memref<2x1x128xi32, #tpu.memory_space<vmem>> -> memref<1x1x128xi32, #tpu.memory_space<vmem>>
            %dma_wait3A_352 = tpu.memref_squeeze %dma_wait3A_351 : memref<1x1x128xi32, #tpu.memory_space<vmem>> -> memref<1x128xi32, #tpu.memory_space<vmem>>
            %dma_wait3A_353 = arith.constant 0 : i32
            %dma_wait3A_354 = tpu.memref_slice %arg3[%dma_wait3A_353, %mul3A_339] : memref<1x80000xi32, #tpu.memory_space<hbm>> -> memref<1x128xi32, #tpu.memory_space<hbm>>
            tpu.wait_dma2 semaphore(%dma_wait3A_348 : memref<!tpu.dma_semaphore, #tpu.memory_space<semaphore_mem>>) src(%dma_wait3A_354 : memref<1x128xi32, #tpu.memory_space<hbm>>) dst(%dma_wait3A_352 : memref<1x128xi32, #tpu.memory_space<vmem>>)
            "tpu.trace_stop"() : () -> ()
          } else {
          }
          %rem3A_266 = arith.constant 2 : i32
          %rem3A_267 = arith.remui %while3A_177, %rem3A_266 : i32
          %rem3A_268 = arith.constant 2 : i32
          %rem3A_269 = arith.remui %while3A_179, %rem3A_268 : i32
          %run_scoped3A_270 = arith.constant 0 : i32
          "tpu.trace_start"() <{level = 10 : i32, message = "ep_run_kernel"}> : () -> ()
          "tpu.region"() ({
            %run_scoped3A_338 = tpu.sem_alloc : memref<!tpu.dma_semaphore, #tpu.memory_space<semaphore_mem>>
            %dma_start3A_339 = arith.constant 0 : i32
            %dma_start3A_340 = arith.constant 0 : i32
            %dma_start3A_341 = tpu.memref_slice %run_scoped3A[%rem3A_267, %dma_start3A_339, %dma_start3A_340] : memref<2x128x128xf32, #tpu.memory_space<vmem>> -> memref<1x128x128xf32, #tpu.memory_space<vmem>>
            %dma_start3A_342 = tpu.memref_squeeze %dma_start3A_341 : memref<1x128x128xf32, #tpu.memory_space<vmem>> -> memref<128x128xf32, #tpu.memory_space<vmem>>
            %dma_start3A_343 = arith.constant 0 : i32
            %dma_start3A_344 = arith.constant 0 : i32
            %dma_start3A_345 = tpu.memref_slice %run_scoped3A_27[%rem3A_269, %dma_start3A_343, %dma_start3A_344] : memref<2x1x128xi32, #tpu.memory_space<vmem>> -> memref<1x1x128xi32, #tpu.memory_space<vmem>>
            %dma_start3A_346 = tpu.memref_squeeze %dma_start3A_345 : memref<1x1x128xi32, #tpu.memory_space<vmem>> -> memref<1x128xi32, #tpu.memory_space<vmem>>
            %dma_start3A_347 = arith.constant 0 : i32
            %dma_start3A_348 = tpu.memref_slice %dma_start3A_346[%run_scoped3A_270, %dma_start3A_347] : memref<1x128xi32, #tpu.memory_space<vmem>> -> memref<1x128xi32, #tpu.memory_space<vmem>>
            %dma_start3A_349 = tpu.memref_squeeze %dma_start3A_348 : memref<1x128xi32, #tpu.memory_space<vmem>> -> memref<128xi32, #tpu.memory_space<vmem>>
            %dma_start3A_350 = arith.constant 0 : i32
            %dma_start3A_351 = arith.constant 0 : i32
            %dma_start3A_352 = tpu.memref_slice %arg6[%dma_start3A_350, %dma_start3A_351] : memref<10112x128xf32, #tpu.memory_space<vmem_shared>> -> memref<10112x128xf32, #tpu.memory_space<vmem_shared>>
            tpu.enqueue_indirect_dma source(%dma_start3A_342 : memref<128x128xf32, #tpu.memory_space<vmem>>) target(%dma_start3A_352 : memref<10112x128xf32, #tpu.memory_space<vmem_shared>>) offsets(%dma_start3A_349 : memref<128xi32, #tpu.memory_space<vmem>>) semaphore(%run_scoped3A_338 : memref<!tpu.dma_semaphore, #tpu.memory_space<semaphore_mem>>) {add = true}
            %dma_wait3A = arith.constant 0 : i32
            %dma_wait3A_353 = arith.constant 0 : i32
            %dma_wait3A_354 = tpu.memref_slice %run_scoped3A[%rem3A_267, %dma_wait3A, %dma_wait3A_353] : memref<2x128x128xf32, #tpu.memory_space<vmem>> -> memref<1x128x128xf32, #tpu.memory_space<vmem>>
            %dma_wait3A_355 = tpu.memref_squeeze %dma_wait3A_354 : memref<1x128x128xf32, #tpu.memory_space<vmem>> -> memref<128x128xf32, #tpu.memory_space<vmem>>
            %dma_wait3A_356 = arith.constant 0 : i32
            %dma_wait3A_357 = arith.constant 0 : i32
            %dma_wait3A_358 = tpu.memref_slice %run_scoped3A_27[%rem3A_269, %dma_wait3A_356, %dma_wait3A_357] : memref<2x1x128xi32, #tpu.memory_space<vmem>> -> memref<1x1x128xi32, #tpu.memory_space<vmem>>
            %dma_wait3A_359 = tpu.memref_squeeze %dma_wait3A_358 : memref<1x1x128xi32, #tpu.memory_space<vmem>> -> memref<1x128xi32, #tpu.memory_space<vmem>>
            %dma_wait3A_360 = arith.constant 0 : i32
            %dma_wait3A_361 = tpu.memref_slice %dma_wait3A_359[%run_scoped3A_270, %dma_wait3A_360] : memref<1x128xi32, #tpu.memory_space<vmem>> -> memref<1x128xi32, #tpu.memory_space<vmem>>
            %dma_wait3A_362 = tpu.memref_squeeze %dma_wait3A_361 : memref<1x128xi32, #tpu.memory_space<vmem>> -> memref<128xi32, #tpu.memory_space<vmem>>
            %dma_wait3A_363 = arith.constant 0 : i32
            %dma_wait3A_364 = arith.constant 0 : i32
            %dma_wait3A_365 = tpu.memref_slice %arg6[%dma_wait3A_363, %dma_wait3A_364] : memref<10112x128xf32, #tpu.memory_space<vmem_shared>> -> memref<10112x128xf32, #tpu.memory_space<vmem_shared>>
            tpu.wait_indirect_dma semaphore(%run_scoped3A_338 : memref<!tpu.dma_semaphore, #tpu.memory_space<semaphore_mem>>) src(%dma_wait3A_355 : memref<128x128xf32, #tpu.memory_space<vmem>>) dst(%dma_wait3A_365 : memref<10112x128xf32, #tpu.memory_space<vmem_shared>>)
            tpu.yield
          }) : () -> ()
          "tpu.trace_stop"() : () -> ()
          %ne3A_271 = arith.cmpi ne, %add3A_188, %add3A_206 : i32
          %or3A_272 = arith.constant false
          %or3A_273 = arith.ori %or3A_272, %ne3A_271 : i1
          %or3A_274 = arith.constant false
          %or3A_275 = arith.ori %or3A_273, %or3A_274 : i1
          %or3A_276 = arith.ori %or3A_275, %eq3A_187 : i1
          %convert_element_type3A_277 = arith.extui %or3A_276 : i1 to i32
          %cond3A_278 = arith.constant 0 : i32
          %cond3A_279 = arith.cmpi ne, %convert_element_type3A_277, %cond3A_278 : i32
          scf.if %cond3A_279 {
          } else {
          }
          %and3A_280 = arith.constant false
          %and3A_281 = arith.andi %or3A_276, %and3A_280 : i1
          %ne3A_282 = arith.cmpi ne, %add3A_188, %add3A_206 : i32
          %or3A_283 = arith.constant false
          %or3A_284 = arith.ori %or3A_283, %ne3A_282 : i1
          %or3A_285 = arith.ori %or3A_284, %eq3A_187 : i1
          %convert_element_type3A_286 = arith.extui %or3A_285 : i1 to i32
          %cond3A_287 = arith.constant 0 : i32
          %cond3A_288 = arith.cmpi ne, %convert_element_type3A_286, %cond3A_287 : i32
          scf.if %cond3A_288 {
          } else {
          }
          %and3A_289 = arith.constant false
          %and3A_290 = arith.andi %or3A_285, %and3A_289 : i1
          %ne3A_291 = arith.cmpi ne, %add3A_188, %add3A_198 : i32
          %or3A_292 = arith.constant false
          %or3A_293 = arith.ori %or3A_292, %ne3A_291 : i1
          %or3A_294 = arith.constant false
          %or3A_295 = arith.ori %or3A_293, %or3A_294 : i1
          %not3A_296 = arith.constant true
          %not3A_297 = arith.xori %eq3A_184, %not3A_296 : i1
          %and3A_298 = arith.andi %or3A_295, %not3A_297 : i1
          %convert_element_type3A_299 = arith.extui %and3A_298 : i1 to i32
          %cond3A_300 = arith.constant 0 : i32
          %cond3A_301 = arith.cmpi ne, %convert_element_type3A_299, %cond3A_300 : i32
          scf.if %cond3A_301 {
          } else {
          }
          %and3A_302 = arith.constant false
          %and3A_303 = arith.andi %and3A_298, %and3A_302 : i1
          %ne3A_304 = arith.cmpi ne, %add3A_188, %add3A_198 : i32
          %or3A_305 = arith.constant false
          %or3A_306 = arith.ori %or3A_305, %ne3A_304 : i1
          %not3A_307 = arith.constant true
          %not3A_308 = arith.xori %eq3A_184, %not3A_307 : i1
          %and3A_309 = arith.andi %or3A_306, %not3A_308 : i1
          %convert_element_type3A_310 = arith.extui %and3A_309 : i1 to i32
          %cond3A_311 = arith.constant 0 : i32
          %cond3A_312 = arith.cmpi ne, %convert_element_type3A_310, %cond3A_311 : i32
          scf.if %cond3A_312 {
          } else {
          }
          %and3A_313 = arith.constant false
          %and3A_314 = arith.andi %and3A_309, %and3A_313 : i1
          %ne3A_315 = arith.cmpi ne, %add3A_188, %add3A_206 : i32
          %or3A_316 = arith.constant false
          %or3A_317 = arith.ori %or3A_316, %ne3A_315 : i1
          %or3A_318 = arith.constant false
          %or3A_319 = arith.ori %or3A_317, %or3A_318 : i1
          %or3A_320 = arith.ori %or3A_319, %eq3A_187 : i1
          %add3A_321 = arith.constant 1 : i32
          %add3A_322 = arith.addi %while3A_177, %add3A_321 : i32
          %select_n3A_323 = arith.select %or3A_320, %add3A_322, %while3A_177 : i32
          %ne3A_324 = arith.cmpi ne, %add3A_188, %add3A_206 : i32
          %or3A_325 = arith.constant false
          %or3A_326 = arith.ori %or3A_325, %ne3A_324 : i1
          %or3A_327 = arith.ori %or3A_326, %eq3A_187 : i1
          %add3A_328 = arith.constant 1 : i32
          %add3A_329 = arith.addi %while3A_179, %add3A_328 : i32
          %select_n3A_330 = arith.select %or3A_327, %add3A_329, %while3A_179 : i32
          %add3A_331 = arith.constant 1 : i32
          %add3A_332 = arith.addi %while3A_180, %add3A_331 : i32
          %select_n3A_333 = arith.constant true
          %select_n3A_334 = arith.select %select_n3A_333, %add3A_332, %while3A_180 : i32
          %eq3A_335 = arith.cmpi eq, %select_n3A_334, %select_n3A : i32
          %select_n3A_336 = arith.constant 0 : i32
          %select_n3A_337 = arith.select %eq3A_335, %select_n3A_336, %select_n3A_334 : i32
          scf.yield %select_n3A_230, %select_n3A_323, %select_n3A_249, %select_n3A_330, %select_n3A_337 : i32, i32, i32, i32, i32
        }
        %sub3A_124 = arith.constant 1 : i32
        %sub3A_125 = arith.subi %while3A_123#4, %sub3A_124 : i32
        %select_n3A_126 = arith.constant true
        %select_n3A_127 = arith.select %select_n3A_126, %sub3A_125, %while3A_123#4 : i32
        %eq3A_128 = arith.constant -1 : i32
        %eq3A_129 = arith.cmpi eq, %select_n3A_127, %eq3A_128 : i32
        %sub3A_130 = arith.constant 1 : i32
        %sub3A_131 = arith.subi %select_n3A, %sub3A_130 : i32
        %select_n3A_132 = arith.select %eq3A_129, %sub3A_131, %select_n3A_127 : i32
        %sub3A_133 = arith.constant 1 : i32
        %sub3A_134 = arith.subi %mul3A_20, %sub3A_133 : i32
        %mul3A_135 = arith.constant 1 : i32
        %mul3A_136 = arith.muli %mul3A_135, %select_n3A : i32
        %eq3A_137 = arith.constant 0 : i32
        %eq3A_138 = arith.cmpi eq, %sub3A_134, %eq3A_137 : i32
        %sub3A_139 = arith.constant 1 : i32
        %sub3A_140 = arith.subi %mul3A_136, %sub3A_139 : i32
        %eq3A_141 = arith.cmpi eq, %sub3A_134, %sub3A_140 : i32
        %add3A_142 = arith.addi %select_n3A_132, %select_n3A_18 : i32
        %sub3A_143 = arith.constant 1 : i32
        %sub3A_144 = arith.subi %select_n3A_132, %sub3A_143 : i32
        %select_n3A_145 = arith.constant true
        %select_n3A_146 = arith.select %select_n3A_145, %sub3A_144, %select_n3A_132 : i32
        %eq3A_147 = arith.constant -1 : i32
        %eq3A_148 = arith.cmpi eq, %select_n3A_146, %eq3A_147 : i32
        %sub3A_149 = arith.constant 1 : i32
        %sub3A_150 = arith.subi %select_n3A, %sub3A_149 : i32
        %select_n3A_151 = arith.select %eq3A_148, %sub3A_150, %select_n3A_146 : i32
        %add3A_152 = arith.addi %select_n3A_151, %select_n3A_18 : i32
        %add3A_153 = arith.constant 1 : i32
        %add3A_154 = arith.addi %select_n3A_132, %add3A_153 : i32
        %select_n3A_155 = arith.constant true
        %select_n3A_156 = arith.select %select_n3A_155, %add3A_154, %select_n3A_132 : i32
        %eq3A_157 = arith.cmpi eq, %select_n3A_156, %select_n3A : i32
        %select_n3A_158 = arith.constant 0 : i32
        %select_n3A_159 = arith.select %eq3A_157, %select_n3A_158, %select_n3A_156 : i32
        %add3A_160 = arith.addi %select_n3A_159, %select_n3A_18 : i32
        %add3A_161 = arith.constant 1 : i32
        %add3A_162 = arith.addi %select_n3A_159, %add3A_161 : i32
        %select_n3A_163 = arith.constant true
        %select_n3A_164 = arith.select %select_n3A_163, %add3A_162, %select_n3A_159 : i32
        %eq3A_165 = arith.cmpi eq, %select_n3A_164, %select_n3A : i32
        %select_n3A_166 = arith.constant 0 : i32
        %select_n3A_167 = arith.select %eq3A_165, %select_n3A_166, %select_n3A_164 : i32
        %add3A_168 = arith.addi %select_n3A_167, %select_n3A_18 : i32
        %convert_element_type3A_169 = arith.extui %eq3A_141 : i1 to i32
        %cond3A_170 = arith.constant 0 : i32
        %cond3A_171 = arith.cmpi ne, %convert_element_type3A_169, %cond3A_170 : i32
        scf.if %cond3A_171 {
        } else {
        }
        %convert_element_type3A_172 = arith.extui %eq3A_141 : i1 to i32
        %cond3A_173 = arith.constant 0 : i32
        %cond3A_174 = arith.cmpi ne, %convert_element_type3A_172, %cond3A_173 : i32
        scf.if %cond3A_174 {
        } else {
        }
      } else {
      }
      tpu.yield
    }) : () -> ()
    %barrier3A_21 = arith.constant 0 : index
    tpu.barrier barrier_id(%barrier3A_21)
    %mul3A_22 = arith.constant 632 : i32
    %mul3A_23 = arith.muli %arg1, %mul3A_22 : i32
    %mul3A_24 = arith.constant 632 : i32
    %mul3A_25 = arith.muli %arg1, %mul3A_24 : i32
    "tpu.region"() ({
      %run_scoped3A = tpu.sem_alloc : memref<!tpu.dma_semaphore, #tpu.memory_space<semaphore_mem>>
      %dma_start3A = arith.constant 0 : i32
      %dma_start3A_26 = tpu.memref_slice %arg5[%arg0, %mul3A_25, %dma_start3A] : memref<2x10112x128xf32, #tpu.memory_space<hbm>> -> memref<1x632x128xf32, #tpu.memory_space<hbm>>
      %dma_start3A_27 = tpu.memref_squeeze %dma_start3A_26 : memref<1x632x128xf32, #tpu.memory_space<hbm>> -> memref<632x128xf32, #tpu.memory_space<hbm>>
      %dma_start3A_28 = arith.constant 0 : i32
      %dma_start3A_29 = tpu.memref_slice %arg6[%mul3A_23, %dma_start3A_28] : memref<10112x128xf32, #tpu.memory_space<vmem_shared>> -> memref<632x128xf32, #tpu.memory_space<vmem_shared>>
      tpu.enqueue_dma source(%dma_start3A_29 : memref<632x128xf32, #tpu.memory_space<vmem_shared>>) target(%dma_start3A_27 : memref<632x128xf32, #tpu.memory_space<hbm>>) target_semaphore(%run_scoped3A : memref<!tpu.dma_semaphore, #tpu.memory_space<semaphore_mem>>)
      %dma_wait3A = arith.constant 0 : i32
      %dma_wait3A_30 = tpu.memref_slice %arg5[%arg0, %mul3A_25, %dma_wait3A] : memref<2x10112x128xf32, #tpu.memory_space<hbm>> -> memref<1x632x128xf32, #tpu.memory_space<hbm>>
      %dma_wait3A_31 = tpu.memref_squeeze %dma_wait3A_30 : memref<1x632x128xf32, #tpu.memory_space<hbm>> -> memref<632x128xf32, #tpu.memory_space<hbm>>
      %dma_wait3A_32 = arith.constant 0 : i32
      %dma_wait3A_33 = tpu.memref_slice %arg6[%mul3A_23, %dma_wait3A_32] : memref<10112x128xf32, #tpu.memory_space<vmem_shared>> -> memref<632x128xf32, #tpu.memory_space<vmem_shared>>
      tpu.wait_dma2 semaphore(%run_scoped3A : memref<!tpu.dma_semaphore, #tpu.memory_space<semaphore_mem>>) src(%dma_wait3A_33 : memref<632x128xf32, #tpu.memory_space<vmem_shared>>) dst(%dma_wait3A_31 : memref<632x128xf32, #tpu.memory_space<hbm>>)
      tpu.yield
    }) : () -> ()
    return
  }
}

#map = affine_map<(d0, d1) -> (0, 0)>
module attributes {stable_mosaic.version = 14 : i64} {
  func.func @k(%arg0: i32, %arg1: i32, %arg2: memref<10000x128xf32, #tpu.memory_space<hbm>>, %arg3: memref<1x160000xi32, #tpu.memory_space<hbm>>, %arg4: memref<160000x128xf32, #tpu.memory_space<hbm>>) attributes {dimension_semantics = [#tpu.dimension_semantics<core_parallel>, #tpu.dimension_semantics<subcore_parallel>], iteration_bounds = array<i64: 2, 16>, scalar_prefetch = 0 : i64, scratch_operands = 0 : i64, tpu.core_type = #tpu.core_type<sc_vector_subcore>, window_params = [{transform_indices = #map}, {transform_indices = #map}, {transform_indices = #map}]} {
    %mul3A = arith.constant 1 : i32
    %mul3A_0 = arith.muli %arg1, %mul3A : i32
    %add3A = arith.constant 0 : i32
    %add3A_1 = arith.addi %add3A, %mul3A_0 : i32
    %mul3A_2 = arith.constant 16 : i32
    %mul3A_3 = arith.muli %arg0, %mul3A_2 : i32
    %add3A_4 = arith.addi %add3A_1, %mul3A_3 : i32
    %lt3A = arith.constant 2 : i32
    %lt3A_5 = arith.cmpi slt, %add3A_4, %lt3A : i32
    %jit3A = arith.constant 40 : i32
    %jit3A_6 = arith.constant 39 : i32
    %select_n3A = arith.select %lt3A_5, %jit3A, %jit3A_6 : i32
    %lt3A_7 = arith.constant 2 : i32
    %lt3A_8 = arith.cmpi slt, %add3A_4, %lt3A_7 : i32
    %mul3A_9 = arith.muli %add3A_4, %select_n3A : i32
    %mul3A_10 = arith.constant 39 : i32
    %mul3A_11 = arith.muli %add3A_4, %mul3A_10 : i32
    %add3A_12 = arith.constant 2 : i32
    %add3A_13 = arith.addi %mul3A_11, %add3A_12 : i32
    %select_n3A_14 = arith.select %lt3A_8, %mul3A_9, %add3A_13 : i32
    %mul3A_15 = arith.constant 1 : i32
    %mul3A_16 = arith.muli %mul3A_15, %select_n3A : i32
    "tpu.region"() ({
      %run_scoped3A = memref.alloca() : memref<2x1x128xi32, #tpu.memory_space<vmem>>
      %run_scoped3A_17 = tpu.sem_alloc : memref<2x!tpu.dma_semaphore, #tpu.memory_space<semaphore_mem>>
      %run_scoped3A_18 = memref.alloca() : memref<2x128x128xf32, #tpu.memory_space<vmem>>
      %run_scoped3A_19 = tpu.sem_alloc : memref<2x!tpu.dma_semaphore, #tpu.memory_space<semaphore_mem>>
      %gt3A = arith.constant 0 : i32
      %gt3A_20 = arith.cmpi sgt, %mul3A_16, %gt3A : i32
      %convert_element_type3A = arith.extui %gt3A_20 : i1 to i32
      %cond3A = arith.constant 0 : i32
      %cond3A_21 = arith.cmpi ne, %convert_element_type3A, %cond3A : i32
      scf.if %cond3A_21 {
        %mul3A_22 = arith.constant 1 : i32
        %mul3A_23 = arith.muli %mul3A_22, %select_n3A : i32
        %sub3A = arith.constant 1 : i32
        %sub3A_24 = arith.subi %mul3A_23, %sub3A : i32
        %eq3A = arith.constant 0 : i32
        %eq3A_25 = arith.cmpi eq, %sub3A_24, %eq3A : i32
        %add3A_26 = arith.constant 0 : i32
        %add3A_27 = arith.addi %add3A_26, %select_n3A_14 : i32
        %select_n3A_28 = arith.constant true
        %select_n3A_29 = arith.constant 0 : i32
        %select_n3A_30 = arith.constant -1 : i32
        %select_n3A_31 = arith.select %select_n3A_28, %select_n3A_30, %select_n3A_29 : i32
        %eq3A_32 = arith.constant -1 : i32
        %eq3A_33 = arith.cmpi eq, %select_n3A_31, %eq3A_32 : i32
        %sub3A_34 = arith.constant 1 : i32
        %sub3A_35 = arith.subi %select_n3A, %sub3A_34 : i32
        %select_n3A_36 = arith.select %eq3A_33, %sub3A_35, %select_n3A_31 : i32
        %add3A_37 = arith.addi %select_n3A_36, %select_n3A_14 : i32
        %select_n3A_38 = arith.constant true
        %select_n3A_39 = arith.constant 0 : i32
        %select_n3A_40 = arith.constant 1 : i32
        %select_n3A_41 = arith.select %select_n3A_38, %select_n3A_40, %select_n3A_39 : i32
        %eq3A_42 = arith.cmpi eq, %select_n3A_41, %select_n3A : i32
        %select_n3A_43 = arith.constant 0 : i32
        %select_n3A_44 = arith.select %eq3A_42, %select_n3A_43, %select_n3A_41 : i32
        %add3A_45 = arith.addi %select_n3A_44, %select_n3A_14 : i32
        %add3A_46 = arith.constant 1 : i32
        %add3A_47 = arith.addi %select_n3A_44, %add3A_46 : i32
        %select_n3A_48 = arith.constant true
        %select_n3A_49 = arith.select %select_n3A_48, %add3A_47, %select_n3A_44 : i32
        %eq3A_50 = arith.cmpi eq, %select_n3A_49, %select_n3A : i32
        %select_n3A_51 = arith.constant 0 : i32
        %select_n3A_52 = arith.select %eq3A_50, %select_n3A_51, %select_n3A_49 : i32
        %add3A_53 = arith.addi %select_n3A_52, %select_n3A_14 : i32
        "tpu.trace_start"() <{level = 10 : i32, message = "ep_initialize_0"}> : () -> ()
        %rem3A = arith.constant 0 : i32
        %rem3A_54 = arith.constant 2 : i32
        %rem3A_55 = arith.remui %rem3A, %rem3A_54 : i32
        %mul3A_56 = arith.constant 128 : i32
        %mul3A_57 = arith.muli %mul3A_56, %add3A_27 : i32
        %dma_start3A = arith.constant 0 : i32
        %dma_start3A_58 = arith.constant 0 : i32
        %dma_start3A_59 = tpu.memref_slice %run_scoped3A[%rem3A_55, %dma_start3A, %dma_start3A_58] : memref<2x1x128xi32, #tpu.memory_space<vmem>> -> memref<1x1x128xi32, #tpu.memory_space<vmem>>
        %dma_start3A_60 = tpu.memref_squeeze %dma_start3A_59 : memref<1x1x128xi32, #tpu.memory_space<vmem>> -> memref<1x128xi32, #tpu.memory_space<vmem>>
        %dma_start3A_61 = arith.constant 0 : i32
        %dma_start3A_62 = tpu.memref_slice %arg3[%dma_start3A_61, %mul3A_57] : memref<1x160000xi32, #tpu.memory_space<hbm>> -> memref<1x128xi32, #tpu.memory_space<hbm>>
        %dma_start3A_63 = tpu.memref_slice %run_scoped3A_17[%rem3A_55] : memref<2x!tpu.dma_semaphore, #tpu.memory_space<semaphore_mem>> -> memref<1x!tpu.dma_semaphore, #tpu.memory_space<semaphore_mem>>
        %dma_start3A_64 = tpu.memref_squeeze %dma_start3A_63 : memref<1x!tpu.dma_semaphore, #tpu.memory_space<semaphore_mem>> -> memref<!tpu.dma_semaphore, #tpu.memory_space<semaphore_mem>>
        %dma_start3A_65 = arith.constant 0 : i32
        %dma_start3A_66 = arith.constant 0 : i32
        %dma_start3A_67 = tpu.memref_slice %run_scoped3A[%rem3A_55, %dma_start3A_65, %dma_start3A_66] : memref<2x1x128xi32, #tpu.memory_space<vmem>> -> memref<1x1x128xi32, #tpu.memory_space<vmem>>
        %dma_start3A_68 = tpu.memref_squeeze %dma_start3A_67 : memref<1x1x128xi32, #tpu.memory_space<vmem>> -> memref<1x128xi32, #tpu.memory_space<vmem>>
        %dma_start3A_69 = arith.constant 0 : i32
        %dma_start3A_70 = tpu.memref_slice %arg3[%dma_start3A_69, %mul3A_57] : memref<1x160000xi32, #tpu.memory_space<hbm>> -> memref<1x128xi32, #tpu.memory_space<hbm>>
        tpu.enqueue_dma source(%dma_start3A_70 : memref<1x128xi32, #tpu.memory_space<hbm>>) target(%dma_start3A_68 : memref<1x128xi32, #tpu.memory_space<vmem>>) target_semaphore(%dma_start3A_64 : memref<!tpu.dma_semaphore, #tpu.memory_space<semaphore_mem>>)
        %add3A_71 = arith.constant 0 : i32
        %add3A_72 = arith.constant 1 : i32
        %add3A_73 = arith.addi %add3A_71, %add3A_72 : i32
        %select_n3A_74 = arith.constant true
        %select_n3A_75 = arith.constant 0 : i32
        %select_n3A_76 = arith.select %select_n3A_74, %add3A_73, %select_n3A_75 : i32
        %while3A = arith.constant 0 : i32
        %while3A_77 = arith.constant 0 : i32
        %while3A_78 = arith.constant 0 : i32
        %while3A_79 = arith.constant 0 : i32
        %while3A_80 = arith.constant 0 : i32
        "tpu.trace_stop"() : () -> ()
        %while3A_81 = arith.subi %mul3A_16, %while3A : i32
        %while3A_82 = arith.addi %while3A, %while3A_81 : i32
        %while3A_83 = arith.constant 1 : i32
        %while3A_84 = arith.divsi %while3A_81, %while3A_83 : i32
        %while3A_85 = arith.muli %while3A_84, %while3A_83 : i32
        %while3A_86 = arith.addi %while3A, %while3A_85 : i32
        %while3A_87 = arith.constant 1 : i32
        %while3A_88:5 = scf.for %while3A_142 = %while3A to %while3A_86 step %while3A_87 iter_args(%while3A_143 = %select_n3A_76, %while3A_144 = %while3A_77, %while3A_145 = %while3A_78, %while3A_146 = %while3A_79, %while3A_147 = %while3A_80) -> (i32, i32, i32, i32, i32)  : i32 {
          %mul3A_148 = arith.constant 1 : i32
          %mul3A_149 = arith.muli %mul3A_148, %select_n3A : i32
          %eq3A_150 = arith.constant 0 : i32
          %eq3A_151 = arith.cmpi eq, %while3A_142, %eq3A_150 : i32
          %sub3A_152 = arith.constant 1 : i32
          %sub3A_153 = arith.subi %mul3A_149, %sub3A_152 : i32
          %eq3A_154 = arith.cmpi eq, %while3A_142, %sub3A_153 : i32
          %add3A_155 = arith.addi %while3A_147, %select_n3A_14 : i32
          %sub3A_156 = arith.constant 1 : i32
          %sub3A_157 = arith.subi %while3A_147, %sub3A_156 : i32
          %select_n3A_158 = arith.constant true
          %select_n3A_159 = arith.select %select_n3A_158, %sub3A_157, %while3A_147 : i32
          %eq3A_160 = arith.constant -1 : i32
          %eq3A_161 = arith.cmpi eq, %select_n3A_159, %eq3A_160 : i32
          %sub3A_162 = arith.constant 1 : i32
          %sub3A_163 = arith.subi %select_n3A, %sub3A_162 : i32
          %select_n3A_164 = arith.select %eq3A_161, %sub3A_163, %select_n3A_159 : i32
          %add3A_165 = arith.addi %select_n3A_164, %select_n3A_14 : i32
          %add3A_166 = arith.constant 1 : i32
          %add3A_167 = arith.addi %while3A_147, %add3A_166 : i32
          %select_n3A_168 = arith.constant true
          %select_n3A_169 = arith.select %select_n3A_168, %add3A_167, %while3A_147 : i32
          %eq3A_170 = arith.cmpi eq, %select_n3A_169, %select_n3A : i32
          %select_n3A_171 = arith.constant 0 : i32
          %select_n3A_172 = arith.select %eq3A_170, %select_n3A_171, %select_n3A_169 : i32
          %add3A_173 = arith.addi %select_n3A_172, %select_n3A_14 : i32
          %add3A_174 = arith.constant 1 : i32
          %add3A_175 = arith.addi %select_n3A_172, %add3A_174 : i32
          %select_n3A_176 = arith.constant true
          %select_n3A_177 = arith.select %select_n3A_176, %add3A_175, %select_n3A_172 : i32
          %eq3A_178 = arith.cmpi eq, %select_n3A_177, %select_n3A : i32
          %select_n3A_179 = arith.constant 0 : i32
          %select_n3A_180 = arith.select %eq3A_178, %select_n3A_179, %select_n3A_177 : i32
          %add3A_181 = arith.addi %select_n3A_180, %select_n3A_14 : i32
          %ne3A = arith.cmpi ne, %add3A_155, %add3A_173 : i32
          %or3A = arith.constant false
          %or3A_182 = arith.ori %or3A, %ne3A : i1
          %sub3A_183 = arith.constant 2 : i32
          %sub3A_184 = arith.subi %mul3A_149, %sub3A_183 : i32
          %add3A_185 = arith.constant 1 : i32
          %add3A_186 = arith.addi %sub3A_184, %add3A_185 : i32
          %ge3A = arith.cmpi sge, %while3A_142, %add3A_186 : i32
          %not3A = arith.constant true
          %not3A_187 = arith.xori %ge3A, %not3A : i1
          %and3A = arith.andi %or3A_182, %not3A_187 : i1
          %convert_element_type3A_188 = arith.extui %and3A : i1 to i32
          %cond3A_189 = arith.constant 0 : i32
          %cond3A_190 = arith.cmpi ne, %convert_element_type3A_188, %cond3A_189 : i32
          scf.if %cond3A_190 {
            "tpu.trace_start"() <{level = 10 : i32, message = "ep_copy_in"}> : () -> ()
            %rem3A_294 = arith.constant 2 : i32
            %rem3A_295 = arith.remui %while3A_143, %rem3A_294 : i32
            %mul3A_296 = arith.constant 128 : i32
            %mul3A_297 = arith.muli %mul3A_296, %add3A_173 : i32
            %dma_start3A_298 = arith.constant 0 : i32
            %dma_start3A_299 = arith.constant 0 : i32
            %dma_start3A_300 = tpu.memref_slice %run_scoped3A[%rem3A_295, %dma_start3A_298, %dma_start3A_299] : memref<2x1x128xi32, #tpu.memory_space<vmem>> -> memref<1x1x128xi32, #tpu.memory_space<vmem>>
            %dma_start3A_301 = tpu.memref_squeeze %dma_start3A_300 : memref<1x1x128xi32, #tpu.memory_space<vmem>> -> memref<1x128xi32, #tpu.memory_space<vmem>>
            %dma_start3A_302 = arith.constant 0 : i32
            %dma_start3A_303 = tpu.memref_slice %arg3[%dma_start3A_302, %mul3A_297] : memref<1x160000xi32, #tpu.memory_space<hbm>> -> memref<1x128xi32, #tpu.memory_space<hbm>>
            %dma_start3A_304 = tpu.memref_slice %run_scoped3A_17[%rem3A_295] : memref<2x!tpu.dma_semaphore, #tpu.memory_space<semaphore_mem>> -> memref<1x!tpu.dma_semaphore, #tpu.memory_space<semaphore_mem>>
            %dma_start3A_305 = tpu.memref_squeeze %dma_start3A_304 : memref<1x!tpu.dma_semaphore, #tpu.memory_space<semaphore_mem>> -> memref<!tpu.dma_semaphore, #tpu.memory_space<semaphore_mem>>
            %dma_start3A_306 = arith.constant 0 : i32
            %dma_start3A_307 = arith.constant 0 : i32
            %dma_start3A_308 = tpu.memref_slice %run_scoped3A[%rem3A_295, %dma_start3A_306, %dma_start3A_307] : memref<2x1x128xi32, #tpu.memory_space<vmem>> -> memref<1x1x128xi32, #tpu.memory_space<vmem>>
            %dma_start3A_309 = tpu.memref_squeeze %dma_start3A_308 : memref<1x1x128xi32, #tpu.memory_space<vmem>> -> memref<1x128xi32, #tpu.memory_space<vmem>>
            %dma_start3A_310 = arith.constant 0 : i32
            %dma_start3A_311 = tpu.memref_slice %arg3[%dma_start3A_310, %mul3A_297] : memref<1x160000xi32, #tpu.memory_space<hbm>> -> memref<1x128xi32, #tpu.memory_space<hbm>>
            tpu.enqueue_dma source(%dma_start3A_311 : memref<1x128xi32, #tpu.memory_space<hbm>>) target(%dma_start3A_309 : memref<1x128xi32, #tpu.memory_space<vmem>>) target_semaphore(%dma_start3A_305 : memref<!tpu.dma_semaphore, #tpu.memory_space<semaphore_mem>>)
            "tpu.trace_stop"() : () -> ()
          } else {
          }
          %and3A_191 = arith.constant true
          %and3A_192 = arith.andi %and3A, %and3A_191 : i1
          %add3A_193 = arith.constant 1 : i32
          %add3A_194 = arith.addi %while3A_143, %add3A_193 : i32
          %select_n3A_195 = arith.select %and3A_192, %add3A_194, %while3A_143 : i32
          %ne3A_196 = arith.cmpi ne, %add3A_155, %add3A_173 : i32
          %or3A_197 = arith.constant false
          %or3A_198 = arith.ori %or3A_197, %ne3A_196 : i1
          %or3A_199 = arith.constant false
          %or3A_200 = arith.ori %or3A_198, %or3A_199 : i1
          %sub3A_201 = arith.constant 2 : i32
          %sub3A_202 = arith.subi %mul3A_149, %sub3A_201 : i32
          %add3A_203 = arith.constant 1 : i32
          %add3A_204 = arith.addi %sub3A_202, %add3A_203 : i32
          %ge3A_205 = arith.cmpi sge, %while3A_142, %add3A_204 : i32
          %not3A_206 = arith.constant true
          %not3A_207 = arith.xori %ge3A_205, %not3A_206 : i1
          %and3A_208 = arith.andi %or3A_200, %not3A_207 : i1
          %ne3A_209 = arith.cmpi ne, %add3A_155, %add3A_165 : i32
          %or3A_210 = arith.constant false
          %or3A_211 = arith.ori %or3A_210, %ne3A_209 : i1
          %or3A_212 = arith.ori %or3A_211, %eq3A_151 : i1
          %convert_element_type3A_213 = arith.extui %or3A_212 : i1 to i32
          %cond3A_214 = arith.constant 0 : i32
          %cond3A_215 = arith.cmpi ne, %convert_element_type3A_213, %cond3A_214 : i32
          scf.if %cond3A_215 {
            "tpu.trace_start"() <{level = 10 : i32, message = "ep_wait_in"}> : () -> ()
            %mul3A_294 = arith.constant 128 : i32
            %mul3A_295 = arith.muli %mul3A_294, %add3A_155 : i32
            %rem3A_296 = arith.constant 2 : i32
            %rem3A_297 = arith.remui %while3A_144, %rem3A_296 : i32
            %dma_wait3A = arith.constant 0 : i32
            %dma_wait3A_298 = arith.constant 0 : i32
            %dma_wait3A_299 = tpu.memref_slice %run_scoped3A[%rem3A_297, %dma_wait3A, %dma_wait3A_298] : memref<2x1x128xi32, #tpu.memory_space<vmem>> -> memref<1x1x128xi32, #tpu.memory_space<vmem>>
            %dma_wait3A_300 = tpu.memref_squeeze %dma_wait3A_299 : memref<1x1x128xi32, #tpu.memory_space<vmem>> -> memref<1x128xi32, #tpu.memory_space<vmem>>
            %dma_wait3A_301 = arith.constant 0 : i32
            %dma_wait3A_302 = tpu.memref_slice %arg3[%dma_wait3A_301, %mul3A_295] : memref<1x160000xi32, #tpu.memory_space<hbm>> -> memref<1x128xi32, #tpu.memory_space<hbm>>
            %dma_wait3A_303 = tpu.memref_slice %run_scoped3A_17[%rem3A_297] : memref<2x!tpu.dma_semaphore, #tpu.memory_space<semaphore_mem>> -> memref<1x!tpu.dma_semaphore, #tpu.memory_space<semaphore_mem>>
            %dma_wait3A_304 = tpu.memref_squeeze %dma_wait3A_303 : memref<1x!tpu.dma_semaphore, #tpu.memory_space<semaphore_mem>> -> memref<!tpu.dma_semaphore, #tpu.memory_space<semaphore_mem>>
            %dma_wait3A_305 = arith.constant 0 : i32
            %dma_wait3A_306 = arith.constant 0 : i32
            %dma_wait3A_307 = tpu.memref_slice %run_scoped3A[%rem3A_297, %dma_wait3A_305, %dma_wait3A_306] : memref<2x1x128xi32, #tpu.memory_space<vmem>> -> memref<1x1x128xi32, #tpu.memory_space<vmem>>
            %dma_wait3A_308 = tpu.memref_squeeze %dma_wait3A_307 : memref<1x1x128xi32, #tpu.memory_space<vmem>> -> memref<1x128xi32, #tpu.memory_space<vmem>>
            %dma_wait3A_309 = arith.constant 0 : i32
            %dma_wait3A_310 = tpu.memref_slice %arg3[%dma_wait3A_309, %mul3A_295] : memref<1x160000xi32, #tpu.memory_space<hbm>> -> memref<1x128xi32, #tpu.memory_space<hbm>>
            tpu.wait_dma2 semaphore(%dma_wait3A_304 : memref<!tpu.dma_semaphore, #tpu.memory_space<semaphore_mem>>) src(%dma_wait3A_310 : memref<1x128xi32, #tpu.memory_space<hbm>>) dst(%dma_wait3A_308 : memref<1x128xi32, #tpu.memory_space<vmem>>)
            "tpu.trace_stop"() : () -> ()
          } else {
          }
          %ne3A_216 = arith.cmpi ne, %add3A_155, %add3A_165 : i32
          %or3A_217 = arith.constant false
          %or3A_218 = arith.ori %or3A_217, %ne3A_216 : i1
          %or3A_219 = arith.constant false
          %or3A_220 = arith.ori %or3A_218, %or3A_219 : i1
          %or3A_221 = arith.ori %or3A_220, %eq3A_151 : i1
          %convert_element_type3A_222 = arith.extui %or3A_221 : i1 to i32
          %cond3A_223 = arith.constant 0 : i32
          %cond3A_224 = arith.cmpi ne, %convert_element_type3A_222, %cond3A_223 : i32
          scf.if %cond3A_224 {
          } else {
          }
          %rem3A_225 = arith.constant 2 : i32
          %rem3A_226 = arith.remui %while3A_144, %rem3A_225 : i32
          %rem3A_227 = arith.constant 2 : i32
          %rem3A_228 = arith.remui %while3A_145, %rem3A_227 : i32
          %run_scoped3A_229 = arith.constant 0 : i32
          "tpu.trace_start"() <{level = 10 : i32, message = "ep_run_kernel"}> : () -> ()
          "tpu.region"() ({
            %run_scoped3A_294 = tpu.sem_alloc : memref<!tpu.dma_semaphore, #tpu.memory_space<semaphore_mem>>
            %dma_start3A_295 = arith.constant 0 : i32
            %dma_start3A_296 = arith.constant 0 : i32
            %dma_start3A_297 = tpu.memref_slice %run_scoped3A_18[%rem3A_228, %dma_start3A_295, %dma_start3A_296] : memref<2x128x128xf32, #tpu.memory_space<vmem>> -> memref<1x128x128xf32, #tpu.memory_space<vmem>>
            %dma_start3A_298 = tpu.memref_squeeze %dma_start3A_297 : memref<1x128x128xf32, #tpu.memory_space<vmem>> -> memref<128x128xf32, #tpu.memory_space<vmem>>
            %dma_start3A_299 = arith.constant 0 : i32
            %dma_start3A_300 = arith.constant 0 : i32
            %dma_start3A_301 = tpu.memref_slice %run_scoped3A[%rem3A_226, %dma_start3A_299, %dma_start3A_300] : memref<2x1x128xi32, #tpu.memory_space<vmem>> -> memref<1x1x128xi32, #tpu.memory_space<vmem>>
            %dma_start3A_302 = tpu.memref_squeeze %dma_start3A_301 : memref<1x1x128xi32, #tpu.memory_space<vmem>> -> memref<1x128xi32, #tpu.memory_space<vmem>>
            %dma_start3A_303 = arith.constant 0 : i32
            %dma_start3A_304 = tpu.memref_slice %dma_start3A_302[%run_scoped3A_229, %dma_start3A_303] : memref<1x128xi32, #tpu.memory_space<vmem>> -> memref<1x128xi32, #tpu.memory_space<vmem>>
            %dma_start3A_305 = tpu.memref_squeeze %dma_start3A_304 : memref<1x128xi32, #tpu.memory_space<vmem>> -> memref<128xi32, #tpu.memory_space<vmem>>
            %dma_start3A_306 = arith.constant 0 : i32
            %dma_start3A_307 = arith.constant 0 : i32
            %dma_start3A_308 = tpu.memref_slice %arg2[%dma_start3A_306, %dma_start3A_307] : memref<10000x128xf32, #tpu.memory_space<hbm>> -> memref<10000x128xf32, #tpu.memory_space<hbm>>
            tpu.enqueue_indirect_dma source(%dma_start3A_308 : memref<10000x128xf32, #tpu.memory_space<hbm>>) target(%dma_start3A_298 : memref<128x128xf32, #tpu.memory_space<vmem>>) offsets(%dma_start3A_305 : memref<128xi32, #tpu.memory_space<vmem>>) semaphore(%run_scoped3A_294 : memref<!tpu.dma_semaphore, #tpu.memory_space<semaphore_mem>>)
            %dma_wait3A = arith.constant 0 : i32
            %dma_wait3A_309 = arith.constant 0 : i32
            %dma_wait3A_310 = tpu.memref_slice %run_scoped3A_18[%rem3A_228, %dma_wait3A, %dma_wait3A_309] : memref<2x128x128xf32, #tpu.memory_space<vmem>> -> memref<1x128x128xf32, #tpu.memory_space<vmem>>
            %dma_wait3A_311 = tpu.memref_squeeze %dma_wait3A_310 : memref<1x128x128xf32, #tpu.memory_space<vmem>> -> memref<128x128xf32, #tpu.memory_space<vmem>>
            %dma_wait3A_312 = arith.constant 0 : i32
            %dma_wait3A_313 = arith.constant 0 : i32
            %dma_wait3A_314 = tpu.memref_slice %run_scoped3A[%rem3A_226, %dma_wait3A_312, %dma_wait3A_313] : memref<2x1x128xi32, #tpu.memory_space<vmem>> -> memref<1x1x128xi32, #tpu.memory_space<vmem>>
            %dma_wait3A_315 = tpu.memref_squeeze %dma_wait3A_314 : memref<1x1x128xi32, #tpu.memory_space<vmem>> -> memref<1x128xi32, #tpu.memory_space<vmem>>
            %dma_wait3A_316 = arith.constant 0 : i32
            %dma_wait3A_317 = tpu.memref_slice %dma_wait3A_315[%run_scoped3A_229, %dma_wait3A_316] : memref<1x128xi32, #tpu.memory_space<vmem>> -> memref<1x128xi32, #tpu.memory_space<vmem>>
            %dma_wait3A_318 = tpu.memref_squeeze %dma_wait3A_317 : memref<1x128xi32, #tpu.memory_space<vmem>> -> memref<128xi32, #tpu.memory_space<vmem>>
            %dma_wait3A_319 = arith.constant 0 : i32
            %dma_wait3A_320 = arith.constant 0 : i32
            %dma_wait3A_321 = tpu.memref_slice %arg2[%dma_wait3A_319, %dma_wait3A_320] : memref<10000x128xf32, #tpu.memory_space<hbm>> -> memref<10000x128xf32, #tpu.memory_space<hbm>>
            tpu.wait_indirect_dma semaphore(%run_scoped3A_294 : memref<!tpu.dma_semaphore, #tpu.memory_space<semaphore_mem>>) src(%dma_wait3A_321 : memref<10000x128xf32, #tpu.memory_space<hbm>>) dst(%dma_wait3A_311 : memref<128x128xf32, #tpu.memory_space<vmem>>)
            tpu.yield
          }) : () -> ()
          "tpu.trace_stop"() : () -> ()
          %ne3A_230 = arith.cmpi ne, %add3A_155, %add3A_173 : i32
          %or3A_231 = arith.constant false
          %or3A_232 = arith.ori %or3A_231, %ne3A_230 : i1
          %or3A_233 = arith.ori %or3A_232, %eq3A_154 : i1
          %convert_element_type3A_234 = arith.extui %or3A_233 : i1 to i32
          %cond3A_235 = arith.constant 0 : i32
          %cond3A_236 = arith.cmpi ne, %convert_element_type3A_234, %cond3A_235 : i32
          scf.if %cond3A_236 {
          } else {
          }
          %and3A_237 = arith.constant false
          %and3A_238 = arith.andi %or3A_233, %and3A_237 : i1
          %ne3A_239 = arith.cmpi ne, %add3A_155, %add3A_173 : i32
          %or3A_240 = arith.constant false
          %or3A_241 = arith.ori %or3A_240, %ne3A_239 : i1
          %or3A_242 = arith.constant false
          %or3A_243 = arith.ori %or3A_241, %or3A_242 : i1
          %or3A_244 = arith.ori %or3A_243, %eq3A_154 : i1
          %convert_element_type3A_245 = arith.extui %or3A_244 : i1 to i32
          %cond3A_246 = arith.constant 0 : i32
          %cond3A_247 = arith.cmpi ne, %convert_element_type3A_245, %cond3A_246 : i32
          scf.if %cond3A_247 {
            "tpu.trace_start"() <{level = 10 : i32, message = "ep_copy_out"}> : () -> ()
            %rem3A_294 = arith.constant 2 : i32
            %rem3A_295 = arith.remui %while3A_145, %rem3A_294 : i32
            %mul3A_296 = arith.constant 128 : i32
            %mul3A_297 = arith.muli %mul3A_296, %add3A_155 : i32
            %dma_start3A_298 = arith.constant 0 : i32
            %dma_start3A_299 = arith.constant 0 : i32
            %dma_start3A_300 = tpu.memref_slice %run_scoped3A_18[%rem3A_295, %dma_start3A_298, %dma_start3A_299] : memref<2x128x128xf32, #tpu.memory_space<vmem>> -> memref<1x128x128xf32, #tpu.memory_space<vmem>>
            %dma_start3A_301 = tpu.memref_squeeze %dma_start3A_300 : memref<1x128x128xf32, #tpu.memory_space<vmem>> -> memref<128x128xf32, #tpu.memory_space<vmem>>
            %dma_start3A_302 = arith.constant 0 : i32
            %dma_start3A_303 = tpu.memref_slice %arg4[%mul3A_297, %dma_start3A_302] : memref<160000x128xf32, #tpu.memory_space<hbm>> -> memref<128x128xf32, #tpu.memory_space<hbm>>
            %dma_start3A_304 = tpu.memref_slice %run_scoped3A_19[%rem3A_295] : memref<2x!tpu.dma_semaphore, #tpu.memory_space<semaphore_mem>> -> memref<1x!tpu.dma_semaphore, #tpu.memory_space<semaphore_mem>>
            %dma_start3A_305 = tpu.memref_squeeze %dma_start3A_304 : memref<1x!tpu.dma_semaphore, #tpu.memory_space<semaphore_mem>> -> memref<!tpu.dma_semaphore, #tpu.memory_space<semaphore_mem>>
            %dma_start3A_306 = arith.constant 0 : i32
            %dma_start3A_307 = tpu.memref_slice %arg4[%mul3A_297, %dma_start3A_306] : memref<160000x128xf32, #tpu.memory_space<hbm>> -> memref<128x128xf32, #tpu.memory_space<hbm>>
            %dma_start3A_308 = arith.constant 0 : i32
            %dma_start3A_309 = arith.constant 0 : i32
            %dma_start3A_310 = tpu.memref_slice %run_scoped3A_18[%rem3A_295, %dma_start3A_308, %dma_start3A_309] : memref<2x128x128xf32, #tpu.memory_space<vmem>> -> memref<1x128x128xf32, #tpu.memory_space<vmem>>
            %dma_start3A_311 = tpu.memref_squeeze %dma_start3A_310 : memref<1x128x128xf32, #tpu.memory_space<vmem>> -> memref<128x128xf32, #tpu.memory_space<vmem>>
            tpu.enqueue_dma source(%dma_start3A_311 : memref<128x128xf32, #tpu.memory_space<vmem>>) target(%dma_start3A_307 : memref<128x128xf32, #tpu.memory_space<hbm>>) target_semaphore(%dma_start3A_305 : memref<!tpu.dma_semaphore, #tpu.memory_space<semaphore_mem>>)
            "tpu.trace_stop"() : () -> ()
          } else {
          }
          %and3A_248 = arith.constant true
          %and3A_249 = arith.andi %or3A_244, %and3A_248 : i1
          %add3A_250 = arith.constant 1 : i32
          %add3A_251 = arith.addi %while3A_145, %add3A_250 : i32
          %select_n3A_252 = arith.select %and3A_249, %add3A_251, %while3A_145 : i32
          %ne3A_253 = arith.cmpi ne, %add3A_155, %add3A_165 : i32
          %or3A_254 = arith.constant false
          %or3A_255 = arith.ori %or3A_254, %ne3A_253 : i1
          %not3A_256 = arith.constant true
          %not3A_257 = arith.xori %eq3A_151, %not3A_256 : i1
          %and3A_258 = arith.andi %or3A_255, %not3A_257 : i1
          %convert_element_type3A_259 = arith.extui %and3A_258 : i1 to i32
          %cond3A_260 = arith.constant 0 : i32
          %cond3A_261 = arith.cmpi ne, %convert_element_type3A_259, %cond3A_260 : i32
          scf.if %cond3A_261 {
          } else {
          }
          %and3A_262 = arith.constant false
          %and3A_263 = arith.andi %and3A_258, %and3A_262 : i1
          %ne3A_264 = arith.cmpi ne, %add3A_155, %add3A_165 : i32
          %or3A_265 = arith.constant false
          %or3A_266 = arith.ori %or3A_265, %ne3A_264 : i1
          %or3A_267 = arith.constant false
          %or3A_268 = arith.ori %or3A_266, %or3A_267 : i1
          %not3A_269 = arith.constant true
          %not3A_270 = arith.xori %eq3A_151, %not3A_269 : i1
          %and3A_271 = arith.andi %or3A_268, %not3A_270 : i1
          %convert_element_type3A_272 = arith.extui %and3A_271 : i1 to i32
          %cond3A_273 = arith.constant 0 : i32
          %cond3A_274 = arith.cmpi ne, %convert_element_type3A_272, %cond3A_273 : i32
          scf.if %cond3A_274 {
            "tpu.trace_start"() <{level = 10 : i32, message = "ep_wait_out"}> : () -> ()
            %rem3A_294 = arith.constant 2 : i32
            %rem3A_295 = arith.remui %while3A_146, %rem3A_294 : i32
            %mul3A_296 = arith.constant 128 : i32
            %mul3A_297 = arith.muli %mul3A_296, %add3A_165 : i32
            %dma_wait3A = arith.constant 0 : i32
            %dma_wait3A_298 = arith.constant 0 : i32
            %dma_wait3A_299 = tpu.memref_slice %run_scoped3A_18[%rem3A_295, %dma_wait3A, %dma_wait3A_298] : memref<2x128x128xf32, #tpu.memory_space<vmem>> -> memref<1x128x128xf32, #tpu.memory_space<vmem>>
            %dma_wait3A_300 = tpu.memref_squeeze %dma_wait3A_299 : memref<1x128x128xf32, #tpu.memory_space<vmem>> -> memref<128x128xf32, #tpu.memory_space<vmem>>
            %dma_wait3A_301 = arith.constant 0 : i32
            %dma_wait3A_302 = tpu.memref_slice %arg4[%mul3A_297, %dma_wait3A_301] : memref<160000x128xf32, #tpu.memory_space<hbm>> -> memref<128x128xf32, #tpu.memory_space<hbm>>
            %dma_wait3A_303 = tpu.memref_slice %run_scoped3A_19[%rem3A_295] : memref<2x!tpu.dma_semaphore, #tpu.memory_space<semaphore_mem>> -> memref<1x!tpu.dma_semaphore, #tpu.memory_space<semaphore_mem>>
            %dma_wait3A_304 = tpu.memref_squeeze %dma_wait3A_303 : memref<1x!tpu.dma_semaphore, #tpu.memory_space<semaphore_mem>> -> memref<!tpu.dma_semaphore, #tpu.memory_space<semaphore_mem>>
            %dma_wait3A_305 = arith.constant 0 : i32
            %dma_wait3A_306 = tpu.memref_slice %arg4[%mul3A_297, %dma_wait3A_305] : memref<160000x128xf32, #tpu.memory_space<hbm>> -> memref<128x128xf32, #tpu.memory_space<hbm>>
            %dma_wait3A_307 = arith.constant 0 : i32
            %dma_wait3A_308 = arith.constant 0 : i32
            %dma_wait3A_309 = tpu.memref_slice %run_scoped3A_18[%rem3A_295, %dma_wait3A_307, %dma_wait3A_308] : memref<2x128x128xf32, #tpu.memory_space<vmem>> -> memref<1x128x128xf32, #tpu.memory_space<vmem>>
            %dma_wait3A_310 = tpu.memref_squeeze %dma_wait3A_309 : memref<1x128x128xf32, #tpu.memory_space<vmem>> -> memref<128x128xf32, #tpu.memory_space<vmem>>
            tpu.wait_dma2 semaphore(%dma_wait3A_304 : memref<!tpu.dma_semaphore, #tpu.memory_space<semaphore_mem>>) src(%dma_wait3A_310 : memref<128x128xf32, #tpu.memory_space<vmem>>) dst(%dma_wait3A_306 : memref<128x128xf32, #tpu.memory_space<hbm>>)
            "tpu.trace_stop"() : () -> ()
          } else {
          }
          %and3A_275 = arith.constant true
          %and3A_276 = arith.andi %and3A_271, %and3A_275 : i1
          %add3A_277 = arith.constant 1 : i32
          %add3A_278 = arith.addi %while3A_146, %add3A_277 : i32
          %select_n3A_279 = arith.select %and3A_276, %add3A_278, %while3A_146 : i32
          %ne3A_280 = arith.cmpi ne, %add3A_155, %add3A_173 : i32
          %or3A_281 = arith.constant false
          %or3A_282 = arith.ori %or3A_281, %ne3A_280 : i1
          %or3A_283 = arith.ori %or3A_282, %eq3A_154 : i1
          %add3A_284 = arith.constant 1 : i32
          %add3A_285 = arith.addi %while3A_144, %add3A_284 : i32
          %select_n3A_286 = arith.select %or3A_283, %add3A_285, %while3A_144 : i32
          %add3A_287 = arith.constant 1 : i32
          %add3A_288 = arith.addi %while3A_147, %add3A_287 : i32
          %select_n3A_289 = arith.constant true
          %select_n3A_290 = arith.select %select_n3A_289, %add3A_288, %while3A_147 : i32
          %eq3A_291 = arith.cmpi eq, %select_n3A_290, %select_n3A : i32
          %select_n3A_292 = arith.constant 0 : i32
          %select_n3A_293 = arith.select %eq3A_291, %select_n3A_292, %select_n3A_290 : i32
          scf.yield %select_n3A_195, %select_n3A_286, %select_n3A_252, %select_n3A_279, %select_n3A_293 : i32, i32, i32, i32, i32
        }
        %while3A_89 = arith.constant 1 : i32
        %while3A_90:5 = scf.for %while3A_142 = %while3A_86 to %while3A_82 step %while3A_89 iter_args(%while3A_143 = %while3A_88#0, %while3A_144 = %while3A_88#1, %while3A_145 = %while3A_88#2, %while3A_146 = %while3A_88#3, %while3A_147 = %while3A_88#4) -> (i32, i32, i32, i32, i32)  : i32 {
          %mul3A_148 = arith.constant 1 : i32
          %mul3A_149 = arith.muli %mul3A_148, %select_n3A : i32
          %eq3A_150 = arith.constant 0 : i32
          %eq3A_151 = arith.cmpi eq, %while3A_142, %eq3A_150 : i32
          %sub3A_152 = arith.constant 1 : i32
          %sub3A_153 = arith.subi %mul3A_149, %sub3A_152 : i32
          %eq3A_154 = arith.cmpi eq, %while3A_142, %sub3A_153 : i32
          %add3A_155 = arith.addi %while3A_147, %select_n3A_14 : i32
          %sub3A_156 = arith.constant 1 : i32
          %sub3A_157 = arith.subi %while3A_147, %sub3A_156 : i32
          %select_n3A_158 = arith.constant true
          %select_n3A_159 = arith.select %select_n3A_158, %sub3A_157, %while3A_147 : i32
          %eq3A_160 = arith.constant -1 : i32
          %eq3A_161 = arith.cmpi eq, %select_n3A_159, %eq3A_160 : i32
          %sub3A_162 = arith.constant 1 : i32
          %sub3A_163 = arith.subi %select_n3A, %sub3A_162 : i32
          %select_n3A_164 = arith.select %eq3A_161, %sub3A_163, %select_n3A_159 : i32
          %add3A_165 = arith.addi %select_n3A_164, %select_n3A_14 : i32
          %add3A_166 = arith.constant 1 : i32
          %add3A_167 = arith.addi %while3A_147, %add3A_166 : i32
          %select_n3A_168 = arith.constant true
          %select_n3A_169 = arith.select %select_n3A_168, %add3A_167, %while3A_147 : i32
          %eq3A_170 = arith.cmpi eq, %select_n3A_169, %select_n3A : i32
          %select_n3A_171 = arith.constant 0 : i32
          %select_n3A_172 = arith.select %eq3A_170, %select_n3A_171, %select_n3A_169 : i32
          %add3A_173 = arith.addi %select_n3A_172, %select_n3A_14 : i32
          %add3A_174 = arith.constant 1 : i32
          %add3A_175 = arith.addi %select_n3A_172, %add3A_174 : i32
          %select_n3A_176 = arith.constant true
          %select_n3A_177 = arith.select %select_n3A_176, %add3A_175, %select_n3A_172 : i32
          %eq3A_178 = arith.cmpi eq, %select_n3A_177, %select_n3A : i32
          %select_n3A_179 = arith.constant 0 : i32
          %select_n3A_180 = arith.select %eq3A_178, %select_n3A_179, %select_n3A_177 : i32
          %add3A_181 = arith.addi %select_n3A_180, %select_n3A_14 : i32
          %ne3A = arith.cmpi ne, %add3A_155, %add3A_173 : i32
          %or3A = arith.constant false
          %or3A_182 = arith.ori %or3A, %ne3A : i1
          %sub3A_183 = arith.constant 2 : i32
          %sub3A_184 = arith.subi %mul3A_149, %sub3A_183 : i32
          %add3A_185 = arith.constant 1 : i32
          %add3A_186 = arith.addi %sub3A_184, %add3A_185 : i32
          %ge3A = arith.cmpi sge, %while3A_142, %add3A_186 : i32
          %not3A = arith.constant true
          %not3A_187 = arith.xori %ge3A, %not3A : i1
          %and3A = arith.andi %or3A_182, %not3A_187 : i1
          %convert_element_type3A_188 = arith.extui %and3A : i1 to i32
          %cond3A_189 = arith.constant 0 : i32
          %cond3A_190 = arith.cmpi ne, %convert_element_type3A_188, %cond3A_189 : i32
          scf.if %cond3A_190 {
            "tpu.trace_start"() <{level = 10 : i32, message = "ep_copy_in"}> : () -> ()
            %rem3A_294 = arith.constant 2 : i32
            %rem3A_295 = arith.remui %while3A_143, %rem3A_294 : i32
            %mul3A_296 = arith.constant 128 : i32
            %mul3A_297 = arith.muli %mul3A_296, %add3A_173 : i32
            %dma_start3A_298 = arith.constant 0 : i32
            %dma_start3A_299 = arith.constant 0 : i32
            %dma_start3A_300 = tpu.memref_slice %run_scoped3A[%rem3A_295, %dma_start3A_298, %dma_start3A_299] : memref<2x1x128xi32, #tpu.memory_space<vmem>> -> memref<1x1x128xi32, #tpu.memory_space<vmem>>
            %dma_start3A_301 = tpu.memref_squeeze %dma_start3A_300 : memref<1x1x128xi32, #tpu.memory_space<vmem>> -> memref<1x128xi32, #tpu.memory_space<vmem>>
            %dma_start3A_302 = arith.constant 0 : i32
            %dma_start3A_303 = tpu.memref_slice %arg3[%dma_start3A_302, %mul3A_297] : memref<1x160000xi32, #tpu.memory_space<hbm>> -> memref<1x128xi32, #tpu.memory_space<hbm>>
            %dma_start3A_304 = tpu.memref_slice %run_scoped3A_17[%rem3A_295] : memref<2x!tpu.dma_semaphore, #tpu.memory_space<semaphore_mem>> -> memref<1x!tpu.dma_semaphore, #tpu.memory_space<semaphore_mem>>
            %dma_start3A_305 = tpu.memref_squeeze %dma_start3A_304 : memref<1x!tpu.dma_semaphore, #tpu.memory_space<semaphore_mem>> -> memref<!tpu.dma_semaphore, #tpu.memory_space<semaphore_mem>>
            %dma_start3A_306 = arith.constant 0 : i32
            %dma_start3A_307 = arith.constant 0 : i32
            %dma_start3A_308 = tpu.memref_slice %run_scoped3A[%rem3A_295, %dma_start3A_306, %dma_start3A_307] : memref<2x1x128xi32, #tpu.memory_space<vmem>> -> memref<1x1x128xi32, #tpu.memory_space<vmem>>
            %dma_start3A_309 = tpu.memref_squeeze %dma_start3A_308 : memref<1x1x128xi32, #tpu.memory_space<vmem>> -> memref<1x128xi32, #tpu.memory_space<vmem>>
            %dma_start3A_310 = arith.constant 0 : i32
            %dma_start3A_311 = tpu.memref_slice %arg3[%dma_start3A_310, %mul3A_297] : memref<1x160000xi32, #tpu.memory_space<hbm>> -> memref<1x128xi32, #tpu.memory_space<hbm>>
            tpu.enqueue_dma source(%dma_start3A_311 : memref<1x128xi32, #tpu.memory_space<hbm>>) target(%dma_start3A_309 : memref<1x128xi32, #tpu.memory_space<vmem>>) target_semaphore(%dma_start3A_305 : memref<!tpu.dma_semaphore, #tpu.memory_space<semaphore_mem>>)
            "tpu.trace_stop"() : () -> ()
          } else {
          }
          %and3A_191 = arith.constant true
          %and3A_192 = arith.andi %and3A, %and3A_191 : i1
          %add3A_193 = arith.constant 1 : i32
          %add3A_194 = arith.addi %while3A_143, %add3A_193 : i32
          %select_n3A_195 = arith.select %and3A_192, %add3A_194, %while3A_143 : i32
          %ne3A_196 = arith.cmpi ne, %add3A_155, %add3A_173 : i32
          %or3A_197 = arith.constant false
          %or3A_198 = arith.ori %or3A_197, %ne3A_196 : i1
          %or3A_199 = arith.constant false
          %or3A_200 = arith.ori %or3A_198, %or3A_199 : i1
          %sub3A_201 = arith.constant 2 : i32
          %sub3A_202 = arith.subi %mul3A_149, %sub3A_201 : i32
          %add3A_203 = arith.constant 1 : i32
          %add3A_204 = arith.addi %sub3A_202, %add3A_203 : i32
          %ge3A_205 = arith.cmpi sge, %while3A_142, %add3A_204 : i32
          %not3A_206 = arith.constant true
          %not3A_207 = arith.xori %ge3A_205, %not3A_206 : i1
          %and3A_208 = arith.andi %or3A_200, %not3A_207 : i1
          %ne3A_209 = arith.cmpi ne, %add3A_155, %add3A_165 : i32
          %or3A_210 = arith.constant false
          %or3A_211 = arith.ori %or3A_210, %ne3A_209 : i1
          %or3A_212 = arith.ori %or3A_211, %eq3A_151 : i1
          %convert_element_type3A_213 = arith.extui %or3A_212 : i1 to i32
          %cond3A_214 = arith.constant 0 : i32
          %cond3A_215 = arith.cmpi ne, %convert_element_type3A_213, %cond3A_214 : i32
          scf.if %cond3A_215 {
            "tpu.trace_start"() <{level = 10 : i32, message = "ep_wait_in"}> : () -> ()
            %mul3A_294 = arith.constant 128 : i32
            %mul3A_295 = arith.muli %mul3A_294, %add3A_155 : i32
            %rem3A_296 = arith.constant 2 : i32
            %rem3A_297 = arith.remui %while3A_144, %rem3A_296 : i32
            %dma_wait3A = arith.constant 0 : i32
            %dma_wait3A_298 = arith.constant 0 : i32
            %dma_wait3A_299 = tpu.memref_slice %run_scoped3A[%rem3A_297, %dma_wait3A, %dma_wait3A_298] : memref<2x1x128xi32, #tpu.memory_space<vmem>> -> memref<1x1x128xi32, #tpu.memory_space<vmem>>
            %dma_wait3A_300 = tpu.memref_squeeze %dma_wait3A_299 : memref<1x1x128xi32, #tpu.memory_space<vmem>> -> memref<1x128xi32, #tpu.memory_space<vmem>>
            %dma_wait3A_301 = arith.constant 0 : i32
            %dma_wait3A_302 = tpu.memref_slice %arg3[%dma_wait3A_301, %mul3A_295] : memref<1x160000xi32, #tpu.memory_space<hbm>> -> memref<1x128xi32, #tpu.memory_space<hbm>>
            %dma_wait3A_303 = tpu.memref_slice %run_scoped3A_17[%rem3A_297] : memref<2x!tpu.dma_semaphore, #tpu.memory_space<semaphore_mem>> -> memref<1x!tpu.dma_semaphore, #tpu.memory_space<semaphore_mem>>
            %dma_wait3A_304 = tpu.memref_squeeze %dma_wait3A_303 : memref<1x!tpu.dma_semaphore, #tpu.memory_space<semaphore_mem>> -> memref<!tpu.dma_semaphore, #tpu.memory_space<semaphore_mem>>
            %dma_wait3A_305 = arith.constant 0 : i32
            %dma_wait3A_306 = arith.constant 0 : i32
            %dma_wait3A_307 = tpu.memref_slice %run_scoped3A[%rem3A_297, %dma_wait3A_305, %dma_wait3A_306] : memref<2x1x128xi32, #tpu.memory_space<vmem>> -> memref<1x1x128xi32, #tpu.memory_space<vmem>>
            %dma_wait3A_308 = tpu.memref_squeeze %dma_wait3A_307 : memref<1x1x128xi32, #tpu.memory_space<vmem>> -> memref<1x128xi32, #tpu.memory_space<vmem>>
            %dma_wait3A_309 = arith.constant 0 : i32
            %dma_wait3A_310 = tpu.memref_slice %arg3[%dma_wait3A_309, %mul3A_295] : memref<1x160000xi32, #tpu.memory_space<hbm>> -> memref<1x128xi32, #tpu.memory_space<hbm>>
            tpu.wait_dma2 semaphore(%dma_wait3A_304 : memref<!tpu.dma_semaphore, #tpu.memory_space<semaphore_mem>>) src(%dma_wait3A_310 : memref<1x128xi32, #tpu.memory_space<hbm>>) dst(%dma_wait3A_308 : memref<1x128xi32, #tpu.memory_space<vmem>>)
            "tpu.trace_stop"() : () -> ()
          } else {
          }
          %ne3A_216 = arith.cmpi ne, %add3A_155, %add3A_165 : i32
          %or3A_217 = arith.constant false
          %or3A_218 = arith.ori %or3A_217, %ne3A_216 : i1
          %or3A_219 = arith.constant false
          %or3A_220 = arith.ori %or3A_218, %or3A_219 : i1
          %or3A_221 = arith.ori %or3A_220, %eq3A_151 : i1
          %convert_element_type3A_222 = arith.extui %or3A_221 : i1 to i32
          %cond3A_223 = arith.constant 0 : i32
          %cond3A_224 = arith.cmpi ne, %convert_element_type3A_222, %cond3A_223 : i32
          scf.if %cond3A_224 {
          } else {
          }
          %rem3A_225 = arith.constant 2 : i32
          %rem3A_226 = arith.remui %while3A_144, %rem3A_225 : i32
          %rem3A_227 = arith.constant 2 : i32
          %rem3A_228 = arith.remui %while3A_145, %rem3A_227 : i32
          %run_scoped3A_229 = arith.constant 0 : i32
          "tpu.trace_start"() <{level = 10 : i32, message = "ep_run_kernel"}> : () -> ()
          "tpu.region"() ({
            %run_scoped3A_294 = tpu.sem_alloc : memref<!tpu.dma_semaphore, #tpu.memory_space<semaphore_mem>>
            %dma_start3A_295 = arith.constant 0 : i32
            %dma_start3A_296 = arith.constant 0 : i32
            %dma_start3A_297 = tpu.memref_slice %run_scoped3A_18[%rem3A_228, %dma_start3A_295, %dma_start3A_296] : memref<2x128x128xf32, #tpu.memory_space<vmem>> -> memref<1x128x128xf32, #tpu.memory_space<vmem>>
            %dma_start3A_298 = tpu.memref_squeeze %dma_start3A_297 : memref<1x128x128xf32, #tpu.memory_space<vmem>> -> memref<128x128xf32, #tpu.memory_space<vmem>>
            %dma_start3A_299 = arith.constant 0 : i32
            %dma_start3A_300 = arith.constant 0 : i32
            %dma_start3A_301 = tpu.memref_slice %run_scoped3A[%rem3A_226, %dma_start3A_299, %dma_start3A_300] : memref<2x1x128xi32, #tpu.memory_space<vmem>> -> memref<1x1x128xi32, #tpu.memory_space<vmem>>
            %dma_start3A_302 = tpu.memref_squeeze %dma_start3A_301 : memref<1x1x128xi32, #tpu.memory_space<vmem>> -> memref<1x128xi32, #tpu.memory_space<vmem>>
            %dma_start3A_303 = arith.constant 0 : i32
            %dma_start3A_304 = tpu.memref_slice %dma_start3A_302[%run_scoped3A_229, %dma_start3A_303] : memref<1x128xi32, #tpu.memory_space<vmem>> -> memref<1x128xi32, #tpu.memory_space<vmem>>
            %dma_start3A_305 = tpu.memref_squeeze %dma_start3A_304 : memref<1x128xi32, #tpu.memory_space<vmem>> -> memref<128xi32, #tpu.memory_space<vmem>>
            %dma_start3A_306 = arith.constant 0 : i32
            %dma_start3A_307 = arith.constant 0 : i32
            %dma_start3A_308 = tpu.memref_slice %arg2[%dma_start3A_306, %dma_start3A_307] : memref<10000x128xf32, #tpu.memory_space<hbm>> -> memref<10000x128xf32, #tpu.memory_space<hbm>>
            tpu.enqueue_indirect_dma source(%dma_start3A_308 : memref<10000x128xf32, #tpu.memory_space<hbm>>) target(%dma_start3A_298 : memref<128x128xf32, #tpu.memory_space<vmem>>) offsets(%dma_start3A_305 : memref<128xi32, #tpu.memory_space<vmem>>) semaphore(%run_scoped3A_294 : memref<!tpu.dma_semaphore, #tpu.memory_space<semaphore_mem>>)
            %dma_wait3A = arith.constant 0 : i32
            %dma_wait3A_309 = arith.constant 0 : i32
            %dma_wait3A_310 = tpu.memref_slice %run_scoped3A_18[%rem3A_228, %dma_wait3A, %dma_wait3A_309] : memref<2x128x128xf32, #tpu.memory_space<vmem>> -> memref<1x128x128xf32, #tpu.memory_space<vmem>>
            %dma_wait3A_311 = tpu.memref_squeeze %dma_wait3A_310 : memref<1x128x128xf32, #tpu.memory_space<vmem>> -> memref<128x128xf32, #tpu.memory_space<vmem>>
            %dma_wait3A_312 = arith.constant 0 : i32
            %dma_wait3A_313 = arith.constant 0 : i32
            %dma_wait3A_314 = tpu.memref_slice %run_scoped3A[%rem3A_226, %dma_wait3A_312, %dma_wait3A_313] : memref<2x1x128xi32, #tpu.memory_space<vmem>> -> memref<1x1x128xi32, #tpu.memory_space<vmem>>
            %dma_wait3A_315 = tpu.memref_squeeze %dma_wait3A_314 : memref<1x1x128xi32, #tpu.memory_space<vmem>> -> memref<1x128xi32, #tpu.memory_space<vmem>>
            %dma_wait3A_316 = arith.constant 0 : i32
            %dma_wait3A_317 = tpu.memref_slice %dma_wait3A_315[%run_scoped3A_229, %dma_wait3A_316] : memref<1x128xi32, #tpu.memory_space<vmem>> -> memref<1x128xi32, #tpu.memory_space<vmem>>
            %dma_wait3A_318 = tpu.memref_squeeze %dma_wait3A_317 : memref<1x128xi32, #tpu.memory_space<vmem>> -> memref<128xi32, #tpu.memory_space<vmem>>
            %dma_wait3A_319 = arith.constant 0 : i32
            %dma_wait3A_320 = arith.constant 0 : i32
            %dma_wait3A_321 = tpu.memref_slice %arg2[%dma_wait3A_319, %dma_wait3A_320] : memref<10000x128xf32, #tpu.memory_space<hbm>> -> memref<10000x128xf32, #tpu.memory_space<hbm>>
            tpu.wait_indirect_dma semaphore(%run_scoped3A_294 : memref<!tpu.dma_semaphore, #tpu.memory_space<semaphore_mem>>) src(%dma_wait3A_321 : memref<10000x128xf32, #tpu.memory_space<hbm>>) dst(%dma_wait3A_311 : memref<128x128xf32, #tpu.memory_space<vmem>>)
            tpu.yield
          }) : () -> ()
          "tpu.trace_stop"() : () -> ()
          %ne3A_230 = arith.cmpi ne, %add3A_155, %add3A_173 : i32
          %or3A_231 = arith.constant false
          %or3A_232 = arith.ori %or3A_231, %ne3A_230 : i1
          %or3A_233 = arith.ori %or3A_232, %eq3A_154 : i1
          %convert_element_type3A_234 = arith.extui %or3A_233 : i1 to i32
          %cond3A_235 = arith.constant 0 : i32
          %cond3A_236 = arith.cmpi ne, %convert_element_type3A_234, %cond3A_235 : i32
          scf.if %cond3A_236 {
          } else {
          }
          %and3A_237 = arith.constant false
          %and3A_238 = arith.andi %or3A_233, %and3A_237 : i1
          %ne3A_239 = arith.cmpi ne, %add3A_155, %add3A_173 : i32
          %or3A_240 = arith.constant false
          %or3A_241 = arith.ori %or3A_240, %ne3A_239 : i1
          %or3A_242 = arith.constant false
          %or3A_243 = arith.ori %or3A_241, %or3A_242 : i1
          %or3A_244 = arith.ori %or3A_243, %eq3A_154 : i1
          %convert_element_type3A_245 = arith.extui %or3A_244 : i1 to i32
          %cond3A_246 = arith.constant 0 : i32
          %cond3A_247 = arith.cmpi ne, %convert_element_type3A_245, %cond3A_246 : i32
          scf.if %cond3A_247 {
            "tpu.trace_start"() <{level = 10 : i32, message = "ep_copy_out"}> : () -> ()
            %rem3A_294 = arith.constant 2 : i32
            %rem3A_295 = arith.remui %while3A_145, %rem3A_294 : i32
            %mul3A_296 = arith.constant 128 : i32
            %mul3A_297 = arith.muli %mul3A_296, %add3A_155 : i32
            %dma_start3A_298 = arith.constant 0 : i32
            %dma_start3A_299 = arith.constant 0 : i32
            %dma_start3A_300 = tpu.memref_slice %run_scoped3A_18[%rem3A_295, %dma_start3A_298, %dma_start3A_299] : memref<2x128x128xf32, #tpu.memory_space<vmem>> -> memref<1x128x128xf32, #tpu.memory_space<vmem>>
            %dma_start3A_301 = tpu.memref_squeeze %dma_start3A_300 : memref<1x128x128xf32, #tpu.memory_space<vmem>> -> memref<128x128xf32, #tpu.memory_space<vmem>>
            %dma_start3A_302 = arith.constant 0 : i32
            %dma_start3A_303 = tpu.memref_slice %arg4[%mul3A_297, %dma_start3A_302] : memref<160000x128xf32, #tpu.memory_space<hbm>> -> memref<128x128xf32, #tpu.memory_space<hbm>>
            %dma_start3A_304 = tpu.memref_slice %run_scoped3A_19[%rem3A_295] : memref<2x!tpu.dma_semaphore, #tpu.memory_space<semaphore_mem>> -> memref<1x!tpu.dma_semaphore, #tpu.memory_space<semaphore_mem>>
            %dma_start3A_305 = tpu.memref_squeeze %dma_start3A_304 : memref<1x!tpu.dma_semaphore, #tpu.memory_space<semaphore_mem>> -> memref<!tpu.dma_semaphore, #tpu.memory_space<semaphore_mem>>
            %dma_start3A_306 = arith.constant 0 : i32
            %dma_start3A_307 = tpu.memref_slice %arg4[%mul3A_297, %dma_start3A_306] : memref<160000x128xf32, #tpu.memory_space<hbm>> -> memref<128x128xf32, #tpu.memory_space<hbm>>
            %dma_start3A_308 = arith.constant 0 : i32
            %dma_start3A_309 = arith.constant 0 : i32
            %dma_start3A_310 = tpu.memref_slice %run_scoped3A_18[%rem3A_295, %dma_start3A_308, %dma_start3A_309] : memref<2x128x128xf32, #tpu.memory_space<vmem>> -> memref<1x128x128xf32, #tpu.memory_space<vmem>>
            %dma_start3A_311 = tpu.memref_squeeze %dma_start3A_310 : memref<1x128x128xf32, #tpu.memory_space<vmem>> -> memref<128x128xf32, #tpu.memory_space<vmem>>
            tpu.enqueue_dma source(%dma_start3A_311 : memref<128x128xf32, #tpu.memory_space<vmem>>) target(%dma_start3A_307 : memref<128x128xf32, #tpu.memory_space<hbm>>) target_semaphore(%dma_start3A_305 : memref<!tpu.dma_semaphore, #tpu.memory_space<semaphore_mem>>)
            "tpu.trace_stop"() : () -> ()
          } else {
          }
          %and3A_248 = arith.constant true
          %and3A_249 = arith.andi %or3A_244, %and3A_248 : i1
          %add3A_250 = arith.constant 1 : i32
          %add3A_251 = arith.addi %while3A_145, %add3A_250 : i32
          %select_n3A_252 = arith.select %and3A_249, %add3A_251, %while3A_145 : i32
          %ne3A_253 = arith.cmpi ne, %add3A_155, %add3A_165 : i32
          %or3A_254 = arith.constant false
          %or3A_255 = arith.ori %or3A_254, %ne3A_253 : i1
          %not3A_256 = arith.constant true
          %not3A_257 = arith.xori %eq3A_151, %not3A_256 : i1
          %and3A_258 = arith.andi %or3A_255, %not3A_257 : i1
          %convert_element_type3A_259 = arith.extui %and3A_258 : i1 to i32
          %cond3A_260 = arith.constant 0 : i32
          %cond3A_261 = arith.cmpi ne, %convert_element_type3A_259, %cond3A_260 : i32
          scf.if %cond3A_261 {
          } else {
          }
          %and3A_262 = arith.constant false
          %and3A_263 = arith.andi %and3A_258, %and3A_262 : i1
          %ne3A_264 = arith.cmpi ne, %add3A_155, %add3A_165 : i32
          %or3A_265 = arith.constant false
          %or3A_266 = arith.ori %or3A_265, %ne3A_264 : i1
          %or3A_267 = arith.constant false
          %or3A_268 = arith.ori %or3A_266, %or3A_267 : i1
          %not3A_269 = arith.constant true
          %not3A_270 = arith.xori %eq3A_151, %not3A_269 : i1
          %and3A_271 = arith.andi %or3A_268, %not3A_270 : i1
          %convert_element_type3A_272 = arith.extui %and3A_271 : i1 to i32
          %cond3A_273 = arith.constant 0 : i32
          %cond3A_274 = arith.cmpi ne, %convert_element_type3A_272, %cond3A_273 : i32
          scf.if %cond3A_274 {
            "tpu.trace_start"() <{level = 10 : i32, message = "ep_wait_out"}> : () -> ()
            %rem3A_294 = arith.constant 2 : i32
            %rem3A_295 = arith.remui %while3A_146, %rem3A_294 : i32
            %mul3A_296 = arith.constant 128 : i32
            %mul3A_297 = arith.muli %mul3A_296, %add3A_165 : i32
            %dma_wait3A = arith.constant 0 : i32
            %dma_wait3A_298 = arith.constant 0 : i32
            %dma_wait3A_299 = tpu.memref_slice %run_scoped3A_18[%rem3A_295, %dma_wait3A, %dma_wait3A_298] : memref<2x128x128xf32, #tpu.memory_space<vmem>> -> memref<1x128x128xf32, #tpu.memory_space<vmem>>
            %dma_wait3A_300 = tpu.memref_squeeze %dma_wait3A_299 : memref<1x128x128xf32, #tpu.memory_space<vmem>> -> memref<128x128xf32, #tpu.memory_space<vmem>>
            %dma_wait3A_301 = arith.constant 0 : i32
            %dma_wait3A_302 = tpu.memref_slice %arg4[%mul3A_297, %dma_wait3A_301] : memref<160000x128xf32, #tpu.memory_space<hbm>> -> memref<128x128xf32, #tpu.memory_space<hbm>>
            %dma_wait3A_303 = tpu.memref_slice %run_scoped3A_19[%rem3A_295] : memref<2x!tpu.dma_semaphore, #tpu.memory_space<semaphore_mem>> -> memref<1x!tpu.dma_semaphore, #tpu.memory_space<semaphore_mem>>
            %dma_wait3A_304 = tpu.memref_squeeze %dma_wait3A_303 : memref<1x!tpu.dma_semaphore, #tpu.memory_space<semaphore_mem>> -> memref<!tpu.dma_semaphore, #tpu.memory_space<semaphore_mem>>
            %dma_wait3A_305 = arith.constant 0 : i32
            %dma_wait3A_306 = tpu.memref_slice %arg4[%mul3A_297, %dma_wait3A_305] : memref<160000x128xf32, #tpu.memory_space<hbm>> -> memref<128x128xf32, #tpu.memory_space<hbm>>
            %dma_wait3A_307 = arith.constant 0 : i32
            %dma_wait3A_308 = arith.constant 0 : i32
            %dma_wait3A_309 = tpu.memref_slice %run_scoped3A_18[%rem3A_295, %dma_wait3A_307, %dma_wait3A_308] : memref<2x128x128xf32, #tpu.memory_space<vmem>> -> memref<1x128x128xf32, #tpu.memory_space<vmem>>
            %dma_wait3A_310 = tpu.memref_squeeze %dma_wait3A_309 : memref<1x128x128xf32, #tpu.memory_space<vmem>> -> memref<128x128xf32, #tpu.memory_space<vmem>>
            tpu.wait_dma2 semaphore(%dma_wait3A_304 : memref<!tpu.dma_semaphore, #tpu.memory_space<semaphore_mem>>) src(%dma_wait3A_310 : memref<128x128xf32, #tpu.memory_space<vmem>>) dst(%dma_wait3A_306 : memref<128x128xf32, #tpu.memory_space<hbm>>)
            "tpu.trace_stop"() : () -> ()
          } else {
          }
          %and3A_275 = arith.constant true
          %and3A_276 = arith.andi %and3A_271, %and3A_275 : i1
          %add3A_277 = arith.constant 1 : i32
          %add3A_278 = arith.addi %while3A_146, %add3A_277 : i32
          %select_n3A_279 = arith.select %and3A_276, %add3A_278, %while3A_146 : i32
          %ne3A_280 = arith.cmpi ne, %add3A_155, %add3A_173 : i32
          %or3A_281 = arith.constant false
          %or3A_282 = arith.ori %or3A_281, %ne3A_280 : i1
          %or3A_283 = arith.ori %or3A_282, %eq3A_154 : i1
          %add3A_284 = arith.constant 1 : i32
          %add3A_285 = arith.addi %while3A_144, %add3A_284 : i32
          %select_n3A_286 = arith.select %or3A_283, %add3A_285, %while3A_144 : i32
          %add3A_287 = arith.constant 1 : i32
          %add3A_288 = arith.addi %while3A_147, %add3A_287 : i32
          %select_n3A_289 = arith.constant true
          %select_n3A_290 = arith.select %select_n3A_289, %add3A_288, %while3A_147 : i32
          %eq3A_291 = arith.cmpi eq, %select_n3A_290, %select_n3A : i32
          %select_n3A_292 = arith.constant 0 : i32
          %select_n3A_293 = arith.select %eq3A_291, %select_n3A_292, %select_n3A_290 : i32
          scf.yield %select_n3A_195, %select_n3A_286, %select_n3A_252, %select_n3A_279, %select_n3A_293 : i32, i32, i32, i32, i32
        }
        %sub3A_91 = arith.constant 1 : i32
        %sub3A_92 = arith.subi %while3A_90#4, %sub3A_91 : i32
        %select_n3A_93 = arith.constant true
        %select_n3A_94 = arith.select %select_n3A_93, %sub3A_92, %while3A_90#4 : i32
        %eq3A_95 = arith.constant -1 : i32
        %eq3A_96 = arith.cmpi eq, %select_n3A_94, %eq3A_95 : i32
        %sub3A_97 = arith.constant 1 : i32
        %sub3A_98 = arith.subi %select_n3A, %sub3A_97 : i32
        %select_n3A_99 = arith.select %eq3A_96, %sub3A_98, %select_n3A_94 : i32
        %sub3A_100 = arith.constant 1 : i32
        %sub3A_101 = arith.subi %mul3A_16, %sub3A_100 : i32
        %mul3A_102 = arith.constant 1 : i32
        %mul3A_103 = arith.muli %mul3A_102, %select_n3A : i32
        %eq3A_104 = arith.constant 0 : i32
        %eq3A_105 = arith.cmpi eq, %sub3A_101, %eq3A_104 : i32
        %sub3A_106 = arith.constant 1 : i32
        %sub3A_107 = arith.subi %mul3A_103, %sub3A_106 : i32
        %eq3A_108 = arith.cmpi eq, %sub3A_101, %sub3A_107 : i32
        %add3A_109 = arith.addi %select_n3A_99, %select_n3A_14 : i32
        %sub3A_110 = arith.constant 1 : i32
        %sub3A_111 = arith.subi %select_n3A_99, %sub3A_110 : i32
        %select_n3A_112 = arith.constant true
        %select_n3A_113 = arith.select %select_n3A_112, %sub3A_111, %select_n3A_99 : i32
        %eq3A_114 = arith.constant -1 : i32
        %eq3A_115 = arith.cmpi eq, %select_n3A_113, %eq3A_114 : i32
        %sub3A_116 = arith.constant 1 : i32
        %sub3A_117 = arith.subi %select_n3A, %sub3A_116 : i32
        %select_n3A_118 = arith.select %eq3A_115, %sub3A_117, %select_n3A_113 : i32
        %add3A_119 = arith.addi %select_n3A_118, %select_n3A_14 : i32
        %add3A_120 = arith.constant 1 : i32
        %add3A_121 = arith.addi %select_n3A_99, %add3A_120 : i32
        %select_n3A_122 = arith.constant true
        %select_n3A_123 = arith.select %select_n3A_122, %add3A_121, %select_n3A_99 : i32
        %eq3A_124 = arith.cmpi eq, %select_n3A_123, %select_n3A : i32
        %select_n3A_125 = arith.constant 0 : i32
        %select_n3A_126 = arith.select %eq3A_124, %select_n3A_125, %select_n3A_123 : i32
        %add3A_127 = arith.addi %select_n3A_126, %select_n3A_14 : i32
        %add3A_128 = arith.constant 1 : i32
        %add3A_129 = arith.addi %select_n3A_126, %add3A_128 : i32
        %select_n3A_130 = arith.constant true
        %select_n3A_131 = arith.select %select_n3A_130, %add3A_129, %select_n3A_126 : i32
        %eq3A_132 = arith.cmpi eq, %select_n3A_131, %select_n3A : i32
        %select_n3A_133 = arith.constant 0 : i32
        %select_n3A_134 = arith.select %eq3A_132, %select_n3A_133, %select_n3A_131 : i32
        %add3A_135 = arith.addi %select_n3A_134, %select_n3A_14 : i32
        %convert_element_type3A_136 = arith.extui %eq3A_108 : i1 to i32
        %cond3A_137 = arith.constant 0 : i32
        %cond3A_138 = arith.cmpi ne, %convert_element_type3A_136, %cond3A_137 : i32
        scf.if %cond3A_138 {
        } else {
        }
        %convert_element_type3A_139 = arith.extui %eq3A_108 : i1 to i32
        %cond3A_140 = arith.constant 0 : i32
        %cond3A_141 = arith.cmpi ne, %convert_element_type3A_139, %cond3A_140 : i32
        scf.if %cond3A_141 {
          "tpu.trace_start"() <{level = 10 : i32, message = "ep_finalize"}> : () -> ()
          %rem3A_142 = arith.constant 2 : i32
          %rem3A_143 = arith.remui %while3A_90#3, %rem3A_142 : i32
          %mul3A_144 = arith.constant 128 : i32
          %mul3A_145 = arith.muli %mul3A_144, %add3A_109 : i32
          %dma_wait3A = arith.constant 0 : i32
          %dma_wait3A_146 = arith.constant 0 : i32
          %dma_wait3A_147 = tpu.memref_slice %run_scoped3A_18[%rem3A_143, %dma_wait3A, %dma_wait3A_146] : memref<2x128x128xf32, #tpu.memory_space<vmem>> -> memref<1x128x128xf32, #tpu.memory_space<vmem>>
          %dma_wait3A_148 = tpu.memref_squeeze %dma_wait3A_147 : memref<1x128x128xf32, #tpu.memory_space<vmem>> -> memref<128x128xf32, #tpu.memory_space<vmem>>
          %dma_wait3A_149 = arith.constant 0 : i32
          %dma_wait3A_150 = tpu.memref_slice %arg4[%mul3A_145, %dma_wait3A_149] : memref<160000x128xf32, #tpu.memory_space<hbm>> -> memref<128x128xf32, #tpu.memory_space<hbm>>
          %dma_wait3A_151 = tpu.memref_slice %run_scoped3A_19[%rem3A_143] : memref<2x!tpu.dma_semaphore, #tpu.memory_space<semaphore_mem>> -> memref<1x!tpu.dma_semaphore, #tpu.memory_space<semaphore_mem>>
          %dma_wait3A_152 = tpu.memref_squeeze %dma_wait3A_151 : memref<1x!tpu.dma_semaphore, #tpu.memory_space<semaphore_mem>> -> memref<!tpu.dma_semaphore, #tpu.memory_space<semaphore_mem>>
          %dma_wait3A_153 = arith.constant 0 : i32
          %dma_wait3A_154 = tpu.memref_slice %arg4[%mul3A_145, %dma_wait3A_153] : memref<160000x128xf32, #tpu.memory_space<hbm>> -> memref<128x128xf32, #tpu.memory_space<hbm>>
          %dma_wait3A_155 = arith.constant 0 : i32
          %dma_wait3A_156 = arith.constant 0 : i32
          %dma_wait3A_157 = tpu.memref_slice %run_scoped3A_18[%rem3A_143, %dma_wait3A_155, %dma_wait3A_156] : memref<2x128x128xf32, #tpu.memory_space<vmem>> -> memref<1x128x128xf32, #tpu.memory_space<vmem>>
          %dma_wait3A_158 = tpu.memref_squeeze %dma_wait3A_157 : memref<1x128x128xf32, #tpu.memory_space<vmem>> -> memref<128x128xf32, #tpu.memory_space<vmem>>
          tpu.wait_dma2 semaphore(%dma_wait3A_152 : memref<!tpu.dma_semaphore, #tpu.memory_space<semaphore_mem>>) src(%dma_wait3A_158 : memref<128x128xf32, #tpu.memory_space<vmem>>) dst(%dma_wait3A_154 : memref<128x128xf32, #tpu.memory_space<hbm>>)
          "tpu.trace_stop"() : () -> ()
        } else {
        }
      } else {
      }
      tpu.yield
    }) : () -> ()
    return
  }
}

#map = affine_map<(d0, d1) -> (0, 0)>
#map1 = affine_map<(d0, d1) -> (0, 0, 0)>
module attributes {stable_mosaic.version = 14 : i64} {
  func.func @k(%arg0: i32, %arg1: i32, %arg2: memref<41600x128xf32, #tpu.memory_space<hbm>>, %arg3: memref<1x41600xi32, #tpu.memory_space<hbm>>, %arg4: memref<10112x128xf32, #tpu.memory_space<hbm>>, %arg5: memref<2x10112x128xf32, #tpu.memory_space<hbm>>, %arg6: memref<10112x128xf32, #tpu.memory_space<vmem_shared>>) attributes {dimension_semantics = [#tpu.dimension_semantics<core_parallel>, #tpu.dimension_semantics<subcore_parallel>], iteration_bounds = array<i64: 2, 16>, scalar_prefetch = 0 : i64, scratch_operands = 1 : i64, tpu.core_type = #tpu.core_type<sc_vector_subcore>, window_params = [{transform_indices = #map}, {transform_indices = #map}, {transform_indices = #map}, {transform_indices = #map1}]} {
    %mul3A = arith.constant 632 : i32
    %mul3A_0 = arith.muli %arg1, %mul3A : i32
    %mul3A_1 = arith.constant 632 : i32
    %mul3A_2 = arith.muli %arg1, %mul3A_1 : i32
    "tpu.region"() ({
      %run_scoped3A = tpu.sem_alloc : memref<!tpu.dma_semaphore, #tpu.memory_space<semaphore_mem>>
      %dma_start3A = arith.constant 0 : i32
      %dma_start3A_26 = tpu.memref_slice %arg6[%mul3A_2, %dma_start3A] : memref<10112x128xf32, #tpu.memory_space<vmem_shared>> -> memref<632x128xf32, #tpu.memory_space<vmem_shared>>
      %dma_start3A_27 = arith.constant 0 : i32
      %dma_start3A_28 = tpu.memref_slice %arg4[%mul3A_0, %dma_start3A_27] : memref<10112x128xf32, #tpu.memory_space<hbm>> -> memref<632x128xf32, #tpu.memory_space<hbm>>
      tpu.enqueue_dma source(%dma_start3A_28 : memref<632x128xf32, #tpu.memory_space<hbm>>) target(%dma_start3A_26 : memref<632x128xf32, #tpu.memory_space<vmem_shared>>) target_semaphore(%run_scoped3A : memref<!tpu.dma_semaphore, #tpu.memory_space<semaphore_mem>>)
      %dma_wait3A = arith.constant 0 : i32
      %dma_wait3A_29 = tpu.memref_slice %arg6[%mul3A_2, %dma_wait3A] : memref<10112x128xf32, #tpu.memory_space<vmem_shared>> -> memref<632x128xf32, #tpu.memory_space<vmem_shared>>
      %dma_wait3A_30 = arith.constant 0 : i32
      %dma_wait3A_31 = tpu.memref_slice %arg4[%mul3A_0, %dma_wait3A_30] : memref<10112x128xf32, #tpu.memory_space<hbm>> -> memref<632x128xf32, #tpu.memory_space<hbm>>
      tpu.wait_dma2 semaphore(%run_scoped3A : memref<!tpu.dma_semaphore, #tpu.memory_space<semaphore_mem>>) src(%dma_wait3A_31 : memref<632x128xf32, #tpu.memory_space<hbm>>) dst(%dma_wait3A_29 : memref<632x128xf32, #tpu.memory_space<vmem_shared>>)
      tpu.yield
    }) : () -> ()
    %barrier3A = arith.constant 0 : index
    tpu.barrier barrier_id(%barrier3A)
    %mul3A_3 = arith.constant 1 : i32
    %mul3A_4 = arith.muli %arg1, %mul3A_3 : i32
    %add3A = arith.constant 0 : i32
    %add3A_5 = arith.addi %add3A, %mul3A_4 : i32
    %mul3A_6 = arith.constant 16 : i32
    %mul3A_7 = arith.muli %arg0, %mul3A_6 : i32
    %add3A_8 = arith.addi %add3A_5, %mul3A_7 : i32
    %lt3A = arith.constant 5 : i32
    %lt3A_9 = arith.cmpi slt, %add3A_8, %lt3A : i32
    %jit3A = arith.constant 11 : i32
    %jit3A_10 = arith.constant 10 : i32
    %select_n3A = arith.select %lt3A_9, %jit3A, %jit3A_10 : i32
    %lt3A_11 = arith.constant 5 : i32
    %lt3A_12 = arith.cmpi slt, %add3A_8, %lt3A_11 : i32
    %mul3A_13 = arith.muli %add3A_8, %select_n3A : i32
    %mul3A_14 = arith.constant 10 : i32
    %mul3A_15 = arith.muli %add3A_8, %mul3A_14 : i32
    %add3A_16 = arith.constant 5 : i32
    %add3A_17 = arith.addi %mul3A_15, %add3A_16 : i32
    %select_n3A_18 = arith.select %lt3A_12, %mul3A_13, %add3A_17 : i32
    %mul3A_19 = arith.constant 1 : i32
    %mul3A_20 = arith.muli %mul3A_19, %select_n3A : i32
    "tpu.region"() ({
      %run_scoped3A = memref.alloca() : memref<2x128x128xf32, #tpu.memory_space<vmem>>
      %run_scoped3A_26 = tpu.sem_alloc : memref<2x!tpu.dma_semaphore, #tpu.memory_space<semaphore_mem>>
      %run_scoped3A_27 = memref.alloca() : memref<2x1x128xi32, #tpu.memory_space<vmem>>
      %run_scoped3A_28 = tpu.sem_alloc : memref<2x!tpu.dma_semaphore, #tpu.memory_space<semaphore_mem>>
      %gt3A = arith.constant 0 : i32
      %gt3A_29 = arith.cmpi sgt, %mul3A_20, %gt3A : i32
      %convert_element_type3A = arith.extui %gt3A_29 : i1 to i32
      %cond3A = arith.constant 0 : i32
      %cond3A_30 = arith.cmpi ne, %convert_element_type3A, %cond3A : i32
      scf.if %cond3A_30 {
        %mul3A_31 = arith.constant 1 : i32
        %mul3A_32 = arith.muli %mul3A_31, %select_n3A : i32
        %sub3A = arith.constant 1 : i32
        %sub3A_33 = arith.subi %mul3A_32, %sub3A : i32
        %eq3A = arith.constant 0 : i32
        %eq3A_34 = arith.cmpi eq, %sub3A_33, %eq3A : i32
        %add3A_35 = arith.constant 0 : i32
        %add3A_36 = arith.addi %add3A_35, %select_n3A_18 : i32
        %select_n3A_37 = arith.constant true
        %select_n3A_38 = arith.constant 0 : i32
        %select_n3A_39 = arith.constant -1 : i32
        %select_n3A_40 = arith.select %select_n3A_37, %select_n3A_39, %select_n3A_38 : i32
        %eq3A_41 = arith.constant -1 : i32
        %eq3A_42 = arith.cmpi eq, %select_n3A_40, %eq3A_41 : i32
        %sub3A_43 = arith.constant 1 : i32
        %sub3A_44 = arith.subi %select_n3A, %sub3A_43 : i32
        %select_n3A_45 = arith.select %eq3A_42, %sub3A_44, %select_n3A_40 : i32
        %add3A_46 = arith.addi %select_n3A_45, %select_n3A_18 : i32
        %select_n3A_47 = arith.constant true
        %select_n3A_48 = arith.constant 0 : i32
        %select_n3A_49 = arith.constant 1 : i32
        %select_n3A_50 = arith.select %select_n3A_47, %select_n3A_49, %select_n3A_48 : i32
        %eq3A_51 = arith.cmpi eq, %select_n3A_50, %select_n3A : i32
        %select_n3A_52 = arith.constant 0 : i32
        %select_n3A_53 = arith.select %eq3A_51, %select_n3A_52, %select_n3A_50 : i32
        %add3A_54 = arith.addi %select_n3A_53, %select_n3A_18 : i32
        %add3A_55 = arith.constant 1 : i32
        %add3A_56 = arith.addi %select_n3A_53, %add3A_55 : i32
        %select_n3A_57 = arith.constant true
        %select_n3A_58 = arith.select %select_n3A_57, %add3A_56, %select_n3A_53 : i32
        %eq3A_59 = arith.cmpi eq, %select_n3A_58, %select_n3A : i32
        %select_n3A_60 = arith.constant 0 : i32
        %select_n3A_61 = arith.select %eq3A_59, %select_n3A_60, %select_n3A_58 : i32
        %add3A_62 = arith.addi %select_n3A_61, %select_n3A_18 : i32
        "tpu.trace_start"() <{level = 10 : i32, message = "ep_initialize_0"}> : () -> ()
        %rem3A = arith.constant 0 : i32
        %rem3A_63 = arith.constant 2 : i32
        %rem3A_64 = arith.remui %rem3A, %rem3A_63 : i32
        %mul3A_65 = arith.constant 128 : i32
        %mul3A_66 = arith.muli %mul3A_65, %add3A_36 : i32
        %dma_start3A = arith.constant 0 : i32
        %dma_start3A_67 = arith.constant 0 : i32
        %dma_start3A_68 = tpu.memref_slice %run_scoped3A[%rem3A_64, %dma_start3A, %dma_start3A_67] : memref<2x128x128xf32, #tpu.memory_space<vmem>> -> memref<1x128x128xf32, #tpu.memory_space<vmem>>
        %dma_start3A_69 = tpu.memref_squeeze %dma_start3A_68 : memref<1x128x128xf32, #tpu.memory_space<vmem>> -> memref<128x128xf32, #tpu.memory_space<vmem>>
        %dma_start3A_70 = arith.constant 0 : i32
        %dma_start3A_71 = tpu.memref_slice %arg2[%mul3A_66, %dma_start3A_70] : memref<41600x128xf32, #tpu.memory_space<hbm>> -> memref<128x128xf32, #tpu.memory_space<hbm>>
        %dma_start3A_72 = tpu.memref_slice %run_scoped3A_26[%rem3A_64] : memref<2x!tpu.dma_semaphore, #tpu.memory_space<semaphore_mem>> -> memref<1x!tpu.dma_semaphore, #tpu.memory_space<semaphore_mem>>
        %dma_start3A_73 = tpu.memref_squeeze %dma_start3A_72 : memref<1x!tpu.dma_semaphore, #tpu.memory_space<semaphore_mem>> -> memref<!tpu.dma_semaphore, #tpu.memory_space<semaphore_mem>>
        %dma_start3A_74 = arith.constant 0 : i32
        %dma_start3A_75 = arith.constant 0 : i32
        %dma_start3A_76 = tpu.memref_slice %run_scoped3A[%rem3A_64, %dma_start3A_74, %dma_start3A_75] : memref<2x128x128xf32, #tpu.memory_space<vmem>> -> memref<1x128x128xf32, #tpu.memory_space<vmem>>
        %dma_start3A_77 = tpu.memref_squeeze %dma_start3A_76 : memref<1x128x128xf32, #tpu.memory_space<vmem>> -> memref<128x128xf32, #tpu.memory_space<vmem>>
        %dma_start3A_78 = arith.constant 0 : i32
        %dma_start3A_79 = tpu.memref_slice %arg2[%mul3A_66, %dma_start3A_78] : memref<41600x128xf32, #tpu.memory_space<hbm>> -> memref<128x128xf32, #tpu.memory_space<hbm>>
        tpu.enqueue_dma source(%dma_start3A_79 : memref<128x128xf32, #tpu.memory_space<hbm>>) target(%dma_start3A_77 : memref<128x128xf32, #tpu.memory_space<vmem>>) target_semaphore(%dma_start3A_73 : memref<!tpu.dma_semaphore, #tpu.memory_space<semaphore_mem>>)
        %add3A_80 = arith.constant 0 : i32
        %add3A_81 = arith.constant 1 : i32
        %add3A_82 = arith.addi %add3A_80, %add3A_81 : i32
        %select_n3A_83 = arith.constant true
        %select_n3A_84 = arith.constant 0 : i32
        %select_n3A_85 = arith.select %select_n3A_83, %add3A_82, %select_n3A_84 : i32
        %rem3A_86 = arith.constant 0 : i32
        %rem3A_87 = arith.constant 2 : i32
        %rem3A_88 = arith.remui %rem3A_86, %rem3A_87 : i32
        %mul3A_89 = arith.constant 128 : i32
        %mul3A_90 = arith.muli %mul3A_89, %add3A_36 : i32
        %dma_start3A_91 = arith.constant 0 : i32
        %dma_start3A_92 = arith.constant 0 : i32
        %dma_start3A_93 = tpu.memref_slice %run_scoped3A_27[%rem3A_88, %dma_start3A_91, %dma_start3A_92] : memref<2x1x128xi32, #tpu.memory_space<vmem>> -> memref<1x1x128xi32, #tpu.memory_space<vmem>>
        %dma_start3A_94 = tpu.memref_squeeze %dma_start3A_93 : memref<1x1x128xi32, #tpu.memory_space<vmem>> -> memref<1x128xi32, #tpu.memory_space<vmem>>
        %dma_start3A_95 = arith.constant 0 : i32
        %dma_start3A_96 = tpu.memref_slice %arg3[%dma_start3A_95, %mul3A_90] : memref<1x41600xi32, #tpu.memory_space<hbm>> -> memref<1x128xi32, #tpu.memory_space<hbm>>
        %dma_start3A_97 = tpu.memref_slice %run_scoped3A_28[%rem3A_88] : memref<2x!tpu.dma_semaphore, #tpu.memory_space<semaphore_mem>> -> memref<1x!tpu.dma_semaphore, #tpu.memory_space<semaphore_mem>>
        %dma_start3A_98 = tpu.memref_squeeze %dma_start3A_97 : memref<1x!tpu.dma_semaphore, #tpu.memory_space<semaphore_mem>> -> memref<!tpu.dma_semaphore, #tpu.memory_space<semaphore_mem>>
        %dma_start3A_99 = arith.constant 0 : i32
        %dma_start3A_100 = arith.constant 0 : i32
        %dma_start3A_101 = tpu.memref_slice %run_scoped3A_27[%rem3A_88, %dma_start3A_99, %dma_start3A_100] : memref<2x1x128xi32, #tpu.memory_space<vmem>> -> memref<1x1x128xi32, #tpu.memory_space<vmem>>
        %dma_start3A_102 = tpu.memref_squeeze %dma_start3A_101 : memref<1x1x128xi32, #tpu.memory_space<vmem>> -> memref<1x128xi32, #tpu.memory_space<vmem>>
        %dma_start3A_103 = arith.constant 0 : i32
        %dma_start3A_104 = tpu.memref_slice %arg3[%dma_start3A_103, %mul3A_90] : memref<1x41600xi32, #tpu.memory_space<hbm>> -> memref<1x128xi32, #tpu.memory_space<hbm>>
        tpu.enqueue_dma source(%dma_start3A_104 : memref<1x128xi32, #tpu.memory_space<hbm>>) target(%dma_start3A_102 : memref<1x128xi32, #tpu.memory_space<vmem>>) target_semaphore(%dma_start3A_98 : memref<!tpu.dma_semaphore, #tpu.memory_space<semaphore_mem>>)
        %add3A_105 = arith.constant 0 : i32
        %add3A_106 = arith.constant 1 : i32
        %add3A_107 = arith.addi %add3A_105, %add3A_106 : i32
        %select_n3A_108 = arith.constant true
        %select_n3A_109 = arith.constant 0 : i32
        %select_n3A_110 = arith.select %select_n3A_108, %add3A_107, %select_n3A_109 : i32
        %while3A = arith.constant 0 : i32
        %while3A_111 = arith.constant 0 : i32
        %while3A_112 = arith.constant 0 : i32
        %while3A_113 = arith.constant 0 : i32
        "tpu.trace_stop"() : () -> ()
        %while3A_114 = arith.subi %mul3A_20, %while3A : i32
        %while3A_115 = arith.addi %while3A, %while3A_114 : i32
        %while3A_116 = arith.constant 1 : i32
        %while3A_117 = arith.divsi %while3A_114, %while3A_116 : i32
        %while3A_118 = arith.muli %while3A_117, %while3A_116 : i32
        %while3A_119 = arith.addi %while3A, %while3A_118 : i32
        %while3A_120 = arith.constant 1 : i32
        %while3A_121:5 = scf.for %while3A_175 = %while3A to %while3A_119 step %while3A_120 iter_args(%while3A_176 = %select_n3A_85, %while3A_177 = %while3A_111, %while3A_178 = %select_n3A_110, %while3A_179 = %while3A_112, %while3A_180 = %while3A_113) -> (i32, i32, i32, i32, i32)  : i32 {
          %mul3A_181 = arith.constant 1 : i32
          %mul3A_182 = arith.muli %mul3A_181, %select_n3A : i32
          %eq3A_183 = arith.constant 0 : i32
          %eq3A_184 = arith.cmpi eq, %while3A_175, %eq3A_183 : i32
          %sub3A_185 = arith.constant 1 : i32
          %sub3A_186 = arith.subi %mul3A_182, %sub3A_185 : i32
          %eq3A_187 = arith.cmpi eq, %while3A_175, %sub3A_186 : i32
          %add3A_188 = arith.addi %while3A_180, %select_n3A_18 : i32
          %sub3A_189 = arith.constant 1 : i32
          %sub3A_190 = arith.subi %while3A_180, %sub3A_189 : i32
          %select_n3A_191 = arith.constant true
          %select_n3A_192 = arith.select %select_n3A_191, %sub3A_190, %while3A_180 : i32
          %eq3A_193 = arith.constant -1 : i32
          %eq3A_194 = arith.cmpi eq, %select_n3A_192, %eq3A_193 : i32
          %sub3A_195 = arith.constant 1 : i32
          %sub3A_196 = arith.subi %select_n3A, %sub3A_195 : i32
          %select_n3A_197 = arith.select %eq3A_194, %sub3A_196, %select_n3A_192 : i32
          %add3A_198 = arith.addi %select_n3A_197, %select_n3A_18 : i32
          %add3A_199 = arith.constant 1 : i32
          %add3A_200 = arith.addi %while3A_180, %add3A_199 : i32
          %select_n3A_201 = arith.constant true
          %select_n3A_202 = arith.select %select_n3A_201, %add3A_200, %while3A_180 : i32
          %eq3A_203 = arith.cmpi eq, %select_n3A_202, %select_n3A : i32
          %select_n3A_204 = arith.constant 0 : i32
          %select_n3A_205 = arith.select %eq3A_203, %select_n3A_204, %select_n3A_202 : i32
          %add3A_206 = arith.addi %select_n3A_205, %select_n3A_18 : i32
          %add3A_207 = arith.constant 1 : i32
          %add3A_208 = arith.addi %select_n3A_205, %add3A_207 : i32
          %select_n3A_209 = arith.constant true
          %select_n3A_210 = arith.select %select_n3A_209, %add3A_208, %select_n3A_205 : i32
          %eq3A_211 = arith.cmpi eq, %select_n3A_210, %select_n3A : i32
          %select_n3A_212 = arith.constant 0 : i32
          %select_n3A_213 = arith.select %eq3A_211, %select_n3A_212, %select_n3A_210 : i32
          %add3A_214 = arith.addi %select_n3A_213, %select_n3A_18 : i32
          %ne3A = arith.cmpi ne, %add3A_188, %add3A_206 : i32
          %or3A = arith.constant false
          %or3A_215 = arith.ori %or3A, %ne3A : i1
          %or3A_216 = arith.constant false
          %or3A_217 = arith.ori %or3A_215, %or3A_216 : i1
          %sub3A_218 = arith.constant 2 : i32
          %sub3A_219 = arith.subi %mul3A_182, %sub3A_218 : i32
          %add3A_220 = arith.constant 1 : i32
          %add3A_221 = arith.addi %sub3A_219, %add3A_220 : i32
          %ge3A = arith.cmpi sge, %while3A_175, %add3A_221 : i32
          %not3A = arith.constant true
          %not3A_222 = arith.xori %ge3A, %not3A : i1
          %and3A = arith.andi %or3A_217, %not3A_222 : i1
          %convert_element_type3A_223 = arith.extui %and3A : i1 to i32
          %cond3A_224 = arith.constant 0 : i32
          %cond3A_225 = arith.cmpi ne, %convert_element_type3A_223, %cond3A_224 : i32
          scf.if %cond3A_225 {
            "tpu.trace_start"() <{level = 10 : i32, message = "ep_copy_in"}> : () -> ()
            %rem3A_338 = arith.constant 2 : i32
            %rem3A_339 = arith.remui %while3A_176, %rem3A_338 : i32
            %mul3A_340 = arith.constant 128 : i32
            %mul3A_341 = arith.muli %mul3A_340, %add3A_206 : i32
            %dma_start3A_342 = arith.constant 0 : i32
            %dma_start3A_343 = arith.constant 0 : i32
            %dma_start3A_344 = tpu.memref_slice %run_scoped3A[%rem3A_339, %dma_start3A_342, %dma_start3A_343] : memref<2x128x128xf32, #tpu.memory_space<vmem>> -> memref<1x128x128xf32, #tpu.memory_space<vmem>>
            %dma_start3A_345 = tpu.memref_squeeze %dma_start3A_344 : memref<1x128x128xf32, #tpu.memory_space<vmem>> -> memref<128x128xf32, #tpu.memory_space<vmem>>
            %dma_start3A_346 = arith.constant 0 : i32
            %dma_start3A_347 = tpu.memref_slice %arg2[%mul3A_341, %dma_start3A_346] : memref<41600x128xf32, #tpu.memory_space<hbm>> -> memref<128x128xf32, #tpu.memory_space<hbm>>
            %dma_start3A_348 = tpu.memref_slice %run_scoped3A_26[%rem3A_339] : memref<2x!tpu.dma_semaphore, #tpu.memory_space<semaphore_mem>> -> memref<1x!tpu.dma_semaphore, #tpu.memory_space<semaphore_mem>>
            %dma_start3A_349 = tpu.memref_squeeze %dma_start3A_348 : memref<1x!tpu.dma_semaphore, #tpu.memory_space<semaphore_mem>> -> memref<!tpu.dma_semaphore, #tpu.memory_space<semaphore_mem>>
            %dma_start3A_350 = arith.constant 0 : i32
            %dma_start3A_351 = arith.constant 0 : i32
            %dma_start3A_352 = tpu.memref_slice %run_scoped3A[%rem3A_339, %dma_start3A_350, %dma_start3A_351] : memref<2x128x128xf32, #tpu.memory_space<vmem>> -> memref<1x128x128xf32, #tpu.memory_space<vmem>>
            %dma_start3A_353 = tpu.memref_squeeze %dma_start3A_352 : memref<1x128x128xf32, #tpu.memory_space<vmem>> -> memref<128x128xf32, #tpu.memory_space<vmem>>
            %dma_start3A_354 = arith.constant 0 : i32
            %dma_start3A_355 = tpu.memref_slice %arg2[%mul3A_341, %dma_start3A_354] : memref<41600x128xf32, #tpu.memory_space<hbm>> -> memref<128x128xf32, #tpu.memory_space<hbm>>
            tpu.enqueue_dma source(%dma_start3A_355 : memref<128x128xf32, #tpu.memory_space<hbm>>) target(%dma_start3A_353 : memref<128x128xf32, #tpu.memory_space<vmem>>) target_semaphore(%dma_start3A_349 : memref<!tpu.dma_semaphore, #tpu.memory_space<semaphore_mem>>)
            "tpu.trace_stop"() : () -> ()
          } else {
          }
          %and3A_226 = arith.constant true
          %and3A_227 = arith.andi %and3A, %and3A_226 : i1
          %add3A_228 = arith.constant 1 : i32
          %add3A_229 = arith.addi %while3A_176, %add3A_228 : i32
          %select_n3A_230 = arith.select %and3A_227, %add3A_229, %while3A_176 : i32
          %ne3A_231 = arith.cmpi ne, %add3A_188, %add3A_206 : i32
          %or3A_232 = arith.constant false
          %or3A_233 = arith.ori %or3A_232, %ne3A_231 : i1
          %sub3A_234 = arith.constant 2 : i32
          %sub3A_235 = arith.subi %mul3A_182, %sub3A_234 : i32
          %add3A_236 = arith.constant 1 : i32
          %add3A_237 = arith.addi %sub3A_235, %add3A_236 : i32
          %ge3A_238 = arith.cmpi sge, %while3A_175, %add3A_237 : i32
          %not3A_239 = arith.constant true
          %not3A_240 = arith.xori %ge3A_238, %not3A_239 : i1
          %and3A_241 = arith.andi %or3A_233, %not3A_240 : i1
          %convert_element_type3A_242 = arith.extui %and3A_241 : i1 to i32
          %cond3A_243 = arith.constant 0 : i32
          %cond3A_244 = arith.cmpi ne, %convert_element_type3A_242, %cond3A_243 : i32
          scf.if %cond3A_244 {
            "tpu.trace_start"() <{level = 10 : i32, message = "ep_copy_in"}> : () -> ()
            %rem3A_338 = arith.constant 2 : i32
            %rem3A_339 = arith.remui %while3A_178, %rem3A_338 : i32
            %mul3A_340 = arith.constant 128 : i32
            %mul3A_341 = arith.muli %mul3A_340, %add3A_206 : i32
            %dma_start3A_342 = arith.constant 0 : i32
            %dma_start3A_343 = arith.constant 0 : i32
            %dma_start3A_344 = tpu.memref_slice %run_scoped3A_27[%rem3A_339, %dma_start3A_342, %dma_start3A_343] : memref<2x1x128xi32, #tpu.memory_space<vmem>> -> memref<1x1x128xi32, #tpu.memory_space<vmem>>
            %dma_start3A_345 = tpu.memref_squeeze %dma_start3A_344 : memref<1x1x128xi32, #tpu.memory_space<vmem>> -> memref<1x128xi32, #tpu.memory_space<vmem>>
            %dma_start3A_346 = arith.constant 0 : i32
            %dma_start3A_347 = tpu.memref_slice %arg3[%dma_start3A_346, %mul3A_341] : memref<1x41600xi32, #tpu.memory_space<hbm>> -> memref<1x128xi32, #tpu.memory_space<hbm>>
            %dma_start3A_348 = tpu.memref_slice %run_scoped3A_28[%rem3A_339] : memref<2x!tpu.dma_semaphore, #tpu.memory_space<semaphore_mem>> -> memref<1x!tpu.dma_semaphore, #tpu.memory_space<semaphore_mem>>
            %dma_start3A_349 = tpu.memref_squeeze %dma_start3A_348 : memref<1x!tpu.dma_semaphore, #tpu.memory_space<semaphore_mem>> -> memref<!tpu.dma_semaphore, #tpu.memory_space<semaphore_mem>>
            %dma_start3A_350 = arith.constant 0 : i32
            %dma_start3A_351 = arith.constant 0 : i32
            %dma_start3A_352 = tpu.memref_slice %run_scoped3A_27[%rem3A_339, %dma_start3A_350, %dma_start3A_351] : memref<2x1x128xi32, #tpu.memory_space<vmem>> -> memref<1x1x128xi32, #tpu.memory_space<vmem>>
            %dma_start3A_353 = tpu.memref_squeeze %dma_start3A_352 : memref<1x1x128xi32, #tpu.memory_space<vmem>> -> memref<1x128xi32, #tpu.memory_space<vmem>>
            %dma_start3A_354 = arith.constant 0 : i32
            %dma_start3A_355 = tpu.memref_slice %arg3[%dma_start3A_354, %mul3A_341] : memref<1x41600xi32, #tpu.memory_space<hbm>> -> memref<1x128xi32, #tpu.memory_space<hbm>>
            tpu.enqueue_dma source(%dma_start3A_355 : memref<1x128xi32, #tpu.memory_space<hbm>>) target(%dma_start3A_353 : memref<1x128xi32, #tpu.memory_space<vmem>>) target_semaphore(%dma_start3A_349 : memref<!tpu.dma_semaphore, #tpu.memory_space<semaphore_mem>>)
            "tpu.trace_stop"() : () -> ()
          } else {
          }
          %and3A_245 = arith.constant true
          %and3A_246 = arith.andi %and3A_241, %and3A_245 : i1
          %add3A_247 = arith.constant 1 : i32
          %add3A_248 = arith.addi %while3A_178, %add3A_247 : i32
          %select_n3A_249 = arith.select %and3A_246, %add3A_248, %while3A_178 : i32
          %ne3A_250 = arith.cmpi ne, %add3A_188, %add3A_198 : i32
          %or3A_251 = arith.constant false
          %or3A_252 = arith.ori %or3A_251, %ne3A_250 : i1
          %or3A_253 = arith.constant false
          %or3A_254 = arith.ori %or3A_252, %or3A_253 : i1
          %or3A_255 = arith.ori %or3A_254, %eq3A_184 : i1
          %convert_element_type3A_256 = arith.extui %or3A_255 : i1 to i32
          %cond3A_257 = arith.constant 0 : i32
          %cond3A_258 = arith.cmpi ne, %convert_element_type3A_256, %cond3A_257 : i32
          scf.if %cond3A_258 {
            "tpu.trace_start"() <{level = 10 : i32, message = "ep_wait_in"}> : () -> ()
            %mul3A_338 = arith.constant 128 : i32
            %mul3A_339 = arith.muli %mul3A_338, %add3A_188 : i32
            %rem3A_340 = arith.constant 2 : i32
            %rem3A_341 = arith.remui %while3A_177, %rem3A_340 : i32
            %dma_wait3A = arith.constant 0 : i32
            %dma_wait3A_342 = arith.constant 0 : i32
            %dma_wait3A_343 = tpu.memref_slice %run_scoped3A[%rem3A_341, %dma_wait3A, %dma_wait3A_342] : memref<2x128x128xf32, #tpu.memory_space<vmem>> -> memref<1x128x128xf32, #tpu.memory_space<vmem>>
            %dma_wait3A_344 = tpu.memref_squeeze %dma_wait3A_343 : memref<1x128x128xf32, #tpu.memory_space<vmem>> -> memref<128x128xf32, #tpu.memory_space<vmem>>
            %dma_wait3A_345 = arith.constant 0 : i32
            %dma_wait3A_346 = tpu.memref_slice %arg2[%mul3A_339, %dma_wait3A_345] : memref<41600x128xf32, #tpu.memory_space<hbm>> -> memref<128x128xf32, #tpu.memory_space<hbm>>
            %dma_wait3A_347 = tpu.memref_slice %run_scoped3A_26[%rem3A_341] : memref<2x!tpu.dma_semaphore, #tpu.memory_space<semaphore_mem>> -> memref<1x!tpu.dma_semaphore, #tpu.memory_space<semaphore_mem>>
            %dma_wait3A_348 = tpu.memref_squeeze %dma_wait3A_347 : memref<1x!tpu.dma_semaphore, #tpu.memory_space<semaphore_mem>> -> memref<!tpu.dma_semaphore, #tpu.memory_space<semaphore_mem>>
            %dma_wait3A_349 = arith.constant 0 : i32
            %dma_wait3A_350 = arith.constant 0 : i32
            %dma_wait3A_351 = tpu.memref_slice %run_scoped3A[%rem3A_341, %dma_wait3A_349, %dma_wait3A_350] : memref<2x128x128xf32, #tpu.memory_space<vmem>> -> memref<1x128x128xf32, #tpu.memory_space<vmem>>
            %dma_wait3A_352 = tpu.memref_squeeze %dma_wait3A_351 : memref<1x128x128xf32, #tpu.memory_space<vmem>> -> memref<128x128xf32, #tpu.memory_space<vmem>>
            %dma_wait3A_353 = arith.constant 0 : i32
            %dma_wait3A_354 = tpu.memref_slice %arg2[%mul3A_339, %dma_wait3A_353] : memref<41600x128xf32, #tpu.memory_space<hbm>> -> memref<128x128xf32, #tpu.memory_space<hbm>>
            tpu.wait_dma2 semaphore(%dma_wait3A_348 : memref<!tpu.dma_semaphore, #tpu.memory_space<semaphore_mem>>) src(%dma_wait3A_354 : memref<128x128xf32, #tpu.memory_space<hbm>>) dst(%dma_wait3A_352 : memref<128x128xf32, #tpu.memory_space<vmem>>)
            "tpu.trace_stop"() : () -> ()
          } else {
          }
          %ne3A_259 = arith.cmpi ne, %add3A_188, %add3A_198 : i32
          %or3A_260 = arith.constant false
          %or3A_261 = arith.ori %or3A_260, %ne3A_259 : i1
          %or3A_262 = arith.ori %or3A_261, %eq3A_184 : i1
          %convert_element_type3A_263 = arith.extui %or3A_262 : i1 to i32
          %cond3A_264 = arith.constant 0 : i32
          %cond3A_265 = arith.cmpi ne, %convert_element_type3A_263, %cond3A_264 : i32
          scf.if %cond3A_265 {
            "tpu.trace_start"() <{level = 10 : i32, message = "ep_wait_in"}> : () -> ()
            %mul3A_338 = arith.constant 128 : i32
            %mul3A_339 = arith.muli %mul3A_338, %add3A_188 : i32
            %rem3A_340 = arith.constant 2 : i32
            %rem3A_341 = arith.remui %while3A_179, %rem3A_340 : i32
            %dma_wait3A = arith.constant 0 : i32
            %dma_wait3A_342 = arith.constant 0 : i32
            %dma_wait3A_343 = tpu.memref_slice %run_scoped3A_27[%rem3A_341, %dma_wait3A, %dma_wait3A_342] : memref<2x1x128xi32, #tpu.memory_space<vmem>> -> memref<1x1x128xi32, #tpu.memory_space<vmem>>
            %dma_wait3A_344 = tpu.memref_squeeze %dma_wait3A_343 : memref<1x1x128xi32, #tpu.memory_space<vmem>> -> memref<1x128xi32, #tpu.memory_space<vmem>>
            %dma_wait3A_345 = arith.constant 0 : i32
            %dma_wait3A_346 = tpu.memref_slice %arg3[%dma_wait3A_345, %mul3A_339] : memref<1x41600xi32, #tpu.memory_space<hbm>> -> memref<1x128xi32, #tpu.memory_space<hbm>>
            %dma_wait3A_347 = tpu.memref_slice %run_scoped3A_28[%rem3A_341] : memref<2x!tpu.dma_semaphore, #tpu.memory_space<semaphore_mem>> -> memref<1x!tpu.dma_semaphore, #tpu.memory_space<semaphore_mem>>
            %dma_wait3A_348 = tpu.memref_squeeze %dma_wait3A_347 : memref<1x!tpu.dma_semaphore, #tpu.memory_space<semaphore_mem>> -> memref<!tpu.dma_semaphore, #tpu.memory_space<semaphore_mem>>
            %dma_wait3A_349 = arith.constant 0 : i32
            %dma_wait3A_350 = arith.constant 0 : i32
            %dma_wait3A_351 = tpu.memref_slice %run_scoped3A_27[%rem3A_341, %dma_wait3A_349, %dma_wait3A_350] : memref<2x1x128xi32, #tpu.memory_space<vmem>> -> memref<1x1x128xi32, #tpu.memory_space<vmem>>
            %dma_wait3A_352 = tpu.memref_squeeze %dma_wait3A_351 : memref<1x1x128xi32, #tpu.memory_space<vmem>> -> memref<1x128xi32, #tpu.memory_space<vmem>>
            %dma_wait3A_353 = arith.constant 0 : i32
            %dma_wait3A_354 = tpu.memref_slice %arg3[%dma_wait3A_353, %mul3A_339] : memref<1x41600xi32, #tpu.memory_space<hbm>> -> memref<1x128xi32, #tpu.memory_space<hbm>>
            tpu.wait_dma2 semaphore(%dma_wait3A_348 : memref<!tpu.dma_semaphore, #tpu.memory_space<semaphore_mem>>) src(%dma_wait3A_354 : memref<1x128xi32, #tpu.memory_space<hbm>>) dst(%dma_wait3A_352 : memref<1x128xi32, #tpu.memory_space<vmem>>)
            "tpu.trace_stop"() : () -> ()
          } else {
          }
          %rem3A_266 = arith.constant 2 : i32
          %rem3A_267 = arith.remui %while3A_177, %rem3A_266 : i32
          %rem3A_268 = arith.constant 2 : i32
          %rem3A_269 = arith.remui %while3A_179, %rem3A_268 : i32
          %run_scoped3A_270 = arith.constant 0 : i32
          "tpu.trace_start"() <{level = 10 : i32, message = "ep_run_kernel"}> : () -> ()
          "tpu.region"() ({
            %run_scoped3A_338 = tpu.sem_alloc : memref<!tpu.dma_semaphore, #tpu.memory_space<semaphore_mem>>
            %dma_start3A_339 = arith.constant 0 : i32
            %dma_start3A_340 = arith.constant 0 : i32
            %dma_start3A_341 = tpu.memref_slice %run_scoped3A[%rem3A_267, %dma_start3A_339, %dma_start3A_340] : memref<2x128x128xf32, #tpu.memory_space<vmem>> -> memref<1x128x128xf32, #tpu.memory_space<vmem>>
            %dma_start3A_342 = tpu.memref_squeeze %dma_start3A_341 : memref<1x128x128xf32, #tpu.memory_space<vmem>> -> memref<128x128xf32, #tpu.memory_space<vmem>>
            %dma_start3A_343 = arith.constant 0 : i32
            %dma_start3A_344 = arith.constant 0 : i32
            %dma_start3A_345 = tpu.memref_slice %run_scoped3A_27[%rem3A_269, %dma_start3A_343, %dma_start3A_344] : memref<2x1x128xi32, #tpu.memory_space<vmem>> -> memref<1x1x128xi32, #tpu.memory_space<vmem>>
            %dma_start3A_346 = tpu.memref_squeeze %dma_start3A_345 : memref<1x1x128xi32, #tpu.memory_space<vmem>> -> memref<1x128xi32, #tpu.memory_space<vmem>>
            %dma_start3A_347 = arith.constant 0 : i32
            %dma_start3A_348 = tpu.memref_slice %dma_start3A_346[%run_scoped3A_270, %dma_start3A_347] : memref<1x128xi32, #tpu.memory_space<vmem>> -> memref<1x128xi32, #tpu.memory_space<vmem>>
            %dma_start3A_349 = tpu.memref_squeeze %dma_start3A_348 : memref<1x128xi32, #tpu.memory_space<vmem>> -> memref<128xi32, #tpu.memory_space<vmem>>
            %dma_start3A_350 = arith.constant 0 : i32
            %dma_start3A_351 = arith.constant 0 : i32
            %dma_start3A_352 = tpu.memref_slice %arg6[%dma_start3A_350, %dma_start3A_351] : memref<10112x128xf32, #tpu.memory_space<vmem_shared>> -> memref<10112x128xf32, #tpu.memory_space<vmem_shared>>
            tpu.enqueue_indirect_dma source(%dma_start3A_342 : memref<128x128xf32, #tpu.memory_space<vmem>>) target(%dma_start3A_352 : memref<10112x128xf32, #tpu.memory_space<vmem_shared>>) offsets(%dma_start3A_349 : memref<128xi32, #tpu.memory_space<vmem>>) semaphore(%run_scoped3A_338 : memref<!tpu.dma_semaphore, #tpu.memory_space<semaphore_mem>>) {add = true}
            %dma_wait3A = arith.constant 0 : i32
            %dma_wait3A_353 = arith.constant 0 : i32
            %dma_wait3A_354 = tpu.memref_slice %run_scoped3A[%rem3A_267, %dma_wait3A, %dma_wait3A_353] : memref<2x128x128xf32, #tpu.memory_space<vmem>> -> memref<1x128x128xf32, #tpu.memory_space<vmem>>
            %dma_wait3A_355 = tpu.memref_squeeze %dma_wait3A_354 : memref<1x128x128xf32, #tpu.memory_space<vmem>> -> memref<128x128xf32, #tpu.memory_space<vmem>>
            %dma_wait3A_356 = arith.constant 0 : i32
            %dma_wait3A_357 = arith.constant 0 : i32
            %dma_wait3A_358 = tpu.memref_slice %run_scoped3A_27[%rem3A_269, %dma_wait3A_356, %dma_wait3A_357] : memref<2x1x128xi32, #tpu.memory_space<vmem>> -> memref<1x1x128xi32, #tpu.memory_space<vmem>>
            %dma_wait3A_359 = tpu.memref_squeeze %dma_wait3A_358 : memref<1x1x128xi32, #tpu.memory_space<vmem>> -> memref<1x128xi32, #tpu.memory_space<vmem>>
            %dma_wait3A_360 = arith.constant 0 : i32
            %dma_wait3A_361 = tpu.memref_slice %dma_wait3A_359[%run_scoped3A_270, %dma_wait3A_360] : memref<1x128xi32, #tpu.memory_space<vmem>> -> memref<1x128xi32, #tpu.memory_space<vmem>>
            %dma_wait3A_362 = tpu.memref_squeeze %dma_wait3A_361 : memref<1x128xi32, #tpu.memory_space<vmem>> -> memref<128xi32, #tpu.memory_space<vmem>>
            %dma_wait3A_363 = arith.constant 0 : i32
            %dma_wait3A_364 = arith.constant 0 : i32
            %dma_wait3A_365 = tpu.memref_slice %arg6[%dma_wait3A_363, %dma_wait3A_364] : memref<10112x128xf32, #tpu.memory_space<vmem_shared>> -> memref<10112x128xf32, #tpu.memory_space<vmem_shared>>
            tpu.wait_indirect_dma semaphore(%run_scoped3A_338 : memref<!tpu.dma_semaphore, #tpu.memory_space<semaphore_mem>>) src(%dma_wait3A_355 : memref<128x128xf32, #tpu.memory_space<vmem>>) dst(%dma_wait3A_365 : memref<10112x128xf32, #tpu.memory_space<vmem_shared>>)
            tpu.yield
          }) : () -> ()
          "tpu.trace_stop"() : () -> ()
          %ne3A_271 = arith.cmpi ne, %add3A_188, %add3A_206 : i32
          %or3A_272 = arith.constant false
          %or3A_273 = arith.ori %or3A_272, %ne3A_271 : i1
          %or3A_274 = arith.constant false
          %or3A_275 = arith.ori %or3A_273, %or3A_274 : i1
          %or3A_276 = arith.ori %or3A_275, %eq3A_187 : i1
          %convert_element_type3A_277 = arith.extui %or3A_276 : i1 to i32
          %cond3A_278 = arith.constant 0 : i32
          %cond3A_279 = arith.cmpi ne, %convert_element_type3A_277, %cond3A_278 : i32
          scf.if %cond3A_279 {
          } else {
          }
          %and3A_280 = arith.constant false
          %and3A_281 = arith.andi %or3A_276, %and3A_280 : i1
          %ne3A_282 = arith.cmpi ne, %add3A_188, %add3A_206 : i32
          %or3A_283 = arith.constant false
          %or3A_284 = arith.ori %or3A_283, %ne3A_282 : i1
          %or3A_285 = arith.ori %or3A_284, %eq3A_187 : i1
          %convert_element_type3A_286 = arith.extui %or3A_285 : i1 to i32
          %cond3A_287 = arith.constant 0 : i32
          %cond3A_288 = arith.cmpi ne, %convert_element_type3A_286, %cond3A_287 : i32
          scf.if %cond3A_288 {
          } else {
          }
          %and3A_289 = arith.constant false
          %and3A_290 = arith.andi %or3A_285, %and3A_289 : i1
          %ne3A_291 = arith.cmpi ne, %add3A_188, %add3A_198 : i32
          %or3A_292 = arith.constant false
          %or3A_293 = arith.ori %or3A_292, %ne3A_291 : i1
          %or3A_294 = arith.constant false
          %or3A_295 = arith.ori %or3A_293, %or3A_294 : i1
          %not3A_296 = arith.constant true
          %not3A_297 = arith.xori %eq3A_184, %not3A_296 : i1
          %and3A_298 = arith.andi %or3A_295, %not3A_297 : i1
          %convert_element_type3A_299 = arith.extui %and3A_298 : i1 to i32
          %cond3A_300 = arith.constant 0 : i32
          %cond3A_301 = arith.cmpi ne, %convert_element_type3A_299, %cond3A_300 : i32
          scf.if %cond3A_301 {
          } else {
          }
          %and3A_302 = arith.constant false
          %and3A_303 = arith.andi %and3A_298, %and3A_302 : i1
          %ne3A_304 = arith.cmpi ne, %add3A_188, %add3A_198 : i32
          %or3A_305 = arith.constant false
          %or3A_306 = arith.ori %or3A_305, %ne3A_304 : i1
          %not3A_307 = arith.constant true
          %not3A_308 = arith.xori %eq3A_184, %not3A_307 : i1
          %and3A_309 = arith.andi %or3A_306, %not3A_308 : i1
          %convert_element_type3A_310 = arith.extui %and3A_309 : i1 to i32
          %cond3A_311 = arith.constant 0 : i32
          %cond3A_312 = arith.cmpi ne, %convert_element_type3A_310, %cond3A_311 : i32
          scf.if %cond3A_312 {
          } else {
          }
          %and3A_313 = arith.constant false
          %and3A_314 = arith.andi %and3A_309, %and3A_313 : i1
          %ne3A_315 = arith.cmpi ne, %add3A_188, %add3A_206 : i32
          %or3A_316 = arith.constant false
          %or3A_317 = arith.ori %or3A_316, %ne3A_315 : i1
          %or3A_318 = arith.constant false
          %or3A_319 = arith.ori %or3A_317, %or3A_318 : i1
          %or3A_320 = arith.ori %or3A_319, %eq3A_187 : i1
          %add3A_321 = arith.constant 1 : i32
          %add3A_322 = arith.addi %while3A_177, %add3A_321 : i32
          %select_n3A_323 = arith.select %or3A_320, %add3A_322, %while3A_177 : i32
          %ne3A_324 = arith.cmpi ne, %add3A_188, %add3A_206 : i32
          %or3A_325 = arith.constant false
          %or3A_326 = arith.ori %or3A_325, %ne3A_324 : i1
          %or3A_327 = arith.ori %or3A_326, %eq3A_187 : i1
          %add3A_328 = arith.constant 1 : i32
          %add3A_329 = arith.addi %while3A_179, %add3A_328 : i32
          %select_n3A_330 = arith.select %or3A_327, %add3A_329, %while3A_179 : i32
          %add3A_331 = arith.constant 1 : i32
          %add3A_332 = arith.addi %while3A_180, %add3A_331 : i32
          %select_n3A_333 = arith.constant true
          %select_n3A_334 = arith.select %select_n3A_333, %add3A_332, %while3A_180 : i32
          %eq3A_335 = arith.cmpi eq, %select_n3A_334, %select_n3A : i32
          %select_n3A_336 = arith.constant 0 : i32
          %select_n3A_337 = arith.select %eq3A_335, %select_n3A_336, %select_n3A_334 : i32
          scf.yield %select_n3A_230, %select_n3A_323, %select_n3A_249, %select_n3A_330, %select_n3A_337 : i32, i32, i32, i32, i32
        }
        %while3A_122 = arith.constant 1 : i32
        %while3A_123:5 = scf.for %while3A_175 = %while3A_119 to %while3A_115 step %while3A_122 iter_args(%while3A_176 = %while3A_121#0, %while3A_177 = %while3A_121#1, %while3A_178 = %while3A_121#2, %while3A_179 = %while3A_121#3, %while3A_180 = %while3A_121#4) -> (i32, i32, i32, i32, i32)  : i32 {
          %mul3A_181 = arith.constant 1 : i32
          %mul3A_182 = arith.muli %mul3A_181, %select_n3A : i32
          %eq3A_183 = arith.constant 0 : i32
          %eq3A_184 = arith.cmpi eq, %while3A_175, %eq3A_183 : i32
          %sub3A_185 = arith.constant 1 : i32
          %sub3A_186 = arith.subi %mul3A_182, %sub3A_185 : i32
          %eq3A_187 = arith.cmpi eq, %while3A_175, %sub3A_186 : i32
          %add3A_188 = arith.addi %while3A_180, %select_n3A_18 : i32
          %sub3A_189 = arith.constant 1 : i32
          %sub3A_190 = arith.subi %while3A_180, %sub3A_189 : i32
          %select_n3A_191 = arith.constant true
          %select_n3A_192 = arith.select %select_n3A_191, %sub3A_190, %while3A_180 : i32
          %eq3A_193 = arith.constant -1 : i32
          %eq3A_194 = arith.cmpi eq, %select_n3A_192, %eq3A_193 : i32
          %sub3A_195 = arith.constant 1 : i32
          %sub3A_196 = arith.subi %select_n3A, %sub3A_195 : i32
          %select_n3A_197 = arith.select %eq3A_194, %sub3A_196, %select_n3A_192 : i32
          %add3A_198 = arith.addi %select_n3A_197, %select_n3A_18 : i32
          %add3A_199 = arith.constant 1 : i32
          %add3A_200 = arith.addi %while3A_180, %add3A_199 : i32
          %select_n3A_201 = arith.constant true
          %select_n3A_202 = arith.select %select_n3A_201, %add3A_200, %while3A_180 : i32
          %eq3A_203 = arith.cmpi eq, %select_n3A_202, %select_n3A : i32
          %select_n3A_204 = arith.constant 0 : i32
          %select_n3A_205 = arith.select %eq3A_203, %select_n3A_204, %select_n3A_202 : i32
          %add3A_206 = arith.addi %select_n3A_205, %select_n3A_18 : i32
          %add3A_207 = arith.constant 1 : i32
          %add3A_208 = arith.addi %select_n3A_205, %add3A_207 : i32
          %select_n3A_209 = arith.constant true
          %select_n3A_210 = arith.select %select_n3A_209, %add3A_208, %select_n3A_205 : i32
          %eq3A_211 = arith.cmpi eq, %select_n3A_210, %select_n3A : i32
          %select_n3A_212 = arith.constant 0 : i32
          %select_n3A_213 = arith.select %eq3A_211, %select_n3A_212, %select_n3A_210 : i32
          %add3A_214 = arith.addi %select_n3A_213, %select_n3A_18 : i32
          %ne3A = arith.cmpi ne, %add3A_188, %add3A_206 : i32
          %or3A = arith.constant false
          %or3A_215 = arith.ori %or3A, %ne3A : i1
          %or3A_216 = arith.constant false
          %or3A_217 = arith.ori %or3A_215, %or3A_216 : i1
          %sub3A_218 = arith.constant 2 : i32
          %sub3A_219 = arith.subi %mul3A_182, %sub3A_218 : i32
          %add3A_220 = arith.constant 1 : i32
          %add3A_221 = arith.addi %sub3A_219, %add3A_220 : i32
          %ge3A = arith.cmpi sge, %while3A_175, %add3A_221 : i32
          %not3A = arith.constant true
          %not3A_222 = arith.xori %ge3A, %not3A : i1
          %and3A = arith.andi %or3A_217, %not3A_222 : i1
          %convert_element_type3A_223 = arith.extui %and3A : i1 to i32
          %cond3A_224 = arith.constant 0 : i32
          %cond3A_225 = arith.cmpi ne, %convert_element_type3A_223, %cond3A_224 : i32
          scf.if %cond3A_225 {
            "tpu.trace_start"() <{level = 10 : i32, message = "ep_copy_in"}> : () -> ()
            %rem3A_338 = arith.constant 2 : i32
            %rem3A_339 = arith.remui %while3A_176, %rem3A_338 : i32
            %mul3A_340 = arith.constant 128 : i32
            %mul3A_341 = arith.muli %mul3A_340, %add3A_206 : i32
            %dma_start3A_342 = arith.constant 0 : i32
            %dma_start3A_343 = arith.constant 0 : i32
            %dma_start3A_344 = tpu.memref_slice %run_scoped3A[%rem3A_339, %dma_start3A_342, %dma_start3A_343] : memref<2x128x128xf32, #tpu.memory_space<vmem>> -> memref<1x128x128xf32, #tpu.memory_space<vmem>>
            %dma_start3A_345 = tpu.memref_squeeze %dma_start3A_344 : memref<1x128x128xf32, #tpu.memory_space<vmem>> -> memref<128x128xf32, #tpu.memory_space<vmem>>
            %dma_start3A_346 = arith.constant 0 : i32
            %dma_start3A_347 = tpu.memref_slice %arg2[%mul3A_341, %dma_start3A_346] : memref<41600x128xf32, #tpu.memory_space<hbm>> -> memref<128x128xf32, #tpu.memory_space<hbm>>
            %dma_start3A_348 = tpu.memref_slice %run_scoped3A_26[%rem3A_339] : memref<2x!tpu.dma_semaphore, #tpu.memory_space<semaphore_mem>> -> memref<1x!tpu.dma_semaphore, #tpu.memory_space<semaphore_mem>>
            %dma_start3A_349 = tpu.memref_squeeze %dma_start3A_348 : memref<1x!tpu.dma_semaphore, #tpu.memory_space<semaphore_mem>> -> memref<!tpu.dma_semaphore, #tpu.memory_space<semaphore_mem>>
            %dma_start3A_350 = arith.constant 0 : i32
            %dma_start3A_351 = arith.constant 0 : i32
            %dma_start3A_352 = tpu.memref_slice %run_scoped3A[%rem3A_339, %dma_start3A_350, %dma_start3A_351] : memref<2x128x128xf32, #tpu.memory_space<vmem>> -> memref<1x128x128xf32, #tpu.memory_space<vmem>>
            %dma_start3A_353 = tpu.memref_squeeze %dma_start3A_352 : memref<1x128x128xf32, #tpu.memory_space<vmem>> -> memref<128x128xf32, #tpu.memory_space<vmem>>
            %dma_start3A_354 = arith.constant 0 : i32
            %dma_start3A_355 = tpu.memref_slice %arg2[%mul3A_341, %dma_start3A_354] : memref<41600x128xf32, #tpu.memory_space<hbm>> -> memref<128x128xf32, #tpu.memory_space<hbm>>
            tpu.enqueue_dma source(%dma_start3A_355 : memref<128x128xf32, #tpu.memory_space<hbm>>) target(%dma_start3A_353 : memref<128x128xf32, #tpu.memory_space<vmem>>) target_semaphore(%dma_start3A_349 : memref<!tpu.dma_semaphore, #tpu.memory_space<semaphore_mem>>)
            "tpu.trace_stop"() : () -> ()
          } else {
          }
          %and3A_226 = arith.constant true
          %and3A_227 = arith.andi %and3A, %and3A_226 : i1
          %add3A_228 = arith.constant 1 : i32
          %add3A_229 = arith.addi %while3A_176, %add3A_228 : i32
          %select_n3A_230 = arith.select %and3A_227, %add3A_229, %while3A_176 : i32
          %ne3A_231 = arith.cmpi ne, %add3A_188, %add3A_206 : i32
          %or3A_232 = arith.constant false
          %or3A_233 = arith.ori %or3A_232, %ne3A_231 : i1
          %sub3A_234 = arith.constant 2 : i32
          %sub3A_235 = arith.subi %mul3A_182, %sub3A_234 : i32
          %add3A_236 = arith.constant 1 : i32
          %add3A_237 = arith.addi %sub3A_235, %add3A_236 : i32
          %ge3A_238 = arith.cmpi sge, %while3A_175, %add3A_237 : i32
          %not3A_239 = arith.constant true
          %not3A_240 = arith.xori %ge3A_238, %not3A_239 : i1
          %and3A_241 = arith.andi %or3A_233, %not3A_240 : i1
          %convert_element_type3A_242 = arith.extui %and3A_241 : i1 to i32
          %cond3A_243 = arith.constant 0 : i32
          %cond3A_244 = arith.cmpi ne, %convert_element_type3A_242, %cond3A_243 : i32
          scf.if %cond3A_244 {
            "tpu.trace_start"() <{level = 10 : i32, message = "ep_copy_in"}> : () -> ()
            %rem3A_338 = arith.constant 2 : i32
            %rem3A_339 = arith.remui %while3A_178, %rem3A_338 : i32
            %mul3A_340 = arith.constant 128 : i32
            %mul3A_341 = arith.muli %mul3A_340, %add3A_206 : i32
            %dma_start3A_342 = arith.constant 0 : i32
            %dma_start3A_343 = arith.constant 0 : i32
            %dma_start3A_344 = tpu.memref_slice %run_scoped3A_27[%rem3A_339, %dma_start3A_342, %dma_start3A_343] : memref<2x1x128xi32, #tpu.memory_space<vmem>> -> memref<1x1x128xi32, #tpu.memory_space<vmem>>
            %dma_start3A_345 = tpu.memref_squeeze %dma_start3A_344 : memref<1x1x128xi32, #tpu.memory_space<vmem>> -> memref<1x128xi32, #tpu.memory_space<vmem>>
            %dma_start3A_346 = arith.constant 0 : i32
            %dma_start3A_347 = tpu.memref_slice %arg3[%dma_start3A_346, %mul3A_341] : memref<1x41600xi32, #tpu.memory_space<hbm>> -> memref<1x128xi32, #tpu.memory_space<hbm>>
            %dma_start3A_348 = tpu.memref_slice %run_scoped3A_28[%rem3A_339] : memref<2x!tpu.dma_semaphore, #tpu.memory_space<semaphore_mem>> -> memref<1x!tpu.dma_semaphore, #tpu.memory_space<semaphore_mem>>
            %dma_start3A_349 = tpu.memref_squeeze %dma_start3A_348 : memref<1x!tpu.dma_semaphore, #tpu.memory_space<semaphore_mem>> -> memref<!tpu.dma_semaphore, #tpu.memory_space<semaphore_mem>>
            %dma_start3A_350 = arith.constant 0 : i32
            %dma_start3A_351 = arith.constant 0 : i32
            %dma_start3A_352 = tpu.memref_slice %run_scoped3A_27[%rem3A_339, %dma_start3A_350, %dma_start3A_351] : memref<2x1x128xi32, #tpu.memory_space<vmem>> -> memref<1x1x128xi32, #tpu.memory_space<vmem>>
            %dma_start3A_353 = tpu.memref_squeeze %dma_start3A_352 : memref<1x1x128xi32, #tpu.memory_space<vmem>> -> memref<1x128xi32, #tpu.memory_space<vmem>>
            %dma_start3A_354 = arith.constant 0 : i32
            %dma_start3A_355 = tpu.memref_slice %arg3[%dma_start3A_354, %mul3A_341] : memref<1x41600xi32, #tpu.memory_space<hbm>> -> memref<1x128xi32, #tpu.memory_space<hbm>>
            tpu.enqueue_dma source(%dma_start3A_355 : memref<1x128xi32, #tpu.memory_space<hbm>>) target(%dma_start3A_353 : memref<1x128xi32, #tpu.memory_space<vmem>>) target_semaphore(%dma_start3A_349 : memref<!tpu.dma_semaphore, #tpu.memory_space<semaphore_mem>>)
            "tpu.trace_stop"() : () -> ()
          } else {
          }
          %and3A_245 = arith.constant true
          %and3A_246 = arith.andi %and3A_241, %and3A_245 : i1
          %add3A_247 = arith.constant 1 : i32
          %add3A_248 = arith.addi %while3A_178, %add3A_247 : i32
          %select_n3A_249 = arith.select %and3A_246, %add3A_248, %while3A_178 : i32
          %ne3A_250 = arith.cmpi ne, %add3A_188, %add3A_198 : i32
          %or3A_251 = arith.constant false
          %or3A_252 = arith.ori %or3A_251, %ne3A_250 : i1
          %or3A_253 = arith.constant false
          %or3A_254 = arith.ori %or3A_252, %or3A_253 : i1
          %or3A_255 = arith.ori %or3A_254, %eq3A_184 : i1
          %convert_element_type3A_256 = arith.extui %or3A_255 : i1 to i32
          %cond3A_257 = arith.constant 0 : i32
          %cond3A_258 = arith.cmpi ne, %convert_element_type3A_256, %cond3A_257 : i32
          scf.if %cond3A_258 {
            "tpu.trace_start"() <{level = 10 : i32, message = "ep_wait_in"}> : () -> ()
            %mul3A_338 = arith.constant 128 : i32
            %mul3A_339 = arith.muli %mul3A_338, %add3A_188 : i32
            %rem3A_340 = arith.constant 2 : i32
            %rem3A_341 = arith.remui %while3A_177, %rem3A_340 : i32
            %dma_wait3A = arith.constant 0 : i32
            %dma_wait3A_342 = arith.constant 0 : i32
            %dma_wait3A_343 = tpu.memref_slice %run_scoped3A[%rem3A_341, %dma_wait3A, %dma_wait3A_342] : memref<2x128x128xf32, #tpu.memory_space<vmem>> -> memref<1x128x128xf32, #tpu.memory_space<vmem>>
            %dma_wait3A_344 = tpu.memref_squeeze %dma_wait3A_343 : memref<1x128x128xf32, #tpu.memory_space<vmem>> -> memref<128x128xf32, #tpu.memory_space<vmem>>
            %dma_wait3A_345 = arith.constant 0 : i32
            %dma_wait3A_346 = tpu.memref_slice %arg2[%mul3A_339, %dma_wait3A_345] : memref<41600x128xf32, #tpu.memory_space<hbm>> -> memref<128x128xf32, #tpu.memory_space<hbm>>
            %dma_wait3A_347 = tpu.memref_slice %run_scoped3A_26[%rem3A_341] : memref<2x!tpu.dma_semaphore, #tpu.memory_space<semaphore_mem>> -> memref<1x!tpu.dma_semaphore, #tpu.memory_space<semaphore_mem>>
            %dma_wait3A_348 = tpu.memref_squeeze %dma_wait3A_347 : memref<1x!tpu.dma_semaphore, #tpu.memory_space<semaphore_mem>> -> memref<!tpu.dma_semaphore, #tpu.memory_space<semaphore_mem>>
            %dma_wait3A_349 = arith.constant 0 : i32
            %dma_wait3A_350 = arith.constant 0 : i32
            %dma_wait3A_351 = tpu.memref_slice %run_scoped3A[%rem3A_341, %dma_wait3A_349, %dma_wait3A_350] : memref<2x128x128xf32, #tpu.memory_space<vmem>> -> memref<1x128x128xf32, #tpu.memory_space<vmem>>
            %dma_wait3A_352 = tpu.memref_squeeze %dma_wait3A_351 : memref<1x128x128xf32, #tpu.memory_space<vmem>> -> memref<128x128xf32, #tpu.memory_space<vmem>>
            %dma_wait3A_353 = arith.constant 0 : i32
            %dma_wait3A_354 = tpu.memref_slice %arg2[%mul3A_339, %dma_wait3A_353] : memref<41600x128xf32, #tpu.memory_space<hbm>> -> memref<128x128xf32, #tpu.memory_space<hbm>>
            tpu.wait_dma2 semaphore(%dma_wait3A_348 : memref<!tpu.dma_semaphore, #tpu.memory_space<semaphore_mem>>) src(%dma_wait3A_354 : memref<128x128xf32, #tpu.memory_space<hbm>>) dst(%dma_wait3A_352 : memref<128x128xf32, #tpu.memory_space<vmem>>)
            "tpu.trace_stop"() : () -> ()
          } else {
          }
          %ne3A_259 = arith.cmpi ne, %add3A_188, %add3A_198 : i32
          %or3A_260 = arith.constant false
          %or3A_261 = arith.ori %or3A_260, %ne3A_259 : i1
          %or3A_262 = arith.ori %or3A_261, %eq3A_184 : i1
          %convert_element_type3A_263 = arith.extui %or3A_262 : i1 to i32
          %cond3A_264 = arith.constant 0 : i32
          %cond3A_265 = arith.cmpi ne, %convert_element_type3A_263, %cond3A_264 : i32
          scf.if %cond3A_265 {
            "tpu.trace_start"() <{level = 10 : i32, message = "ep_wait_in"}> : () -> ()
            %mul3A_338 = arith.constant 128 : i32
            %mul3A_339 = arith.muli %mul3A_338, %add3A_188 : i32
            %rem3A_340 = arith.constant 2 : i32
            %rem3A_341 = arith.remui %while3A_179, %rem3A_340 : i32
            %dma_wait3A = arith.constant 0 : i32
            %dma_wait3A_342 = arith.constant 0 : i32
            %dma_wait3A_343 = tpu.memref_slice %run_scoped3A_27[%rem3A_341, %dma_wait3A, %dma_wait3A_342] : memref<2x1x128xi32, #tpu.memory_space<vmem>> -> memref<1x1x128xi32, #tpu.memory_space<vmem>>
            %dma_wait3A_344 = tpu.memref_squeeze %dma_wait3A_343 : memref<1x1x128xi32, #tpu.memory_space<vmem>> -> memref<1x128xi32, #tpu.memory_space<vmem>>
            %dma_wait3A_345 = arith.constant 0 : i32
            %dma_wait3A_346 = tpu.memref_slice %arg3[%dma_wait3A_345, %mul3A_339] : memref<1x41600xi32, #tpu.memory_space<hbm>> -> memref<1x128xi32, #tpu.memory_space<hbm>>
            %dma_wait3A_347 = tpu.memref_slice %run_scoped3A_28[%rem3A_341] : memref<2x!tpu.dma_semaphore, #tpu.memory_space<semaphore_mem>> -> memref<1x!tpu.dma_semaphore, #tpu.memory_space<semaphore_mem>>
            %dma_wait3A_348 = tpu.memref_squeeze %dma_wait3A_347 : memref<1x!tpu.dma_semaphore, #tpu.memory_space<semaphore_mem>> -> memref<!tpu.dma_semaphore, #tpu.memory_space<semaphore_mem>>
            %dma_wait3A_349 = arith.constant 0 : i32
            %dma_wait3A_350 = arith.constant 0 : i32
            %dma_wait3A_351 = tpu.memref_slice %run_scoped3A_27[%rem3A_341, %dma_wait3A_349, %dma_wait3A_350] : memref<2x1x128xi32, #tpu.memory_space<vmem>> -> memref<1x1x128xi32, #tpu.memory_space<vmem>>
            %dma_wait3A_352 = tpu.memref_squeeze %dma_wait3A_351 : memref<1x1x128xi32, #tpu.memory_space<vmem>> -> memref<1x128xi32, #tpu.memory_space<vmem>>
            %dma_wait3A_353 = arith.constant 0 : i32
            %dma_wait3A_354 = tpu.memref_slice %arg3[%dma_wait3A_353, %mul3A_339] : memref<1x41600xi32, #tpu.memory_space<hbm>> -> memref<1x128xi32, #tpu.memory_space<hbm>>
            tpu.wait_dma2 semaphore(%dma_wait3A_348 : memref<!tpu.dma_semaphore, #tpu.memory_space<semaphore_mem>>) src(%dma_wait3A_354 : memref<1x128xi32, #tpu.memory_space<hbm>>) dst(%dma_wait3A_352 : memref<1x128xi32, #tpu.memory_space<vmem>>)
            "tpu.trace_stop"() : () -> ()
          } else {
          }
          %rem3A_266 = arith.constant 2 : i32
          %rem3A_267 = arith.remui %while3A_177, %rem3A_266 : i32
          %rem3A_268 = arith.constant 2 : i32
          %rem3A_269 = arith.remui %while3A_179, %rem3A_268 : i32
          %run_scoped3A_270 = arith.constant 0 : i32
          "tpu.trace_start"() <{level = 10 : i32, message = "ep_run_kernel"}> : () -> ()
          "tpu.region"() ({
            %run_scoped3A_338 = tpu.sem_alloc : memref<!tpu.dma_semaphore, #tpu.memory_space<semaphore_mem>>
            %dma_start3A_339 = arith.constant 0 : i32
            %dma_start3A_340 = arith.constant 0 : i32
            %dma_start3A_341 = tpu.memref_slice %run_scoped3A[%rem3A_267, %dma_start3A_339, %dma_start3A_340] : memref<2x128x128xf32, #tpu.memory_space<vmem>> -> memref<1x128x128xf32, #tpu.memory_space<vmem>>
            %dma_start3A_342 = tpu.memref_squeeze %dma_start3A_341 : memref<1x128x128xf32, #tpu.memory_space<vmem>> -> memref<128x128xf32, #tpu.memory_space<vmem>>
            %dma_start3A_343 = arith.constant 0 : i32
            %dma_start3A_344 = arith.constant 0 : i32
            %dma_start3A_345 = tpu.memref_slice %run_scoped3A_27[%rem3A_269, %dma_start3A_343, %dma_start3A_344] : memref<2x1x128xi32, #tpu.memory_space<vmem>> -> memref<1x1x128xi32, #tpu.memory_space<vmem>>
            %dma_start3A_346 = tpu.memref_squeeze %dma_start3A_345 : memref<1x1x128xi32, #tpu.memory_space<vmem>> -> memref<1x128xi32, #tpu.memory_space<vmem>>
            %dma_start3A_347 = arith.constant 0 : i32
            %dma_start3A_348 = tpu.memref_slice %dma_start3A_346[%run_scoped3A_270, %dma_start3A_347] : memref<1x128xi32, #tpu.memory_space<vmem>> -> memref<1x128xi32, #tpu.memory_space<vmem>>
            %dma_start3A_349 = tpu.memref_squeeze %dma_start3A_348 : memref<1x128xi32, #tpu.memory_space<vmem>> -> memref<128xi32, #tpu.memory_space<vmem>>
            %dma_start3A_350 = arith.constant 0 : i32
            %dma_start3A_351 = arith.constant 0 : i32
            %dma_start3A_352 = tpu.memref_slice %arg6[%dma_start3A_350, %dma_start3A_351] : memref<10112x128xf32, #tpu.memory_space<vmem_shared>> -> memref<10112x128xf32, #tpu.memory_space<vmem_shared>>
            tpu.enqueue_indirect_dma source(%dma_start3A_342 : memref<128x128xf32, #tpu.memory_space<vmem>>) target(%dma_start3A_352 : memref<10112x128xf32, #tpu.memory_space<vmem_shared>>) offsets(%dma_start3A_349 : memref<128xi32, #tpu.memory_space<vmem>>) semaphore(%run_scoped3A_338 : memref<!tpu.dma_semaphore, #tpu.memory_space<semaphore_mem>>) {add = true}
            %dma_wait3A = arith.constant 0 : i32
            %dma_wait3A_353 = arith.constant 0 : i32
            %dma_wait3A_354 = tpu.memref_slice %run_scoped3A[%rem3A_267, %dma_wait3A, %dma_wait3A_353] : memref<2x128x128xf32, #tpu.memory_space<vmem>> -> memref<1x128x128xf32, #tpu.memory_space<vmem>>
            %dma_wait3A_355 = tpu.memref_squeeze %dma_wait3A_354 : memref<1x128x128xf32, #tpu.memory_space<vmem>> -> memref<128x128xf32, #tpu.memory_space<vmem>>
            %dma_wait3A_356 = arith.constant 0 : i32
            %dma_wait3A_357 = arith.constant 0 : i32
            %dma_wait3A_358 = tpu.memref_slice %run_scoped3A_27[%rem3A_269, %dma_wait3A_356, %dma_wait3A_357] : memref<2x1x128xi32, #tpu.memory_space<vmem>> -> memref<1x1x128xi32, #tpu.memory_space<vmem>>
            %dma_wait3A_359 = tpu.memref_squeeze %dma_wait3A_358 : memref<1x1x128xi32, #tpu.memory_space<vmem>> -> memref<1x128xi32, #tpu.memory_space<vmem>>
            %dma_wait3A_360 = arith.constant 0 : i32
            %dma_wait3A_361 = tpu.memref_slice %dma_wait3A_359[%run_scoped3A_270, %dma_wait3A_360] : memref<1x128xi32, #tpu.memory_space<vmem>> -> memref<1x128xi32, #tpu.memory_space<vmem>>
            %dma_wait3A_362 = tpu.memref_squeeze %dma_wait3A_361 : memref<1x128xi32, #tpu.memory_space<vmem>> -> memref<128xi32, #tpu.memory_space<vmem>>
            %dma_wait3A_363 = arith.constant 0 : i32
            %dma_wait3A_364 = arith.constant 0 : i32
            %dma_wait3A_365 = tpu.memref_slice %arg6[%dma_wait3A_363, %dma_wait3A_364] : memref<10112x128xf32, #tpu.memory_space<vmem_shared>> -> memref<10112x128xf32, #tpu.memory_space<vmem_shared>>
            tpu.wait_indirect_dma semaphore(%run_scoped3A_338 : memref<!tpu.dma_semaphore, #tpu.memory_space<semaphore_mem>>) src(%dma_wait3A_355 : memref<128x128xf32, #tpu.memory_space<vmem>>) dst(%dma_wait3A_365 : memref<10112x128xf32, #tpu.memory_space<vmem_shared>>)
            tpu.yield
          }) : () -> ()
          "tpu.trace_stop"() : () -> ()
          %ne3A_271 = arith.cmpi ne, %add3A_188, %add3A_206 : i32
          %or3A_272 = arith.constant false
          %or3A_273 = arith.ori %or3A_272, %ne3A_271 : i1
          %or3A_274 = arith.constant false
          %or3A_275 = arith.ori %or3A_273, %or3A_274 : i1
          %or3A_276 = arith.ori %or3A_275, %eq3A_187 : i1
          %convert_element_type3A_277 = arith.extui %or3A_276 : i1 to i32
          %cond3A_278 = arith.constant 0 : i32
          %cond3A_279 = arith.cmpi ne, %convert_element_type3A_277, %cond3A_278 : i32
          scf.if %cond3A_279 {
          } else {
          }
          %and3A_280 = arith.constant false
          %and3A_281 = arith.andi %or3A_276, %and3A_280 : i1
          %ne3A_282 = arith.cmpi ne, %add3A_188, %add3A_206 : i32
          %or3A_283 = arith.constant false
          %or3A_284 = arith.ori %or3A_283, %ne3A_282 : i1
          %or3A_285 = arith.ori %or3A_284, %eq3A_187 : i1
          %convert_element_type3A_286 = arith.extui %or3A_285 : i1 to i32
          %cond3A_287 = arith.constant 0 : i32
          %cond3A_288 = arith.cmpi ne, %convert_element_type3A_286, %cond3A_287 : i32
          scf.if %cond3A_288 {
          } else {
          }
          %and3A_289 = arith.constant false
          %and3A_290 = arith.andi %or3A_285, %and3A_289 : i1
          %ne3A_291 = arith.cmpi ne, %add3A_188, %add3A_198 : i32
          %or3A_292 = arith.constant false
          %or3A_293 = arith.ori %or3A_292, %ne3A_291 : i1
          %or3A_294 = arith.constant false
          %or3A_295 = arith.ori %or3A_293, %or3A_294 : i1
          %not3A_296 = arith.constant true
          %not3A_297 = arith.xori %eq3A_184, %not3A_296 : i1
          %and3A_298 = arith.andi %or3A_295, %not3A_297 : i1
          %convert_element_type3A_299 = arith.extui %and3A_298 : i1 to i32
          %cond3A_300 = arith.constant 0 : i32
          %cond3A_301 = arith.cmpi ne, %convert_element_type3A_299, %cond3A_300 : i32
          scf.if %cond3A_301 {
          } else {
          }
          %and3A_302 = arith.constant false
          %and3A_303 = arith.andi %and3A_298, %and3A_302 : i1
          %ne3A_304 = arith.cmpi ne, %add3A_188, %add3A_198 : i32
          %or3A_305 = arith.constant false
          %or3A_306 = arith.ori %or3A_305, %ne3A_304 : i1
          %not3A_307 = arith.constant true
          %not3A_308 = arith.xori %eq3A_184, %not3A_307 : i1
          %and3A_309 = arith.andi %or3A_306, %not3A_308 : i1
          %convert_element_type3A_310 = arith.extui %and3A_309 : i1 to i32
          %cond3A_311 = arith.constant 0 : i32
          %cond3A_312 = arith.cmpi ne, %convert_element_type3A_310, %cond3A_311 : i32
          scf.if %cond3A_312 {
          } else {
          }
          %and3A_313 = arith.constant false
          %and3A_314 = arith.andi %and3A_309, %and3A_313 : i1
          %ne3A_315 = arith.cmpi ne, %add3A_188, %add3A_206 : i32
          %or3A_316 = arith.constant false
          %or3A_317 = arith.ori %or3A_316, %ne3A_315 : i1
          %or3A_318 = arith.constant false
          %or3A_319 = arith.ori %or3A_317, %or3A_318 : i1
          %or3A_320 = arith.ori %or3A_319, %eq3A_187 : i1
          %add3A_321 = arith.constant 1 : i32
          %add3A_322 = arith.addi %while3A_177, %add3A_321 : i32
          %select_n3A_323 = arith.select %or3A_320, %add3A_322, %while3A_177 : i32
          %ne3A_324 = arith.cmpi ne, %add3A_188, %add3A_206 : i32
          %or3A_325 = arith.constant false
          %or3A_326 = arith.ori %or3A_325, %ne3A_324 : i1
          %or3A_327 = arith.ori %or3A_326, %eq3A_187 : i1
          %add3A_328 = arith.constant 1 : i32
          %add3A_329 = arith.addi %while3A_179, %add3A_328 : i32
          %select_n3A_330 = arith.select %or3A_327, %add3A_329, %while3A_179 : i32
          %add3A_331 = arith.constant 1 : i32
          %add3A_332 = arith.addi %while3A_180, %add3A_331 : i32
          %select_n3A_333 = arith.constant true
          %select_n3A_334 = arith.select %select_n3A_333, %add3A_332, %while3A_180 : i32
          %eq3A_335 = arith.cmpi eq, %select_n3A_334, %select_n3A : i32
          %select_n3A_336 = arith.constant 0 : i32
          %select_n3A_337 = arith.select %eq3A_335, %select_n3A_336, %select_n3A_334 : i32
          scf.yield %select_n3A_230, %select_n3A_323, %select_n3A_249, %select_n3A_330, %select_n3A_337 : i32, i32, i32, i32, i32
        }
        %sub3A_124 = arith.constant 1 : i32
        %sub3A_125 = arith.subi %while3A_123#4, %sub3A_124 : i32
        %select_n3A_126 = arith.constant true
        %select_n3A_127 = arith.select %select_n3A_126, %sub3A_125, %while3A_123#4 : i32
        %eq3A_128 = arith.constant -1 : i32
        %eq3A_129 = arith.cmpi eq, %select_n3A_127, %eq3A_128 : i32
        %sub3A_130 = arith.constant 1 : i32
        %sub3A_131 = arith.subi %select_n3A, %sub3A_130 : i32
        %select_n3A_132 = arith.select %eq3A_129, %sub3A_131, %select_n3A_127 : i32
        %sub3A_133 = arith.constant 1 : i32
        %sub3A_134 = arith.subi %mul3A_20, %sub3A_133 : i32
        %mul3A_135 = arith.constant 1 : i32
        %mul3A_136 = arith.muli %mul3A_135, %select_n3A : i32
        %eq3A_137 = arith.constant 0 : i32
        %eq3A_138 = arith.cmpi eq, %sub3A_134, %eq3A_137 : i32
        %sub3A_139 = arith.constant 1 : i32
        %sub3A_140 = arith.subi %mul3A_136, %sub3A_139 : i32
        %eq3A_141 = arith.cmpi eq, %sub3A_134, %sub3A_140 : i32
        %add3A_142 = arith.addi %select_n3A_132, %select_n3A_18 : i32
        %sub3A_143 = arith.constant 1 : i32
        %sub3A_144 = arith.subi %select_n3A_132, %sub3A_143 : i32
        %select_n3A_145 = arith.constant true
        %select_n3A_146 = arith.select %select_n3A_145, %sub3A_144, %select_n3A_132 : i32
        %eq3A_147 = arith.constant -1 : i32
        %eq3A_148 = arith.cmpi eq, %select_n3A_146, %eq3A_147 : i32
        %sub3A_149 = arith.constant 1 : i32
        %sub3A_150 = arith.subi %select_n3A, %sub3A_149 : i32
        %select_n3A_151 = arith.select %eq3A_148, %sub3A_150, %select_n3A_146 : i32
        %add3A_152 = arith.addi %select_n3A_151, %select_n3A_18 : i32
        %add3A_153 = arith.constant 1 : i32
        %add3A_154 = arith.addi %select_n3A_132, %add3A_153 : i32
        %select_n3A_155 = arith.constant true
        %select_n3A_156 = arith.select %select_n3A_155, %add3A_154, %select_n3A_132 : i32
        %eq3A_157 = arith.cmpi eq, %select_n3A_156, %select_n3A : i32
        %select_n3A_158 = arith.constant 0 : i32
        %select_n3A_159 = arith.select %eq3A_157, %select_n3A_158, %select_n3A_156 : i32
        %add3A_160 = arith.addi %select_n3A_159, %select_n3A_18 : i32
        %add3A_161 = arith.constant 1 : i32
        %add3A_162 = arith.addi %select_n3A_159, %add3A_161 : i32
        %select_n3A_163 = arith.constant true
        %select_n3A_164 = arith.select %select_n3A_163, %add3A_162, %select_n3A_159 : i32
        %eq3A_165 = arith.cmpi eq, %select_n3A_164, %select_n3A : i32
        %select_n3A_166 = arith.constant 0 : i32
        %select_n3A_167 = arith.select %eq3A_165, %select_n3A_166, %select_n3A_164 : i32
        %add3A_168 = arith.addi %select_n3A_167, %select_n3A_18 : i32
        %convert_element_type3A_169 = arith.extui %eq3A_141 : i1 to i32
        %cond3A_170 = arith.constant 0 : i32
        %cond3A_171 = arith.cmpi ne, %convert_element_type3A_169, %cond3A_170 : i32
        scf.if %cond3A_171 {
        } else {
        }
        %convert_element_type3A_172 = arith.extui %eq3A_141 : i1 to i32
        %cond3A_173 = arith.constant 0 : i32
        %cond3A_174 = arith.cmpi ne, %convert_element_type3A_172, %cond3A_173 : i32
        scf.if %cond3A_174 {
        } else {
        }
      } else {
      }
      tpu.yield
    }) : () -> ()
    %barrier3A_21 = arith.constant 0 : index
    tpu.barrier barrier_id(%barrier3A_21)
    %mul3A_22 = arith.constant 632 : i32
    %mul3A_23 = arith.muli %arg1, %mul3A_22 : i32
    %mul3A_24 = arith.constant 632 : i32
    %mul3A_25 = arith.muli %arg1, %mul3A_24 : i32
    "tpu.region"() ({
      %run_scoped3A = tpu.sem_alloc : memref<!tpu.dma_semaphore, #tpu.memory_space<semaphore_mem>>
      %dma_start3A = arith.constant 0 : i32
      %dma_start3A_26 = tpu.memref_slice %arg5[%arg0, %mul3A_25, %dma_start3A] : memref<2x10112x128xf32, #tpu.memory_space<hbm>> -> memref<1x632x128xf32, #tpu.memory_space<hbm>>
      %dma_start3A_27 = tpu.memref_squeeze %dma_start3A_26 : memref<1x632x128xf32, #tpu.memory_space<hbm>> -> memref<632x128xf32, #tpu.memory_space<hbm>>
      %dma_start3A_28 = arith.constant 0 : i32
      %dma_start3A_29 = tpu.memref_slice %arg6[%mul3A_23, %dma_start3A_28] : memref<10112x128xf32, #tpu.memory_space<vmem_shared>> -> memref<632x128xf32, #tpu.memory_space<vmem_shared>>
      tpu.enqueue_dma source(%dma_start3A_29 : memref<632x128xf32, #tpu.memory_space<vmem_shared>>) target(%dma_start3A_27 : memref<632x128xf32, #tpu.memory_space<hbm>>) target_semaphore(%run_scoped3A : memref<!tpu.dma_semaphore, #tpu.memory_space<semaphore_mem>>)
      %dma_wait3A = arith.constant 0 : i32
      %dma_wait3A_30 = tpu.memref_slice %arg5[%arg0, %mul3A_25, %dma_wait3A] : memref<2x10112x128xf32, #tpu.memory_space<hbm>> -> memref<1x632x128xf32, #tpu.memory_space<hbm>>
      %dma_wait3A_31 = tpu.memref_squeeze %dma_wait3A_30 : memref<1x632x128xf32, #tpu.memory_space<hbm>> -> memref<632x128xf32, #tpu.memory_space<hbm>>
      %dma_wait3A_32 = arith.constant 0 : i32
      %dma_wait3A_33 = tpu.memref_slice %arg6[%mul3A_23, %dma_wait3A_32] : memref<10112x128xf32, #tpu.memory_space<vmem_shared>> -> memref<632x128xf32, #tpu.memory_space<vmem_shared>>
      tpu.wait_dma2 semaphore(%run_scoped3A : memref<!tpu.dma_semaphore, #tpu.memory_space<semaphore_mem>>) src(%dma_wait3A_33 : memref<632x128xf32, #tpu.memory_space<vmem_shared>>) dst(%dma_wait3A_31 : memref<632x128xf32, #tpu.memory_space<hbm>>)
      tpu.yield
    }) : () -> ()
    return
  }
}

#map = affine_map<(d0, d1) -> (0, 0)>
#map1 = affine_map<(d0, d1) -> (0, 0, 0)>
module attributes {stable_mosaic.version = 14 : i64} {
  func.func @k(%arg0: i32, %arg1: i32, %arg2: memref<38400x128xf32, #tpu.memory_space<hbm>>, %arg3: memref<1x38400xi32, #tpu.memory_space<hbm>>, %arg4: memref<10112x128xf32, #tpu.memory_space<hbm>>, %arg5: memref<2x10112x128xf32, #tpu.memory_space<hbm>>, %arg6: memref<10112x128xf32, #tpu.memory_space<vmem_shared>>) attributes {dimension_semantics = [#tpu.dimension_semantics<core_parallel>, #tpu.dimension_semantics<subcore_parallel>], iteration_bounds = array<i64: 2, 16>, scalar_prefetch = 0 : i64, scratch_operands = 1 : i64, tpu.core_type = #tpu.core_type<sc_vector_subcore>, window_params = [{transform_indices = #map}, {transform_indices = #map}, {transform_indices = #map}, {transform_indices = #map1}]} {
    %mul3A = arith.constant 632 : i32
    %mul3A_0 = arith.muli %arg1, %mul3A : i32
    %mul3A_1 = arith.constant 632 : i32
    %mul3A_2 = arith.muli %arg1, %mul3A_1 : i32
    "tpu.region"() ({
      %run_scoped3A = tpu.sem_alloc : memref<!tpu.dma_semaphore, #tpu.memory_space<semaphore_mem>>
      %dma_start3A = arith.constant 0 : i32
      %dma_start3A_26 = tpu.memref_slice %arg6[%mul3A_2, %dma_start3A] : memref<10112x128xf32, #tpu.memory_space<vmem_shared>> -> memref<632x128xf32, #tpu.memory_space<vmem_shared>>
      %dma_start3A_27 = arith.constant 0 : i32
      %dma_start3A_28 = tpu.memref_slice %arg4[%mul3A_0, %dma_start3A_27] : memref<10112x128xf32, #tpu.memory_space<hbm>> -> memref<632x128xf32, #tpu.memory_space<hbm>>
      tpu.enqueue_dma source(%dma_start3A_28 : memref<632x128xf32, #tpu.memory_space<hbm>>) target(%dma_start3A_26 : memref<632x128xf32, #tpu.memory_space<vmem_shared>>) target_semaphore(%run_scoped3A : memref<!tpu.dma_semaphore, #tpu.memory_space<semaphore_mem>>)
      %dma_wait3A = arith.constant 0 : i32
      %dma_wait3A_29 = tpu.memref_slice %arg6[%mul3A_2, %dma_wait3A] : memref<10112x128xf32, #tpu.memory_space<vmem_shared>> -> memref<632x128xf32, #tpu.memory_space<vmem_shared>>
      %dma_wait3A_30 = arith.constant 0 : i32
      %dma_wait3A_31 = tpu.memref_slice %arg4[%mul3A_0, %dma_wait3A_30] : memref<10112x128xf32, #tpu.memory_space<hbm>> -> memref<632x128xf32, #tpu.memory_space<hbm>>
      tpu.wait_dma2 semaphore(%run_scoped3A : memref<!tpu.dma_semaphore, #tpu.memory_space<semaphore_mem>>) src(%dma_wait3A_31 : memref<632x128xf32, #tpu.memory_space<hbm>>) dst(%dma_wait3A_29 : memref<632x128xf32, #tpu.memory_space<vmem_shared>>)
      tpu.yield
    }) : () -> ()
    %barrier3A = arith.constant 0 : index
    tpu.barrier barrier_id(%barrier3A)
    %mul3A_3 = arith.constant 1 : i32
    %mul3A_4 = arith.muli %arg1, %mul3A_3 : i32
    %add3A = arith.constant 0 : i32
    %add3A_5 = arith.addi %add3A, %mul3A_4 : i32
    %mul3A_6 = arith.constant 16 : i32
    %mul3A_7 = arith.muli %arg0, %mul3A_6 : i32
    %add3A_8 = arith.addi %add3A_5, %mul3A_7 : i32
    %lt3A = arith.constant 12 : i32
    %lt3A_9 = arith.cmpi slt, %add3A_8, %lt3A : i32
    %jit3A = arith.constant 10 : i32
    %jit3A_10 = arith.constant 9 : i32
    %select_n3A = arith.select %lt3A_9, %jit3A, %jit3A_10 : i32
    %lt3A_11 = arith.constant 12 : i32
    %lt3A_12 = arith.cmpi slt, %add3A_8, %lt3A_11 : i32
    %mul3A_13 = arith.muli %add3A_8, %select_n3A : i32
    %mul3A_14 = arith.constant 9 : i32
    %mul3A_15 = arith.muli %add3A_8, %mul3A_14 : i32
    %add3A_16 = arith.constant 12 : i32
    %add3A_17 = arith.addi %mul3A_15, %add3A_16 : i32
    %select_n3A_18 = arith.select %lt3A_12, %mul3A_13, %add3A_17 : i32
    %mul3A_19 = arith.constant 1 : i32
    %mul3A_20 = arith.muli %mul3A_19, %select_n3A : i32
    "tpu.region"() ({
      %run_scoped3A = memref.alloca() : memref<2x128x128xf32, #tpu.memory_space<vmem>>
      %run_scoped3A_26 = tpu.sem_alloc : memref<2x!tpu.dma_semaphore, #tpu.memory_space<semaphore_mem>>
      %run_scoped3A_27 = memref.alloca() : memref<2x1x128xi32, #tpu.memory_space<vmem>>
      %run_scoped3A_28 = tpu.sem_alloc : memref<2x!tpu.dma_semaphore, #tpu.memory_space<semaphore_mem>>
      %gt3A = arith.constant 0 : i32
      %gt3A_29 = arith.cmpi sgt, %mul3A_20, %gt3A : i32
      %convert_element_type3A = arith.extui %gt3A_29 : i1 to i32
      %cond3A = arith.constant 0 : i32
      %cond3A_30 = arith.cmpi ne, %convert_element_type3A, %cond3A : i32
      scf.if %cond3A_30 {
        %mul3A_31 = arith.constant 1 : i32
        %mul3A_32 = arith.muli %mul3A_31, %select_n3A : i32
        %sub3A = arith.constant 1 : i32
        %sub3A_33 = arith.subi %mul3A_32, %sub3A : i32
        %eq3A = arith.constant 0 : i32
        %eq3A_34 = arith.cmpi eq, %sub3A_33, %eq3A : i32
        %add3A_35 = arith.constant 0 : i32
        %add3A_36 = arith.addi %add3A_35, %select_n3A_18 : i32
        %select_n3A_37 = arith.constant true
        %select_n3A_38 = arith.constant 0 : i32
        %select_n3A_39 = arith.constant -1 : i32
        %select_n3A_40 = arith.select %select_n3A_37, %select_n3A_39, %select_n3A_38 : i32
        %eq3A_41 = arith.constant -1 : i32
        %eq3A_42 = arith.cmpi eq, %select_n3A_40, %eq3A_41 : i32
        %sub3A_43 = arith.constant 1 : i32
        %sub3A_44 = arith.subi %select_n3A, %sub3A_43 : i32
        %select_n3A_45 = arith.select %eq3A_42, %sub3A_44, %select_n3A_40 : i32
        %add3A_46 = arith.addi %select_n3A_45, %select_n3A_18 : i32
        %select_n3A_47 = arith.constant true
        %select_n3A_48 = arith.constant 0 : i32
        %select_n3A_49 = arith.constant 1 : i32
        %select_n3A_50 = arith.select %select_n3A_47, %select_n3A_49, %select_n3A_48 : i32
        %eq3A_51 = arith.cmpi eq, %select_n3A_50, %select_n3A : i32
        %select_n3A_52 = arith.constant 0 : i32
        %select_n3A_53 = arith.select %eq3A_51, %select_n3A_52, %select_n3A_50 : i32
        %add3A_54 = arith.addi %select_n3A_53, %select_n3A_18 : i32
        %add3A_55 = arith.constant 1 : i32
        %add3A_56 = arith.addi %select_n3A_53, %add3A_55 : i32
        %select_n3A_57 = arith.constant true
        %select_n3A_58 = arith.select %select_n3A_57, %add3A_56, %select_n3A_53 : i32
        %eq3A_59 = arith.cmpi eq, %select_n3A_58, %select_n3A : i32
        %select_n3A_60 = arith.constant 0 : i32
        %select_n3A_61 = arith.select %eq3A_59, %select_n3A_60, %select_n3A_58 : i32
        %add3A_62 = arith.addi %select_n3A_61, %select_n3A_18 : i32
        "tpu.trace_start"() <{level = 10 : i32, message = "ep_initialize_0"}> : () -> ()
        %rem3A = arith.constant 0 : i32
        %rem3A_63 = arith.constant 2 : i32
        %rem3A_64 = arith.remui %rem3A, %rem3A_63 : i32
        %mul3A_65 = arith.constant 128 : i32
        %mul3A_66 = arith.muli %mul3A_65, %add3A_36 : i32
        %dma_start3A = arith.constant 0 : i32
        %dma_start3A_67 = arith.constant 0 : i32
        %dma_start3A_68 = tpu.memref_slice %run_scoped3A[%rem3A_64, %dma_start3A, %dma_start3A_67] : memref<2x128x128xf32, #tpu.memory_space<vmem>> -> memref<1x128x128xf32, #tpu.memory_space<vmem>>
        %dma_start3A_69 = tpu.memref_squeeze %dma_start3A_68 : memref<1x128x128xf32, #tpu.memory_space<vmem>> -> memref<128x128xf32, #tpu.memory_space<vmem>>
        %dma_start3A_70 = arith.constant 0 : i32
        %dma_start3A_71 = tpu.memref_slice %arg2[%mul3A_66, %dma_start3A_70] : memref<38400x128xf32, #tpu.memory_space<hbm>> -> memref<128x128xf32, #tpu.memory_space<hbm>>
        %dma_start3A_72 = tpu.memref_slice %run_scoped3A_26[%rem3A_64] : memref<2x!tpu.dma_semaphore, #tpu.memory_space<semaphore_mem>> -> memref<1x!tpu.dma_semaphore, #tpu.memory_space<semaphore_mem>>
        %dma_start3A_73 = tpu.memref_squeeze %dma_start3A_72 : memref<1x!tpu.dma_semaphore, #tpu.memory_space<semaphore_mem>> -> memref<!tpu.dma_semaphore, #tpu.memory_space<semaphore_mem>>
        %dma_start3A_74 = arith.constant 0 : i32
        %dma_start3A_75 = arith.constant 0 : i32
        %dma_start3A_76 = tpu.memref_slice %run_scoped3A[%rem3A_64, %dma_start3A_74, %dma_start3A_75] : memref<2x128x128xf32, #tpu.memory_space<vmem>> -> memref<1x128x128xf32, #tpu.memory_space<vmem>>
        %dma_start3A_77 = tpu.memref_squeeze %dma_start3A_76 : memref<1x128x128xf32, #tpu.memory_space<vmem>> -> memref<128x128xf32, #tpu.memory_space<vmem>>
        %dma_start3A_78 = arith.constant 0 : i32
        %dma_start3A_79 = tpu.memref_slice %arg2[%mul3A_66, %dma_start3A_78] : memref<38400x128xf32, #tpu.memory_space<hbm>> -> memref<128x128xf32, #tpu.memory_space<hbm>>
        tpu.enqueue_dma source(%dma_start3A_79 : memref<128x128xf32, #tpu.memory_space<hbm>>) target(%dma_start3A_77 : memref<128x128xf32, #tpu.memory_space<vmem>>) target_semaphore(%dma_start3A_73 : memref<!tpu.dma_semaphore, #tpu.memory_space<semaphore_mem>>)
        %add3A_80 = arith.constant 0 : i32
        %add3A_81 = arith.constant 1 : i32
        %add3A_82 = arith.addi %add3A_80, %add3A_81 : i32
        %select_n3A_83 = arith.constant true
        %select_n3A_84 = arith.constant 0 : i32
        %select_n3A_85 = arith.select %select_n3A_83, %add3A_82, %select_n3A_84 : i32
        %rem3A_86 = arith.constant 0 : i32
        %rem3A_87 = arith.constant 2 : i32
        %rem3A_88 = arith.remui %rem3A_86, %rem3A_87 : i32
        %mul3A_89 = arith.constant 128 : i32
        %mul3A_90 = arith.muli %mul3A_89, %add3A_36 : i32
        %dma_start3A_91 = arith.constant 0 : i32
        %dma_start3A_92 = arith.constant 0 : i32
        %dma_start3A_93 = tpu.memref_slice %run_scoped3A_27[%rem3A_88, %dma_start3A_91, %dma_start3A_92] : memref<2x1x128xi32, #tpu.memory_space<vmem>> -> memref<1x1x128xi32, #tpu.memory_space<vmem>>
        %dma_start3A_94 = tpu.memref_squeeze %dma_start3A_93 : memref<1x1x128xi32, #tpu.memory_space<vmem>> -> memref<1x128xi32, #tpu.memory_space<vmem>>
        %dma_start3A_95 = arith.constant 0 : i32
        %dma_start3A_96 = tpu.memref_slice %arg3[%dma_start3A_95, %mul3A_90] : memref<1x38400xi32, #tpu.memory_space<hbm>> -> memref<1x128xi32, #tpu.memory_space<hbm>>
        %dma_start3A_97 = tpu.memref_slice %run_scoped3A_28[%rem3A_88] : memref<2x!tpu.dma_semaphore, #tpu.memory_space<semaphore_mem>> -> memref<1x!tpu.dma_semaphore, #tpu.memory_space<semaphore_mem>>
        %dma_start3A_98 = tpu.memref_squeeze %dma_start3A_97 : memref<1x!tpu.dma_semaphore, #tpu.memory_space<semaphore_mem>> -> memref<!tpu.dma_semaphore, #tpu.memory_space<semaphore_mem>>
        %dma_start3A_99 = arith.constant 0 : i32
        %dma_start3A_100 = arith.constant 0 : i32
        %dma_start3A_101 = tpu.memref_slice %run_scoped3A_27[%rem3A_88, %dma_start3A_99, %dma_start3A_100] : memref<2x1x128xi32, #tpu.memory_space<vmem>> -> memref<1x1x128xi32, #tpu.memory_space<vmem>>
        %dma_start3A_102 = tpu.memref_squeeze %dma_start3A_101 : memref<1x1x128xi32, #tpu.memory_space<vmem>> -> memref<1x128xi32, #tpu.memory_space<vmem>>
        %dma_start3A_103 = arith.constant 0 : i32
        %dma_start3A_104 = tpu.memref_slice %arg3[%dma_start3A_103, %mul3A_90] : memref<1x38400xi32, #tpu.memory_space<hbm>> -> memref<1x128xi32, #tpu.memory_space<hbm>>
        tpu.enqueue_dma source(%dma_start3A_104 : memref<1x128xi32, #tpu.memory_space<hbm>>) target(%dma_start3A_102 : memref<1x128xi32, #tpu.memory_space<vmem>>) target_semaphore(%dma_start3A_98 : memref<!tpu.dma_semaphore, #tpu.memory_space<semaphore_mem>>)
        %add3A_105 = arith.constant 0 : i32
        %add3A_106 = arith.constant 1 : i32
        %add3A_107 = arith.addi %add3A_105, %add3A_106 : i32
        %select_n3A_108 = arith.constant true
        %select_n3A_109 = arith.constant 0 : i32
        %select_n3A_110 = arith.select %select_n3A_108, %add3A_107, %select_n3A_109 : i32
        %while3A = arith.constant 0 : i32
        %while3A_111 = arith.constant 0 : i32
        %while3A_112 = arith.constant 0 : i32
        %while3A_113 = arith.constant 0 : i32
        "tpu.trace_stop"() : () -> ()
        %while3A_114 = arith.subi %mul3A_20, %while3A : i32
        %while3A_115 = arith.addi %while3A, %while3A_114 : i32
        %while3A_116 = arith.constant 1 : i32
        %while3A_117 = arith.divsi %while3A_114, %while3A_116 : i32
        %while3A_118 = arith.muli %while3A_117, %while3A_116 : i32
        %while3A_119 = arith.addi %while3A, %while3A_118 : i32
        %while3A_120 = arith.constant 1 : i32
        %while3A_121:5 = scf.for %while3A_175 = %while3A to %while3A_119 step %while3A_120 iter_args(%while3A_176 = %select_n3A_85, %while3A_177 = %while3A_111, %while3A_178 = %select_n3A_110, %while3A_179 = %while3A_112, %while3A_180 = %while3A_113) -> (i32, i32, i32, i32, i32)  : i32 {
          %mul3A_181 = arith.constant 1 : i32
          %mul3A_182 = arith.muli %mul3A_181, %select_n3A : i32
          %eq3A_183 = arith.constant 0 : i32
          %eq3A_184 = arith.cmpi eq, %while3A_175, %eq3A_183 : i32
          %sub3A_185 = arith.constant 1 : i32
          %sub3A_186 = arith.subi %mul3A_182, %sub3A_185 : i32
          %eq3A_187 = arith.cmpi eq, %while3A_175, %sub3A_186 : i32
          %add3A_188 = arith.addi %while3A_180, %select_n3A_18 : i32
          %sub3A_189 = arith.constant 1 : i32
          %sub3A_190 = arith.subi %while3A_180, %sub3A_189 : i32
          %select_n3A_191 = arith.constant true
          %select_n3A_192 = arith.select %select_n3A_191, %sub3A_190, %while3A_180 : i32
          %eq3A_193 = arith.constant -1 : i32
          %eq3A_194 = arith.cmpi eq, %select_n3A_192, %eq3A_193 : i32
          %sub3A_195 = arith.constant 1 : i32
          %sub3A_196 = arith.subi %select_n3A, %sub3A_195 : i32
          %select_n3A_197 = arith.select %eq3A_194, %sub3A_196, %select_n3A_192 : i32
          %add3A_198 = arith.addi %select_n3A_197, %select_n3A_18 : i32
          %add3A_199 = arith.constant 1 : i32
          %add3A_200 = arith.addi %while3A_180, %add3A_199 : i32
          %select_n3A_201 = arith.constant true
          %select_n3A_202 = arith.select %select_n3A_201, %add3A_200, %while3A_180 : i32
          %eq3A_203 = arith.cmpi eq, %select_n3A_202, %select_n3A : i32
          %select_n3A_204 = arith.constant 0 : i32
          %select_n3A_205 = arith.select %eq3A_203, %select_n3A_204, %select_n3A_202 : i32
          %add3A_206 = arith.addi %select_n3A_205, %select_n3A_18 : i32
          %add3A_207 = arith.constant 1 : i32
          %add3A_208 = arith.addi %select_n3A_205, %add3A_207 : i32
          %select_n3A_209 = arith.constant true
          %select_n3A_210 = arith.select %select_n3A_209, %add3A_208, %select_n3A_205 : i32
          %eq3A_211 = arith.cmpi eq, %select_n3A_210, %select_n3A : i32
          %select_n3A_212 = arith.constant 0 : i32
          %select_n3A_213 = arith.select %eq3A_211, %select_n3A_212, %select_n3A_210 : i32
          %add3A_214 = arith.addi %select_n3A_213, %select_n3A_18 : i32
          %ne3A = arith.cmpi ne, %add3A_188, %add3A_206 : i32
          %or3A = arith.constant false
          %or3A_215 = arith.ori %or3A, %ne3A : i1
          %or3A_216 = arith.constant false
          %or3A_217 = arith.ori %or3A_215, %or3A_216 : i1
          %sub3A_218 = arith.constant 2 : i32
          %sub3A_219 = arith.subi %mul3A_182, %sub3A_218 : i32
          %add3A_220 = arith.constant 1 : i32
          %add3A_221 = arith.addi %sub3A_219, %add3A_220 : i32
          %ge3A = arith.cmpi sge, %while3A_175, %add3A_221 : i32
          %not3A = arith.constant true
          %not3A_222 = arith.xori %ge3A, %not3A : i1
          %and3A = arith.andi %or3A_217, %not3A_222 : i1
          %convert_element_type3A_223 = arith.extui %and3A : i1 to i32
          %cond3A_224 = arith.constant 0 : i32
          %cond3A_225 = arith.cmpi ne, %convert_element_type3A_223, %cond3A_224 : i32
          scf.if %cond3A_225 {
            "tpu.trace_start"() <{level = 10 : i32, message = "ep_copy_in"}> : () -> ()
            %rem3A_338 = arith.constant 2 : i32
            %rem3A_339 = arith.remui %while3A_176, %rem3A_338 : i32
            %mul3A_340 = arith.constant 128 : i32
            %mul3A_341 = arith.muli %mul3A_340, %add3A_206 : i32
            %dma_start3A_342 = arith.constant 0 : i32
            %dma_start3A_343 = arith.constant 0 : i32
            %dma_start3A_344 = tpu.memref_slice %run_scoped3A[%rem3A_339, %dma_start3A_342, %dma_start3A_343] : memref<2x128x128xf32, #tpu.memory_space<vmem>> -> memref<1x128x128xf32, #tpu.memory_space<vmem>>
            %dma_start3A_345 = tpu.memref_squeeze %dma_start3A_344 : memref<1x128x128xf32, #tpu.memory_space<vmem>> -> memref<128x128xf32, #tpu.memory_space<vmem>>
            %dma_start3A_346 = arith.constant 0 : i32
            %dma_start3A_347 = tpu.memref_slice %arg2[%mul3A_341, %dma_start3A_346] : memref<38400x128xf32, #tpu.memory_space<hbm>> -> memref<128x128xf32, #tpu.memory_space<hbm>>
            %dma_start3A_348 = tpu.memref_slice %run_scoped3A_26[%rem3A_339] : memref<2x!tpu.dma_semaphore, #tpu.memory_space<semaphore_mem>> -> memref<1x!tpu.dma_semaphore, #tpu.memory_space<semaphore_mem>>
            %dma_start3A_349 = tpu.memref_squeeze %dma_start3A_348 : memref<1x!tpu.dma_semaphore, #tpu.memory_space<semaphore_mem>> -> memref<!tpu.dma_semaphore, #tpu.memory_space<semaphore_mem>>
            %dma_start3A_350 = arith.constant 0 : i32
            %dma_start3A_351 = arith.constant 0 : i32
            %dma_start3A_352 = tpu.memref_slice %run_scoped3A[%rem3A_339, %dma_start3A_350, %dma_start3A_351] : memref<2x128x128xf32, #tpu.memory_space<vmem>> -> memref<1x128x128xf32, #tpu.memory_space<vmem>>
            %dma_start3A_353 = tpu.memref_squeeze %dma_start3A_352 : memref<1x128x128xf32, #tpu.memory_space<vmem>> -> memref<128x128xf32, #tpu.memory_space<vmem>>
            %dma_start3A_354 = arith.constant 0 : i32
            %dma_start3A_355 = tpu.memref_slice %arg2[%mul3A_341, %dma_start3A_354] : memref<38400x128xf32, #tpu.memory_space<hbm>> -> memref<128x128xf32, #tpu.memory_space<hbm>>
            tpu.enqueue_dma source(%dma_start3A_355 : memref<128x128xf32, #tpu.memory_space<hbm>>) target(%dma_start3A_353 : memref<128x128xf32, #tpu.memory_space<vmem>>) target_semaphore(%dma_start3A_349 : memref<!tpu.dma_semaphore, #tpu.memory_space<semaphore_mem>>)
            "tpu.trace_stop"() : () -> ()
          } else {
          }
          %and3A_226 = arith.constant true
          %and3A_227 = arith.andi %and3A, %and3A_226 : i1
          %add3A_228 = arith.constant 1 : i32
          %add3A_229 = arith.addi %while3A_176, %add3A_228 : i32
          %select_n3A_230 = arith.select %and3A_227, %add3A_229, %while3A_176 : i32
          %ne3A_231 = arith.cmpi ne, %add3A_188, %add3A_206 : i32
          %or3A_232 = arith.constant false
          %or3A_233 = arith.ori %or3A_232, %ne3A_231 : i1
          %sub3A_234 = arith.constant 2 : i32
          %sub3A_235 = arith.subi %mul3A_182, %sub3A_234 : i32
          %add3A_236 = arith.constant 1 : i32
          %add3A_237 = arith.addi %sub3A_235, %add3A_236 : i32
          %ge3A_238 = arith.cmpi sge, %while3A_175, %add3A_237 : i32
          %not3A_239 = arith.constant true
          %not3A_240 = arith.xori %ge3A_238, %not3A_239 : i1
          %and3A_241 = arith.andi %or3A_233, %not3A_240 : i1
          %convert_element_type3A_242 = arith.extui %and3A_241 : i1 to i32
          %cond3A_243 = arith.constant 0 : i32
          %cond3A_244 = arith.cmpi ne, %convert_element_type3A_242, %cond3A_243 : i32
          scf.if %cond3A_244 {
            "tpu.trace_start"() <{level = 10 : i32, message = "ep_copy_in"}> : () -> ()
            %rem3A_338 = arith.constant 2 : i32
            %rem3A_339 = arith.remui %while3A_178, %rem3A_338 : i32
            %mul3A_340 = arith.constant 128 : i32
            %mul3A_341 = arith.muli %mul3A_340, %add3A_206 : i32
            %dma_start3A_342 = arith.constant 0 : i32
            %dma_start3A_343 = arith.constant 0 : i32
            %dma_start3A_344 = tpu.memref_slice %run_scoped3A_27[%rem3A_339, %dma_start3A_342, %dma_start3A_343] : memref<2x1x128xi32, #tpu.memory_space<vmem>> -> memref<1x1x128xi32, #tpu.memory_space<vmem>>
            %dma_start3A_345 = tpu.memref_squeeze %dma_start3A_344 : memref<1x1x128xi32, #tpu.memory_space<vmem>> -> memref<1x128xi32, #tpu.memory_space<vmem>>
            %dma_start3A_346 = arith.constant 0 : i32
            %dma_start3A_347 = tpu.memref_slice %arg3[%dma_start3A_346, %mul3A_341] : memref<1x38400xi32, #tpu.memory_space<hbm>> -> memref<1x128xi32, #tpu.memory_space<hbm>>
            %dma_start3A_348 = tpu.memref_slice %run_scoped3A_28[%rem3A_339] : memref<2x!tpu.dma_semaphore, #tpu.memory_space<semaphore_mem>> -> memref<1x!tpu.dma_semaphore, #tpu.memory_space<semaphore_mem>>
            %dma_start3A_349 = tpu.memref_squeeze %dma_start3A_348 : memref<1x!tpu.dma_semaphore, #tpu.memory_space<semaphore_mem>> -> memref<!tpu.dma_semaphore, #tpu.memory_space<semaphore_mem>>
            %dma_start3A_350 = arith.constant 0 : i32
            %dma_start3A_351 = arith.constant 0 : i32
            %dma_start3A_352 = tpu.memref_slice %run_scoped3A_27[%rem3A_339, %dma_start3A_350, %dma_start3A_351] : memref<2x1x128xi32, #tpu.memory_space<vmem>> -> memref<1x1x128xi32, #tpu.memory_space<vmem>>
            %dma_start3A_353 = tpu.memref_squeeze %dma_start3A_352 : memref<1x1x128xi32, #tpu.memory_space<vmem>> -> memref<1x128xi32, #tpu.memory_space<vmem>>
            %dma_start3A_354 = arith.constant 0 : i32
            %dma_start3A_355 = tpu.memref_slice %arg3[%dma_start3A_354, %mul3A_341] : memref<1x38400xi32, #tpu.memory_space<hbm>> -> memref<1x128xi32, #tpu.memory_space<hbm>>
            tpu.enqueue_dma source(%dma_start3A_355 : memref<1x128xi32, #tpu.memory_space<hbm>>) target(%dma_start3A_353 : memref<1x128xi32, #tpu.memory_space<vmem>>) target_semaphore(%dma_start3A_349 : memref<!tpu.dma_semaphore, #tpu.memory_space<semaphore_mem>>)
            "tpu.trace_stop"() : () -> ()
          } else {
          }
          %and3A_245 = arith.constant true
          %and3A_246 = arith.andi %and3A_241, %and3A_245 : i1
          %add3A_247 = arith.constant 1 : i32
          %add3A_248 = arith.addi %while3A_178, %add3A_247 : i32
          %select_n3A_249 = arith.select %and3A_246, %add3A_248, %while3A_178 : i32
          %ne3A_250 = arith.cmpi ne, %add3A_188, %add3A_198 : i32
          %or3A_251 = arith.constant false
          %or3A_252 = arith.ori %or3A_251, %ne3A_250 : i1
          %or3A_253 = arith.constant false
          %or3A_254 = arith.ori %or3A_252, %or3A_253 : i1
          %or3A_255 = arith.ori %or3A_254, %eq3A_184 : i1
          %convert_element_type3A_256 = arith.extui %or3A_255 : i1 to i32
          %cond3A_257 = arith.constant 0 : i32
          %cond3A_258 = arith.cmpi ne, %convert_element_type3A_256, %cond3A_257 : i32
          scf.if %cond3A_258 {
            "tpu.trace_start"() <{level = 10 : i32, message = "ep_wait_in"}> : () -> ()
            %mul3A_338 = arith.constant 128 : i32
            %mul3A_339 = arith.muli %mul3A_338, %add3A_188 : i32
            %rem3A_340 = arith.constant 2 : i32
            %rem3A_341 = arith.remui %while3A_177, %rem3A_340 : i32
            %dma_wait3A = arith.constant 0 : i32
            %dma_wait3A_342 = arith.constant 0 : i32
            %dma_wait3A_343 = tpu.memref_slice %run_scoped3A[%rem3A_341, %dma_wait3A, %dma_wait3A_342] : memref<2x128x128xf32, #tpu.memory_space<vmem>> -> memref<1x128x128xf32, #tpu.memory_space<vmem>>
            %dma_wait3A_344 = tpu.memref_squeeze %dma_wait3A_343 : memref<1x128x128xf32, #tpu.memory_space<vmem>> -> memref<128x128xf32, #tpu.memory_space<vmem>>
            %dma_wait3A_345 = arith.constant 0 : i32
            %dma_wait3A_346 = tpu.memref_slice %arg2[%mul3A_339, %dma_wait3A_345] : memref<38400x128xf32, #tpu.memory_space<hbm>> -> memref<128x128xf32, #tpu.memory_space<hbm>>
            %dma_wait3A_347 = tpu.memref_slice %run_scoped3A_26[%rem3A_341] : memref<2x!tpu.dma_semaphore, #tpu.memory_space<semaphore_mem>> -> memref<1x!tpu.dma_semaphore, #tpu.memory_space<semaphore_mem>>
            %dma_wait3A_348 = tpu.memref_squeeze %dma_wait3A_347 : memref<1x!tpu.dma_semaphore, #tpu.memory_space<semaphore_mem>> -> memref<!tpu.dma_semaphore, #tpu.memory_space<semaphore_mem>>
            %dma_wait3A_349 = arith.constant 0 : i32
            %dma_wait3A_350 = arith.constant 0 : i32
            %dma_wait3A_351 = tpu.memref_slice %run_scoped3A[%rem3A_341, %dma_wait3A_349, %dma_wait3A_350] : memref<2x128x128xf32, #tpu.memory_space<vmem>> -> memref<1x128x128xf32, #tpu.memory_space<vmem>>
            %dma_wait3A_352 = tpu.memref_squeeze %dma_wait3A_351 : memref<1x128x128xf32, #tpu.memory_space<vmem>> -> memref<128x128xf32, #tpu.memory_space<vmem>>
            %dma_wait3A_353 = arith.constant 0 : i32
            %dma_wait3A_354 = tpu.memref_slice %arg2[%mul3A_339, %dma_wait3A_353] : memref<38400x128xf32, #tpu.memory_space<hbm>> -> memref<128x128xf32, #tpu.memory_space<hbm>>
            tpu.wait_dma2 semaphore(%dma_wait3A_348 : memref<!tpu.dma_semaphore, #tpu.memory_space<semaphore_mem>>) src(%dma_wait3A_354 : memref<128x128xf32, #tpu.memory_space<hbm>>) dst(%dma_wait3A_352 : memref<128x128xf32, #tpu.memory_space<vmem>>)
            "tpu.trace_stop"() : () -> ()
          } else {
          }
          %ne3A_259 = arith.cmpi ne, %add3A_188, %add3A_198 : i32
          %or3A_260 = arith.constant false
          %or3A_261 = arith.ori %or3A_260, %ne3A_259 : i1
          %or3A_262 = arith.ori %or3A_261, %eq3A_184 : i1
          %convert_element_type3A_263 = arith.extui %or3A_262 : i1 to i32
          %cond3A_264 = arith.constant 0 : i32
          %cond3A_265 = arith.cmpi ne, %convert_element_type3A_263, %cond3A_264 : i32
          scf.if %cond3A_265 {
            "tpu.trace_start"() <{level = 10 : i32, message = "ep_wait_in"}> : () -> ()
            %mul3A_338 = arith.constant 128 : i32
            %mul3A_339 = arith.muli %mul3A_338, %add3A_188 : i32
            %rem3A_340 = arith.constant 2 : i32
            %rem3A_341 = arith.remui %while3A_179, %rem3A_340 : i32
            %dma_wait3A = arith.constant 0 : i32
            %dma_wait3A_342 = arith.constant 0 : i32
            %dma_wait3A_343 = tpu.memref_slice %run_scoped3A_27[%rem3A_341, %dma_wait3A, %dma_wait3A_342] : memref<2x1x128xi32, #tpu.memory_space<vmem>> -> memref<1x1x128xi32, #tpu.memory_space<vmem>>
            %dma_wait3A_344 = tpu.memref_squeeze %dma_wait3A_343 : memref<1x1x128xi32, #tpu.memory_space<vmem>> -> memref<1x128xi32, #tpu.memory_space<vmem>>
            %dma_wait3A_345 = arith.constant 0 : i32
            %dma_wait3A_346 = tpu.memref_slice %arg3[%dma_wait3A_345, %mul3A_339] : memref<1x38400xi32, #tpu.memory_space<hbm>> -> memref<1x128xi32, #tpu.memory_space<hbm>>
            %dma_wait3A_347 = tpu.memref_slice %run_scoped3A_28[%rem3A_341] : memref<2x!tpu.dma_semaphore, #tpu.memory_space<semaphore_mem>> -> memref<1x!tpu.dma_semaphore, #tpu.memory_space<semaphore_mem>>
            %dma_wait3A_348 = tpu.memref_squeeze %dma_wait3A_347 : memref<1x!tpu.dma_semaphore, #tpu.memory_space<semaphore_mem>> -> memref<!tpu.dma_semaphore, #tpu.memory_space<semaphore_mem>>
            %dma_wait3A_349 = arith.constant 0 : i32
            %dma_wait3A_350 = arith.constant 0 : i32
            %dma_wait3A_351 = tpu.memref_slice %run_scoped3A_27[%rem3A_341, %dma_wait3A_349, %dma_wait3A_350] : memref<2x1x128xi32, #tpu.memory_space<vmem>> -> memref<1x1x128xi32, #tpu.memory_space<vmem>>
            %dma_wait3A_352 = tpu.memref_squeeze %dma_wait3A_351 : memref<1x1x128xi32, #tpu.memory_space<vmem>> -> memref<1x128xi32, #tpu.memory_space<vmem>>
            %dma_wait3A_353 = arith.constant 0 : i32
            %dma_wait3A_354 = tpu.memref_slice %arg3[%dma_wait3A_353, %mul3A_339] : memref<1x38400xi32, #tpu.memory_space<hbm>> -> memref<1x128xi32, #tpu.memory_space<hbm>>
            tpu.wait_dma2 semaphore(%dma_wait3A_348 : memref<!tpu.dma_semaphore, #tpu.memory_space<semaphore_mem>>) src(%dma_wait3A_354 : memref<1x128xi32, #tpu.memory_space<hbm>>) dst(%dma_wait3A_352 : memref<1x128xi32, #tpu.memory_space<vmem>>)
            "tpu.trace_stop"() : () -> ()
          } else {
          }
          %rem3A_266 = arith.constant 2 : i32
          %rem3A_267 = arith.remui %while3A_177, %rem3A_266 : i32
          %rem3A_268 = arith.constant 2 : i32
          %rem3A_269 = arith.remui %while3A_179, %rem3A_268 : i32
          %run_scoped3A_270 = arith.constant 0 : i32
          "tpu.trace_start"() <{level = 10 : i32, message = "ep_run_kernel"}> : () -> ()
          "tpu.region"() ({
            %run_scoped3A_338 = tpu.sem_alloc : memref<!tpu.dma_semaphore, #tpu.memory_space<semaphore_mem>>
            %dma_start3A_339 = arith.constant 0 : i32
            %dma_start3A_340 = arith.constant 0 : i32
            %dma_start3A_341 = tpu.memref_slice %run_scoped3A[%rem3A_267, %dma_start3A_339, %dma_start3A_340] : memref<2x128x128xf32, #tpu.memory_space<vmem>> -> memref<1x128x128xf32, #tpu.memory_space<vmem>>
            %dma_start3A_342 = tpu.memref_squeeze %dma_start3A_341 : memref<1x128x128xf32, #tpu.memory_space<vmem>> -> memref<128x128xf32, #tpu.memory_space<vmem>>
            %dma_start3A_343 = arith.constant 0 : i32
            %dma_start3A_344 = arith.constant 0 : i32
            %dma_start3A_345 = tpu.memref_slice %run_scoped3A_27[%rem3A_269, %dma_start3A_343, %dma_start3A_344] : memref<2x1x128xi32, #tpu.memory_space<vmem>> -> memref<1x1x128xi32, #tpu.memory_space<vmem>>
            %dma_start3A_346 = tpu.memref_squeeze %dma_start3A_345 : memref<1x1x128xi32, #tpu.memory_space<vmem>> -> memref<1x128xi32, #tpu.memory_space<vmem>>
            %dma_start3A_347 = arith.constant 0 : i32
            %dma_start3A_348 = tpu.memref_slice %dma_start3A_346[%run_scoped3A_270, %dma_start3A_347] : memref<1x128xi32, #tpu.memory_space<vmem>> -> memref<1x128xi32, #tpu.memory_space<vmem>>
            %dma_start3A_349 = tpu.memref_squeeze %dma_start3A_348 : memref<1x128xi32, #tpu.memory_space<vmem>> -> memref<128xi32, #tpu.memory_space<vmem>>
            %dma_start3A_350 = arith.constant 0 : i32
            %dma_start3A_351 = arith.constant 0 : i32
            %dma_start3A_352 = tpu.memref_slice %arg6[%dma_start3A_350, %dma_start3A_351] : memref<10112x128xf32, #tpu.memory_space<vmem_shared>> -> memref<10112x128xf32, #tpu.memory_space<vmem_shared>>
            tpu.enqueue_indirect_dma source(%dma_start3A_342 : memref<128x128xf32, #tpu.memory_space<vmem>>) target(%dma_start3A_352 : memref<10112x128xf32, #tpu.memory_space<vmem_shared>>) offsets(%dma_start3A_349 : memref<128xi32, #tpu.memory_space<vmem>>) semaphore(%run_scoped3A_338 : memref<!tpu.dma_semaphore, #tpu.memory_space<semaphore_mem>>) {add = true}
            %dma_wait3A = arith.constant 0 : i32
            %dma_wait3A_353 = arith.constant 0 : i32
            %dma_wait3A_354 = tpu.memref_slice %run_scoped3A[%rem3A_267, %dma_wait3A, %dma_wait3A_353] : memref<2x128x128xf32, #tpu.memory_space<vmem>> -> memref<1x128x128xf32, #tpu.memory_space<vmem>>
            %dma_wait3A_355 = tpu.memref_squeeze %dma_wait3A_354 : memref<1x128x128xf32, #tpu.memory_space<vmem>> -> memref<128x128xf32, #tpu.memory_space<vmem>>
            %dma_wait3A_356 = arith.constant 0 : i32
            %dma_wait3A_357 = arith.constant 0 : i32
            %dma_wait3A_358 = tpu.memref_slice %run_scoped3A_27[%rem3A_269, %dma_wait3A_356, %dma_wait3A_357] : memref<2x1x128xi32, #tpu.memory_space<vmem>> -> memref<1x1x128xi32, #tpu.memory_space<vmem>>
            %dma_wait3A_359 = tpu.memref_squeeze %dma_wait3A_358 : memref<1x1x128xi32, #tpu.memory_space<vmem>> -> memref<1x128xi32, #tpu.memory_space<vmem>>
            %dma_wait3A_360 = arith.constant 0 : i32
            %dma_wait3A_361 = tpu.memref_slice %dma_wait3A_359[%run_scoped3A_270, %dma_wait3A_360] : memref<1x128xi32, #tpu.memory_space<vmem>> -> memref<1x128xi32, #tpu.memory_space<vmem>>
            %dma_wait3A_362 = tpu.memref_squeeze %dma_wait3A_361 : memref<1x128xi32, #tpu.memory_space<vmem>> -> memref<128xi32, #tpu.memory_space<vmem>>
            %dma_wait3A_363 = arith.constant 0 : i32
            %dma_wait3A_364 = arith.constant 0 : i32
            %dma_wait3A_365 = tpu.memref_slice %arg6[%dma_wait3A_363, %dma_wait3A_364] : memref<10112x128xf32, #tpu.memory_space<vmem_shared>> -> memref<10112x128xf32, #tpu.memory_space<vmem_shared>>
            tpu.wait_indirect_dma semaphore(%run_scoped3A_338 : memref<!tpu.dma_semaphore, #tpu.memory_space<semaphore_mem>>) src(%dma_wait3A_355 : memref<128x128xf32, #tpu.memory_space<vmem>>) dst(%dma_wait3A_365 : memref<10112x128xf32, #tpu.memory_space<vmem_shared>>)
            tpu.yield
          }) : () -> ()
          "tpu.trace_stop"() : () -> ()
          %ne3A_271 = arith.cmpi ne, %add3A_188, %add3A_206 : i32
          %or3A_272 = arith.constant false
          %or3A_273 = arith.ori %or3A_272, %ne3A_271 : i1
          %or3A_274 = arith.constant false
          %or3A_275 = arith.ori %or3A_273, %or3A_274 : i1
          %or3A_276 = arith.ori %or3A_275, %eq3A_187 : i1
          %convert_element_type3A_277 = arith.extui %or3A_276 : i1 to i32
          %cond3A_278 = arith.constant 0 : i32
          %cond3A_279 = arith.cmpi ne, %convert_element_type3A_277, %cond3A_278 : i32
          scf.if %cond3A_279 {
          } else {
          }
          %and3A_280 = arith.constant false
          %and3A_281 = arith.andi %or3A_276, %and3A_280 : i1
          %ne3A_282 = arith.cmpi ne, %add3A_188, %add3A_206 : i32
          %or3A_283 = arith.constant false
          %or3A_284 = arith.ori %or3A_283, %ne3A_282 : i1
          %or3A_285 = arith.ori %or3A_284, %eq3A_187 : i1
          %convert_element_type3A_286 = arith.extui %or3A_285 : i1 to i32
          %cond3A_287 = arith.constant 0 : i32
          %cond3A_288 = arith.cmpi ne, %convert_element_type3A_286, %cond3A_287 : i32
          scf.if %cond3A_288 {
          } else {
          }
          %and3A_289 = arith.constant false
          %and3A_290 = arith.andi %or3A_285, %and3A_289 : i1
          %ne3A_291 = arith.cmpi ne, %add3A_188, %add3A_198 : i32
          %or3A_292 = arith.constant false
          %or3A_293 = arith.ori %or3A_292, %ne3A_291 : i1
          %or3A_294 = arith.constant false
          %or3A_295 = arith.ori %or3A_293, %or3A_294 : i1
          %not3A_296 = arith.constant true
          %not3A_297 = arith.xori %eq3A_184, %not3A_296 : i1
          %and3A_298 = arith.andi %or3A_295, %not3A_297 : i1
          %convert_element_type3A_299 = arith.extui %and3A_298 : i1 to i32
          %cond3A_300 = arith.constant 0 : i32
          %cond3A_301 = arith.cmpi ne, %convert_element_type3A_299, %cond3A_300 : i32
          scf.if %cond3A_301 {
          } else {
          }
          %and3A_302 = arith.constant false
          %and3A_303 = arith.andi %and3A_298, %and3A_302 : i1
          %ne3A_304 = arith.cmpi ne, %add3A_188, %add3A_198 : i32
          %or3A_305 = arith.constant false
          %or3A_306 = arith.ori %or3A_305, %ne3A_304 : i1
          %not3A_307 = arith.constant true
          %not3A_308 = arith.xori %eq3A_184, %not3A_307 : i1
          %and3A_309 = arith.andi %or3A_306, %not3A_308 : i1
          %convert_element_type3A_310 = arith.extui %and3A_309 : i1 to i32
          %cond3A_311 = arith.constant 0 : i32
          %cond3A_312 = arith.cmpi ne, %convert_element_type3A_310, %cond3A_311 : i32
          scf.if %cond3A_312 {
          } else {
          }
          %and3A_313 = arith.constant false
          %and3A_314 = arith.andi %and3A_309, %and3A_313 : i1
          %ne3A_315 = arith.cmpi ne, %add3A_188, %add3A_206 : i32
          %or3A_316 = arith.constant false
          %or3A_317 = arith.ori %or3A_316, %ne3A_315 : i1
          %or3A_318 = arith.constant false
          %or3A_319 = arith.ori %or3A_317, %or3A_318 : i1
          %or3A_320 = arith.ori %or3A_319, %eq3A_187 : i1
          %add3A_321 = arith.constant 1 : i32
          %add3A_322 = arith.addi %while3A_177, %add3A_321 : i32
          %select_n3A_323 = arith.select %or3A_320, %add3A_322, %while3A_177 : i32
          %ne3A_324 = arith.cmpi ne, %add3A_188, %add3A_206 : i32
          %or3A_325 = arith.constant false
          %or3A_326 = arith.ori %or3A_325, %ne3A_324 : i1
          %or3A_327 = arith.ori %or3A_326, %eq3A_187 : i1
          %add3A_328 = arith.constant 1 : i32
          %add3A_329 = arith.addi %while3A_179, %add3A_328 : i32
          %select_n3A_330 = arith.select %or3A_327, %add3A_329, %while3A_179 : i32
          %add3A_331 = arith.constant 1 : i32
          %add3A_332 = arith.addi %while3A_180, %add3A_331 : i32
          %select_n3A_333 = arith.constant true
          %select_n3A_334 = arith.select %select_n3A_333, %add3A_332, %while3A_180 : i32
          %eq3A_335 = arith.cmpi eq, %select_n3A_334, %select_n3A : i32
          %select_n3A_336 = arith.constant 0 : i32
          %select_n3A_337 = arith.select %eq3A_335, %select_n3A_336, %select_n3A_334 : i32
          scf.yield %select_n3A_230, %select_n3A_323, %select_n3A_249, %select_n3A_330, %select_n3A_337 : i32, i32, i32, i32, i32
        }
        %while3A_122 = arith.constant 1 : i32
        %while3A_123:5 = scf.for %while3A_175 = %while3A_119 to %while3A_115 step %while3A_122 iter_args(%while3A_176 = %while3A_121#0, %while3A_177 = %while3A_121#1, %while3A_178 = %while3A_121#2, %while3A_179 = %while3A_121#3, %while3A_180 = %while3A_121#4) -> (i32, i32, i32, i32, i32)  : i32 {
          %mul3A_181 = arith.constant 1 : i32
          %mul3A_182 = arith.muli %mul3A_181, %select_n3A : i32
          %eq3A_183 = arith.constant 0 : i32
          %eq3A_184 = arith.cmpi eq, %while3A_175, %eq3A_183 : i32
          %sub3A_185 = arith.constant 1 : i32
          %sub3A_186 = arith.subi %mul3A_182, %sub3A_185 : i32
          %eq3A_187 = arith.cmpi eq, %while3A_175, %sub3A_186 : i32
          %add3A_188 = arith.addi %while3A_180, %select_n3A_18 : i32
          %sub3A_189 = arith.constant 1 : i32
          %sub3A_190 = arith.subi %while3A_180, %sub3A_189 : i32
          %select_n3A_191 = arith.constant true
          %select_n3A_192 = arith.select %select_n3A_191, %sub3A_190, %while3A_180 : i32
          %eq3A_193 = arith.constant -1 : i32
          %eq3A_194 = arith.cmpi eq, %select_n3A_192, %eq3A_193 : i32
          %sub3A_195 = arith.constant 1 : i32
          %sub3A_196 = arith.subi %select_n3A, %sub3A_195 : i32
          %select_n3A_197 = arith.select %eq3A_194, %sub3A_196, %select_n3A_192 : i32
          %add3A_198 = arith.addi %select_n3A_197, %select_n3A_18 : i32
          %add3A_199 = arith.constant 1 : i32
          %add3A_200 = arith.addi %while3A_180, %add3A_199 : i32
          %select_n3A_201 = arith.constant true
          %select_n3A_202 = arith.select %select_n3A_201, %add3A_200, %while3A_180 : i32
          %eq3A_203 = arith.cmpi eq, %select_n3A_202, %select_n3A : i32
          %select_n3A_204 = arith.constant 0 : i32
          %select_n3A_205 = arith.select %eq3A_203, %select_n3A_204, %select_n3A_202 : i32
          %add3A_206 = arith.addi %select_n3A_205, %select_n3A_18 : i32
          %add3A_207 = arith.constant 1 : i32
          %add3A_208 = arith.addi %select_n3A_205, %add3A_207 : i32
          %select_n3A_209 = arith.constant true
          %select_n3A_210 = arith.select %select_n3A_209, %add3A_208, %select_n3A_205 : i32
          %eq3A_211 = arith.cmpi eq, %select_n3A_210, %select_n3A : i32
          %select_n3A_212 = arith.constant 0 : i32
          %select_n3A_213 = arith.select %eq3A_211, %select_n3A_212, %select_n3A_210 : i32
          %add3A_214 = arith.addi %select_n3A_213, %select_n3A_18 : i32
          %ne3A = arith.cmpi ne, %add3A_188, %add3A_206 : i32
          %or3A = arith.constant false
          %or3A_215 = arith.ori %or3A, %ne3A : i1
          %or3A_216 = arith.constant false
          %or3A_217 = arith.ori %or3A_215, %or3A_216 : i1
          %sub3A_218 = arith.constant 2 : i32
          %sub3A_219 = arith.subi %mul3A_182, %sub3A_218 : i32
          %add3A_220 = arith.constant 1 : i32
          %add3A_221 = arith.addi %sub3A_219, %add3A_220 : i32
          %ge3A = arith.cmpi sge, %while3A_175, %add3A_221 : i32
          %not3A = arith.constant true
          %not3A_222 = arith.xori %ge3A, %not3A : i1
          %and3A = arith.andi %or3A_217, %not3A_222 : i1
          %convert_element_type3A_223 = arith.extui %and3A : i1 to i32
          %cond3A_224 = arith.constant 0 : i32
          %cond3A_225 = arith.cmpi ne, %convert_element_type3A_223, %cond3A_224 : i32
          scf.if %cond3A_225 {
            "tpu.trace_start"() <{level = 10 : i32, message = "ep_copy_in"}> : () -> ()
            %rem3A_338 = arith.constant 2 : i32
            %rem3A_339 = arith.remui %while3A_176, %rem3A_338 : i32
            %mul3A_340 = arith.constant 128 : i32
            %mul3A_341 = arith.muli %mul3A_340, %add3A_206 : i32
            %dma_start3A_342 = arith.constant 0 : i32
            %dma_start3A_343 = arith.constant 0 : i32
            %dma_start3A_344 = tpu.memref_slice %run_scoped3A[%rem3A_339, %dma_start3A_342, %dma_start3A_343] : memref<2x128x128xf32, #tpu.memory_space<vmem>> -> memref<1x128x128xf32, #tpu.memory_space<vmem>>
            %dma_start3A_345 = tpu.memref_squeeze %dma_start3A_344 : memref<1x128x128xf32, #tpu.memory_space<vmem>> -> memref<128x128xf32, #tpu.memory_space<vmem>>
            %dma_start3A_346 = arith.constant 0 : i32
            %dma_start3A_347 = tpu.memref_slice %arg2[%mul3A_341, %dma_start3A_346] : memref<38400x128xf32, #tpu.memory_space<hbm>> -> memref<128x128xf32, #tpu.memory_space<hbm>>
            %dma_start3A_348 = tpu.memref_slice %run_scoped3A_26[%rem3A_339] : memref<2x!tpu.dma_semaphore, #tpu.memory_space<semaphore_mem>> -> memref<1x!tpu.dma_semaphore, #tpu.memory_space<semaphore_mem>>
            %dma_start3A_349 = tpu.memref_squeeze %dma_start3A_348 : memref<1x!tpu.dma_semaphore, #tpu.memory_space<semaphore_mem>> -> memref<!tpu.dma_semaphore, #tpu.memory_space<semaphore_mem>>
            %dma_start3A_350 = arith.constant 0 : i32
            %dma_start3A_351 = arith.constant 0 : i32
            %dma_start3A_352 = tpu.memref_slice %run_scoped3A[%rem3A_339, %dma_start3A_350, %dma_start3A_351] : memref<2x128x128xf32, #tpu.memory_space<vmem>> -> memref<1x128x128xf32, #tpu.memory_space<vmem>>
            %dma_start3A_353 = tpu.memref_squeeze %dma_start3A_352 : memref<1x128x128xf32, #tpu.memory_space<vmem>> -> memref<128x128xf32, #tpu.memory_space<vmem>>
            %dma_start3A_354 = arith.constant 0 : i32
            %dma_start3A_355 = tpu.memref_slice %arg2[%mul3A_341, %dma_start3A_354] : memref<38400x128xf32, #tpu.memory_space<hbm>> -> memref<128x128xf32, #tpu.memory_space<hbm>>
            tpu.enqueue_dma source(%dma_start3A_355 : memref<128x128xf32, #tpu.memory_space<hbm>>) target(%dma_start3A_353 : memref<128x128xf32, #tpu.memory_space<vmem>>) target_semaphore(%dma_start3A_349 : memref<!tpu.dma_semaphore, #tpu.memory_space<semaphore_mem>>)
            "tpu.trace_stop"() : () -> ()
          } else {
          }
          %and3A_226 = arith.constant true
          %and3A_227 = arith.andi %and3A, %and3A_226 : i1
          %add3A_228 = arith.constant 1 : i32
          %add3A_229 = arith.addi %while3A_176, %add3A_228 : i32
          %select_n3A_230 = arith.select %and3A_227, %add3A_229, %while3A_176 : i32
          %ne3A_231 = arith.cmpi ne, %add3A_188, %add3A_206 : i32
          %or3A_232 = arith.constant false
          %or3A_233 = arith.ori %or3A_232, %ne3A_231 : i1
          %sub3A_234 = arith.constant 2 : i32
          %sub3A_235 = arith.subi %mul3A_182, %sub3A_234 : i32
          %add3A_236 = arith.constant 1 : i32
          %add3A_237 = arith.addi %sub3A_235, %add3A_236 : i32
          %ge3A_238 = arith.cmpi sge, %while3A_175, %add3A_237 : i32
          %not3A_239 = arith.constant true
          %not3A_240 = arith.xori %ge3A_238, %not3A_239 : i1
          %and3A_241 = arith.andi %or3A_233, %not3A_240 : i1
          %convert_element_type3A_242 = arith.extui %and3A_241 : i1 to i32
          %cond3A_243 = arith.constant 0 : i32
          %cond3A_244 = arith.cmpi ne, %convert_element_type3A_242, %cond3A_243 : i32
          scf.if %cond3A_244 {
            "tpu.trace_start"() <{level = 10 : i32, message = "ep_copy_in"}> : () -> ()
            %rem3A_338 = arith.constant 2 : i32
            %rem3A_339 = arith.remui %while3A_178, %rem3A_338 : i32
            %mul3A_340 = arith.constant 128 : i32
            %mul3A_341 = arith.muli %mul3A_340, %add3A_206 : i32
            %dma_start3A_342 = arith.constant 0 : i32
            %dma_start3A_343 = arith.constant 0 : i32
            %dma_start3A_344 = tpu.memref_slice %run_scoped3A_27[%rem3A_339, %dma_start3A_342, %dma_start3A_343] : memref<2x1x128xi32, #tpu.memory_space<vmem>> -> memref<1x1x128xi32, #tpu.memory_space<vmem>>
            %dma_start3A_345 = tpu.memref_squeeze %dma_start3A_344 : memref<1x1x128xi32, #tpu.memory_space<vmem>> -> memref<1x128xi32, #tpu.memory_space<vmem>>
            %dma_start3A_346 = arith.constant 0 : i32
            %dma_start3A_347 = tpu.memref_slice %arg3[%dma_start3A_346, %mul3A_341] : memref<1x38400xi32, #tpu.memory_space<hbm>> -> memref<1x128xi32, #tpu.memory_space<hbm>>
            %dma_start3A_348 = tpu.memref_slice %run_scoped3A_28[%rem3A_339] : memref<2x!tpu.dma_semaphore, #tpu.memory_space<semaphore_mem>> -> memref<1x!tpu.dma_semaphore, #tpu.memory_space<semaphore_mem>>
            %dma_start3A_349 = tpu.memref_squeeze %dma_start3A_348 : memref<1x!tpu.dma_semaphore, #tpu.memory_space<semaphore_mem>> -> memref<!tpu.dma_semaphore, #tpu.memory_space<semaphore_mem>>
            %dma_start3A_350 = arith.constant 0 : i32
            %dma_start3A_351 = arith.constant 0 : i32
            %dma_start3A_352 = tpu.memref_slice %run_scoped3A_27[%rem3A_339, %dma_start3A_350, %dma_start3A_351] : memref<2x1x128xi32, #tpu.memory_space<vmem>> -> memref<1x1x128xi32, #tpu.memory_space<vmem>>
            %dma_start3A_353 = tpu.memref_squeeze %dma_start3A_352 : memref<1x1x128xi32, #tpu.memory_space<vmem>> -> memref<1x128xi32, #tpu.memory_space<vmem>>
            %dma_start3A_354 = arith.constant 0 : i32
            %dma_start3A_355 = tpu.memref_slice %arg3[%dma_start3A_354, %mul3A_341] : memref<1x38400xi32, #tpu.memory_space<hbm>> -> memref<1x128xi32, #tpu.memory_space<hbm>>
            tpu.enqueue_dma source(%dma_start3A_355 : memref<1x128xi32, #tpu.memory_space<hbm>>) target(%dma_start3A_353 : memref<1x128xi32, #tpu.memory_space<vmem>>) target_semaphore(%dma_start3A_349 : memref<!tpu.dma_semaphore, #tpu.memory_space<semaphore_mem>>)
            "tpu.trace_stop"() : () -> ()
          } else {
          }
          %and3A_245 = arith.constant true
          %and3A_246 = arith.andi %and3A_241, %and3A_245 : i1
          %add3A_247 = arith.constant 1 : i32
          %add3A_248 = arith.addi %while3A_178, %add3A_247 : i32
          %select_n3A_249 = arith.select %and3A_246, %add3A_248, %while3A_178 : i32
          %ne3A_250 = arith.cmpi ne, %add3A_188, %add3A_198 : i32
          %or3A_251 = arith.constant false
          %or3A_252 = arith.ori %or3A_251, %ne3A_250 : i1
          %or3A_253 = arith.constant false
          %or3A_254 = arith.ori %or3A_252, %or3A_253 : i1
          %or3A_255 = arith.ori %or3A_254, %eq3A_184 : i1
          %convert_element_type3A_256 = arith.extui %or3A_255 : i1 to i32
          %cond3A_257 = arith.constant 0 : i32
          %cond3A_258 = arith.cmpi ne, %convert_element_type3A_256, %cond3A_257 : i32
          scf.if %cond3A_258 {
            "tpu.trace_start"() <{level = 10 : i32, message = "ep_wait_in"}> : () -> ()
            %mul3A_338 = arith.constant 128 : i32
            %mul3A_339 = arith.muli %mul3A_338, %add3A_188 : i32
            %rem3A_340 = arith.constant 2 : i32
            %rem3A_341 = arith.remui %while3A_177, %rem3A_340 : i32
            %dma_wait3A = arith.constant 0 : i32
            %dma_wait3A_342 = arith.constant 0 : i32
            %dma_wait3A_343 = tpu.memref_slice %run_scoped3A[%rem3A_341, %dma_wait3A, %dma_wait3A_342] : memref<2x128x128xf32, #tpu.memory_space<vmem>> -> memref<1x128x128xf32, #tpu.memory_space<vmem>>
            %dma_wait3A_344 = tpu.memref_squeeze %dma_wait3A_343 : memref<1x128x128xf32, #tpu.memory_space<vmem>> -> memref<128x128xf32, #tpu.memory_space<vmem>>
            %dma_wait3A_345 = arith.constant 0 : i32
            %dma_wait3A_346 = tpu.memref_slice %arg2[%mul3A_339, %dma_wait3A_345] : memref<38400x128xf32, #tpu.memory_space<hbm>> -> memref<128x128xf32, #tpu.memory_space<hbm>>
            %dma_wait3A_347 = tpu.memref_slice %run_scoped3A_26[%rem3A_341] : memref<2x!tpu.dma_semaphore, #tpu.memory_space<semaphore_mem>> -> memref<1x!tpu.dma_semaphore, #tpu.memory_space<semaphore_mem>>
            %dma_wait3A_348 = tpu.memref_squeeze %dma_wait3A_347 : memref<1x!tpu.dma_semaphore, #tpu.memory_space<semaphore_mem>> -> memref<!tpu.dma_semaphore, #tpu.memory_space<semaphore_mem>>
            %dma_wait3A_349 = arith.constant 0 : i32
            %dma_wait3A_350 = arith.constant 0 : i32
            %dma_wait3A_351 = tpu.memref_slice %run_scoped3A[%rem3A_341, %dma_wait3A_349, %dma_wait3A_350] : memref<2x128x128xf32, #tpu.memory_space<vmem>> -> memref<1x128x128xf32, #tpu.memory_space<vmem>>
            %dma_wait3A_352 = tpu.memref_squeeze %dma_wait3A_351 : memref<1x128x128xf32, #tpu.memory_space<vmem>> -> memref<128x128xf32, #tpu.memory_space<vmem>>
            %dma_wait3A_353 = arith.constant 0 : i32
            %dma_wait3A_354 = tpu.memref_slice %arg2[%mul3A_339, %dma_wait3A_353] : memref<38400x128xf32, #tpu.memory_space<hbm>> -> memref<128x128xf32, #tpu.memory_space<hbm>>
            tpu.wait_dma2 semaphore(%dma_wait3A_348 : memref<!tpu.dma_semaphore, #tpu.memory_space<semaphore_mem>>) src(%dma_wait3A_354 : memref<128x128xf32, #tpu.memory_space<hbm>>) dst(%dma_wait3A_352 : memref<128x128xf32, #tpu.memory_space<vmem>>)
            "tpu.trace_stop"() : () -> ()
          } else {
          }
          %ne3A_259 = arith.cmpi ne, %add3A_188, %add3A_198 : i32
          %or3A_260 = arith.constant false
          %or3A_261 = arith.ori %or3A_260, %ne3A_259 : i1
          %or3A_262 = arith.ori %or3A_261, %eq3A_184 : i1
          %convert_element_type3A_263 = arith.extui %or3A_262 : i1 to i32
          %cond3A_264 = arith.constant 0 : i32
          %cond3A_265 = arith.cmpi ne, %convert_element_type3A_263, %cond3A_264 : i32
          scf.if %cond3A_265 {
            "tpu.trace_start"() <{level = 10 : i32, message = "ep_wait_in"}> : () -> ()
            %mul3A_338 = arith.constant 128 : i32
            %mul3A_339 = arith.muli %mul3A_338, %add3A_188 : i32
            %rem3A_340 = arith.constant 2 : i32
            %rem3A_341 = arith.remui %while3A_179, %rem3A_340 : i32
            %dma_wait3A = arith.constant 0 : i32
            %dma_wait3A_342 = arith.constant 0 : i32
            %dma_wait3A_343 = tpu.memref_slice %run_scoped3A_27[%rem3A_341, %dma_wait3A, %dma_wait3A_342] : memref<2x1x128xi32, #tpu.memory_space<vmem>> -> memref<1x1x128xi32, #tpu.memory_space<vmem>>
            %dma_wait3A_344 = tpu.memref_squeeze %dma_wait3A_343 : memref<1x1x128xi32, #tpu.memory_space<vmem>> -> memref<1x128xi32, #tpu.memory_space<vmem>>
            %dma_wait3A_345 = arith.constant 0 : i32
            %dma_wait3A_346 = tpu.memref_slice %arg3[%dma_wait3A_345, %mul3A_339] : memref<1x38400xi32, #tpu.memory_space<hbm>> -> memref<1x128xi32, #tpu.memory_space<hbm>>
            %dma_wait3A_347 = tpu.memref_slice %run_scoped3A_28[%rem3A_341] : memref<2x!tpu.dma_semaphore, #tpu.memory_space<semaphore_mem>> -> memref<1x!tpu.dma_semaphore, #tpu.memory_space<semaphore_mem>>
            %dma_wait3A_348 = tpu.memref_squeeze %dma_wait3A_347 : memref<1x!tpu.dma_semaphore, #tpu.memory_space<semaphore_mem>> -> memref<!tpu.dma_semaphore, #tpu.memory_space<semaphore_mem>>
            %dma_wait3A_349 = arith.constant 0 : i32
            %dma_wait3A_350 = arith.constant 0 : i32
            %dma_wait3A_351 = tpu.memref_slice %run_scoped3A_27[%rem3A_341, %dma_wait3A_349, %dma_wait3A_350] : memref<2x1x128xi32, #tpu.memory_space<vmem>> -> memref<1x1x128xi32, #tpu.memory_space<vmem>>
            %dma_wait3A_352 = tpu.memref_squeeze %dma_wait3A_351 : memref<1x1x128xi32, #tpu.memory_space<vmem>> -> memref<1x128xi32, #tpu.memory_space<vmem>>
            %dma_wait3A_353 = arith.constant 0 : i32
            %dma_wait3A_354 = tpu.memref_slice %arg3[%dma_wait3A_353, %mul3A_339] : memref<1x38400xi32, #tpu.memory_space<hbm>> -> memref<1x128xi32, #tpu.memory_space<hbm>>
            tpu.wait_dma2 semaphore(%dma_wait3A_348 : memref<!tpu.dma_semaphore, #tpu.memory_space<semaphore_mem>>) src(%dma_wait3A_354 : memref<1x128xi32, #tpu.memory_space<hbm>>) dst(%dma_wait3A_352 : memref<1x128xi32, #tpu.memory_space<vmem>>)
            "tpu.trace_stop"() : () -> ()
          } else {
          }
          %rem3A_266 = arith.constant 2 : i32
          %rem3A_267 = arith.remui %while3A_177, %rem3A_266 : i32
          %rem3A_268 = arith.constant 2 : i32
          %rem3A_269 = arith.remui %while3A_179, %rem3A_268 : i32
          %run_scoped3A_270 = arith.constant 0 : i32
          "tpu.trace_start"() <{level = 10 : i32, message = "ep_run_kernel"}> : () -> ()
          "tpu.region"() ({
            %run_scoped3A_338 = tpu.sem_alloc : memref<!tpu.dma_semaphore, #tpu.memory_space<semaphore_mem>>
            %dma_start3A_339 = arith.constant 0 : i32
            %dma_start3A_340 = arith.constant 0 : i32
            %dma_start3A_341 = tpu.memref_slice %run_scoped3A[%rem3A_267, %dma_start3A_339, %dma_start3A_340] : memref<2x128x128xf32, #tpu.memory_space<vmem>> -> memref<1x128x128xf32, #tpu.memory_space<vmem>>
            %dma_start3A_342 = tpu.memref_squeeze %dma_start3A_341 : memref<1x128x128xf32, #tpu.memory_space<vmem>> -> memref<128x128xf32, #tpu.memory_space<vmem>>
            %dma_start3A_343 = arith.constant 0 : i32
            %dma_start3A_344 = arith.constant 0 : i32
            %dma_start3A_345 = tpu.memref_slice %run_scoped3A_27[%rem3A_269, %dma_start3A_343, %dma_start3A_344] : memref<2x1x128xi32, #tpu.memory_space<vmem>> -> memref<1x1x128xi32, #tpu.memory_space<vmem>>
            %dma_start3A_346 = tpu.memref_squeeze %dma_start3A_345 : memref<1x1x128xi32, #tpu.memory_space<vmem>> -> memref<1x128xi32, #tpu.memory_space<vmem>>
            %dma_start3A_347 = arith.constant 0 : i32
            %dma_start3A_348 = tpu.memref_slice %dma_start3A_346[%run_scoped3A_270, %dma_start3A_347] : memref<1x128xi32, #tpu.memory_space<vmem>> -> memref<1x128xi32, #tpu.memory_space<vmem>>
            %dma_start3A_349 = tpu.memref_squeeze %dma_start3A_348 : memref<1x128xi32, #tpu.memory_space<vmem>> -> memref<128xi32, #tpu.memory_space<vmem>>
            %dma_start3A_350 = arith.constant 0 : i32
            %dma_start3A_351 = arith.constant 0 : i32
            %dma_start3A_352 = tpu.memref_slice %arg6[%dma_start3A_350, %dma_start3A_351] : memref<10112x128xf32, #tpu.memory_space<vmem_shared>> -> memref<10112x128xf32, #tpu.memory_space<vmem_shared>>
            tpu.enqueue_indirect_dma source(%dma_start3A_342 : memref<128x128xf32, #tpu.memory_space<vmem>>) target(%dma_start3A_352 : memref<10112x128xf32, #tpu.memory_space<vmem_shared>>) offsets(%dma_start3A_349 : memref<128xi32, #tpu.memory_space<vmem>>) semaphore(%run_scoped3A_338 : memref<!tpu.dma_semaphore, #tpu.memory_space<semaphore_mem>>) {add = true}
            %dma_wait3A = arith.constant 0 : i32
            %dma_wait3A_353 = arith.constant 0 : i32
            %dma_wait3A_354 = tpu.memref_slice %run_scoped3A[%rem3A_267, %dma_wait3A, %dma_wait3A_353] : memref<2x128x128xf32, #tpu.memory_space<vmem>> -> memref<1x128x128xf32, #tpu.memory_space<vmem>>
            %dma_wait3A_355 = tpu.memref_squeeze %dma_wait3A_354 : memref<1x128x128xf32, #tpu.memory_space<vmem>> -> memref<128x128xf32, #tpu.memory_space<vmem>>
            %dma_wait3A_356 = arith.constant 0 : i32
            %dma_wait3A_357 = arith.constant 0 : i32
            %dma_wait3A_358 = tpu.memref_slice %run_scoped3A_27[%rem3A_269, %dma_wait3A_356, %dma_wait3A_357] : memref<2x1x128xi32, #tpu.memory_space<vmem>> -> memref<1x1x128xi32, #tpu.memory_space<vmem>>
            %dma_wait3A_359 = tpu.memref_squeeze %dma_wait3A_358 : memref<1x1x128xi32, #tpu.memory_space<vmem>> -> memref<1x128xi32, #tpu.memory_space<vmem>>
            %dma_wait3A_360 = arith.constant 0 : i32
            %dma_wait3A_361 = tpu.memref_slice %dma_wait3A_359[%run_scoped3A_270, %dma_wait3A_360] : memref<1x128xi32, #tpu.memory_space<vmem>> -> memref<1x128xi32, #tpu.memory_space<vmem>>
            %dma_wait3A_362 = tpu.memref_squeeze %dma_wait3A_361 : memref<1x128xi32, #tpu.memory_space<vmem>> -> memref<128xi32, #tpu.memory_space<vmem>>
            %dma_wait3A_363 = arith.constant 0 : i32
            %dma_wait3A_364 = arith.constant 0 : i32
            %dma_wait3A_365 = tpu.memref_slice %arg6[%dma_wait3A_363, %dma_wait3A_364] : memref<10112x128xf32, #tpu.memory_space<vmem_shared>> -> memref<10112x128xf32, #tpu.memory_space<vmem_shared>>
            tpu.wait_indirect_dma semaphore(%run_scoped3A_338 : memref<!tpu.dma_semaphore, #tpu.memory_space<semaphore_mem>>) src(%dma_wait3A_355 : memref<128x128xf32, #tpu.memory_space<vmem>>) dst(%dma_wait3A_365 : memref<10112x128xf32, #tpu.memory_space<vmem_shared>>)
            tpu.yield
          }) : () -> ()
          "tpu.trace_stop"() : () -> ()
          %ne3A_271 = arith.cmpi ne, %add3A_188, %add3A_206 : i32
          %or3A_272 = arith.constant false
          %or3A_273 = arith.ori %or3A_272, %ne3A_271 : i1
          %or3A_274 = arith.constant false
          %or3A_275 = arith.ori %or3A_273, %or3A_274 : i1
          %or3A_276 = arith.ori %or3A_275, %eq3A_187 : i1
          %convert_element_type3A_277 = arith.extui %or3A_276 : i1 to i32
          %cond3A_278 = arith.constant 0 : i32
          %cond3A_279 = arith.cmpi ne, %convert_element_type3A_277, %cond3A_278 : i32
          scf.if %cond3A_279 {
          } else {
          }
          %and3A_280 = arith.constant false
          %and3A_281 = arith.andi %or3A_276, %and3A_280 : i1
          %ne3A_282 = arith.cmpi ne, %add3A_188, %add3A_206 : i32
          %or3A_283 = arith.constant false
          %or3A_284 = arith.ori %or3A_283, %ne3A_282 : i1
          %or3A_285 = arith.ori %or3A_284, %eq3A_187 : i1
          %convert_element_type3A_286 = arith.extui %or3A_285 : i1 to i32
          %cond3A_287 = arith.constant 0 : i32
          %cond3A_288 = arith.cmpi ne, %convert_element_type3A_286, %cond3A_287 : i32
          scf.if %cond3A_288 {
          } else {
          }
          %and3A_289 = arith.constant false
          %and3A_290 = arith.andi %or3A_285, %and3A_289 : i1
          %ne3A_291 = arith.cmpi ne, %add3A_188, %add3A_198 : i32
          %or3A_292 = arith.constant false
          %or3A_293 = arith.ori %or3A_292, %ne3A_291 : i1
          %or3A_294 = arith.constant false
          %or3A_295 = arith.ori %or3A_293, %or3A_294 : i1
          %not3A_296 = arith.constant true
          %not3A_297 = arith.xori %eq3A_184, %not3A_296 : i1
          %and3A_298 = arith.andi %or3A_295, %not3A_297 : i1
          %convert_element_type3A_299 = arith.extui %and3A_298 : i1 to i32
          %cond3A_300 = arith.constant 0 : i32
          %cond3A_301 = arith.cmpi ne, %convert_element_type3A_299, %cond3A_300 : i32
          scf.if %cond3A_301 {
          } else {
          }
          %and3A_302 = arith.constant false
          %and3A_303 = arith.andi %and3A_298, %and3A_302 : i1
          %ne3A_304 = arith.cmpi ne, %add3A_188, %add3A_198 : i32
          %or3A_305 = arith.constant false
          %or3A_306 = arith.ori %or3A_305, %ne3A_304 : i1
          %not3A_307 = arith.constant true
          %not3A_308 = arith.xori %eq3A_184, %not3A_307 : i1
          %and3A_309 = arith.andi %or3A_306, %not3A_308 : i1
          %convert_element_type3A_310 = arith.extui %and3A_309 : i1 to i32
          %cond3A_311 = arith.constant 0 : i32
          %cond3A_312 = arith.cmpi ne, %convert_element_type3A_310, %cond3A_311 : i32
          scf.if %cond3A_312 {
          } else {
          }
          %and3A_313 = arith.constant false
          %and3A_314 = arith.andi %and3A_309, %and3A_313 : i1
          %ne3A_315 = arith.cmpi ne, %add3A_188, %add3A_206 : i32
          %or3A_316 = arith.constant false
          %or3A_317 = arith.ori %or3A_316, %ne3A_315 : i1
          %or3A_318 = arith.constant false
          %or3A_319 = arith.ori %or3A_317, %or3A_318 : i1
          %or3A_320 = arith.ori %or3A_319, %eq3A_187 : i1
          %add3A_321 = arith.constant 1 : i32
          %add3A_322 = arith.addi %while3A_177, %add3A_321 : i32
          %select_n3A_323 = arith.select %or3A_320, %add3A_322, %while3A_177 : i32
          %ne3A_324 = arith.cmpi ne, %add3A_188, %add3A_206 : i32
          %or3A_325 = arith.constant false
          %or3A_326 = arith.ori %or3A_325, %ne3A_324 : i1
          %or3A_327 = arith.ori %or3A_326, %eq3A_187 : i1
          %add3A_328 = arith.constant 1 : i32
          %add3A_329 = arith.addi %while3A_179, %add3A_328 : i32
          %select_n3A_330 = arith.select %or3A_327, %add3A_329, %while3A_179 : i32
          %add3A_331 = arith.constant 1 : i32
          %add3A_332 = arith.addi %while3A_180, %add3A_331 : i32
          %select_n3A_333 = arith.constant true
          %select_n3A_334 = arith.select %select_n3A_333, %add3A_332, %while3A_180 : i32
          %eq3A_335 = arith.cmpi eq, %select_n3A_334, %select_n3A : i32
          %select_n3A_336 = arith.constant 0 : i32
          %select_n3A_337 = arith.select %eq3A_335, %select_n3A_336, %select_n3A_334 : i32
          scf.yield %select_n3A_230, %select_n3A_323, %select_n3A_249, %select_n3A_330, %select_n3A_337 : i32, i32, i32, i32, i32
        }
        %sub3A_124 = arith.constant 1 : i32
        %sub3A_125 = arith.subi %while3A_123#4, %sub3A_124 : i32
        %select_n3A_126 = arith.constant true
        %select_n3A_127 = arith.select %select_n3A_126, %sub3A_125, %while3A_123#4 : i32
        %eq3A_128 = arith.constant -1 : i32
        %eq3A_129 = arith.cmpi eq, %select_n3A_127, %eq3A_128 : i32
        %sub3A_130 = arith.constant 1 : i32
        %sub3A_131 = arith.subi %select_n3A, %sub3A_130 : i32
        %select_n3A_132 = arith.select %eq3A_129, %sub3A_131, %select_n3A_127 : i32
        %sub3A_133 = arith.constant 1 : i32
        %sub3A_134 = arith.subi %mul3A_20, %sub3A_133 : i32
        %mul3A_135 = arith.constant 1 : i32
        %mul3A_136 = arith.muli %mul3A_135, %select_n3A : i32
        %eq3A_137 = arith.constant 0 : i32
        %eq3A_138 = arith.cmpi eq, %sub3A_134, %eq3A_137 : i32
        %sub3A_139 = arith.constant 1 : i32
        %sub3A_140 = arith.subi %mul3A_136, %sub3A_139 : i32
        %eq3A_141 = arith.cmpi eq, %sub3A_134, %sub3A_140 : i32
        %add3A_142 = arith.addi %select_n3A_132, %select_n3A_18 : i32
        %sub3A_143 = arith.constant 1 : i32
        %sub3A_144 = arith.subi %select_n3A_132, %sub3A_143 : i32
        %select_n3A_145 = arith.constant true
        %select_n3A_146 = arith.select %select_n3A_145, %sub3A_144, %select_n3A_132 : i32
        %eq3A_147 = arith.constant -1 : i32
        %eq3A_148 = arith.cmpi eq, %select_n3A_146, %eq3A_147 : i32
        %sub3A_149 = arith.constant 1 : i32
        %sub3A_150 = arith.subi %select_n3A, %sub3A_149 : i32
        %select_n3A_151 = arith.select %eq3A_148, %sub3A_150, %select_n3A_146 : i32
        %add3A_152 = arith.addi %select_n3A_151, %select_n3A_18 : i32
        %add3A_153 = arith.constant 1 : i32
        %add3A_154 = arith.addi %select_n3A_132, %add3A_153 : i32
        %select_n3A_155 = arith.constant true
        %select_n3A_156 = arith.select %select_n3A_155, %add3A_154, %select_n3A_132 : i32
        %eq3A_157 = arith.cmpi eq, %select_n3A_156, %select_n3A : i32
        %select_n3A_158 = arith.constant 0 : i32
        %select_n3A_159 = arith.select %eq3A_157, %select_n3A_158, %select_n3A_156 : i32
        %add3A_160 = arith.addi %select_n3A_159, %select_n3A_18 : i32
        %add3A_161 = arith.constant 1 : i32
        %add3A_162 = arith.addi %select_n3A_159, %add3A_161 : i32
        %select_n3A_163 = arith.constant true
        %select_n3A_164 = arith.select %select_n3A_163, %add3A_162, %select_n3A_159 : i32
        %eq3A_165 = arith.cmpi eq, %select_n3A_164, %select_n3A : i32
        %select_n3A_166 = arith.constant 0 : i32
        %select_n3A_167 = arith.select %eq3A_165, %select_n3A_166, %select_n3A_164 : i32
        %add3A_168 = arith.addi %select_n3A_167, %select_n3A_18 : i32
        %convert_element_type3A_169 = arith.extui %eq3A_141 : i1 to i32
        %cond3A_170 = arith.constant 0 : i32
        %cond3A_171 = arith.cmpi ne, %convert_element_type3A_169, %cond3A_170 : i32
        scf.if %cond3A_171 {
        } else {
        }
        %convert_element_type3A_172 = arith.extui %eq3A_141 : i1 to i32
        %cond3A_173 = arith.constant 0 : i32
        %cond3A_174 = arith.cmpi ne, %convert_element_type3A_172, %cond3A_173 : i32
        scf.if %cond3A_174 {
        } else {
        }
      } else {
      }
      tpu.yield
    }) : () -> ()
    %barrier3A_21 = arith.constant 0 : index
    tpu.barrier barrier_id(%barrier3A_21)
    %mul3A_22 = arith.constant 632 : i32
    %mul3A_23 = arith.muli %arg1, %mul3A_22 : i32
    %mul3A_24 = arith.constant 632 : i32
    %mul3A_25 = arith.muli %arg1, %mul3A_24 : i32
    "tpu.region"() ({
      %run_scoped3A = tpu.sem_alloc : memref<!tpu.dma_semaphore, #tpu.memory_space<semaphore_mem>>
      %dma_start3A = arith.constant 0 : i32
      %dma_start3A_26 = tpu.memref_slice %arg5[%arg0, %mul3A_25, %dma_start3A] : memref<2x10112x128xf32, #tpu.memory_space<hbm>> -> memref<1x632x128xf32, #tpu.memory_space<hbm>>
      %dma_start3A_27 = tpu.memref_squeeze %dma_start3A_26 : memref<1x632x128xf32, #tpu.memory_space<hbm>> -> memref<632x128xf32, #tpu.memory_space<hbm>>
      %dma_start3A_28 = arith.constant 0 : i32
      %dma_start3A_29 = tpu.memref_slice %arg6[%mul3A_23, %dma_start3A_28] : memref<10112x128xf32, #tpu.memory_space<vmem_shared>> -> memref<632x128xf32, #tpu.memory_space<vmem_shared>>
      tpu.enqueue_dma source(%dma_start3A_29 : memref<632x128xf32, #tpu.memory_space<vmem_shared>>) target(%dma_start3A_27 : memref<632x128xf32, #tpu.memory_space<hbm>>) target_semaphore(%run_scoped3A : memref<!tpu.dma_semaphore, #tpu.memory_space<semaphore_mem>>)
      %dma_wait3A = arith.constant 0 : i32
      %dma_wait3A_30 = tpu.memref_slice %arg5[%arg0, %mul3A_25, %dma_wait3A] : memref<2x10112x128xf32, #tpu.memory_space<hbm>> -> memref<1x632x128xf32, #tpu.memory_space<hbm>>
      %dma_wait3A_31 = tpu.memref_squeeze %dma_wait3A_30 : memref<1x632x128xf32, #tpu.memory_space<hbm>> -> memref<632x128xf32, #tpu.memory_space<hbm>>
      %dma_wait3A_32 = arith.constant 0 : i32
      %dma_wait3A_33 = tpu.memref_slice %arg6[%mul3A_23, %dma_wait3A_32] : memref<10112x128xf32, #tpu.memory_space<vmem_shared>> -> memref<632x128xf32, #tpu.memory_space<vmem_shared>>
      tpu.wait_dma2 semaphore(%run_scoped3A : memref<!tpu.dma_semaphore, #tpu.memory_space<semaphore_mem>>) src(%dma_wait3A_33 : memref<632x128xf32, #tpu.memory_space<vmem_shared>>) dst(%dma_wait3A_31 : memref<632x128xf32, #tpu.memory_space<hbm>>)
      tpu.yield
    }) : () -> ()
    return
  }
}

module attributes {stable_mosaic.version = 14 : i64} {
  func.func @_kh_body(%arg0: i32, %arg1: memref<16x3200xf32, #tpu.memory_space<vmem>>, %arg2: memref<16x128xbf16, #tpu.memory_space<vmem>>, %arg3: memref<1x128xf32, #tpu.memory_space<vmem>>, %arg4: memref<1x128xf32, #tpu.memory_space<vmem>>, %arg5: memref<1x128xf32, #tpu.memory_space<vmem>>, %arg6: memref<128x128xbf16, #tpu.memory_space<vmem>>, %arg7: memref<1x128xf32, #tpu.memory_space<vmem>>, %arg8: memref<1x128xf32, #tpu.memory_space<vmem>>, %arg9: memref<1x128xf32, #tpu.memory_space<vmem>>, %arg10: memref<128x128xbf16, #tpu.memory_space<vmem>>, %arg11: memref<1x128xf32, #tpu.memory_space<vmem>>, %arg12: memref<1x128xf32, #tpu.memory_space<vmem>>, %arg13: memref<1x128xf32, #tpu.memory_space<vmem>>, %arg14: memref<3200x128xbf16, #tpu.memory_space<vmem>>) attributes {dimension_semantics = [#tpu.dimension_semantics<arbitrary>], iteration_bounds = array<i64: 25>, scalar_prefetch = 0 : i64, scratch_operands = 0 : i64, tpu.core_type = #tpu.core_type<tc>, window_params = [{transform_indices = @transform_0, window_bounds = array<i64: 16, 3200>}, {pipeline_mode = #tpu.pipeline_mode<synchronous>, transform_indices = @transform_1, window_bounds = array<i64: 16, 128>}, {pipeline_mode = #tpu.pipeline_mode<synchronous>, transform_indices = @transform_2, window_bounds = array<i64: 1, 128>}, {pipeline_mode = #tpu.pipeline_mode<synchronous>, transform_indices = @transform_3, window_bounds = array<i64: 1, 128>}, {pipeline_mode = #tpu.pipeline_mode<synchronous>, transform_indices = @transform_4, window_bounds = array<i64: 1, 128>}, {pipeline_mode = #tpu.pipeline_mode<synchronous>, transform_indices = @transform_5, window_bounds = array<i64: 128, 128>}, {pipeline_mode = #tpu.pipeline_mode<synchronous>, transform_indices = @transform_6, window_bounds = array<i64: 1, 128>}, {pipeline_mode = #tpu.pipeline_mode<synchronous>, transform_indices = @transform_7, window_bounds = array<i64: 1, 128>}, {pipeline_mode = #tpu.pipeline_mode<synchronous>, transform_indices = @transform_8, window_bounds = array<i64: 1, 128>}, {pipeline_mode = #tpu.pipeline_mode<synchronous>, transform_indices = @transform_9, window_bounds = array<i64: 128, 128>}, {pipeline_mode = #tpu.pipeline_mode<synchronous>, transform_indices = @transform_10, window_bounds = array<i64: 1, 128>}, {pipeline_mode = #tpu.pipeline_mode<synchronous>, transform_indices = @transform_11, window_bounds = array<i64: 1, 128>}, {pipeline_mode = #tpu.pipeline_mode<synchronous>, transform_indices = @transform_12, window_bounds = array<i64: 1, 128>}, {transform_indices = @transform_13, window_bounds = array<i64: 3200, 128>}]} {
    %get3A = arith.constant 0 : index
    %get3A_0 = arith.constant 0 : index
    %get3A_1 = vector.load %arg1[%get3A, %get3A_0] : memref<16x3200xf32, #tpu.memory_space<vmem>>, vector<16x3200xf32>
    %slice3A = vector.extract_strided_slice %get3A_1 {offsets = [0, 0], sizes = [1, 3200], strides = [1, 1]} : vector<16x3200xf32> to vector<1x3200xf32>
    %ne3A = arith.constant -9.990000e+02 : f32
    %ne3A_2 = vector.broadcast %ne3A : f32 to vector<1x3200xf32>
    %ne3A_3 = arith.cmpf one, %slice3A, %ne3A_2 : vector<1x3200xf32>
    %convert_element_type3A = arith.extui %ne3A_3 : vector<1x3200xi1> to vector<1x3200xi32>
    %convert_element_type3A_4 = arith.sitofp %convert_element_type3A : vector<1x3200xi32> to vector<1x3200xf32>
    %mul3A = vector.broadcast %convert_element_type3A_4 : vector<1x3200xf32> to vector<16x3200xf32>
    %mul3A_5 = arith.mulf %get3A_1, %mul3A : vector<16x3200xf32>
    %convert_element_type3A_6 = arith.truncf %mul3A_5 : vector<16x3200xf32> to vector<16x3200xbf16>
    %get3A_7 = arith.constant 0 : index
    %get3A_8 = arith.constant 0 : index
    %get3A_9 = vector.load %arg2[%get3A_7, %get3A_8] : memref<16x128xbf16, #tpu.memory_space<vmem>>, vector<16x128xbf16>
    %dot_general3A = arith.constant dense<0.000000e+00> : vector<3200x128xf32>
    %dot_general3A_10 = tpu.matmul %convert_element_type3A_6, %get3A_9, %dot_general3A {dimension_numbers = #tpu.dot_dimension_numbers<[0], [0], [1], [1], [0, 1, 1, 1], [], []>, transpose_lhs_hint = false} : vector<16x3200xbf16>, vector<16x128xbf16>, vector<3200x128xf32> -> vector<3200x128xf32>
    %get3A_11 = arith.constant 0 : index
    %get3A_12 = arith.constant 0 : index
    %get3A_13 = vector.load %arg3[%get3A_11, %get3A_12] : memref<1x128xf32, #tpu.memory_space<vmem>>, vector<1x128xf32>
    %add3A = vector.broadcast %get3A_13 : vector<1x128xf32> to vector<3200x128xf32>
    %add3A_14 = arith.addf %dot_general3A_10, %add3A : vector<3200x128xf32>
    %max3A = arith.constant 0.000000e+00 : f32
    %max3A_15 = vector.broadcast %max3A : f32 to vector<3200x128xf32>
    %max3A_16 = arith.maximumf %add3A_14, %max3A_15 : vector<3200x128xf32>
    %get3A_17 = arith.constant 0 : index
    %get3A_18 = arith.constant 0 : index
    %get3A_19 = vector.load %arg4[%get3A_17, %get3A_18] : memref<1x128xf32, #tpu.memory_space<vmem>>, vector<1x128xf32>
    %get3A_20 = arith.constant 0 : index
    %get3A_21 = arith.constant 0 : index
    %get3A_22 = vector.load %arg5[%get3A_20, %get3A_21] : memref<1x128xf32, #tpu.memory_space<vmem>>, vector<1x128xf32>
    %broadcast_in_dim3A = arith.constant 7.812500e-03 : bf16
    %broadcast_in_dim3A_23 = vector.broadcast %broadcast_in_dim3A : bf16 to vector<128x128xbf16>
    %convert_element_type3A_24 = arith.truncf %max3A_16 : vector<3200x128xf32> to vector<3200x128xbf16>
    %dot_general3A_25 = arith.constant dense<0.000000e+00> : vector<3200x128xf32>
    %dot_general3A_26 = tpu.matmul %convert_element_type3A_24, %broadcast_in_dim3A_23, %dot_general3A_25 {dimension_numbers = #tpu.dot_dimension_numbers<[1], [0], [0], [1], [0, 0, 1, 1], [], []>, transpose_lhs_hint = false} : vector<3200x128xbf16>, vector<128x128xbf16>, vector<3200x128xf32> -> vector<3200x128xf32>
    %mul3A_27 = arith.mulf %max3A_16, %max3A_16 : vector<3200x128xf32>
    %convert_element_type3A_28 = arith.truncf %mul3A_27 : vector<3200x128xf32> to vector<3200x128xbf16>
    %dot_general3A_29 = arith.constant dense<0.000000e+00> : vector<3200x128xf32>
    %dot_general3A_30 = tpu.matmul %convert_element_type3A_28, %broadcast_in_dim3A_23, %dot_general3A_29 {dimension_numbers = #tpu.dot_dimension_numbers<[1], [0], [0], [1], [0, 0, 1, 1], [], []>, transpose_lhs_hint = false} : vector<3200x128xbf16>, vector<128x128xbf16>, vector<3200x128xf32> -> vector<3200x128xf32>
    %mul3A_31 = arith.mulf %dot_general3A_26, %dot_general3A_26 : vector<3200x128xf32>
    %sub3A = arith.subf %dot_general3A_30, %mul3A_31 : vector<3200x128xf32>
    %add3A_32 = arith.constant 9.99999974E-6 : f32
    %add3A_33 = vector.broadcast %add3A_32 : f32 to vector<3200x128xf32>
    %add3A_34 = arith.addf %sub3A, %add3A_33 : vector<3200x128xf32>
    %rsqrt3A = math.rsqrt %add3A_34 : vector<3200x128xf32>
    %mul3A_35 = arith.constant 5.000000e-01 : f32
    %mul3A_36 = vector.broadcast %mul3A_35 : f32 to vector<3200x128xf32>
    %mul3A_37 = arith.mulf %mul3A_36, %add3A_34 : vector<3200x128xf32>
    %mul3A_38 = arith.mulf %mul3A_37, %rsqrt3A : vector<3200x128xf32>
    %mul3A_39 = arith.mulf %mul3A_38, %rsqrt3A : vector<3200x128xf32>
    %sub3A_40 = arith.constant 1.500000e+00 : f32
    %sub3A_41 = vector.broadcast %sub3A_40 : f32 to vector<3200x128xf32>
    %sub3A_42 = arith.subf %sub3A_41, %mul3A_39 : vector<3200x128xf32>
    %mul3A_43 = arith.mulf %rsqrt3A, %sub3A_42 : vector<3200x128xf32>
    %sub3A_44 = arith.subf %max3A_16, %dot_general3A_26 : vector<3200x128xf32>
    %mul3A_45 = arith.mulf %sub3A_44, %mul3A_43 : vector<3200x128xf32>
    %mul3A_46 = vector.broadcast %get3A_19 : vector<1x128xf32> to vector<3200x128xf32>
    %mul3A_47 = arith.mulf %mul3A_45, %mul3A_46 : vector<3200x128xf32>
    %add3A_48 = vector.broadcast %get3A_22 : vector<1x128xf32> to vector<3200x128xf32>
    %add3A_49 = arith.addf %mul3A_47, %add3A_48 : vector<3200x128xf32>
    %convert_element_type3A_50 = arith.truncf %add3A_49 : vector<3200x128xf32> to vector<3200x128xbf16>
    %get3A_51 = arith.constant 0 : index
    %get3A_52 = arith.constant 0 : index
    %get3A_53 = vector.load %arg6[%get3A_51, %get3A_52] : memref<128x128xbf16, #tpu.memory_space<vmem>>, vector<128x128xbf16>
    %dot_general3A_54 = arith.constant dense<0.000000e+00> : vector<3200x128xf32>
    %dot_general3A_55 = tpu.matmul %convert_element_type3A_50, %get3A_53, %dot_general3A_54 {dimension_numbers = #tpu.dot_dimension_numbers<[1], [0], [0], [1], [0, 0, 1, 1], [], []>, transpose_lhs_hint = false} : vector<3200x128xbf16>, vector<128x128xbf16>, vector<3200x128xf32> -> vector<3200x128xf32>
    %get3A_56 = arith.constant 0 : index
    %get3A_57 = arith.constant 0 : index
    %get3A_58 = vector.load %arg7[%get3A_56, %get3A_57] : memref<1x128xf32, #tpu.memory_space<vmem>>, vector<1x128xf32>
    %add3A_59 = vector.broadcast %get3A_58 : vector<1x128xf32> to vector<3200x128xf32>
    %add3A_60 = arith.addf %dot_general3A_55, %add3A_59 : vector<3200x128xf32>
    %max3A_61 = arith.constant 0.000000e+00 : f32
    %max3A_62 = vector.broadcast %max3A_61 : f32 to vector<3200x128xf32>
    %max3A_63 = arith.maximumf %add3A_60, %max3A_62 : vector<3200x128xf32>
    %get3A_64 = arith.constant 0 : index
    %get3A_65 = arith.constant 0 : index
    %get3A_66 = vector.load %arg8[%get3A_64, %get3A_65] : memref<1x128xf32, #tpu.memory_space<vmem>>, vector<1x128xf32>
    %get3A_67 = arith.constant 0 : index
    %get3A_68 = arith.constant 0 : index
    %get3A_69 = vector.load %arg9[%get3A_67, %get3A_68] : memref<1x128xf32, #tpu.memory_space<vmem>>, vector<1x128xf32>
    %broadcast_in_dim3A_70 = arith.constant 7.812500e-03 : bf16
    %broadcast_in_dim3A_71 = vector.broadcast %broadcast_in_dim3A_70 : bf16 to vector<128x128xbf16>
    %convert_element_type3A_72 = arith.truncf %max3A_63 : vector<3200x128xf32> to vector<3200x128xbf16>
    %dot_general3A_73 = arith.constant dense<0.000000e+00> : vector<3200x128xf32>
    %dot_general3A_74 = tpu.matmul %convert_element_type3A_72, %broadcast_in_dim3A_71, %dot_general3A_73 {dimension_numbers = #tpu.dot_dimension_numbers<[1], [0], [0], [1], [0, 0, 1, 1], [], []>, transpose_lhs_hint = false} : vector<3200x128xbf16>, vector<128x128xbf16>, vector<3200x128xf32> -> vector<3200x128xf32>
    %mul3A_75 = arith.mulf %max3A_63, %max3A_63 : vector<3200x128xf32>
    %convert_element_type3A_76 = arith.truncf %mul3A_75 : vector<3200x128xf32> to vector<3200x128xbf16>
    %dot_general3A_77 = arith.constant dense<0.000000e+00> : vector<3200x128xf32>
    %dot_general3A_78 = tpu.matmul %convert_element_type3A_76, %broadcast_in_dim3A_71, %dot_general3A_77 {dimension_numbers = #tpu.dot_dimension_numbers<[1], [0], [0], [1], [0, 0, 1, 1], [], []>, transpose_lhs_hint = false} : vector<3200x128xbf16>, vector<128x128xbf16>, vector<3200x128xf32> -> vector<3200x128xf32>
    %mul3A_79 = arith.mulf %dot_general3A_74, %dot_general3A_74 : vector<3200x128xf32>
    %sub3A_80 = arith.subf %dot_general3A_78, %mul3A_79 : vector<3200x128xf32>
    %add3A_81 = arith.constant 9.99999974E-6 : f32
    %add3A_82 = vector.broadcast %add3A_81 : f32 to vector<3200x128xf32>
    %add3A_83 = arith.addf %sub3A_80, %add3A_82 : vector<3200x128xf32>
    %rsqrt3A_84 = math.rsqrt %add3A_83 : vector<3200x128xf32>
    %mul3A_85 = arith.constant 5.000000e-01 : f32
    %mul3A_86 = vector.broadcast %mul3A_85 : f32 to vector<3200x128xf32>
    %mul3A_87 = arith.mulf %mul3A_86, %add3A_83 : vector<3200x128xf32>
    %mul3A_88 = arith.mulf %mul3A_87, %rsqrt3A_84 : vector<3200x128xf32>
    %mul3A_89 = arith.mulf %mul3A_88, %rsqrt3A_84 : vector<3200x128xf32>
    %sub3A_90 = arith.constant 1.500000e+00 : f32
    %sub3A_91 = vector.broadcast %sub3A_90 : f32 to vector<3200x128xf32>
    %sub3A_92 = arith.subf %sub3A_91, %mul3A_89 : vector<3200x128xf32>
    %mul3A_93 = arith.mulf %rsqrt3A_84, %sub3A_92 : vector<3200x128xf32>
    %sub3A_94 = arith.subf %max3A_63, %dot_general3A_74 : vector<3200x128xf32>
    %mul3A_95 = arith.mulf %sub3A_94, %mul3A_93 : vector<3200x128xf32>
    %mul3A_96 = vector.broadcast %get3A_66 : vector<1x128xf32> to vector<3200x128xf32>
    %mul3A_97 = arith.mulf %mul3A_95, %mul3A_96 : vector<3200x128xf32>
    %add3A_98 = vector.broadcast %get3A_69 : vector<1x128xf32> to vector<3200x128xf32>
    %add3A_99 = arith.addf %mul3A_97, %add3A_98 : vector<3200x128xf32>
    %convert_element_type3A_100 = arith.truncf %add3A_99 : vector<3200x128xf32> to vector<3200x128xbf16>
    %get3A_101 = arith.constant 0 : index
    %get3A_102 = arith.constant 0 : index
    %get3A_103 = vector.load %arg10[%get3A_101, %get3A_102] : memref<128x128xbf16, #tpu.memory_space<vmem>>, vector<128x128xbf16>
    %dot_general3A_104 = arith.constant dense<0.000000e+00> : vector<3200x128xf32>
    %dot_general3A_105 = tpu.matmul %convert_element_type3A_100, %get3A_103, %dot_general3A_104 {dimension_numbers = #tpu.dot_dimension_numbers<[1], [0], [0], [1], [0, 0, 1, 1], [], []>, transpose_lhs_hint = false} : vector<3200x128xbf16>, vector<128x128xbf16>, vector<3200x128xf32> -> vector<3200x128xf32>
    %get3A_106 = arith.constant 0 : index
    %get3A_107 = arith.constant 0 : index
    %get3A_108 = vector.load %arg11[%get3A_106, %get3A_107] : memref<1x128xf32, #tpu.memory_space<vmem>>, vector<1x128xf32>
    %add3A_109 = vector.broadcast %get3A_108 : vector<1x128xf32> to vector<3200x128xf32>
    %add3A_110 = arith.addf %dot_general3A_105, %add3A_109 : vector<3200x128xf32>
    %max3A_111 = arith.constant 0.000000e+00 : f32
    %max3A_112 = vector.broadcast %max3A_111 : f32 to vector<3200x128xf32>
    %max3A_113 = arith.maximumf %add3A_110, %max3A_112 : vector<3200x128xf32>
    %get3A_114 = arith.constant 0 : index
    %get3A_115 = arith.constant 0 : index
    %get3A_116 = vector.load %arg12[%get3A_114, %get3A_115] : memref<1x128xf32, #tpu.memory_space<vmem>>, vector<1x128xf32>
    %get3A_117 = arith.constant 0 : index
    %get3A_118 = arith.constant 0 : index
    %get3A_119 = vector.load %arg13[%get3A_117, %get3A_118] : memref<1x128xf32, #tpu.memory_space<vmem>>, vector<1x128xf32>
    %broadcast_in_dim3A_120 = arith.constant 7.812500e-03 : bf16
    %broadcast_in_dim3A_121 = vector.broadcast %broadcast_in_dim3A_120 : bf16 to vector<128x128xbf16>
    %convert_element_type3A_122 = arith.truncf %max3A_113 : vector<3200x128xf32> to vector<3200x128xbf16>
    %dot_general3A_123 = arith.constant dense<0.000000e+00> : vector<3200x128xf32>
    %dot_general3A_124 = tpu.matmul %convert_element_type3A_122, %broadcast_in_dim3A_121, %dot_general3A_123 {dimension_numbers = #tpu.dot_dimension_numbers<[1], [0], [0], [1], [0, 0, 1, 1], [], []>, transpose_lhs_hint = false} : vector<3200x128xbf16>, vector<128x128xbf16>, vector<3200x128xf32> -> vector<3200x128xf32>
    %mul3A_125 = arith.mulf %max3A_113, %max3A_113 : vector<3200x128xf32>
    %convert_element_type3A_126 = arith.truncf %mul3A_125 : vector<3200x128xf32> to vector<3200x128xbf16>
    %dot_general3A_127 = arith.constant dense<0.000000e+00> : vector<3200x128xf32>
    %dot_general3A_128 = tpu.matmul %convert_element_type3A_126, %broadcast_in_dim3A_121, %dot_general3A_127 {dimension_numbers = #tpu.dot_dimension_numbers<[1], [0], [0], [1], [0, 0, 1, 1], [], []>, transpose_lhs_hint = false} : vector<3200x128xbf16>, vector<128x128xbf16>, vector<3200x128xf32> -> vector<3200x128xf32>
    %mul3A_129 = arith.mulf %dot_general3A_124, %dot_general3A_124 : vector<3200x128xf32>
    %sub3A_130 = arith.subf %dot_general3A_128, %mul3A_129 : vector<3200x128xf32>
    %add3A_131 = arith.constant 9.99999974E-6 : f32
    %add3A_132 = vector.broadcast %add3A_131 : f32 to vector<3200x128xf32>
    %add3A_133 = arith.addf %sub3A_130, %add3A_132 : vector<3200x128xf32>
    %rsqrt3A_134 = math.rsqrt %add3A_133 : vector<3200x128xf32>
    %mul3A_135 = arith.constant 5.000000e-01 : f32
    %mul3A_136 = vector.broadcast %mul3A_135 : f32 to vector<3200x128xf32>
    %mul3A_137 = arith.mulf %mul3A_136, %add3A_133 : vector<3200x128xf32>
    %mul3A_138 = arith.mulf %mul3A_137, %rsqrt3A_134 : vector<3200x128xf32>
    %mul3A_139 = arith.mulf %mul3A_138, %rsqrt3A_134 : vector<3200x128xf32>
    %sub3A_140 = arith.constant 1.500000e+00 : f32
    %sub3A_141 = vector.broadcast %sub3A_140 : f32 to vector<3200x128xf32>
    %sub3A_142 = arith.subf %sub3A_141, %mul3A_139 : vector<3200x128xf32>
    %mul3A_143 = arith.mulf %rsqrt3A_134, %sub3A_142 : vector<3200x128xf32>
    %sub3A_144 = arith.subf %max3A_113, %dot_general3A_124 : vector<3200x128xf32>
    %mul3A_145 = arith.mulf %sub3A_144, %mul3A_143 : vector<3200x128xf32>
    %mul3A_146 = vector.broadcast %get3A_116 : vector<1x128xf32> to vector<3200x128xf32>
    %mul3A_147 = arith.mulf %mul3A_145, %mul3A_146 : vector<3200x128xf32>
    %add3A_148 = vector.broadcast %get3A_119 : vector<1x128xf32> to vector<3200x128xf32>
    %add3A_149 = arith.addf %mul3A_147, %add3A_148 : vector<3200x128xf32>
    %convert_element_type3A_150 = arith.truncf %add3A_149 : vector<3200x128xf32> to vector<3200x128xbf16>
    %swap3A = arith.constant 0 : index
    %swap3A_151 = arith.constant 0 : index
    %swap3A_152 = vector.load %arg14[%swap3A, %swap3A_151] : memref<3200x128xbf16, #tpu.memory_space<vmem>>, vector<3200x128xbf16>
    tpu.vector_store %arg14[%swap3A, %swap3A_151], %convert_element_type3A_150 {strides = array<i32>} : memref<3200x128xbf16, #tpu.memory_space<vmem>>, vector<3200x128xbf16>,
    return
  }
  func.func @transform_0(%arg0: i32) -> (i32, i32) {
    %c0_i32 = arith.constant 0 : i32
    %c0_i32_0 = arith.constant 0 : i32
    return %c0_i32, %arg0 : i32, i32
  }
  func.func @transform_1(%arg0: i32) -> (i32, i32) {
    %c0_i32 = arith.constant 0 : i32
    %c0_i32_0 = arith.constant 0 : i32
    %c0_i32_1 = arith.constant 0 : i32
    return %c0_i32, %c0_i32_0 : i32, i32
  }
  func.func @transform_2(%arg0: i32) -> (i32, i32) {
    %c0_i32 = arith.constant 0 : i32
    %c0_i32_0 = arith.constant 0 : i32
    %c0_i32_1 = arith.constant 0 : i32
    return %c0_i32, %c0_i32_0 : i32, i32
  }
  func.func @transform_3(%arg0: i32) -> (i32, i32) {
    %c0_i32 = arith.constant 0 : i32
    %c0_i32_0 = arith.constant 0 : i32
    %c0_i32_1 = arith.constant 0 : i32
    return %c0_i32, %c0_i32_0 : i32, i32
  }
  func.func @transform_4(%arg0: i32) -> (i32, i32) {
    %c0_i32 = arith.constant 0 : i32
    %c0_i32_0 = arith.constant 0 : i32
    %c0_i32_1 = arith.constant 0 : i32
    return %c0_i32, %c0_i32_0 : i32, i32
  }
  func.func @transform_5(%arg0: i32) -> (i32, i32) {
    %c0_i32 = arith.constant 0 : i32
    %c0_i32_0 = arith.constant 0 : i32
    %c0_i32_1 = arith.constant 0 : i32
    return %c0_i32, %c0_i32_0 : i32, i32
  }
  func.func @transform_6(%arg0: i32) -> (i32, i32) {
    %c0_i32 = arith.constant 0 : i32
    %c0_i32_0 = arith.constant 0 : i32
    %c0_i32_1 = arith.constant 0 : i32
    return %c0_i32, %c0_i32_0 : i32, i32
  }
  func.func @transform_7(%arg0: i32) -> (i32, i32) {
    %c0_i32 = arith.constant 0 : i32
    %c0_i32_0 = arith.constant 0 : i32
    %c0_i32_1 = arith.constant 0 : i32
    return %c0_i32, %c0_i32_0 : i32, i32
  }
  func.func @transform_8(%arg0: i32) -> (i32, i32) {
    %c0_i32 = arith.constant 0 : i32
    %c0_i32_0 = arith.constant 0 : i32
    %c0_i32_1 = arith.constant 0 : i32
    return %c0_i32, %c0_i32_0 : i32, i32
  }
  func.func @transform_9(%arg0: i32) -> (i32, i32) {
    %c0_i32 = arith.constant 0 : i32
    %c0_i32_0 = arith.constant 0 : i32
    %c0_i32_1 = arith.constant 0 : i32
    return %c0_i32, %c0_i32_0 : i32, i32
  }
  func.func @transform_10(%arg0: i32) -> (i32, i32) {
    %c0_i32 = arith.constant 0 : i32
    %c0_i32_0 = arith.constant 0 : i32
    %c0_i32_1 = arith.constant 0 : i32
    return %c0_i32, %c0_i32_0 : i32, i32
  }
  func.func @transform_11(%arg0: i32) -> (i32, i32) {
    %c0_i32 = arith.constant 0 : i32
    %c0_i32_0 = arith.constant 0 : i32
    %c0_i32_1 = arith.constant 0 : i32
    return %c0_i32, %c0_i32_0 : i32, i32
  }
  func.func @transform_12(%arg0: i32) -> (i32, i32) {
    %c0_i32 = arith.constant 0 : i32
    %c0_i32_0 = arith.constant 0 : i32
    %c0_i32_1 = arith.constant 0 : i32
    return %c0_i32, %c0_i32_0 : i32, i32
  }
  func.func @transform_13(%arg0: i32) -> (i32, i32) {
    %c0_i32 = arith.constant 0 : i32
    %c0_i32_0 = arith.constant 0 : i32
    return %arg0, %c0_i32 : i32, i32
  }
}

module attributes {stable_mosaic.version = 14 : i64} {
  func.func @_kax_body(%arg0: i32, %arg1: memref<3200x128xbf16, #tpu.memory_space<vmem>>, %arg2: memref<3200x128xf32, #tpu.memory_space<vmem>>, %arg3: memref<128x1024xbf16, #tpu.memory_space<vmem>>, %arg4: memref<1x1024xf32, #tpu.memory_space<vmem>>, %arg5: memref<3200x128xf32, #tpu.memory_space<vmem>>) attributes {dimension_semantics = [#tpu.dimension_semantics<arbitrary>], iteration_bounds = array<i64: 25>, scalar_prefetch = 0 : i64, scratch_operands = 0 : i64, tpu.core_type = #tpu.core_type<tc>, window_params = [{transform_indices = @transform_0, window_bounds = array<i64: 3200, 128>}, {transform_indices = @transform_1, window_bounds = array<i64: 3200, 128>}, {pipeline_mode = #tpu.pipeline_mode<synchronous>, transform_indices = @transform_2, window_bounds = array<i64: 128, 1024>}, {pipeline_mode = #tpu.pipeline_mode<synchronous>, transform_indices = @transform_3, window_bounds = array<i64: 1, 1024>}, {transform_indices = @transform_4, window_bounds = array<i64: 3200, 128>}]} {
    %get3A = arith.constant 0 : index
    %get3A_0 = arith.constant 0 : index
    %get3A_1 = vector.load %arg1[%get3A, %get3A_0] : memref<3200x128xbf16, #tpu.memory_space<vmem>>, vector<3200x128xbf16>
    %get3A_2 = arith.constant 0 : index
    %get3A_3 = arith.constant 0 : index
    %get3A_4 = vector.load %arg3[%get3A_2, %get3A_3] : memref<128x1024xbf16, #tpu.memory_space<vmem>>, vector<128x1024xbf16>
    %dot_general3A = arith.constant dense<0.000000e+00> : vector<3200x1024xf32>
    %dot_general3A_5 = tpu.matmul %get3A_1, %get3A_4, %dot_general3A {dimension_numbers = #tpu.dot_dimension_numbers<[1], [0], [0], [1], [0, 0, 1, 1], [], []>, transpose_lhs_hint = false} : vector<3200x128xbf16>, vector<128x1024xbf16>, vector<3200x1024xf32> -> vector<3200x1024xf32>
    %get3A_6 = arith.constant 0 : index
    %get3A_7 = arith.constant 0 : index
    %get3A_8 = vector.load %arg4[%get3A_6, %get3A_7] : memref<1x1024xf32, #tpu.memory_space<vmem>>, vector<1x1024xf32>
    %add3A = vector.broadcast %get3A_8 : vector<1x1024xf32> to vector<3200x1024xf32>
    %add3A_9 = arith.addf %dot_general3A_5, %add3A : vector<3200x1024xf32>
    %get3A_10 = arith.constant 0 : index
    %get3A_11 = arith.constant 0 : index
    %get3A_12 = vector.load %arg2[%get3A_10, %get3A_11] : memref<3200x128xf32, #tpu.memory_space<vmem>>, vector<3200x128xf32>
    %broadcast_in_dim3A = arith.constant 0.000000e+00 : f32
    %broadcast_in_dim3A_13 = vector.broadcast %broadcast_in_dim3A : f32 to vector<3200x128xf32>
    %slice3A = vector.extract_strided_slice %add3A_9 {offsets = [0, 0], sizes = [3200, 128], strides = [1, 1]} : vector<3200x1024xf32> to vector<3200x128xf32>
    %broadcast_in_dim3A_14 = arith.constant 0.000000e+00 : f32
    %broadcast_in_dim3A_15 = vector.broadcast %broadcast_in_dim3A_14 : f32 to vector<3200x4xf32>
    %slice3A_16 = vector.extract_strided_slice %get3A_12 {offsets = [0, 0], sizes = [3200, 124], strides = [1, 1]} : vector<3200x128xf32> to vector<3200x124xf32>
    %concatenate3A = tpu.concatenate %broadcast_in_dim3A_15, %slice3A_16 in 1 : vector<3200x4xf32>, vector<3200x124xf32> -> vector<3200x128xf32>
    %mul3A = arith.mulf %concatenate3A, %slice3A : vector<3200x128xf32>
    %add3A_17 = arith.addf %broadcast_in_dim3A_13, %mul3A : vector<3200x128xf32>
    %slice3A_18 = vector.extract_strided_slice %add3A_9 {offsets = [0, 128], sizes = [3200, 128], strides = [1, 1]} : vector<3200x1024xf32> to vector<3200x128xf32>
    %broadcast_in_dim3A_19 = arith.constant 0.000000e+00 : f32
    %broadcast_in_dim3A_20 = vector.broadcast %broadcast_in_dim3A_19 : f32 to vector<3200x3xf32>
    %slice3A_21 = vector.extract_strided_slice %get3A_12 {offsets = [0, 0], sizes = [3200, 125], strides = [1, 1]} : vector<3200x128xf32> to vector<3200x125xf32>
    %concatenate3A_22 = tpu.concatenate %broadcast_in_dim3A_20, %slice3A_21 in 1 : vector<3200x3xf32>, vector<3200x125xf32> -> vector<3200x128xf32>
    %mul3A_23 = arith.mulf %concatenate3A_22, %slice3A_18 : vector<3200x128xf32>
    %add3A_24 = arith.addf %add3A_17, %mul3A_23 : vector<3200x128xf32>
    %slice3A_25 = vector.extract_strided_slice %add3A_9 {offsets = [0, 256], sizes = [3200, 128], strides = [1, 1]} : vector<3200x1024xf32> to vector<3200x128xf32>
    %broadcast_in_dim3A_26 = arith.constant 0.000000e+00 : f32
    %broadcast_in_dim3A_27 = vector.broadcast %broadcast_in_dim3A_26 : f32 to vector<3200x2xf32>
    %slice3A_28 = vector.extract_strided_slice %get3A_12 {offsets = [0, 0], sizes = [3200, 126], strides = [1, 1]} : vector<3200x128xf32> to vector<3200x126xf32>
    %concatenate3A_29 = tpu.concatenate %broadcast_in_dim3A_27, %slice3A_28 in 1 : vector<3200x2xf32>, vector<3200x126xf32> -> vector<3200x128xf32>
    %mul3A_30 = arith.mulf %concatenate3A_29, %slice3A_25 : vector<3200x128xf32>
    %add3A_31 = arith.addf %add3A_24, %mul3A_30 : vector<3200x128xf32>
    %slice3A_32 = vector.extract_strided_slice %add3A_9 {offsets = [0, 384], sizes = [3200, 128], strides = [1, 1]} : vector<3200x1024xf32> to vector<3200x128xf32>
    %broadcast_in_dim3A_33 = arith.constant 0.000000e+00 : f32
    %broadcast_in_dim3A_34 = vector.broadcast %broadcast_in_dim3A_33 : f32 to vector<3200x1xf32>
    %slice3A_35 = vector.extract_strided_slice %get3A_12 {offsets = [0, 0], sizes = [3200, 127], strides = [1, 1]} : vector<3200x128xf32> to vector<3200x127xf32>
    %concatenate3A_36 = tpu.concatenate %broadcast_in_dim3A_34, %slice3A_35 in 1 : vector<3200x1xf32>, vector<3200x127xf32> -> vector<3200x128xf32>
    %mul3A_37 = arith.mulf %concatenate3A_36, %slice3A_32 : vector<3200x128xf32>
    %add3A_38 = arith.addf %add3A_31, %mul3A_37 : vector<3200x128xf32>
    %slice3A_39 = vector.extract_strided_slice %add3A_9 {offsets = [0, 512], sizes = [3200, 128], strides = [1, 1]} : vector<3200x1024xf32> to vector<3200x128xf32>
    %mul3A_40 = arith.mulf %get3A_12, %slice3A_39 : vector<3200x128xf32>
    %add3A_41 = arith.addf %add3A_38, %mul3A_40 : vector<3200x128xf32>
    %slice3A_42 = vector.extract_strided_slice %add3A_9 {offsets = [0, 640], sizes = [3200, 128], strides = [1, 1]} : vector<3200x1024xf32> to vector<3200x128xf32>
    %broadcast_in_dim3A_43 = arith.constant 0.000000e+00 : f32
    %broadcast_in_dim3A_44 = vector.broadcast %broadcast_in_dim3A_43 : f32 to vector<3200x1xf32>
    %slice3A_45 = vector.extract_strided_slice %get3A_12 {offsets = [0, 1], sizes = [3200, 127], strides = [1, 1]} : vector<3200x128xf32> to vector<3200x127xf32>
    %concatenate3A_46 = tpu.concatenate %slice3A_45, %broadcast_in_dim3A_44 in 1 : vector<3200x127xf32>, vector<3200x1xf32> -> vector<3200x128xf32>
    %mul3A_47 = arith.mulf %concatenate3A_46, %slice3A_42 : vector<3200x128xf32>
    %add3A_48 = arith.addf %add3A_41, %mul3A_47 : vector<3200x128xf32>
    %slice3A_49 = vector.extract_strided_slice %add3A_9 {offsets = [0, 768], sizes = [3200, 128], strides = [1, 1]} : vector<3200x1024xf32> to vector<3200x128xf32>
    %broadcast_in_dim3A_50 = arith.constant 0.000000e+00 : f32
    %broadcast_in_dim3A_51 = vector.broadcast %broadcast_in_dim3A_50 : f32 to vector<3200x2xf32>
    %slice3A_52 = vector.extract_strided_slice %get3A_12 {offsets = [0, 2], sizes = [3200, 126], strides = [1, 1]} : vector<3200x128xf32> to vector<3200x126xf32>
    %concatenate3A_53 = tpu.concatenate %slice3A_52, %broadcast_in_dim3A_51 in 1 : vector<3200x126xf32>, vector<3200x2xf32> -> vector<3200x128xf32>
    %mul3A_54 = arith.mulf %concatenate3A_53, %slice3A_49 : vector<3200x128xf32>
    %add3A_55 = arith.addf %add3A_48, %mul3A_54 : vector<3200x128xf32>
    %slice3A_56 = vector.extract_strided_slice %add3A_9 {offsets = [0, 896], sizes = [3200, 128], strides = [1, 1]} : vector<3200x1024xf32> to vector<3200x128xf32>
    %broadcast_in_dim3A_57 = arith.constant 0.000000e+00 : f32
    %broadcast_in_dim3A_58 = vector.broadcast %broadcast_in_dim3A_57 : f32 to vector<3200x3xf32>
    %slice3A_59 = vector.extract_strided_slice %get3A_12 {offsets = [0, 3], sizes = [3200, 125], strides = [1, 1]} : vector<3200x128xf32> to vector<3200x125xf32>
    %concatenate3A_60 = tpu.concatenate %slice3A_59, %broadcast_in_dim3A_58 in 1 : vector<3200x125xf32>, vector<3200x3xf32> -> vector<3200x128xf32>
    %mul3A_61 = arith.mulf %concatenate3A_60, %slice3A_56 : vector<3200x128xf32>
    %add3A_62 = arith.addf %add3A_55, %mul3A_61 : vector<3200x128xf32>
    %swap3A = arith.constant 0 : index
    %swap3A_63 = arith.constant 0 : index
    %swap3A_64 = vector.load %arg5[%swap3A, %swap3A_63] : memref<3200x128xf32, #tpu.memory_space<vmem>>, vector<3200x128xf32>
    tpu.vector_store %arg5[%swap3A, %swap3A_63], %add3A_62 {strides = array<i32>} : memref<3200x128xf32, #tpu.memory_space<vmem>>, vector<3200x128xf32>,
    return
  }
  func.func @transform_0(%arg0: i32) -> (i32, i32) {
    %add3A = arith.constant 0 : i32
    %add3A_0 = arith.addi %arg0, %add3A : i32
    %c0_i32 = arith.constant 0 : i32
    %c0_i32_1 = arith.constant 0 : i32
    return %add3A_0, %c0_i32 : i32, i32
  }
  func.func @transform_1(%arg0: i32) -> (i32, i32) {
    %add3A = arith.constant 0 : i32
    %add3A_0 = arith.addi %arg0, %add3A : i32
    %c0_i32 = arith.constant 0 : i32
    %c0_i32_1 = arith.constant 0 : i32
    return %add3A_0, %c0_i32 : i32, i32
  }
  func.func @transform_2(%arg0: i32) -> (i32, i32) {
    %c0_i32 = arith.constant 0 : i32
    %c0_i32_0 = arith.constant 0 : i32
    %c0_i32_1 = arith.constant 0 : i32
    return %c0_i32, %c0_i32_0 : i32, i32
  }
  func.func @transform_3(%arg0: i32) -> (i32, i32) {
    %c0_i32 = arith.constant 0 : i32
    %c0_i32_0 = arith.constant 0 : i32
    %c0_i32_1 = arith.constant 0 : i32
    return %c0_i32, %c0_i32_0 : i32, i32
  }
  func.func @transform_4(%arg0: i32) -> (i32, i32) {
    %c0_i32 = arith.constant 0 : i32
    %c0_i32_0 = arith.constant 0 : i32
    return %arg0, %c0_i32 : i32, i32
  }
}

module attributes {stable_mosaic.version = 14 : i64} {
  func.func @_kax_body(%arg0: i32, %arg1: memref<3200x128xbf16, #tpu.memory_space<vmem>>, %arg2: memref<3200x128xf32, #tpu.memory_space<vmem>>, %arg3: memref<128x1024xbf16, #tpu.memory_space<vmem>>, %arg4: memref<1x1024xf32, #tpu.memory_space<vmem>>, %arg5: memref<3200x128xf32, #tpu.memory_space<vmem>>) attributes {dimension_semantics = [#tpu.dimension_semantics<arbitrary>], iteration_bounds = array<i64: 13>, scalar_prefetch = 0 : i64, scratch_operands = 0 : i64, tpu.core_type = #tpu.core_type<tc>, window_params = [{transform_indices = @transform_0, window_bounds = array<i64: 3200, 128>}, {transform_indices = @transform_1, window_bounds = array<i64: 3200, 128>}, {pipeline_mode = #tpu.pipeline_mode<synchronous>, transform_indices = @transform_2, window_bounds = array<i64: 128, 1024>}, {pipeline_mode = #tpu.pipeline_mode<synchronous>, transform_indices = @transform_3, window_bounds = array<i64: 1, 1024>}, {transform_indices = @transform_4, window_bounds = array<i64: 3200, 128>}]} {
    %get3A = arith.constant 0 : index
    %get3A_0 = arith.constant 0 : index
    %get3A_1 = vector.load %arg1[%get3A, %get3A_0] : memref<3200x128xbf16, #tpu.memory_space<vmem>>, vector<3200x128xbf16>
    %get3A_2 = arith.constant 0 : index
    %get3A_3 = arith.constant 0 : index
    %get3A_4 = vector.load %arg3[%get3A_2, %get3A_3] : memref<128x1024xbf16, #tpu.memory_space<vmem>>, vector<128x1024xbf16>
    %dot_general3A = arith.constant dense<0.000000e+00> : vector<3200x1024xf32>
    %dot_general3A_5 = tpu.matmul %get3A_1, %get3A_4, %dot_general3A {dimension_numbers = #tpu.dot_dimension_numbers<[1], [0], [0], [1], [0, 0, 1, 1], [], []>, transpose_lhs_hint = false} : vector<3200x128xbf16>, vector<128x1024xbf16>, vector<3200x1024xf32> -> vector<3200x1024xf32>
    %get3A_6 = arith.constant 0 : index
    %get3A_7 = arith.constant 0 : index
    %get3A_8 = vector.load %arg4[%get3A_6, %get3A_7] : memref<1x1024xf32, #tpu.memory_space<vmem>>, vector<1x1024xf32>
    %add3A = vector.broadcast %get3A_8 : vector<1x1024xf32> to vector<3200x1024xf32>
    %add3A_9 = arith.addf %dot_general3A_5, %add3A : vector<3200x1024xf32>
    %get3A_10 = arith.constant 0 : index
    %get3A_11 = arith.constant 0 : index
    %get3A_12 = vector.load %arg2[%get3A_10, %get3A_11] : memref<3200x128xf32, #tpu.memory_space<vmem>>, vector<3200x128xf32>
    %broadcast_in_dim3A = arith.constant 0.000000e+00 : f32
    %broadcast_in_dim3A_13 = vector.broadcast %broadcast_in_dim3A : f32 to vector<3200x128xf32>
    %slice3A = vector.extract_strided_slice %add3A_9 {offsets = [0, 0], sizes = [3200, 128], strides = [1, 1]} : vector<3200x1024xf32> to vector<3200x128xf32>
    %broadcast_in_dim3A_14 = arith.constant 0.000000e+00 : f32
    %broadcast_in_dim3A_15 = vector.broadcast %broadcast_in_dim3A_14 : f32 to vector<3200x4xf32>
    %slice3A_16 = vector.extract_strided_slice %get3A_12 {offsets = [0, 0], sizes = [3200, 124], strides = [1, 1]} : vector<3200x128xf32> to vector<3200x124xf32>
    %concatenate3A = tpu.concatenate %broadcast_in_dim3A_15, %slice3A_16 in 1 : vector<3200x4xf32>, vector<3200x124xf32> -> vector<3200x128xf32>
    %mul3A = arith.mulf %concatenate3A, %slice3A : vector<3200x128xf32>
    %add3A_17 = arith.addf %broadcast_in_dim3A_13, %mul3A : vector<3200x128xf32>
    %slice3A_18 = vector.extract_strided_slice %add3A_9 {offsets = [0, 128], sizes = [3200, 128], strides = [1, 1]} : vector<3200x1024xf32> to vector<3200x128xf32>
    %broadcast_in_dim3A_19 = arith.constant 0.000000e+00 : f32
    %broadcast_in_dim3A_20 = vector.broadcast %broadcast_in_dim3A_19 : f32 to vector<3200x3xf32>
    %slice3A_21 = vector.extract_strided_slice %get3A_12 {offsets = [0, 0], sizes = [3200, 125], strides = [1, 1]} : vector<3200x128xf32> to vector<3200x125xf32>
    %concatenate3A_22 = tpu.concatenate %broadcast_in_dim3A_20, %slice3A_21 in 1 : vector<3200x3xf32>, vector<3200x125xf32> -> vector<3200x128xf32>
    %mul3A_23 = arith.mulf %concatenate3A_22, %slice3A_18 : vector<3200x128xf32>
    %add3A_24 = arith.addf %add3A_17, %mul3A_23 : vector<3200x128xf32>
    %slice3A_25 = vector.extract_strided_slice %add3A_9 {offsets = [0, 256], sizes = [3200, 128], strides = [1, 1]} : vector<3200x1024xf32> to vector<3200x128xf32>
    %broadcast_in_dim3A_26 = arith.constant 0.000000e+00 : f32
    %broadcast_in_dim3A_27 = vector.broadcast %broadcast_in_dim3A_26 : f32 to vector<3200x2xf32>
    %slice3A_28 = vector.extract_strided_slice %get3A_12 {offsets = [0, 0], sizes = [3200, 126], strides = [1, 1]} : vector<3200x128xf32> to vector<3200x126xf32>
    %concatenate3A_29 = tpu.concatenate %broadcast_in_dim3A_27, %slice3A_28 in 1 : vector<3200x2xf32>, vector<3200x126xf32> -> vector<3200x128xf32>
    %mul3A_30 = arith.mulf %concatenate3A_29, %slice3A_25 : vector<3200x128xf32>
    %add3A_31 = arith.addf %add3A_24, %mul3A_30 : vector<3200x128xf32>
    %slice3A_32 = vector.extract_strided_slice %add3A_9 {offsets = [0, 384], sizes = [3200, 128], strides = [1, 1]} : vector<3200x1024xf32> to vector<3200x128xf32>
    %broadcast_in_dim3A_33 = arith.constant 0.000000e+00 : f32
    %broadcast_in_dim3A_34 = vector.broadcast %broadcast_in_dim3A_33 : f32 to vector<3200x1xf32>
    %slice3A_35 = vector.extract_strided_slice %get3A_12 {offsets = [0, 0], sizes = [3200, 127], strides = [1, 1]} : vector<3200x128xf32> to vector<3200x127xf32>
    %concatenate3A_36 = tpu.concatenate %broadcast_in_dim3A_34, %slice3A_35 in 1 : vector<3200x1xf32>, vector<3200x127xf32> -> vector<3200x128xf32>
    %mul3A_37 = arith.mulf %concatenate3A_36, %slice3A_32 : vector<3200x128xf32>
    %add3A_38 = arith.addf %add3A_31, %mul3A_37 : vector<3200x128xf32>
    %slice3A_39 = vector.extract_strided_slice %add3A_9 {offsets = [0, 512], sizes = [3200, 128], strides = [1, 1]} : vector<3200x1024xf32> to vector<3200x128xf32>
    %mul3A_40 = arith.mulf %get3A_12, %slice3A_39 : vector<3200x128xf32>
    %add3A_41 = arith.addf %add3A_38, %mul3A_40 : vector<3200x128xf32>
    %slice3A_42 = vector.extract_strided_slice %add3A_9 {offsets = [0, 640], sizes = [3200, 128], strides = [1, 1]} : vector<3200x1024xf32> to vector<3200x128xf32>
    %broadcast_in_dim3A_43 = arith.constant 0.000000e+00 : f32
    %broadcast_in_dim3A_44 = vector.broadcast %broadcast_in_dim3A_43 : f32 to vector<3200x1xf32>
    %slice3A_45 = vector.extract_strided_slice %get3A_12 {offsets = [0, 1], sizes = [3200, 127], strides = [1, 1]} : vector<3200x128xf32> to vector<3200x127xf32>
    %concatenate3A_46 = tpu.concatenate %slice3A_45, %broadcast_in_dim3A_44 in 1 : vector<3200x127xf32>, vector<3200x1xf32> -> vector<3200x128xf32>
    %mul3A_47 = arith.mulf %concatenate3A_46, %slice3A_42 : vector<3200x128xf32>
    %add3A_48 = arith.addf %add3A_41, %mul3A_47 : vector<3200x128xf32>
    %slice3A_49 = vector.extract_strided_slice %add3A_9 {offsets = [0, 768], sizes = [3200, 128], strides = [1, 1]} : vector<3200x1024xf32> to vector<3200x128xf32>
    %broadcast_in_dim3A_50 = arith.constant 0.000000e+00 : f32
    %broadcast_in_dim3A_51 = vector.broadcast %broadcast_in_dim3A_50 : f32 to vector<3200x2xf32>
    %slice3A_52 = vector.extract_strided_slice %get3A_12 {offsets = [0, 2], sizes = [3200, 126], strides = [1, 1]} : vector<3200x128xf32> to vector<3200x126xf32>
    %concatenate3A_53 = tpu.concatenate %slice3A_52, %broadcast_in_dim3A_51 in 1 : vector<3200x126xf32>, vector<3200x2xf32> -> vector<3200x128xf32>
    %mul3A_54 = arith.mulf %concatenate3A_53, %slice3A_49 : vector<3200x128xf32>
    %add3A_55 = arith.addf %add3A_48, %mul3A_54 : vector<3200x128xf32>
    %slice3A_56 = vector.extract_strided_slice %add3A_9 {offsets = [0, 896], sizes = [3200, 128], strides = [1, 1]} : vector<3200x1024xf32> to vector<3200x128xf32>
    %broadcast_in_dim3A_57 = arith.constant 0.000000e+00 : f32
    %broadcast_in_dim3A_58 = vector.broadcast %broadcast_in_dim3A_57 : f32 to vector<3200x3xf32>
    %slice3A_59 = vector.extract_strided_slice %get3A_12 {offsets = [0, 3], sizes = [3200, 125], strides = [1, 1]} : vector<3200x128xf32> to vector<3200x125xf32>
    %concatenate3A_60 = tpu.concatenate %slice3A_59, %broadcast_in_dim3A_58 in 1 : vector<3200x125xf32>, vector<3200x3xf32> -> vector<3200x128xf32>
    %mul3A_61 = arith.mulf %concatenate3A_60, %slice3A_56 : vector<3200x128xf32>
    %add3A_62 = arith.addf %add3A_55, %mul3A_61 : vector<3200x128xf32>
    %swap3A = arith.constant 0 : index
    %swap3A_63 = arith.constant 0 : index
    %swap3A_64 = vector.load %arg5[%swap3A, %swap3A_63] : memref<3200x128xf32, #tpu.memory_space<vmem>>, vector<3200x128xf32>
    tpu.vector_store %arg5[%swap3A, %swap3A_63], %add3A_62 {strides = array<i32>} : memref<3200x128xf32, #tpu.memory_space<vmem>>, vector<3200x128xf32>,
    return
  }
  func.func @transform_0(%arg0: i32) -> (i32, i32) {
    %add3A = arith.constant 12 : i32
    %add3A_0 = arith.addi %arg0, %add3A : i32
    %c0_i32 = arith.constant 0 : i32
    %c0_i32_1 = arith.constant 0 : i32
    return %add3A_0, %c0_i32 : i32, i32
  }
  func.func @transform_1(%arg0: i32) -> (i32, i32) {
    %add3A = arith.constant 37 : i32
    %add3A_0 = arith.addi %arg0, %add3A : i32
    %c0_i32 = arith.constant 0 : i32
    %c0_i32_1 = arith.constant 0 : i32
    return %add3A_0, %c0_i32 : i32, i32
  }
  func.func @transform_2(%arg0: i32) -> (i32, i32) {
    %c0_i32 = arith.constant 0 : i32
    %c0_i32_0 = arith.constant 0 : i32
    %c0_i32_1 = arith.constant 0 : i32
    return %c0_i32, %c0_i32_0 : i32, i32
  }
  func.func @transform_3(%arg0: i32) -> (i32, i32) {
    %c0_i32 = arith.constant 0 : i32
    %c0_i32_0 = arith.constant 0 : i32
    %c0_i32_1 = arith.constant 0 : i32
    return %c0_i32, %c0_i32_0 : i32, i32
  }
  func.func @transform_4(%arg0: i32) -> (i32, i32) {
    %c0_i32 = arith.constant 0 : i32
    %c0_i32_0 = arith.constant 0 : i32
    return %arg0, %c0_i32 : i32, i32
  }
}

module attributes {stable_mosaic.version = 14 : i64} {
  func.func @_kax_body(%arg0: i32, %arg1: memref<3200x128xbf16, #tpu.memory_space<vmem>>, %arg2: memref<3200x128xf32, #tpu.memory_space<vmem>>, %arg3: memref<128x1024xbf16, #tpu.memory_space<vmem>>, %arg4: memref<1x1024xf32, #tpu.memory_space<vmem>>, %arg5: memref<3200x128xf32, #tpu.memory_space<vmem>>) attributes {dimension_semantics = [#tpu.dimension_semantics<arbitrary>], iteration_bounds = array<i64: 12>, scalar_prefetch = 0 : i64, scratch_operands = 0 : i64, tpu.core_type = #tpu.core_type<tc>, window_params = [{transform_indices = @transform_0, window_bounds = array<i64: 3200, 128>}, {transform_indices = @transform_1, window_bounds = array<i64: 3200, 128>}, {pipeline_mode = #tpu.pipeline_mode<synchronous>, transform_indices = @transform_2, window_bounds = array<i64: 128, 1024>}, {pipeline_mode = #tpu.pipeline_mode<synchronous>, transform_indices = @transform_3, window_bounds = array<i64: 1, 1024>}, {transform_indices = @transform_4, window_bounds = array<i64: 3200, 128>}]} {
    %get3A = arith.constant 0 : index
    %get3A_0 = arith.constant 0 : index
    %get3A_1 = vector.load %arg1[%get3A, %get3A_0] : memref<3200x128xbf16, #tpu.memory_space<vmem>>, vector<3200x128xbf16>
    %get3A_2 = arith.constant 0 : index
    %get3A_3 = arith.constant 0 : index
    %get3A_4 = vector.load %arg3[%get3A_2, %get3A_3] : memref<128x1024xbf16, #tpu.memory_space<vmem>>, vector<128x1024xbf16>
    %dot_general3A = arith.constant dense<0.000000e+00> : vector<3200x1024xf32>
    %dot_general3A_5 = tpu.matmul %get3A_1, %get3A_4, %dot_general3A {dimension_numbers = #tpu.dot_dimension_numbers<[1], [0], [0], [1], [0, 0, 1, 1], [], []>, transpose_lhs_hint = false} : vector<3200x128xbf16>, vector<128x1024xbf16>, vector<3200x1024xf32> -> vector<3200x1024xf32>
    %get3A_6 = arith.constant 0 : index
    %get3A_7 = arith.constant 0 : index
    %get3A_8 = vector.load %arg4[%get3A_6, %get3A_7] : memref<1x1024xf32, #tpu.memory_space<vmem>>, vector<1x1024xf32>
    %add3A = vector.broadcast %get3A_8 : vector<1x1024xf32> to vector<3200x1024xf32>
    %add3A_9 = arith.addf %dot_general3A_5, %add3A : vector<3200x1024xf32>
    %get3A_10 = arith.constant 0 : index
    %get3A_11 = arith.constant 0 : index
    %get3A_12 = vector.load %arg2[%get3A_10, %get3A_11] : memref<3200x128xf32, #tpu.memory_space<vmem>>, vector<3200x128xf32>
    %broadcast_in_dim3A = arith.constant 0.000000e+00 : f32
    %broadcast_in_dim3A_13 = vector.broadcast %broadcast_in_dim3A : f32 to vector<3200x128xf32>
    %slice3A = vector.extract_strided_slice %add3A_9 {offsets = [0, 0], sizes = [3200, 128], strides = [1, 1]} : vector<3200x1024xf32> to vector<3200x128xf32>
    %broadcast_in_dim3A_14 = arith.constant 0.000000e+00 : f32
    %broadcast_in_dim3A_15 = vector.broadcast %broadcast_in_dim3A_14 : f32 to vector<3200x4xf32>
    %slice3A_16 = vector.extract_strided_slice %get3A_12 {offsets = [0, 0], sizes = [3200, 124], strides = [1, 1]} : vector<3200x128xf32> to vector<3200x124xf32>
    %concatenate3A = tpu.concatenate %broadcast_in_dim3A_15, %slice3A_16 in 1 : vector<3200x4xf32>, vector<3200x124xf32> -> vector<3200x128xf32>
    %mul3A = arith.mulf %concatenate3A, %slice3A : vector<3200x128xf32>
    %add3A_17 = arith.addf %broadcast_in_dim3A_13, %mul3A : vector<3200x128xf32>
    %slice3A_18 = vector.extract_strided_slice %add3A_9 {offsets = [0, 128], sizes = [3200, 128], strides = [1, 1]} : vector<3200x1024xf32> to vector<3200x128xf32>
    %broadcast_in_dim3A_19 = arith.constant 0.000000e+00 : f32
    %broadcast_in_dim3A_20 = vector.broadcast %broadcast_in_dim3A_19 : f32 to vector<3200x3xf32>
    %slice3A_21 = vector.extract_strided_slice %get3A_12 {offsets = [0, 0], sizes = [3200, 125], strides = [1, 1]} : vector<3200x128xf32> to vector<3200x125xf32>
    %concatenate3A_22 = tpu.concatenate %broadcast_in_dim3A_20, %slice3A_21 in 1 : vector<3200x3xf32>, vector<3200x125xf32> -> vector<3200x128xf32>
    %mul3A_23 = arith.mulf %concatenate3A_22, %slice3A_18 : vector<3200x128xf32>
    %add3A_24 = arith.addf %add3A_17, %mul3A_23 : vector<3200x128xf32>
    %slice3A_25 = vector.extract_strided_slice %add3A_9 {offsets = [0, 256], sizes = [3200, 128], strides = [1, 1]} : vector<3200x1024xf32> to vector<3200x128xf32>
    %broadcast_in_dim3A_26 = arith.constant 0.000000e+00 : f32
    %broadcast_in_dim3A_27 = vector.broadcast %broadcast_in_dim3A_26 : f32 to vector<3200x2xf32>
    %slice3A_28 = vector.extract_strided_slice %get3A_12 {offsets = [0, 0], sizes = [3200, 126], strides = [1, 1]} : vector<3200x128xf32> to vector<3200x126xf32>
    %concatenate3A_29 = tpu.concatenate %broadcast_in_dim3A_27, %slice3A_28 in 1 : vector<3200x2xf32>, vector<3200x126xf32> -> vector<3200x128xf32>
    %mul3A_30 = arith.mulf %concatenate3A_29, %slice3A_25 : vector<3200x128xf32>
    %add3A_31 = arith.addf %add3A_24, %mul3A_30 : vector<3200x128xf32>
    %slice3A_32 = vector.extract_strided_slice %add3A_9 {offsets = [0, 384], sizes = [3200, 128], strides = [1, 1]} : vector<3200x1024xf32> to vector<3200x128xf32>
    %broadcast_in_dim3A_33 = arith.constant 0.000000e+00 : f32
    %broadcast_in_dim3A_34 = vector.broadcast %broadcast_in_dim3A_33 : f32 to vector<3200x1xf32>
    %slice3A_35 = vector.extract_strided_slice %get3A_12 {offsets = [0, 0], sizes = [3200, 127], strides = [1, 1]} : vector<3200x128xf32> to vector<3200x127xf32>
    %concatenate3A_36 = tpu.concatenate %broadcast_in_dim3A_34, %slice3A_35 in 1 : vector<3200x1xf32>, vector<3200x127xf32> -> vector<3200x128xf32>
    %mul3A_37 = arith.mulf %concatenate3A_36, %slice3A_32 : vector<3200x128xf32>
    %add3A_38 = arith.addf %add3A_31, %mul3A_37 : vector<3200x128xf32>
    %slice3A_39 = vector.extract_strided_slice %add3A_9 {offsets = [0, 512], sizes = [3200, 128], strides = [1, 1]} : vector<3200x1024xf32> to vector<3200x128xf32>
    %mul3A_40 = arith.mulf %get3A_12, %slice3A_39 : vector<3200x128xf32>
    %add3A_41 = arith.addf %add3A_38, %mul3A_40 : vector<3200x128xf32>
    %slice3A_42 = vector.extract_strided_slice %add3A_9 {offsets = [0, 640], sizes = [3200, 128], strides = [1, 1]} : vector<3200x1024xf32> to vector<3200x128xf32>
    %broadcast_in_dim3A_43 = arith.constant 0.000000e+00 : f32
    %broadcast_in_dim3A_44 = vector.broadcast %broadcast_in_dim3A_43 : f32 to vector<3200x1xf32>
    %slice3A_45 = vector.extract_strided_slice %get3A_12 {offsets = [0, 1], sizes = [3200, 127], strides = [1, 1]} : vector<3200x128xf32> to vector<3200x127xf32>
    %concatenate3A_46 = tpu.concatenate %slice3A_45, %broadcast_in_dim3A_44 in 1 : vector<3200x127xf32>, vector<3200x1xf32> -> vector<3200x128xf32>
    %mul3A_47 = arith.mulf %concatenate3A_46, %slice3A_42 : vector<3200x128xf32>
    %add3A_48 = arith.addf %add3A_41, %mul3A_47 : vector<3200x128xf32>
    %slice3A_49 = vector.extract_strided_slice %add3A_9 {offsets = [0, 768], sizes = [3200, 128], strides = [1, 1]} : vector<3200x1024xf32> to vector<3200x128xf32>
    %broadcast_in_dim3A_50 = arith.constant 0.000000e+00 : f32
    %broadcast_in_dim3A_51 = vector.broadcast %broadcast_in_dim3A_50 : f32 to vector<3200x2xf32>
    %slice3A_52 = vector.extract_strided_slice %get3A_12 {offsets = [0, 2], sizes = [3200, 126], strides = [1, 1]} : vector<3200x128xf32> to vector<3200x126xf32>
    %concatenate3A_53 = tpu.concatenate %slice3A_52, %broadcast_in_dim3A_51 in 1 : vector<3200x126xf32>, vector<3200x2xf32> -> vector<3200x128xf32>
    %mul3A_54 = arith.mulf %concatenate3A_53, %slice3A_49 : vector<3200x128xf32>
    %add3A_55 = arith.addf %add3A_48, %mul3A_54 : vector<3200x128xf32>
    %slice3A_56 = vector.extract_strided_slice %add3A_9 {offsets = [0, 896], sizes = [3200, 128], strides = [1, 1]} : vector<3200x1024xf32> to vector<3200x128xf32>
    %broadcast_in_dim3A_57 = arith.constant 0.000000e+00 : f32
    %broadcast_in_dim3A_58 = vector.broadcast %broadcast_in_dim3A_57 : f32 to vector<3200x3xf32>
    %slice3A_59 = vector.extract_strided_slice %get3A_12 {offsets = [0, 3], sizes = [3200, 125], strides = [1, 1]} : vector<3200x128xf32> to vector<3200x125xf32>
    %concatenate3A_60 = tpu.concatenate %slice3A_59, %broadcast_in_dim3A_58 in 1 : vector<3200x125xf32>, vector<3200x3xf32> -> vector<3200x128xf32>
    %mul3A_61 = arith.mulf %concatenate3A_60, %slice3A_56 : vector<3200x128xf32>
    %add3A_62 = arith.addf %add3A_55, %mul3A_61 : vector<3200x128xf32>
    %swap3A = arith.constant 0 : index
    %swap3A_63 = arith.constant 0 : index
    %swap3A_64 = vector.load %arg5[%swap3A, %swap3A_63] : memref<3200x128xf32, #tpu.memory_space<vmem>>, vector<3200x128xf32>
    tpu.vector_store %arg5[%swap3A, %swap3A_63], %add3A_62 {strides = array<i32>} : memref<3200x128xf32, #tpu.memory_space<vmem>>, vector<3200x128xf32>,
    return
  }
  func.func @transform_0(%arg0: i32) -> (i32, i32) {
    %add3A = arith.constant 0 : i32
    %add3A_0 = arith.addi %arg0, %add3A : i32
    %c0_i32 = arith.constant 0 : i32
    %c0_i32_1 = arith.constant 0 : i32
    return %add3A_0, %c0_i32 : i32, i32
  }
  func.func @transform_1(%arg0: i32) -> (i32, i32) {
    %add3A = arith.constant 25 : i32
    %add3A_0 = arith.addi %arg0, %add3A : i32
    %c0_i32 = arith.constant 0 : i32
    %c0_i32_1 = arith.constant 0 : i32
    return %add3A_0, %c0_i32 : i32, i32
  }
  func.func @transform_2(%arg0: i32) -> (i32, i32) {
    %c0_i32 = arith.constant 0 : i32
    %c0_i32_0 = arith.constant 0 : i32
    %c0_i32_1 = arith.constant 0 : i32
    return %c0_i32, %c0_i32_0 : i32, i32
  }
  func.func @transform_3(%arg0: i32) -> (i32, i32) {
    %c0_i32 = arith.constant 0 : i32
    %c0_i32_0 = arith.constant 0 : i32
    %c0_i32_1 = arith.constant 0 : i32
    return %c0_i32, %c0_i32_0 : i32, i32
  }
  func.func @transform_4(%arg0: i32) -> (i32, i32) {
    %c0_i32 = arith.constant 0 : i32
    %c0_i32_0 = arith.constant 0 : i32
    return %arg0, %c0_i32 : i32, i32
  }
}

module attributes {stable_mosaic.version = 14 : i64} {
  func.func @_add_body(%arg0: i32, %arg1: memref<2x2000x128xf32, #tpu.memory_space<vmem>>, %arg2: memref<2x2000x128xf32, #tpu.memory_space<vmem>>, %arg3: memref<2x2000x128xf32, #tpu.memory_space<vmem>>, %arg4: memref<1x2000x128xf32, #tpu.memory_space<vmem>>) attributes {dimension_semantics = [#tpu.dimension_semantics<arbitrary>], iteration_bounds = array<i64: 5>, scalar_prefetch = 0 : i64, scratch_operands = 0 : i64, tpu.core_type = #tpu.core_type<tc>, window_params = [{transform_indices = @transform_0, window_bounds = array<i64: 2, 2000, 128>}, {transform_indices = @transform_1, window_bounds = array<i64: 2, 2000, 128>}, {transform_indices = @transform_2, window_bounds = array<i64: 2, 2000, 128>}, {transform_indices = @transform_3, window_bounds = array<i64: 1, 2000, 128>}]} {
    %get3A = arith.constant 0 : index
    %get3A_0 = arith.constant 0 : index
    %get3A_1 = arith.constant 0 : index
    %get3A_2 = vector.load %arg1[%get3A, %get3A_0, %get3A_1] : memref<2x2000x128xf32, #tpu.memory_space<vmem>>, vector<1x2000x128xf32>
    %get3A_3 = vector.shape_cast %get3A_2 : vector<1x2000x128xf32> to vector<2000x128xf32>
    %get3A_4 = arith.constant 1 : index
    %get3A_5 = arith.constant 0 : index
    %get3A_6 = arith.constant 0 : index
    %get3A_7 = vector.load %arg1[%get3A_4, %get3A_5, %get3A_6] : memref<2x2000x128xf32, #tpu.memory_space<vmem>>, vector<1x2000x128xf32>
    %get3A_8 = vector.shape_cast %get3A_7 : vector<1x2000x128xf32> to vector<2000x128xf32>
    %add3A = arith.addf %get3A_3, %get3A_8 : vector<2000x128xf32>
    %get3A_9 = arith.constant 0 : index
    %get3A_10 = arith.constant 0 : index
    %get3A_11 = arith.constant 0 : index
    %get3A_12 = vector.load %arg2[%get3A_9, %get3A_10, %get3A_11] : memref<2x2000x128xf32, #tpu.memory_space<vmem>>, vector<1x2000x128xf32>
    %get3A_13 = vector.shape_cast %get3A_12 : vector<1x2000x128xf32> to vector<2000x128xf32>
    %get3A_14 = arith.constant 1 : index
    %get3A_15 = arith.constant 0 : index
    %get3A_16 = arith.constant 0 : index
    %get3A_17 = vector.load %arg2[%get3A_14, %get3A_15, %get3A_16] : memref<2x2000x128xf32, #tpu.memory_space<vmem>>, vector<1x2000x128xf32>
    %get3A_18 = vector.shape_cast %get3A_17 : vector<1x2000x128xf32> to vector<2000x128xf32>
    %add3A_19 = arith.addf %get3A_13, %get3A_18 : vector<2000x128xf32>
    %add3A_20 = arith.addf %add3A, %add3A_19 : vector<2000x128xf32>
    %get3A_21 = arith.constant 0 : index
    %get3A_22 = arith.constant 0 : index
    %get3A_23 = arith.constant 0 : index
    %get3A_24 = vector.load %arg3[%get3A_21, %get3A_22, %get3A_23] : memref<2x2000x128xf32, #tpu.memory_space<vmem>>, vector<1x2000x128xf32>
    %get3A_25 = vector.shape_cast %get3A_24 : vector<1x2000x128xf32> to vector<2000x128xf32>
    %get3A_26 = arith.constant 1 : index
    %get3A_27 = arith.constant 0 : index
    %get3A_28 = arith.constant 0 : index
    %get3A_29 = vector.load %arg3[%get3A_26, %get3A_27, %get3A_28] : memref<2x2000x128xf32, #tpu.memory_space<vmem>>, vector<1x2000x128xf32>
    %get3A_30 = vector.shape_cast %get3A_29 : vector<1x2000x128xf32> to vector<2000x128xf32>
    %add3A_31 = arith.addf %get3A_25, %get3A_30 : vector<2000x128xf32>
    %add3A_32 = arith.addf %add3A_20, %add3A_31 : vector<2000x128xf32>
    %swap3A = arith.constant 0 : index
    %swap3A_33 = arith.constant 0 : index
    %swap3A_34 = arith.constant 0 : index
    %swap3A_35 = vector.load %arg4[%swap3A, %swap3A_33, %swap3A_34] : memref<1x2000x128xf32, #tpu.memory_space<vmem>>, vector<1x2000x128xf32>
    %swap3A_36 = vector.shape_cast %swap3A_35 : vector<1x2000x128xf32> to vector<2000x128xf32>
    %swap3A_37 = vector.shape_cast %add3A_32 : vector<2000x128xf32> to vector<1x2000x128xf32>
    tpu.vector_store %arg4[%swap3A, %swap3A_33, %swap3A_34], %swap3A_37 {strides = array<i32>} : memref<1x2000x128xf32, #tpu.memory_space<vmem>>, vector<1x2000x128xf32>,
    return
  }
  func.func @transform_0(%arg0: i32) -> (i32, i32, i32) {
    %c0_i32 = arith.constant 0 : i32
    %c0_i32_0 = arith.constant 0 : i32
    %c0_i32_1 = arith.constant 0 : i32
    return %c0_i32, %arg0, %c0_i32_0 : i32, i32, i32
  }
  func.func @transform_1(%arg0: i32) -> (i32, i32, i32) {
    %c0_i32 = arith.constant 0 : i32
    %c0_i32_0 = arith.constant 0 : i32
    %c0_i32_1 = arith.constant 0 : i32
    return %c0_i32, %arg0, %c0_i32_0 : i32, i32, i32
  }
  func.func @transform_2(%arg0: i32) -> (i32, i32, i32) {
    %c0_i32 = arith.constant 0 : i32
    %c0_i32_0 = arith.constant 0 : i32
    %c0_i32_1 = arith.constant 0 : i32
    return %c0_i32, %arg0, %c0_i32_0 : i32, i32, i32
  }
  func.func @transform_3(%arg0: i32) -> (i32, i32, i32) {
    %c0_i32 = arith.constant 0 : i32
    %c0_i32_0 = arith.constant 0 : i32
    %c0_i32_1 = arith.constant 0 : i32
    return %c0_i32, %arg0, %c0_i32_0 : i32, i32, i32
  }
}

</mosaic_0001>

<sc_bundles>
// kernel: kernel.11.cloned.1.call-start
scs
__scs_entry_jumppad:
0x0: {  	(pc) =	sbr.rel $0x88, $3  }
0x1: {  	(tag) =	ssettag $0x0;
	lr =	simm.s32 $0x1  }
0x2: {  	[smem:$0x3F90] =	sst lr;
	_ =	strace $0xD0000000  }
0x3: {  	_ = 	snop  }
0x4: {  	_ = 	snop  }
0x5: {  	_ = 	snop  }
0x6: {  	_ = 	snop  }
0x7: {  	_ = 	snop  }
__scs_overlays_trampoline_lowered:
0x8: {  	[smem:$0x3F9F] =	sst s0  }
0x9: {  	[smem:$0x3FA0] =	sst s1  }
0xa: {  	[smem:$0x3FA1] =	sst s2  }
0xb: {  	[smem:$0x3FA2] =	sst s3  }
0xc: {  	[smem:$0x3FA3] =	sst s4  }
0xd: {  	[smem:$0x3FA4] =	sst s5  }
0xe: {  	[smem:$0x3FA5] =	sst s6  }
0xf: {  	[smem:$0x3FA6] =	sst s7  }
0x10: {  	[smem:$0x3FA7] =	sst s8  }
0x11: {  	[smem:$0x3FA8] =	sst s9;
	s0 =	simm.s32 @!p0 $0x0  }
0x12: {  	s1 =	sld [smem:$0x3F8E];
	s0 =	simm.s32 @p0 $0x1  }
0x13: {  	[smem:$0x3FA9] =	sst s0;
	s0 =	simm.s32 @!p1 $0x0  }
0x14: {  	s2 =	sld [smem:$0x3F8D];
	s0 =	simm.s32 @p1 $0x1  }
0x15: {  	[smem:$0x3FAA] =	sst s0;
	s0 =	simm.s32 @!p2 $0x0  }
0x16: {  	s3 =	sld [smem:$0x3FDB];
	s0 =	simm.s32 @p2 $0x1  }
0x17: {  	s4 =	simm.s32 $0x1BF5;
	[smem:$0x3FAC] =	sst s0  }
0x18: {  	s0 =	sld [smem:$0x3F8F];
	_ =	swait.ge [sflag:s4], $0x0  }
0x19: {  	s7 =	sld [smem:$0x3F90]  }
0x1a: {  	s8 =	sadd.s32 $0xFFFFE003, lr  }
0x1b: {  	s9 =	sadd.s32 $0xFFFFFEF7, lr;
	s5 =	simm.s32 $0xFFFFFFFF;
	p2 =	slt.u32 s8, $0xFFFFF086  }
0x1c: {  	p1 =	slt.u32 s9, $0xF7A;
	s5 =	simm.s32 @!p2 $0x0  }
0x1d: {  	s5 =	simm.s32 @p1 $0x1;
	p0 =	seq.s32 s7, s2  }
0x1e: {  	s7 =	smul.u32 @!p0 $0xF7A, s2;
	p2 =	seq.s32 @!p0 s5, $0x0  }
0x1f: {  	s9 =	smul.u32 $0xF7A, s1;
	s8 =	simm.s32 @!p0 $0x1BF5;
	p2 =	por !p2, p0  }
0x20: {  	[sflag:s8] =	ssyncset.s32 @!p0 $0xFFFFF086;
	s6 =	sadd.s32 @!p0 s3, s7;
	s7 =	simm.s32 @!p0 $0x108  }
0x21: {  	s3 =	sadd.s32 s3, s9;
	s6 =	sadd.s32 @!p0 $0x88, s6;
	s7 =	simm.s32 @p2 $0x1082  }
0x22: {  	[simem:s7], [sflag:s8] =	dma.local @!p0 [hbm:s6], $0xF7A  }
0x23: {  	s9 =	sor.u32 $0xD0000000, s2;
	s6 =	simm.s32 $0x108;
	_ =	swait.ge @!p0 [sflag:s8], $0x0  }
0x24: {  	s3 =	sadd.s32 $0x88, s3;
	s6 =	simm.s32 @!p1 $0x1082;
	[sflag:s4] =	ssyncset.s32 $0xFFFFF086  }
0x25: {  	[simem:s6], [sflag:s4] =	dma.local [hbm:s3], $0xF7A  }
0x26: {  	[smem:$0x3F90] =	sst s1;
	(tag) =	ssettag s2;
	_ =	strace s9  }
0x27: {  	s1 =	sld [smem:$0x3FA0]  }
0x28: {  	s2 =	sld [smem:$0x3FA1]  }
0x29: {  	s4 =	sld [smem:$0x3FA3]  }
0x2a: {  	p0 =	seq.s32 s5, $0x0;
	s5 =	sld [smem:$0x3FA4]  }
0x2b: {  	s6 =	sld [smem:$0x3FA5]  }
0x2c: {  	s7 =	sld [smem:$0x3FA6]  }
0x2d: {  	s3 =	simm.s32 $0x108;
	s8 =	sld [smem:$0x3FA7]  }
0x2e: {  	s3 =	simm.s32 @!p0 $0x1082;
	s9 =	sld [smem:$0x3FA8]  }
0x2f: {  	lr =	sadd.s32 s0, s3;
	s0 =	sld [smem:$0x3F9F]  }
0x30: {  	s3 =	sld [smem:$0x3FA2]  }
0x31: {  	[smem:$0x3FAB] =	sst s10  }
0x32: {  	s10 =	sld [smem:$0x3FA9];
	_ =	sdelay $0x3  }
0x33: {  	p0 =	seq.s32 s10, $0x1;
	s10 =	sld [smem:$0x3FAB];
	_ =	sdelay $0x3  }
0x34: {  	[smem:$0x3FAB] =	sst s10  }
0x35: {  	s10 =	sld [smem:$0x3FAA];
	_ =	sdelay $0x3  }
0x36: {  	p1 =	seq.s32 s10, $0x1;
	s10 =	sld [smem:$0x3FAB];
	_ =	sdelay $0x3  }
0x37: {  	[smem:$0x3FAB] =	sst s10  }
0x38: {  	s10 =	sld [smem:$0x3FAC]  }
0x39: {  	_ = 	snop;
	(pc) =	sbr.ind lr, $3  }
0x3a: {  	_ = 	snop  }
0x3b: {  	_ = 	snop  }
0x3c: {  	p2 =	seq.s32 s10, $0x1;
	s10 =	sld [smem:$0x3FAB]  }
0x3d: {  	_ =	shalt  }
0x3e: {  	_ =	shalt  }
0x3f: {  	_ =	shalt  }
0x40: {  	_ =	shalt  }
0x41: {  	_ =	shalt  }
0x42: {  	_ =	shalt  }
0x43: {  	_ =	shalt  }
0x44: {  	_ =	shalt  }
0x45: {  	_ =	shalt  }
0x46: {  	_ =	shalt  }
0x47: {  	_ =	shalt  }
0x48: {  	_ =	shalt  }
0x49: {  	_ =	shalt  }
0x4a: {  	_ =	shalt  }
0x4b: {  	_ =	shalt  }
0x4c: {  	_ =	shalt  }
0x4d: {  	_ =	shalt  }
0x4e: {  	_ =	shalt  }
0x4f: {  	_ =	shalt  }
0x50: {  	_ =	shalt  }
0x51: {  	_ =	shalt  }
0x52: {  	_ =	shalt  }
0x53: {  	_ =	shalt  }
0x54: {  	_ =	shalt  }
0x55: {  	_ =	shalt  }
0x56: {  	_ =	shalt  }
0x57: {  	_ =	shalt  }
0x58: {  	_ =	shalt  }
0x59: {  	_ =	shalt  }
0x5a: {  	_ =	shalt  }
0x5b: {  	_ =	shalt  }
0x5c: {  	_ =	shalt  }
0x5d: {  	_ =	shalt  }
0x5e: {  	_ =	shalt  }
0x5f: {  	_ =	shalt  }
0x60: {  	_ =	shalt  }
0x61: {  	_ =	shalt  }
0x62: {  	_ =	shalt  }
0x63: {  	_ =	shalt  }
0x64: {  	_ =	shalt  }
0x65: {  	_ =	shalt  }
0x66: {  	_ =	shalt  }
0x67: {  	_ =	shalt  }
0x68: {  	_ =	shalt  }
0x69: {  	_ =	shalt  }
0x6a: {  	_ =	shalt  }
0x6b: {  	_ =	shalt  }
0x6c: {  	_ =	shalt  }
0x6d: {  	_ =	shalt  }
0x6e: {  	_ =	shalt  }
0x6f: {  	_ =	shalt  }
0x70: {  	_ =	shalt  }
0x71: {  	_ =	shalt  }
0x72: {  	_ =	shalt  }
0x73: {  	_ =	shalt  }
0x74: {  	_ =	shalt  }
0x75: {  	_ =	shalt  }
0x76: {  	_ =	shalt  }
0x77: {  	_ =	shalt  }
0x78: {  	_ =	shalt  }
0x79: {  	_ =	shalt  }
0x7a: {  	_ =	shalt  }
0x7b: {  	_ =	shalt  }
0x7c: {  	_ =	shalt  }
0x7d: {  	_ =	shalt  }
0x7e: {  	_ =	shalt  }
0x7f: {  	_ =	shalt  }
0x80: {  	_ =	shalt  }
0x81: {  	_ =	shalt  }
0x82: {  	_ =	shalt  }
0x83: {  	_ =	shalt  }
0x84: {  	_ =	shalt  }
0x85: {  	_ =	shalt  }
0x86: {  	_ =	shalt  }
0x87: {  	_ =	shalt  }
.Lfunc_end0:
.L_simem_size_0:
called_computation_lowered:
.L_overlay_start_0:
0x88: {  	s2 =	sld [smem:$0x3FD9]  }
0x89: {  	s3 =	sld [smem:$0x3FFE];
	_ =	sdelay $0x1  }
0x8a: {  	s1 =	srdreg.scid  }
0x8b: {  	s0 =	sand.u32 $0x1, s1  }
0x8c: {  	s17 =	sshll.u32 s0, $0xA;
	s2 =	sadd.s32 s3, s2  }
0x8d: {  	s2 =	sadd.s32 s2, s17  }
0x8e: {  	[smem:$0x3FB7] =	sst s2  }
0x8f: {  	_ = 	snop  }
0x90: {  	s2 =	sld [smem:$0x3FC9]  }
0x91: {  	s18 =	sld [smem:$0x3FD0];
	(tm) =	ssettm $0x1  }
0x92: {  	s4 =	sld [smem:$0x3FFB];
	_ =	sdelay $0x3  }
0x93: {  	_ =	strace s4  }
0x94: {  	s4 =	sld [smem:$0x3FFC];
	_ =	sdelay $0x3  }
0x95: {  	_ =	strace s4  }
0x96: {  	s4 =	sld [smem:$0x3FFD];
	_ =	sdelay $0x3  }
0x97: {  	_ =	strace s4  }
0x98: {  	_ =	strace $0x8FFFFFFF  }
0x99: {  	s19 =	sld [smem:$0x3FDB];
	_ =	sdelay $0x1  }
0x9a: {  	s5 =	simm.s32 $_scs_section_size  }
0x9b: {  	s6 =	simm.s32 $_size__tile_overlayer_lowered;
	s7 =	simm.s32 $_tile_overlayer_lowered  }
0x9c: {  	s22 =	simm.s32 $0x1BFF;
	s21 =	sshll.u32 s7, $0x1;
	s4 =	sadd.s32 s5, s19  }
0x9d: {  	s8 =	simm.s32 $0x0;
	s20 =	sshll.u32 s6, $0x1;
	s6 =	sadd.s32 s21, s4  }
0x9e: {  	[timem:s8], [sflag:s22] =	dma.local [hbm:s6], s20  }
0x9f: {  	_ =	swait.ge [sflag:s22], s20  }
0xa0: {  	s5 =	ssub.s32 $0x0, s20;
	[sflag:s22] =	ssyncset.done $0x0  }
0xa1: {  	[sflag:s22] =	ssyncadd.s32 s5;
	_ =	sdelay $0x1  }
0xa2: {  	s23 =	simm.s32 $0x1B8B  }
0xa3: {  	_ =	swait.ge [sflag:s23], $0x1  }
0xa4: {  	[sflag:s23] =	ssyncset.done $0x0  }
0xa5: {  	s25 =	simm.s32 $0x1B8E;
	s24 =	sld [smem:$0x3FFE];
	[sflag:s23] =	ssyncadd.s32 $0xFFFFFFFF  }
0xa6: {  	s26 =	simm.s32 $execute0_lowered;
	[smem:$0x3FD2] =	sst s25  }
0xa7: {  	s6 =	sshll.u32 s26, $0x1;
	_ =	strace $0x80000046;
	[dreg:$0x1] =	wrdreg $0xFFFFFFFF  }
0xa8: {  	s28 =	simm.s32 $_size_execute0_lowered;
	s4 =	sadd.s32 s4, s6;
	[dreg:$0x0] =	wrdreg $0x0  }
0xa9: {  	s6 =	sshll.u32 s28, $0x1;
	[dreg:$0x2] =	wrdreg s4  }
0xaa: {  	[dreg:$0x3] =	wrdreg s6  }
0xab: {  	[dreg:$0x4] =	wrdreg $0xC0  }
0xac: {  	_ =	task [dreg:s8], $0x5FFFF  }
0xad: {  	[dreg:$0x1] =	wrdreg $0xFFFFFFFF  }
0xae: {  	[dreg:$0x0] =	wrdreg $0x60  }
0xaf: {  	[dreg:$0x2] =	wrdreg s2  }
0xb0: {  	[dreg:$0x3] =	wrdreg s18  }
0xb1: {  	[dreg:$0x4] =	wrdreg s24  }
0xb2: {  	[dreg:$0x5] =	wrdreg $0x9  }
0xb3: {  	_ =	task.clear_ibuf [dreg:s8], $0x6FFFF;
	_ =	strace $0x90000046  }
0xb4: {  	s29 =	simm.s32 $0x9;
	_ =	strace $0x8000004F  }
0xb5: {  	_ =	swait.ge [sflag:s29], $0x1  }
0xb6: {  	[sflag:s29] =	ssyncadd.s32 $0xFFFFFFFF  }
0xb7: {  	_ =	strace $0x9000004F  }
0xb8: {  	_ =	sfence  }
0xb9: {  	s30 =	sld [smem:$0x0];
	_ =	sdelay $0x2  }
0xba: {  	s31 =	sshll.u32 s1, $0xD;
	s1 =	sshrl.u32 s1, $0x2  }
0xbb: {  	s3 =	sand.u32 $0x4000, s31;
	s1 =	sadd.s32 s1, s30  }
0xbc: {  	s0 =	sor.u32 s3, s0;
	s1 =	sshll.u32 s1, $0x11  }
0xbd: {  	s0 =	sor.u32 s1, s0  }
0xbe: {  	s0 =	sadd.s32 $0x8F2B, s0  }
0xbf: {  	[sflag:s0] =	ssyncadd.remote.s32 $0x1  }
0xc0: {  	_ =	sfence.sel $0xFFFF  }
0xc1: {  	[dreg:$0x0] =	wrdreg $0xFFFFFFFF;
	(pc) =	sbr.abs _section_cstart, $3  }
0xc2: {  	[dreg:$0x1] =	wrdreg $0xFFFFFFFF  }
0xc3: {  	_ =	task.clear_ibuf [dreg:s8], $0x2FFFF;
	_ =	strace $0x9FFFFFFF  }
0xc4: {  	(tm) =	ssettm $0x7FFFFFFF  }
0xc5: {  	_ =	shalt  }
tec
execute0_lowered:
.L_overlay_start_1:
0x0: {  	(tag) =	ssettag $0x1  }
0x1: {  	s0 =	rddreg [dreg:$0x0]  }
0x2: {  	s28 =	srdreg.scid;
	s2 =	rddreg [dreg:$0x1]  }
0x3: {  	s4 =	rddreg [dreg:$0x2];
	s1 =	stileid.u32  }
0x4: {  	s3 =	simm.s32 $0x0;
	[dreg:$0x4] =	wrdreg s0;
	s5 =	sand.u32 $0x1, s28  }
0x5: {  	s10 =	simm.s32 $0x80;
	s0 =	rddreg [dreg:$0x3];
	s6 =	sshll.u32 s5, $0x4  }
0x6: {  	s11 =	simm.s32 $0x0;
	[smem:$0x7FF] =	sst s3;
	s6 =	sor.u32 s1, s6  }
0x7: {  	s9 =	sadd.s32 $0x5E00, s4;
	_ =	strace $0x80000047;
	s7 =	smul.u32 $0x27, s6  }
0x8: {  	[dreg:$0x6] =	wrdreg s9;
	s29 =	ssub.s32 $0x2, s5;
	s8 =	smul.u32 $0x28, s6  }
0x9: {  	s5 =	simm.s32 $0x28;
	p0 =	slt.u32 s6, $0x2;
	s4 =	sadd.s32 $0x2, s7  }
0xa: {  	s9 =	simm.s32 $0x1;
	[dreg:$0x5] =	wrdreg s10;
	s4 =	smov.u32 @p0 s8  }
0xb: {  	s10 =	simm.s32 $0x5;
	s31 =	sshrl.u32 s29, $0x1;
	s30 =	sshll.u32 s4, $0x4  }
0xc: {  	s5 =	simm.s32 @!p0 $0x27;
	s8 =	ssub.s32 s29, s31;
	s7 =	sand.u32 $0x1FFFFFF0, s30  }
0xd: {  	s8 =	smax.u32 s8, $0x1;
	s6 =	sadd.s32 s2, s7;
	s7 =	sadd.s32 $0xFFFFFFFF, s5  }
.LBB2_1:
0xe: {  	_ =	strace $0x80000048;
	p2 =	sne.s32 s5, $0x1  }
.Ltmp0:
0xf: {  	p0 =	seq.s32 s5, $0x1;
	s13 =	simm.s32 $0x1;
	(pc) =	sbr.rel @!p2 .LBB2_2-.Ltmp0, $4  }
0x10: {  	[tilespmem:s3], [sflag:$0x1] =	stream.linear.gather [hbm4b:s6+s3], $0x80, $0x200038;
	[tilespmem:$0x8100] =	vst v63  }
0x11: {  	s12 =	simm.s32 $0x1;
	p1 =	por $0x1, $0x1;
	s13 =	simm.s32 @p0 $0x0  }
0x12: {  	p6 =	sgt.u32 s7, $0x0;
	p4 =	por p1, p1;
	p3 =	sne.s32 s13, $0x0  }
0x13: {  	_ =	strace $0x90000048;
	p5 =	por !p6, !p3;
	p6 =	por $0x0, $0x0  }
0x14: {  	p2 =	por !p5, !p5  }
0x15: {  	s21 =	sand.u32 $0x1, s3;
	s19 =	simm.s32 $0x2;
	s14 =	sadd.s32 @p2 s4, s13  }
0x16: {  	p1 =	por p3, p3;
	s15 =	sand.u32 @p2 $0x1, s9;
	s14 =	sshll.u32 @p2 s14, $0x4  }
0x17: {  	_ =	strace @p2 $0x80000049;
	s17 =	simm.s32 @p2 $0x0;
	s14 =	sand.u32 @p2 $0x1FFFFFF0, s14  }
0x18: {  	s16 =	sshll.u32 @p2 s15, $0x7;
	s15 =	sadd.s32 @p2 $0x1, s15;
	s14 =	sadd.s32 @p2 s2, s14  }
0x19: {  	[tilespmem:s16], [sflag:s15] =	stream.linear.gather @p2 [hbm4b:s14+s17], $0x80, $0x200038;
	[tilespmem:$0x8100] =	vst v63  }
0x1a: {  	s30 =	simm.s32 $0x0;
	p6 =	por $0x0, $0x0;
	_ =	strace @p2 $0x90000049  }
0x1b: {  	p0 =	sne.s32 s5, $0x2;
	s29 =	sadd.s32 $0x1, s21;
	_ =	strace $0x8000004A  }
0x1c: {  	s24 =	sadd.s32 $0x0, s4;
	p5 =	sgt.u32 s7, $0x1;
	_ =	swait.ge [sflag:s29], $0x80  }
0x1d: {  	s23 =	simm.s32 $0x1;
	s22 =	sshll.u32 s21, $0xE;
	[sflag:s29] =	ssyncset.done $0x0  }
0x1e: {  	s22 =	sor.u32 $0x100, s22;
	s16 =	sand.u32 @!p4 $0x1, s3;
	[sflag:s29] =	ssyncadd.s32 $0xFFFFFF80  }
0x1f: {  	s15 =	simm.s32 $0x1;
	s17 =	sadd.s32 $0x1, s13;
	_ =	strace $0x9000004A  }
0x20: {  	s14 =	sand.u32 $0x80, s30;
	s15 =	simm.s32 @!p2 $0x0;
	_ =	strace $0x8000004B  }
0x21: {  	p2 =	por p4, p4;
	p4 =	por p6, p6;
	s20 =	rddreg [dreg:$0x5]  }
0x22: {  	p3 =	seq.s32 s17, s5;
	p6 =	seq.s32 s7, $0x0;
	s31 =	rddreg [dreg:$0x4]  }
0x23: {  	[tilespmem:s22], [sflag:$0x5] =	stream.indirect.gather [hbm4b:s31+s20], $0x80, s14, s20, $0x2000b8;
	[tilespmem:$0x8100] =	vst v63  }
.Ltmp1:
0x24: {  	s18 =	sadd.s32 $0x1, s15;
	s17 =	simm.s32 @p3 $0x0;
	(pc) =	sbr.rel @!p0 .LBB2_4-.Ltmp1, $4  }
0x25: {  	p1 =	por p6, p1;
	p6 =	por $0x0, $0x0;
	_ =	swait.ge [sflag:s10], $0x4000  }
0x26: {  	s15 =	simm.s32 $0x0;
	p3 =	sne.s32 s13, s17;
	[sflag:s10] =	ssyncset.done $0x0  }
0x27: {  	s23 =	simm.s32 @!p6 $0x0;
	p5 =	por !p5, !p3;
	[sflag:s10] =	ssyncadd.s32 $0xFFFFC000  }
0x28: {  	s14 =	simm.s32 $0x0;
	s20 =	simm.s32 $0x0;
	_ =	strace $0x9000004B  }
.LBB2_5:
0x29: {  	_ =	strace @p1 $0x8000004C;
	s14 =	sadd.s32 s23, s14;
	s23 =	smov.u32 s12  }
0x2a: {  	s12 =	smov.u32 s19;
	s19 =	sadd.s32 $0x1, s19;
	p0 =	por p3, p3  }
0x2b: {  	s29 =	sshll.u32 @p1 s24, $0xB;
	s21 =	sadd.s32 @p1 $0x3, s21;
	s25 =	simm.s32 @!p0 $0x0  }
0x2c: {  	s26 =	rddreg [dreg:$0x6];
	s29 =	sand.u32 @p1 $0x1FFFF800, s29;
	s25 =	simm.s32 @p0 $0x1  }
0x2d: {  	s26 =	sadd.s32 @p1 s26, s29;
	s29 =	simm.s32 @p1 $0x0;
	p0 =	sne.s32 s5, s19  }
0x2e: {  	[hbm4b:s26+s29] =	stream.linear.scatter @p1 [tilespmem:s22], [sflag:s21], $0x4000, $0x200038;
	[tilespmem:$0x8100] =	vst v63  }
0x2f: {  	s21 =	sadd.s32 @!p2 $0x3, s16;
	s16 =	simm.s32 @!p0 $0x0  }
0x30: {  	s28 =	simm.s32 $0x1;
	[smem:$0x7FC] =	sst s25;
	s16 =	simm.s32 @p0 $0x1  }
0x31: {  	s28 =	simm.s32 @!p1 $0x0;
	_ =	strace @p1 $0x9000004C;
	[smem:$0x7FD] =	sst s16  }
0x32: {  	s20 =	sadd.s32 s28, s20;
	s25 =	sand.u32 @!p4 $0x1, s14;
	_ =	strace @!p2 $0x8000004D  }
0x33: {  	p1 =	por !p5, !p5;
	s16 =	smov.u32 s25;
	_ =	swait.ge @!p2 [sflag:s21], $0x4000  }
0x34: {  	s22 =	sand.u32 @p1 $0x1, s18;
	s25 =	sadd.s32 @p1 s4, s17;
	[sflag:s21] =	ssyncset.done @!p2 $0x0  }
0x35: {  	s26 =	sshll.u32 @p1 s22, $0x7;
	s25 =	sshll.u32 @p1 s25, $0x4;
	[sflag:s21] =	ssyncadd.s32 @!p2 $0xFFFFC000  }
0x36: {  	s21 =	sadd.s32 @p1 $0x1, s22;
	s22 =	sand.u32 @p1 $0x1FFFFFF0, s25;
	_ =	strace @!p2 $0x9000004D  }
0x37: {  	s25 =	simm.s32 @p1 $0x0;
	s22 =	sadd.s32 @p1 s2, s22;
	_ =	strace @p1 $0x80000049  }
0x38: {  	[tilespmem:s26], [sflag:s21] =	stream.linear.gather @p1 [hbm4b:s22+s25], $0x80, $0x200038;
	[tilespmem:$0x8100] =	vst v63  }
0x39: {  	s15 =	sadd.s32 s28, s15;
	s28 =	sand.u32 $0x1, s20;
	_ =	strace @p1 $0x90000049  }
0x3a: {  	s28 =	sadd.s32 $0x1, s28;
	_ =	strace $0x8000004A  }
0x3b: {  	_ =	swait.ge [sflag:s28], $0x80  }
0x3c: {  	[sflag:s28] =	ssyncset.done $0x0  }
0x3d: {  	s21 =	simm.s32 $0x1;
	[sflag:s28] =	ssyncadd.s32 $0xFFFFFF80  }
0x3e: {  	s21 =	simm.s32 @!p1 $0x0;
	_ =	strace $0x9000004A  }
0x3f: {  	s18 =	sadd.s32 s21, s18;
	s21 =	sand.u32 $0x1, s15;
	_ =	strace $0x8000004B  }
0x40: {  	s31 =	sshll.u32 s20, $0x7;
	s29 =	sshll.u32 s21, $0xE;
	s25 =	rddreg [dreg:$0x5]  }
0x41: {  	s31 =	sand.u32 $0x80, s31;
	s22 =	sor.u32 $0x100, s29;
	s26 =	rddreg [dreg:$0x4]  }
0x42: {  	[tilespmem:s22], [sflag:$0x5] =	stream.indirect.gather [hbm4b:s26+s25], $0x80, s31, s25, $0x2000b8;
	[tilespmem:$0x8100] =	vst v63  }
0x43: {  	_ =	swait.ge [sflag:s10], $0x4000  }
0x44: {  	[sflag:s10] =	ssyncset.done $0x0  }
0x45: {  	[sflag:s10] =	ssyncadd.s32 $0xFFFFC000  }
0x46: {  	s30 =	sadd.s32 $0x1, s17;
	_ =	strace $0x9000004B  }
0x47: {  	s24 =	sadd.s32 s4, s13;
	s13 =	smov.u32 s17;
	s31 =	sld [smem:$0x7FD]  }
0x48: {  	p0 =	sne.s32 s23, $0x0;
	s17 =	smov.u32 s30;
	p1 =	seq.s32 s30, s5  }
0x49: {  	s17 =	simm.s32 @p1 $0x0;
	p1 =	seq.s32 s7, s23;
	s23 =	simm.s32 $0x1  }
0x4a: {  	s23 =	simm.s32 @!p0 $0x0;
	p0 =	seq.s32 s31, $0x1  }
.Ltmp2:
0x4b: {  	s30 =	sld [smem:$0x7FC];
	(pc) =	sbr.rel @p0 .LBB2_5-.Ltmp2, $4  }
0x4c: {  	p3 =	seq.s32 s12, $0x0  }
0x4d: {  	p6 =	por p3, p3;
	p5 =	slt.u32 s12, s7  }
0x4e: {  	p2 =	por p4, p4;
	p3 =	sne.s32 s13, s17;
	p4 =	seq.s32 s30, $0x1  }
0x4f: {  	p5 =	por !p5, !p3;
	p1 =	por p1, p4;
	p4 =	por p6, p6  }
0x50: {  	p6 =	por $0x1, $0x1  }
.LBB2_7:
0x51: {  	p0 =	por !p1, !p6  }
0x52: {  	s25 =	simm.s32 $0x1;
	_ =	strace @!p0 $0x8000004C;
	s24 =	sshll.u32 @!p0 s24, $0xB  }
0x53: {  	p2 =	por p2, !p6;
	s19 =	rddreg [dreg:$0x6];
	s24 =	sand.u32 @!p0 $0x1FFFF800, s24  }
0x54: {  	s21 =	sadd.s32 @!p0 $0x3, s21;
	s19 =	sadd.s32 @!p0 s19, s24;
	s24 =	simm.s32 @!p0 $0x0  }
0x55: {  	[hbm4b:s19+s24] =	stream.linear.scatter @!p0 [tilespmem:s22], [sflag:s21], $0x4000, $0x200038;
	[tilespmem:$0x8100] =	vst v63  }
0x56: {  	p1 =	por !p5, !p5;
	s25 =	simm.s32 @p0 $0x0;
	_ =	strace @!p0 $0x9000004C  }
0x57: {  	s16 =	sadd.s32 @!p2 $0x3, s16;
	s17 =	sadd.s32 @p1 s4, s17;
	_ =	strace @!p2 $0x8000004D  }
0x58: {  	s18 =	sand.u32 @p1 $0x1, s18;
	s17 =	sshll.u32 @p1 s17, $0x4;
	_ =	swait.ge @!p2 [sflag:s16], $0x4000  }
0x59: {  	s17 =	sand.u32 @p1 $0x1FFFFFF0, s17;
	s19 =	sadd.s32 @p6 s25, s20;
	[sflag:s16] =	ssyncset.done @!p2 $0x0  }
0x5a: {  	s20 =	simm.s32 $0x0;
	s17 =	sadd.s32 @p1 s2, s17;
	[sflag:s16] =	ssyncadd.s32 @!p2 $0xFFFFC000  }
0x5b: {  	s20 =	smov.u32 @p6 s19;
	s19 =	sshll.u32 @p1 s18, $0x7;
	_ =	strace @!p2 $0x9000004D  }
0x5c: {  	s16 =	sadd.s32 @p1 $0x1, s18;
	s18 =	simm.s32 @p1 $0x0;
	_ =	strace @p1 $0x80000049  }
0x5d: {  	[tilespmem:s19], [sflag:s16] =	stream.linear.gather @p1 [hbm4b:s17+s18], $0x80, $0x200038;
	[tilespmem:$0x8100] =	vst v63  }
0x5e: {  	s26 =	sand.u32 $0x1, s20;
	_ =	strace @p1 $0x90000049  }
0x5f: {  	s16 =	sadd.s32 $0x1, s26;
	_ =	strace $0x8000004A  }
0x60: {  	_ =	swait.ge [sflag:s16], $0x80  }
0x61: {  	[sflag:s16] =	ssyncset.done $0x0  }
0x62: {  	s15 =	sadd.s32 @p6 s25, s15;
	[sflag:s16] =	ssyncadd.s32 $0xFFFFFF80;
	s16 =	simm.s32 $0x0  }
0x63: {  	_ =	strace $0x9000004A;
	s16 =	smov.u32 @p6 s15  }
0x64: {  	_ =	strace $0x8000004B;
	s16 =	sand.u32 $0x1, s16  }
0x65: {  	s30 =	sshll.u32 s20, $0x7;
	s28 =	rddreg [dreg:$0x5];
	s31 =	sshll.u32 s16, $0xE  }
0x66: {  	s18 =	sand.u32 $0x80, s30;
	s29 =	rddreg [dreg:$0x4];
	s19 =	sor.u32 $0x100, s31  }
0x67: {  	[tilespmem:s19], [sflag:$0x5] =	stream.indirect.gather [hbm4b:s29+s28], $0x80, s18, s28, $0x2000b8;
	[tilespmem:$0x8100] =	vst v63  }
0x68: {  	_ =	swait.ge [sflag:s10], $0x4000  }
0x69: {  	p3 =	por p3, p3;
	[sflag:s10] =	ssyncset.done $0x0  }
0x6a: {  	p5 =	seq.s32 s7, s12;
	s13 =	sadd.s32 s4, s13;
	[sflag:s10] =	ssyncadd.s32 $0xFFFFC000  }
0x6b: {  	s14 =	sadd.s32 @p6 s23, s14;
	p1 =	por p5, p3;
	_ =	strace $0x9000004B  }
0x6c: {  	s17 =	simm.s32 $0x0;
	s13 =	sshll.u32 @p1 s13, $0xB;
	_ =	strace @p1 $0x8000004C  }
0x6d: {  	s17 =	smov.u32 @p6 s14;
	s13 =	sand.u32 @p1 $0x1FFFF800, s13;
	s15 =	rddreg [dreg:$0x6]  }
0x6e: {  	s14 =	sadd.s32 @p1 $0x3, s16;
	s13 =	sadd.s32 @p1 s15, s13;
	s15 =	simm.s32 @p1 $0x0  }
0x6f: {  	[hbm4b:s13+s15] =	stream.linear.scatter @p1 [tilespmem:s19], [sflag:s14], $0x4000, $0x200038;
	[tilespmem:$0x8100] =	vst v63  }
0x70: {  	p0 =	por p4, p4;
	s13 =	sand.u32 @!p4 $0x1, s17;
	_ =	strace @p1 $0x9000004C  }
0x71: {  	s13 =	sadd.s32 @!p0 $0x3, s13;
	_ =	strace @!p0 $0x8000004D  }
0x72: {  	p1 =	sne.s32 s12, $0x0;
	s12 =	simm.s32 $0x1;
	_ =	swait.ge @!p0 [sflag:s13], $0x4000  }
0x73: {  	s12 =	simm.s32 @!p1 $0x0;
	[sflag:s13] =	ssyncset.done @!p0 $0x0  }
0x74: {  	s11 =	sadd.s32 $0x1, s11;
	s12 =	sadd.s32 s12, s17;
	[sflag:s13] =	ssyncadd.s32 @!p0 $0xFFFFC000  }
0x75: {  	s12 =	sand.u32 $0x1, s12;
	_ =	strace @!p0 $0x9000004D;
	p0 =	sne.s32 s11, s8  }
.Ltmp3:
0x76: {  	s12 =	sadd.s32 $0x3, s12;
	_ =	strace $0x8000004E;
	(pc) =	sbr.rel @p0 .LBB2_1-.Ltmp3, $4  }
.Ltmp4:
0x77: {  	_ =	swait.ge [sflag:s12], $0x4000;
	(pc) =	sbr.rel @!p0 .LBB2_8-.Ltmp4, $4  }
0x78: {  	[sflag:s12] =	ssyncset.done $0x0  }
0x79: {  	[sflag:s12] =	ssyncadd.s32 $0xFFFFC000  }
0x7a: {  	_ =	strace $0x9000004E  }
0x7b: {  	_ = 	snop  }
.LBB2_2:
.Ltmp5:
0x7c: {  	(pc) =	sbr.rel .LBB2_7-.Ltmp5, $4  }
0x7d: {  	_ = 	snop  }
0x7e: {  	s14 =	simm.s32 $0x0  }
0x7f: {  	s12 =	simm.s32 $0x0;
	s15 =	simm.s32 $0x0;
	s17 =	smov.u32 s13  }
0x80: {  	s20 =	simm.s32 $0x0;
	s18 =	simm.s32 $0x1;
	s13 =	simm.s32 $0x0  }
.LBB2_4:
.Ltmp6:
0x81: {  	(pc) =	sbr.rel .LBB2_7-.Ltmp6, $3  }
0x82: {  	_ =	sdelay $0x1  }
0x83: {  	s14 =	simm.s32 $0x0  }
0x84: {  	s15 =	simm.s32 $0x0;
	s20 =	simm.s32 $0x0;
	p6 =	por $0x1, $0x1  }
.LBB2_8:
0x85: {  	_ =	sfence.sel $0x180000  }
0x86: {  	[bflag:$0x0] =	sbarrier.arrive $0xFFFF  }
0x87: {  	p0 =	sne.s32 s1, $0x0;
	_ =	strace $0x90000047  }
0x88: {  	s0 =	sadd.s32 @!p0 $0x100000, s0;
	[bflag:$0x2] =	sbarrier.arrive $0xFFFF  }
0x89: {  	[sflag:s0] =	ssyncadd.tile.s32 @!p0 $0x1;
	_ =	shalt  }
.Lfunc_end2:
_tile_overlayer_lowered:
.L_overlay_start_2:
0x8a: {  	(tag) =	ssettag $0x2  }
0x8b: {  	s0 =	rddreg [dreg:$0x0];
	s2 =	stileid.u32  }
0x8c: {  	s1 =	rddreg [dreg:$0x1];
	p0 =	sne.s32 s2, $0x0  }
0x8d: {  	s3 =	rddreg [dreg:$0x2];
	[bflag:$0x3] =	sbarrier.arrive $0xFFFF;
	s2 =	simm.s32 @!p0 $0x1C01  }
0x8e: {  	[timem:s3], [sflag:s2] =	dma.local @!p0 [hbm:s0], s1  }
0x8f: {  	s0 =	simm.s32 @!p0 $0x1  }
0x90: {  	_ =	swait.ge @!p0 [sflag:s0], s1  }
0x91: {  	s1 =	ssub.s32 @!p0 $0x0, s1;
	[sflag:s0] =	ssyncset.done @!p0 $0x0  }
0x92: {  	[sflag:s0] =	ssyncadd.s32 @!p0 s1  }
0x93: {  	[bflag:$0x3] =	sbarrier.arrive $0xFFFF  }
0x94: {  	_ =	shalt  }

// kernel: kernel.14.cloned.1.call-start
scs
__scs_entry_jumppad:
0x0: {  	(pc) =	sbr.rel $0x88, $3  }
0x1: {  	(tag) =	ssettag $0x0;
	lr =	simm.s32 $0x1  }
0x2: {  	[smem:$0x3F90] =	sst lr;
	_ =	strace $0xD0000000  }
0x3: {  	_ = 	snop  }
0x4: {  	_ = 	snop  }
0x5: {  	_ = 	snop  }
0x6: {  	_ = 	snop  }
0x7: {  	_ = 	snop  }
__scs_overlays_trampoline_lowered:
0x8: {  	[smem:$0x3F9F] =	sst s0  }
0x9: {  	[smem:$0x3FA0] =	sst s1  }
0xa: {  	[smem:$0x3FA1] =	sst s2  }
0xb: {  	[smem:$0x3FA2] =	sst s3  }
0xc: {  	[smem:$0x3FA3] =	sst s4  }
0xd: {  	[smem:$0x3FA4] =	sst s5  }
0xe: {  	[smem:$0x3FA5] =	sst s6  }
0xf: {  	[smem:$0x3FA6] =	sst s7  }
0x10: {  	[smem:$0x3FA7] =	sst s8  }
0x11: {  	[smem:$0x3FA8] =	sst s9;
	s0 =	simm.s32 @!p0 $0x0  }
0x12: {  	s1 =	sld [smem:$0x3F8E];
	s0 =	simm.s32 @p0 $0x1  }
0x13: {  	[smem:$0x3FA9] =	sst s0;
	s0 =	simm.s32 @!p1 $0x0  }
0x14: {  	s2 =	sld [smem:$0x3F8D];
	s0 =	simm.s32 @p1 $0x1  }
0x15: {  	[smem:$0x3FAA] =	sst s0;
	s0 =	simm.s32 @!p2 $0x0  }
0x16: {  	s3 =	sld [smem:$0x3FDB];
	s0 =	simm.s32 @p2 $0x1  }
0x17: {  	s4 =	simm.s32 $0x1BF5;
	[smem:$0x3FAC] =	sst s0  }
0x18: {  	s0 =	sld [smem:$0x3F8F];
	_ =	swait.ge [sflag:s4], $0x0  }
0x19: {  	s7 =	sld [smem:$0x3F90]  }
0x1a: {  	s8 =	sadd.s32 $0xFFFFE003, lr  }
0x1b: {  	s9 =	sadd.s32 $0xFFFFFEF7, lr;
	s5 =	simm.s32 $0xFFFFFFFF;
	p2 =	slt.u32 s8, $0xFFFFF086  }
0x1c: {  	p1 =	slt.u32 s9, $0xF7A;
	s5 =	simm.s32 @!p2 $0x0  }
0x1d: {  	s5 =	simm.s32 @p1 $0x1;
	p0 =	seq.s32 s7, s2  }
0x1e: {  	s7 =	smul.u32 @!p0 $0xF7A, s2;
	p2 =	seq.s32 @!p0 s5, $0x0  }
0x1f: {  	s9 =	smul.u32 $0xF7A, s1;
	s8 =	simm.s32 @!p0 $0x1BF5;
	p2 =	por !p2, p0  }
0x20: {  	[sflag:s8] =	ssyncset.s32 @!p0 $0xFFFFF086;
	s6 =	sadd.s32 @!p0 s3, s7;
	s7 =	simm.s32 @!p0 $0x108  }
0x21: {  	s3 =	sadd.s32 s3, s9;
	s6 =	sadd.s32 @!p0 $0x88, s6;
	s7 =	simm.s32 @p2 $0x1082  }
0x22: {  	[simem:s7], [sflag:s8] =	dma.local @!p0 [hbm:s6], $0xF7A  }
0x23: {  	s9 =	sor.u32 $0xD0000000, s2;
	s6 =	simm.s32 $0x108;
	_ =	swait.ge @!p0 [sflag:s8], $0x0  }
0x24: {  	s3 =	sadd.s32 $0x88, s3;
	s6 =	simm.s32 @!p1 $0x1082;
	[sflag:s4] =	ssyncset.s32 $0xFFFFF086  }
0x25: {  	[simem:s6], [sflag:s4] =	dma.local [hbm:s3], $0xF7A  }
0x26: {  	[smem:$0x3F90] =	sst s1;
	(tag) =	ssettag s2;
	_ =	strace s9  }
0x27: {  	s1 =	sld [smem:$0x3FA0]  }
0x28: {  	s2 =	sld [smem:$0x3FA1]  }
0x29: {  	s4 =	sld [smem:$0x3FA3]  }
0x2a: {  	p0 =	seq.s32 s5, $0x0;
	s5 =	sld [smem:$0x3FA4]  }
0x2b: {  	s6 =	sld [smem:$0x3FA5]  }
0x2c: {  	s7 =	sld [smem:$0x3FA6]  }
0x2d: {  	s3 =	simm.s32 $0x108;
	s8 =	sld [smem:$0x3FA7]  }
0x2e: {  	s3 =	simm.s32 @!p0 $0x1082;
	s9 =	sld [smem:$0x3FA8]  }
0x2f: {  	lr =	sadd.s32 s0, s3;
	s0 =	sld [smem:$0x3F9F]  }
0x30: {  	s3 =	sld [smem:$0x3FA2]  }
0x31: {  	[smem:$0x3FAB] =	sst s10  }
0x32: {  	s10 =	sld [smem:$0x3FA9];
	_ =	sdelay $0x3  }
0x33: {  	p0 =	seq.s32 s10, $0x1;
	s10 =	sld [smem:$0x3FAB];
	_ =	sdelay $0x3  }
0x34: {  	[smem:$0x3FAB] =	sst s10  }
0x35: {  	s10 =	sld [smem:$0x3FAA];
	_ =	sdelay $0x3  }
0x36: {  	p1 =	seq.s32 s10, $0x1;
	s10 =	sld [smem:$0x3FAB];
	_ =	sdelay $0x3  }
0x37: {  	[smem:$0x3FAB] =	sst s10  }
0x38: {  	s10 =	sld [smem:$0x3FAC]  }
0x39: {  	_ = 	snop;
	(pc) =	sbr.ind lr, $3  }
0x3a: {  	_ = 	snop  }
0x3b: {  	_ = 	snop  }
0x3c: {  	p2 =	seq.s32 s10, $0x1;
	s10 =	sld [smem:$0x3FAB]  }
0x3d: {  	_ =	shalt  }
0x3e: {  	_ =	shalt  }
0x3f: {  	_ =	shalt  }
0x40: {  	_ =	shalt  }
0x41: {  	_ =	shalt  }
0x42: {  	_ =	shalt  }
0x43: {  	_ =	shalt  }
0x44: {  	_ =	shalt  }
0x45: {  	_ =	shalt  }
0x46: {  	_ =	shalt  }
0x47: {  	_ =	shalt  }
0x48: {  	_ =	shalt  }
0x49: {  	_ =	shalt  }
0x4a: {  	_ =	shalt  }
0x4b: {  	_ =	shalt  }
0x4c: {  	_ =	shalt  }
0x4d: {  	_ =	shalt  }
0x4e: {  	_ =	shalt  }
0x4f: {  	_ =	shalt  }
0x50: {  	_ =	shalt  }
0x51: {  	_ =	shalt  }
0x52: {  	_ =	shalt  }
0x53: {  	_ =	shalt  }
0x54: {  	_ =	shalt  }
0x55: {  	_ =	shalt  }
0x56: {  	_ =	shalt  }
0x57: {  	_ =	shalt  }
0x58: {  	_ =	shalt  }
0x59: {  	_ =	shalt  }
0x5a: {  	_ =	shalt  }
0x5b: {  	_ =	shalt  }
0x5c: {  	_ =	shalt  }
0x5d: {  	_ =	shalt  }
0x5e: {  	_ =	shalt  }
0x5f: {  	_ =	shalt  }
0x60: {  	_ =	shalt  }
0x61: {  	_ =	shalt  }
0x62: {  	_ =	shalt  }
0x63: {  	_ =	shalt  }
0x64: {  	_ =	shalt  }
0x65: {  	_ =	shalt  }
0x66: {  	_ =	shalt  }
0x67: {  	_ =	shalt  }
0x68: {  	_ =	shalt  }
0x69: {  	_ =	shalt  }
0x6a: {  	_ =	shalt  }
0x6b: {  	_ =	shalt  }
0x6c: {  	_ =	shalt  }
0x6d: {  	_ =	shalt  }
0x6e: {  	_ =	shalt  }
0x6f: {  	_ =	shalt  }
0x70: {  	_ =	shalt  }
0x71: {  	_ =	shalt  }
0x72: {  	_ =	shalt  }
0x73: {  	_ =	shalt  }
0x74: {  	_ =	shalt  }
0x75: {  	_ =	shalt  }
0x76: {  	_ =	shalt  }
0x77: {  	_ =	shalt  }
0x78: {  	_ =	shalt  }
0x79: {  	_ =	shalt  }
0x7a: {  	_ =	shalt  }
0x7b: {  	_ =	shalt  }
0x7c: {  	_ =	shalt  }
0x7d: {  	_ =	shalt  }
0x7e: {  	_ =	shalt  }
0x7f: {  	_ =	shalt  }
0x80: {  	_ =	shalt  }
0x81: {  	_ =	shalt  }
0x82: {  	_ =	shalt  }
0x83: {  	_ =	shalt  }
0x84: {  	_ =	shalt  }
0x85: {  	_ =	shalt  }
0x86: {  	_ =	shalt  }
0x87: {  	_ =	shalt  }
.Lfunc_end0:
.L_simem_size_0:
called_computation.1_lowered:
.L_overlay_start_0:
0x88: {  	s2 =	sld [smem:$0x3FD9]  }
0x89: {  	s3 =	sld [smem:$0x3FFE];
	_ =	sdelay $0x1  }
0x8a: {  	s1 =	srdreg.scid  }
0x8b: {  	s0 =	sand.u32 $0x1, s1  }
0x8c: {  	s16 =	sshll.u32 s0, $0xA;
	s2 =	sadd.s32 s3, s2  }
0x8d: {  	s2 =	sadd.s32 s2, s16  }
0x8e: {  	[smem:$0x3FB7] =	sst s2  }
0x8f: {  	_ = 	snop  }
0x90: {  	(tm) =	ssettm $0x1  }
0x91: {  	s17 =	sld [smem:$0x3FFB];
	_ =	sdelay $0x3  }
0x92: {  	_ =	strace s17  }
0x93: {  	s2 =	sld [smem:$0x3FFC];
	_ =	sdelay $0x3  }
0x94: {  	_ =	strace s2  }
0x95: {  	s2 =	sld [smem:$0x3FFD];
	_ =	sdelay $0x3  }
0x96: {  	_ =	strace s2  }
0x97: {  	_ =	strace $0x8FFFFFFF  }
0x98: {  	s18 =	sld [smem:$0x3FDB];
	_ =	sdelay $0x1  }
0x99: {  	s19 =	simm.s32 $_scs_section_size  }
0x9a: {  	s4 =	simm.s32 $_size__tile_overlayer_lowered;
	s5 =	simm.s32 $_tile_overlayer_lowered  }
0x9b: {  	s22 =	simm.s32 $0x1BFF;
	s21 =	sshll.u32 s5, $0x1;
	s2 =	sadd.s32 s19, s18  }
0x9c: {  	s6 =	simm.s32 $0x0;
	s20 =	sshll.u32 s4, $0x1;
	s4 =	sadd.s32 s21, s2  }
0x9d: {  	[timem:s6], [sflag:s22] =	dma.local [hbm:s4], s20  }
0x9e: {  	_ =	swait.ge [sflag:s22], s20  }
0x9f: {  	s3 =	ssub.s32 $0x0, s20;
	[sflag:s22] =	ssyncset.done $0x0  }
0xa0: {  	[sflag:s22] =	ssyncadd.s32 s3;
	_ =	sdelay $0x1  }
0xa1: {  	s23 =	simm.s32 $0x1B8B  }
0xa2: {  	_ =	swait.ge [sflag:s23], $0x1  }
0xa3: {  	[sflag:s23] =	ssyncset.done $0x0  }
0xa4: {  	s25 =	simm.s32 $0x1B8E;
	s24 =	sld [smem:$0x3FFE];
	[sflag:s23] =	ssyncadd.s32 $0xFFFFFFFF  }
0xa5: {  	s26 =	simm.s32 $execute0_lowered;
	[smem:$0x3FD2] =	sst s25  }
0xa6: {  	s4 =	sshll.u32 s26, $0x1;
	_ =	strace $0x80000050;
	[dreg:$0x1] =	wrdreg $0xFFFFFFFF  }
0xa7: {  	s28 =	simm.s32 $_size_execute0_lowered;
	s2 =	sadd.s32 s2, s4;
	[dreg:$0x0] =	wrdreg $0x0  }
0xa8: {  	s4 =	sshll.u32 s28, $0x1;
	[dreg:$0x2] =	wrdreg s2  }
0xa9: {  	[dreg:$0x3] =	wrdreg s4  }
0xaa: {  	[dreg:$0x4] =	wrdreg $0xC0  }
0xab: {  	_ =	task [dreg:s6], $0x5FFFF  }
0xac: {  	[dreg:$0x1] =	wrdreg $0xFFFFFFFF  }
0xad: {  	[dreg:$0x0] =	wrdreg $0x60  }
0xae: {  	[dreg:$0x2] =	wrdreg s24  }
0xaf: {  	[dreg:$0x3] =	wrdreg $0x0  }
0xb0: {  	[dreg:$0x4] =	wrdreg $0x9  }
0xb1: {  	_ =	task.clear_ibuf [dreg:s6], $0x5FFFF;
	_ =	strace $0x90000050  }
0xb2: {  	s29 =	simm.s32 $0x9;
	_ =	strace $0x80000058  }
0xb3: {  	_ =	swait.ge [sflag:s29], $0x1  }
0xb4: {  	[sflag:s29] =	ssyncadd.s32 $0xFFFFFFFF  }
0xb5: {  	_ =	strace $0x90000058  }
0xb6: {  	_ =	sfence  }
0xb7: {  	s30 =	sld [smem:$0x0];
	_ =	sdelay $0x2  }
0xb8: {  	s31 =	sshll.u32 s1, $0xD;
	s1 =	sshrl.u32 s1, $0x2  }
0xb9: {  	s3 =	sand.u32 $0x4000, s31;
	s1 =	sadd.s32 s1, s30  }
0xba: {  	s0 =	sor.u32 s3, s0;
	s1 =	sshll.u32 s1, $0x11  }
0xbb: {  	s0 =	sor.u32 s1, s0  }
0xbc: {  	s0 =	sadd.s32 $0x8F2B, s0  }
0xbd: {  	[sflag:s0] =	ssyncadd.remote.s32 $0x1  }
0xbe: {  	_ =	sfence.sel $0xFFFF  }
0xbf: {  	[dreg:$0x0] =	wrdreg $0xFFFFFFFF;
	(pc) =	sbr.abs _section_cstart, $3  }
0xc0: {  	[dreg:$0x1] =	wrdreg $0xFFFFFFFF  }
0xc1: {  	_ =	task.clear_ibuf [dreg:s6], $0x2FFFF;
	_ =	strace $0x9FFFFFFF  }
0xc2: {  	(tm) =	ssettm $0x7FFFFFFF  }
0xc3: {  	_ =	shalt  }
tec
execute0_lowered:
.L_overlay_start_1:
0x0: {  	(tag) =	ssettag $0x1  }
0x1: {  	s0 =	rddreg [dreg:$0x0]  }
0x2: {  	s2 =	rddreg [dreg:$0x1]  }
0x3: {  	s11 =	stileid.u32;
	s1 =	srdreg.scid;
	s3 =	simm.s32 $0x0  }
0x4: {  	s18 =	simm.s32 $0x80;
	s19 =	simm.s32 $0x5;
	s20 =	simm.s32 $0x1  }
0x5: {  	s21 =	simm.s32 $0x0;
	s6 =	smul.u32 $0x13C00, s11;
	s1 =	sand.u32 $0x1, s1  }
0x6: {  	[smem:$0x7FF] =	sst s3;
	s4 =	sadd.s32 $0x313200, s0;
	s23 =	smul.u32 $0x4F000, s11  }
0x7: {  	s5 =	sadd.s32 $0x3600, s0;
	s7 =	smul.u32 $0x13C000, s1;
	_ =	strace $0x80000051  }
0x8: {  	s9 =	sshll.u32 s1, $0x4;
	s1 =	ssub.s32 $0x2, s1;
	s8 =	sshrl.u32 s6, $0x3  }
0x9: {  	s24 =	sor.u32 s11, s9;
	s25 =	sshrl.u32 s1, $0x1;
	s11 =	sshll.u32 s11, $0x6  }
0xa: {  	s8 =	sadd.s32 s8, s0;
	s6 =	sadd.s32 s6, s7;
	s10 =	smul.u32 $0x13, s24  }
0xb: {  	s7 =	sshrl.u32 s23, $0x2;
	s1 =	ssub.s32 s1, s25;
	s9 =	smul.u32 $0x14, s24  }
0xc: {  	p0 =	slt.u32 s24, $0x11;
	s6 =	sshrl.u32 s6, $0x3;
	s15 =	sadd.s32 s7, s2  }
0xd: {  	s26 =	sadd.s32 $0x44BA00, s8;
	s0 =	sadd.s32 s6, s0;
	s6 =	sadd.s32 $0x11, s10  }
0xe: {  	s8 =	sor.u32 $0x1C01, s11;
	s14 =	smax.u32 s1, $0x1;
	s6 =	smov.u32 @p0 s9  }
0xf: {  	[dreg:$0x3] =	wrdreg s26;
	s9 =	simm.s32 $0x14;
	s28 =	sshll.u32 s6, $0xB  }
0x10: {  	s0 =	sadd.s32 $0x473200, s0;
	s29 =	sshll.u32 s6, $0x4;
	s10 =	sand.u32 $0x1FFFF800, s28  }
0x11: {  	[dreg:$0x6] =	wrdreg s0;
	s11 =	sand.u32 $0x1FFFFFF0, s29;
	s30 =	sadd.s32 s4, s10  }
0x12: {  	s9 =	simm.s32 @!p0 $0x13;
	s31 =	sadd.s32 s5, s11;
	[dreg:$0x4] =	wrdreg s30  }
0x13: {  	s15 =	sshrl.u32 s15, $0x3;
	s12 =	sadd.s32 $0xFFFFFFFF, s9;
	[dreg:$0x5] =	wrdreg s31  }
.LBB2_1:
0x14: {  	s0 =	rddreg [dreg:$0x3]  }
0x15: {  	[spmem:s15], [sflag:s8] =	dma.local [hbm:s0], $0x2780  }
0x16: {  	_ =	swait.ge [sflag:s20], $0x2780  }
0x17: {  	[sflag:s20] =	ssyncset.done $0x0  }
0x18: {  	[sflag:s20] =	ssyncadd.s32 $0xFFFFD880  }
0x19: {  	s1 =	simm.s32 $0x13C00;
	[bflag:$0x0] =	sbarrier.arrive $0xFFFF  }
0x1a: {  	s31 =	simm.s32 $0x1BC00;
	p1 =	sne.s32 s12, $0x1;
	_ =	strace $0x80000052  }
.Ltmp0:
0x1b: {  	p0 =	seq.s32 s9, $0x1;
	s29 =	rddreg [dreg:$0x4];
	(pc) =	sbr.rel @!p1 .LBB2_2-.Ltmp0, $4  }
0x1c: {  	[tilespmem:s1], [sflag:$0x1] =	stream.linear.gather [hbm4b:s29+s3], $0x4000, $0x200038;
	[tilespmem:$0x1BD00] =	vst v63  }
0x1d: {  	s22 =	simm.s32 $0x1;
	s23 =	simm.s32 $0x1;
	s30 =	rddreg [dreg:$0x5]  }
0x1e: {  	[tilespmem:s31], [sflag:$0x3] =	stream.linear.gather [hbm4b:s30+s3], $0x80, $0x200038;
	[tilespmem:$0x1BD00] =	vst v63  }
0x1f: {  	s22 =	simm.s32 @p0 $0x0;
	p0 =	por $0x0, $0x0;
	_ =	strace $0x90000052  }
0x20: {  	p0 =	seq.s32 s22, $0x0;
	s23 =	simm.s32 $0x2;
	s17 =	simm.s32 $0x0  }
0x21: {  	p1 =	sne.s32 s12, $0x2;
	s31 =	simm.s32 $0x1;
	s0 =	sadd.s32 @!p0 s6, s22  }
0x22: {  	s1 =	sand.u32 @!p0 $0x1, s20;
	s26 =	simm.s32 @!p0 $0x0;
	s29 =	simm.s32 @!p0 $0x1  }
0x23: {  	_ =	strace @!p0 $0x80000053;
	s16 =	sshll.u32 @!p0 s0, $0xB;
	s24 =	sshll.u32 @!p0 s1, $0xE  }
0x24: {  	s25 =	sadd.s32 @!p0 $0x1, s1;
	s0 =	sshll.u32 @!p0 s0, $0x4;
	s28 =	sshll.u32 @!p0 s1, $0x7  }
0x25: {  	s1 =	sadd.s32 @!p0 $0x3, s1;
	s29 =	simm.s32 @p0 $0x0;
	s16 =	sand.u32 @!p0 $0x1FFFF800, s16  }
0x26: {  	s24 =	sor.u32 @!p0 $0x13C00, s24;
	s0 =	sand.u32 @!p0 $0x1FFFFFF0, s0;
	s16 =	sadd.s32 @!p0 s4, s16  }
0x27: {  	[tilespmem:s24], [sflag:s25] =	stream.linear.gather @!p0 [hbm4b:s16+s26], $0x4000, $0x200038;
	[tilespmem:$0x1BD00] =	vst v63  }
0x28: {  	s28 =	sor.u32 @!p0 $0x1BC00, s28;
	s0 =	sadd.s32 @!p0 s5, s0;
	_ =	strace @!p0 $0x90000053  }
0x29: {  	s24 =	sadd.s32 $0x1, s29;
	s25 =	sand.u32 $0x1, s3;
	_ =	strace @!p0 $0x80000054  }
0x2a: {  	[tilespmem:s28], [sflag:s1] =	stream.linear.gather @!p0 [hbm4b:s0+s26], $0x80, $0x200038;
	[tilespmem:$0x1BD00] =	vst v63  }
0x2b: {  	s29 =	sadd.s32 $0x1, s22;
	s30 =	sadd.s32 $0x1, s25;
	_ =	strace @!p0 $0x90000054  }
0x2c: {  	s26 =	simm.s32 $0x0;
	s0 =	sadd.s32 $0x3, s25;
	_ =	strace $0x80000055  }
0x2d: {  	s1 =	sand.u32 $0x4000, s17;
	s28 =	simm.s32 $0x0;
	_ =	swait.ge [sflag:s30], $0x4000  }
0x2e: {  	s16 =	sand.u32 $0x80, s26;
	s26 =	simm.s32 @!p0 $0x2;
	[sflag:s30] =	ssyncset.done $0x0  }
.Ltmp1:
0x2f: {  	s1 =	sor.u32 $0x13C00, s1;
	[sflag:s30] =	ssyncadd.s32 $0xFFFFC000;
	(pc) =	sbr.rel @!p1 .LBB2_4-.Ltmp1, $4  }
0x30: {  	s26 =	smov.u32 @p0 s20;
	p0 =	sne.s32 s22, $0x0;
	_ =	strace $0x90000055  }
0x31: {  	s31 =	simm.s32 @!p0 $0x0;
	p0 =	seq.s32 s29, s9;
	_ =	strace $0x80000056  }
0x32: {  	s16 =	sor.u32 $0x1BC00, s16;
	s29 =	simm.s32 @p0 $0x0;
	_ =	swait.ge [sflag:s0], $0x80  }
0x33: {  	s25 =	sadd.s32 $0x0, s31;
	p0 =	por $0x1, $0x1;
	[sflag:s0] =	ssyncset.done $0x0  }
.LBB2_5:
0x34: {  	s30 =	smov.u32 s26  }
0x35: {  	s23 =	sadd.s32 $0x1, s23;
	p1 =	seq.s32 s22, s29;
	s28 =	sadd.s32 s31, s28  }
0x36: {  	s26 =	sadd.s32 @!p1 s6, s29;
	s31 =	sand.u32 @!p1 $0x1, s30;
	[sflag:s0] =	ssyncadd.s32 $0xFFFFFF80  }
0x37: {  	s0 =	sshll.u32 @!p1 s31, $0xE;
	s17 =	sshll.u32 @!p1 s26, $0xB;
	_ =	strace $0x90000056  }
0x38: {  	s7 =	sand.u32 @!p1 $0x1, s24;
	s17 =	sand.u32 @!p1 $0x1FFFF800, s17;
	_ =	strace $0x80000057  }
0x39: {  	[spmem:s2] =	stream.indirect.scatter.add.f32 [tilespmem:s1], [sflag:$0x5], $0x80, s16, s18, $0x2000b8;
	[tilespmem:$0x1BD00] =	vst v63  }
0x3a: {  	s26 =	sshll.u32 @!p1 s26, $0x4;
	s1 =	sadd.s32 @!p1 $0x1, s31;
	s16 =	simm.s32 @!p1 $0x0  }
0x3b: {  	s0 =	sor.u32 @!p1 $0x13C00, s0;
	s26 =	sand.u32 @!p1 $0x1FFFFFF0, s26;
	s31 =	sshll.u32 @!p1 s7, $0x7  }
0x3c: {  	s10 =	simm.s32 @!p1 $0x1;
	s31 =	sor.u32 @!p1 $0x1BC00, s31;
	_ =	swait.ge [sflag:s19], $0x4000  }
0x3d: {  	s17 =	sadd.s32 @!p1 s4, s17;
	s7 =	sadd.s32 @!p1 $0x3, s7;
	[sflag:s19] =	ssyncset.done $0x0  }
0x3e: {  	s10 =	simm.s32 @p1 $0x0;
	s11 =	sadd.s32 @!p1 s5, s26;
	[sflag:s19] =	ssyncadd.s32 $0xFFFFC000  }
0x3f: {  	s24 =	sadd.s32 s24, s10;
	s10 =	sshll.u32 s28, $0xE;
	_ =	strace $0x90000057  }
0x40: {  	s13 =	sshll.u32 s25, $0x7;
	s26 =	sand.u32 $0x1, s28;
	_ =	strace @!p1 $0x80000053  }
0x41: {  	[tilespmem:s0], [sflag:s1] =	stream.linear.gather @!p1 [hbm4b:s17+s16], $0x4000, $0x200038;
	[tilespmem:$0x1BD00] =	vst v63  }
0x42: {  	s13 =	sand.u32 $0x80, s13;
	s1 =	sadd.s32 $0x1, s26;
	_ =	strace @!p1 $0x90000053  }
0x43: {  	s26 =	sadd.s32 @!p1 $0x1, s30;
	s0 =	sand.u32 $0x1, s25;
	_ =	strace @!p1 $0x80000054  }
0x44: {  	[tilespmem:s31], [sflag:s7] =	stream.linear.gather @!p1 [hbm4b:s11+s16], $0x80, $0x200038;
	[tilespmem:$0x1BD00] =	vst v63  }
0x45: {  	s26 =	smov.u32 @p1 s30;
	s0 =	sadd.s32 $0x3, s0;
	_ =	strace @!p1 $0x90000054  }
0x46: {  	p1 =	sne.s32 s12, s23;
	_ =	strace $0x80000055  }
0x47: {  	p2 =	sne.s32 s22, s29;
	_ =	swait.ge [sflag:s1], $0x4000  }
0x48: {  	s22 =	smov.u32 s29;
	s31 =	simm.s32 $0x1;
	[sflag:s1] =	ssyncset.done $0x0  }
.Ltmp2:
0x49: {  	[sflag:s1] =	ssyncadd.s32 $0xFFFFC000;
	s1 =	sand.u32 $0x4000, s10;
	(pc) =	sbr.rel @p1 .LBB2_5-.Ltmp2, $4  }
0x4a: {  	s29 =	sadd.s32 $0x1, s29;
	s31 =	simm.s32 @!p2 $0x0;
	_ =	strace $0x90000055  }
0x4b: {  	p2 =	seq.s32 s29, s9;
	s1 =	sor.u32 $0x13C00, s1;
	_ =	strace $0x80000056  }
0x4c: {  	s16 =	sor.u32 $0x1BC00, s13;
	s29 =	simm.s32 @p2 $0x0;
	_ =	swait.ge [sflag:s0], $0x80  }
0x4d: {  	s25 =	sadd.s32 s31, s25;
	[sflag:s0] =	ssyncset.done $0x0  }
0x4e: {  	s30 =	smov.u32 s22;
	s22 =	smov.u32 s29  }
.LBB2_7:
0x4f: {  	[sflag:s0] =	ssyncadd.s32 @p0 $0xFFFFFF80  }
0x50: {  	_ =	strace @p0 $0x90000056  }
0x51: {  	p1 =	seq.s32 s30, s22;
	_ =	strace @p0 $0x80000057  }
0x52: {  	[spmem:s2] =	stream.indirect.scatter.add.f32 @p0 [tilespmem:s1], [sflag:$0x5], $0x80, s16, s18, $0x2000b8;
	[tilespmem:$0x1BD00] =	vst v63  }
0x53: {  	s0 =	sadd.s32 @!p1 s6, s22;
	s11 =	simm.s32 @!p1 $0x0;
	_ =	swait.ge @p0 [sflag:s19], $0x4000  }
0x54: {  	s7 =	sshll.u32 @!p1 s0, $0xB;
	s0 =	sshll.u32 @!p1 s0, $0x4;
	[sflag:s19] =	ssyncset.done @p0 $0x0  }
0x55: {  	s1 =	sand.u32 @!p1 $0x1, s26;
	s7 =	sand.u32 @!p1 $0x1FFFF800, s7;
	[sflag:s19] =	ssyncadd.s32 @p0 $0xFFFFC000  }
0x56: {  	s10 =	sshll.u32 @!p1 s1, $0xE;
	s1 =	sadd.s32 @!p1 $0x1, s1;
	_ =	strace @p0 $0x90000057  }
0x57: {  	s7 =	sadd.s32 @!p1 s4, s7;
	s10 =	sor.u32 @!p1 $0x13C00, s10;
	_ =	strace @!p1 $0x80000053  }
0x58: {  	[tilespmem:s10], [sflag:s1] =	stream.linear.gather @!p1 [hbm4b:s7+s11], $0x4000, $0x200038;
	[tilespmem:$0x1BD00] =	vst v63  }
0x59: {  	s0 =	sand.u32 @!p1 $0x1FFFFFF0, s0;
	s1 =	sand.u32 @!p1 $0x1, s24  }
0x5a: {  	s0 =	sadd.s32 @!p1 s5, s0;
	s7 =	sshll.u32 @!p1 s1, $0x7;
	_ =	strace @!p1 $0x90000053  }
0x5b: {  	s1 =	sadd.s32 @!p1 $0x3, s1;
	s7 =	sor.u32 @!p1 $0x1BC00, s7;
	_ =	strace @!p1 $0x80000054  }
0x5c: {  	[tilespmem:s7], [sflag:s1] =	stream.linear.gather @!p1 [hbm4b:s0+s11], $0x80, $0x200038;
	[tilespmem:$0x1BD00] =	vst v63  }
0x5d: {  	s1 =	sadd.s32 @p0 s31, s28;
	s0 =	simm.s32 $0x0  }
0x5e: {  	s0 =	smov.u32 @p0 s1  }
0x5f: {  	_ =	strace @!p1 $0x90000054;
	s1 =	sand.u32 $0x1, s0  }
0x60: {  	_ =	strace $0x80000055;
	s1 =	sadd.s32 $0x1, s1  }
0x61: {  	_ =	swait.ge [sflag:s1], $0x4000  }
0x62: {  	[sflag:s1] =	ssyncset.done $0x0  }
0x63: {  	[sflag:s1] =	ssyncadd.s32 $0xFFFFC000  }
0x64: {  	s13 =	sand.u32 $0x1, s25;
	_ =	strace $0x90000055  }
0x65: {  	s1 =	sadd.s32 $0x3, s13;
	_ =	strace $0x80000056  }
0x66: {  	_ =	swait.ge [sflag:s1], $0x80  }
0x67: {  	[sflag:s1] =	ssyncset.done $0x0  }
0x68: {  	s17 =	sshll.u32 s25, $0x7;
	s16 =	sshll.u32 s0, $0xE;
	[sflag:s1] =	ssyncadd.s32 $0xFFFFFF80  }
0x69: {  	s28 =	sand.u32 $0x80, s17;
	s7 =	sand.u32 $0x4000, s16;
	_ =	strace $0x90000056  }
0x6a: {  	s7 =	sor.u32 $0x13C00, s7;
	s1 =	sor.u32 $0x1BC00, s28;
	_ =	strace $0x80000057  }
0x6b: {  	[spmem:s2] =	stream.indirect.scatter.add.f32 [tilespmem:s7], [sflag:$0x5], $0x80, s1, s18, $0x2000b8;
	[tilespmem:$0x1BD00] =	vst v63  }
0x6c: {  	s1 =	sadd.s32 $0x1, s22  }
0x6d: {  	p0 =	seq.s32 s1, s9  }
0x6e: {  	_ =	swait.ge [sflag:s19], $0x4000;
	s1 =	simm.s32 @p0 $0x0;
	p0 =	sge.u32 s23, s12  }
0x6f: {  	[sflag:s19] =	ssyncset.done $0x0;
	p2 =	seq.s32 @!p0 s22, s1  }
0x70: {  	s7 =	sadd.s32 @!p1 $0x1, s26;
	[sflag:s19] =	ssyncadd.s32 $0xFFFFC000;
	p0 =	por p2, p0  }
0x71: {  	s7 =	smov.u32 @p1 s26;
	_ =	strace $0x90000057;
	s1 =	sadd.s32 @!p0 s6, s1  }
0x72: {  	s7 =	sand.u32 @!p0 $0x1, s7;
	_ =	strace @!p0 $0x80000053;
	s11 =	sshll.u32 @!p0 s1, $0xB  }
0x73: {  	s13 =	simm.s32 @!p0 $0x0;
	s10 =	sshll.u32 @!p0 s7, $0xE;
	s11 =	sand.u32 @!p0 $0x1FFFF800, s11  }
0x74: {  	s7 =	sadd.s32 @!p0 $0x1, s7;
	s10 =	sor.u32 @!p0 $0x13C00, s10;
	s11 =	sadd.s32 @!p0 s4, s11  }
0x75: {  	[tilespmem:s10], [sflag:s7] =	stream.linear.gather @!p0 [hbm4b:s11+s13], $0x4000, $0x200038;
	[tilespmem:$0x1BD00] =	vst v63  }
0x76: {  	s7 =	simm.s32 @!p1 $0x1  }
0x77: {  	s7 =	simm.s32 @p1 $0x0  }
0x78: {  	s1 =	sshll.u32 @!p0 s1, $0x4;
	s7 =	sadd.s32 s24, s7  }
0x79: {  	s1 =	sand.u32 @!p0 $0x1FFFFFF0, s1;
	s7 =	sand.u32 @!p0 $0x1, s7  }
0x7a: {  	s1 =	sadd.s32 @!p0 s5, s1;
	_ =	strace @!p0 $0x90000053;
	s10 =	sshll.u32 @!p0 s7, $0x7  }
0x7b: {  	_ =	strace @!p0 $0x80000054;
	s7 =	sadd.s32 @!p0 $0x3, s7;
	s10 =	sor.u32 @!p0 $0x1BC00, s10  }
0x7c: {  	[tilespmem:s10], [sflag:s7] =	stream.linear.gather @!p0 [hbm4b:s1+s13], $0x80, $0x200038;
	[tilespmem:$0x1BD00] =	vst v63  }
0x7d: {  	p1 =	sne.s32 s30, s22;
	s1 =	simm.s32 $0x1  }
0x7e: {  	s1 =	simm.s32 @!p1 $0x0  }
0x7f: {  	s0 =	sadd.s32 s1, s0  }
0x80: {  	_ =	strace @!p0 $0x90000054;
	s29 =	sand.u32 $0x1, s0  }
0x81: {  	_ =	strace $0x80000055;
	s7 =	sadd.s32 $0x1, s29  }
0x82: {  	_ =	swait.ge [sflag:s7], $0x4000  }
0x83: {  	[sflag:s7] =	ssyncset.done $0x0  }
0x84: {  	s1 =	sadd.s32 s1, s25;
	[sflag:s7] =	ssyncadd.s32 $0xFFFFC000  }
0x85: {  	s30 =	sand.u32 $0x1, s1;
	_ =	strace $0x90000055  }
0x86: {  	s7 =	sadd.s32 $0x3, s30;
	_ =	strace $0x80000056  }
0x87: {  	_ =	swait.ge [sflag:s7], $0x80  }
0x88: {  	[sflag:s7] =	ssyncset.done $0x0  }
0x89: {  	s0 =	sshll.u32 s0, $0xE;
	s1 =	sshll.u32 s1, $0x7;
	[sflag:s7] =	ssyncadd.s32 $0xFFFFFF80  }
0x8a: {  	s0 =	sand.u32 $0x4000, s0;
	s1 =	sand.u32 $0x80, s1;
	_ =	strace $0x90000056  }
0x8b: {  	s0 =	sor.u32 $0x13C00, s0;
	s1 =	sor.u32 $0x1BC00, s1;
	_ =	strace $0x80000057  }
0x8c: {  	[spmem:s2] =	stream.indirect.scatter.add.f32 [tilespmem:s0], [sflag:$0x5], $0x80, s1, s18, $0x2000b8;
	[tilespmem:$0x1BD00] =	vst v63  }
0x8d: {  	_ =	swait.ge [sflag:s19], $0x4000  }
0x8e: {  	[sflag:s19] =	ssyncset.done $0x0  }
0x8f: {  	[sflag:s19] =	ssyncadd.s32 $0xFFFFC000  }
0x90: {  	_ =	strace $0x90000057  }
0x91: {  	s21 =	sadd.s32 $0x1, s21;
	[bflag:$0x0] =	sbarrier.arrive $0xFFFF  }
0x92: {  	p0 =	sne.s32 s21, s14;
	s31 =	rddreg [dreg:$0x6]  }
0x93: {  	[hbm:s31], [sflag:s8] =	dma.local [spmem:s15], $0x2780  }
.Ltmp3:
0x94: {  	_ = 	snop;
	(pc) =	sbr.rel @p0 .LBB2_1-.Ltmp3, $4  }
.Ltmp4:
0x95: {  	_ = 	snop;
	(pc) =	sbr.rel @!p0 .LBB2_8-.Ltmp4, $4  }
0x96: {  	_ =	swait.ge [sflag:s20], $0x2780  }
0x97: {  	[sflag:s20] =	ssyncset.done $0x0  }
0x98: {  	[sflag:s20] =	ssyncadd.s32 $0xFFFFD880  }
0x99: {  	_ = 	snop  }
.LBB2_2:
.Ltmp5:
0x9a: {  	(pc) =	sbr.rel .LBB2_7-.Ltmp5, $3  }
0x9b: {  	_ =	sdelay $0x1  }
0x9c: {  	s30 =	simm.s32 $0x0;
	s28 =	simm.s32 $0x0  }
0x9d: {  	s26 =	simm.s32 $0x1;
	s24 =	simm.s32 $0x1;
	s25 =	simm.s32 $0x0  }
.LBB2_4:
.Ltmp6:
0x9e: {  	(pc) =	sbr.rel .LBB2_7-.Ltmp6, $2  }
0x9f: {  	_ =	sdelay $0x2  }
0xa0: {  	s30 =	smov.u32 s22;
	s22 =	smov.u32 s29;
	s28 =	simm.s32 $0x0  }
.LBB2_8:
0xa1: {  	_ =	sfence.sel $0x180000  }
0xa2: {  	[bflag:$0x0] =	sbarrier.arrive $0xFFFF  }
0xa3: {  	_ =	strace $0x90000051  }
0xa4: {  	s0 =	stileid.u32;
	[bflag:$0x2] =	sbarrier.arrive $0xFFFF  }
0xa5: {  	p0 =	sne.s32 s0, $0x0;
	s0 =	rddreg [dreg:$0x2]  }
0xa6: {  	s0 =	sadd.s32 @!p0 $0x100000, s0  }
0xa7: {  	[sflag:s0] =	ssyncadd.tile.s32 @!p0 $0x1;
	_ =	shalt  }
.Lfunc_end2:
_tile_overlayer_lowered:
.L_overlay_start_2:
0xa8: {  	(tag) =	ssettag $0x2  }
0xa9: {  	s0 =	rddreg [dreg:$0x0];
	s2 =	stileid.u32  }
0xaa: {  	s1 =	rddreg [dreg:$0x1];
	p0 =	sne.s32 s2, $0x0  }
0xab: {  	s3 =	rddreg [dreg:$0x2];
	[bflag:$0x3] =	sbarrier.arrive $0xFFFF;
	s2 =	simm.s32 @!p0 $0x1C01  }
0xac: {  	[timem:s3], [sflag:s2] =	dma.local @!p0 [hbm:s0], s1  }
0xad: {  	s0 =	simm.s32 @!p0 $0x1  }
0xae: {  	_ =	swait.ge @!p0 [sflag:s0], s1  }
0xaf: {  	s1 =	ssub.s32 @!p0 $0x0, s1;
	[sflag:s0] =	ssyncset.done @!p0 $0x0  }
0xb0: {  	[sflag:s0] =	ssyncadd.s32 @!p0 s1  }
0xb1: {  	[bflag:$0x3] =	sbarrier.arrive $0xFFFF  }
0xb2: {  	_ =	shalt  }

// kernel: kernel.17.cloned.1.call-start
scs
__scs_entry_jumppad:
0x0: {  	(pc) =	sbr.rel $0x88, $3  }
0x1: {  	(tag) =	ssettag $0x0;
	lr =	simm.s32 $0x1  }
0x2: {  	[smem:$0x3F90] =	sst lr;
	_ =	strace $0xD0000000  }
0x3: {  	_ = 	snop  }
0x4: {  	_ = 	snop  }
0x5: {  	_ = 	snop  }
0x6: {  	_ = 	snop  }
0x7: {  	_ = 	snop  }
__scs_overlays_trampoline_lowered:
0x8: {  	[smem:$0x3F9F] =	sst s0  }
0x9: {  	[smem:$0x3FA0] =	sst s1  }
0xa: {  	[smem:$0x3FA1] =	sst s2  }
0xb: {  	[smem:$0x3FA2] =	sst s3  }
0xc: {  	[smem:$0x3FA3] =	sst s4  }
0xd: {  	[smem:$0x3FA4] =	sst s5  }
0xe: {  	[smem:$0x3FA5] =	sst s6  }
0xf: {  	[smem:$0x3FA6] =	sst s7  }
0x10: {  	[smem:$0x3FA7] =	sst s8  }
0x11: {  	[smem:$0x3FA8] =	sst s9;
	s0 =	simm.s32 @!p0 $0x0  }
0x12: {  	s1 =	sld [smem:$0x3F8E];
	s0 =	simm.s32 @p0 $0x1  }
0x13: {  	[smem:$0x3FA9] =	sst s0;
	s0 =	simm.s32 @!p1 $0x0  }
0x14: {  	s2 =	sld [smem:$0x3F8D];
	s0 =	simm.s32 @p1 $0x1  }
0x15: {  	[smem:$0x3FAA] =	sst s0;
	s0 =	simm.s32 @!p2 $0x0  }
0x16: {  	s3 =	sld [smem:$0x3FDB];
	s0 =	simm.s32 @p2 $0x1  }
0x17: {  	s4 =	simm.s32 $0x1BF5;
	[smem:$0x3FAC] =	sst s0  }
0x18: {  	s0 =	sld [smem:$0x3F8F];
	_ =	swait.ge [sflag:s4], $0x0  }
0x19: {  	s7 =	sld [smem:$0x3F90]  }
0x1a: {  	s8 =	sadd.s32 $0xFFFFE003, lr  }
0x1b: {  	s9 =	sadd.s32 $0xFFFFFEF7, lr;
	s5 =	simm.s32 $0xFFFFFFFF;
	p2 =	slt.u32 s8, $0xFFFFF086  }
0x1c: {  	p1 =	slt.u32 s9, $0xF7A;
	s5 =	simm.s32 @!p2 $0x0  }
0x1d: {  	s5 =	simm.s32 @p1 $0x1;
	p0 =	seq.s32 s7, s2  }
0x1e: {  	s7 =	smul.u32 @!p0 $0xF7A, s2;
	p2 =	seq.s32 @!p0 s5, $0x0  }
0x1f: {  	s9 =	smul.u32 $0xF7A, s1;
	s8 =	simm.s32 @!p0 $0x1BF5;
	p2 =	por !p2, p0  }
0x20: {  	[sflag:s8] =	ssyncset.s32 @!p0 $0xFFFFF086;
	s6 =	sadd.s32 @!p0 s3, s7;
	s7 =	simm.s32 @!p0 $0x108  }
0x21: {  	s3 =	sadd.s32 s3, s9;
	s6 =	sadd.s32 @!p0 $0x88, s6;
	s7 =	simm.s32 @p2 $0x1082  }
0x22: {  	[simem:s7], [sflag:s8] =	dma.local @!p0 [hbm:s6], $0xF7A  }
0x23: {  	s9 =	sor.u32 $0xD0000000, s2;
	s6 =	simm.s32 $0x108;
	_ =	swait.ge @!p0 [sflag:s8], $0x0  }
0x24: {  	s3 =	sadd.s32 $0x88, s3;
	s6 =	simm.s32 @!p1 $0x1082;
	[sflag:s4] =	ssyncset.s32 $0xFFFFF086  }
0x25: {  	[simem:s6], [sflag:s4] =	dma.local [hbm:s3], $0xF7A  }
0x26: {  	[smem:$0x3F90] =	sst s1;
	(tag) =	ssettag s2;
	_ =	strace s9  }
0x27: {  	s1 =	sld [smem:$0x3FA0]  }
0x28: {  	s2 =	sld [smem:$0x3FA1]  }
0x29: {  	s4 =	sld [smem:$0x3FA3]  }
0x2a: {  	p0 =	seq.s32 s5, $0x0;
	s5 =	sld [smem:$0x3FA4]  }
0x2b: {  	s6 =	sld [smem:$0x3FA5]  }
0x2c: {  	s7 =	sld [smem:$0x3FA6]  }
0x2d: {  	s3 =	simm.s32 $0x108;
	s8 =	sld [smem:$0x3FA7]  }
0x2e: {  	s3 =	simm.s32 @!p0 $0x1082;
	s9 =	sld [smem:$0x3FA8]  }
0x2f: {  	lr =	sadd.s32 s0, s3;
	s0 =	sld [smem:$0x3F9F]  }
0x30: {  	s3 =	sld [smem:$0x3FA2]  }
0x31: {  	[smem:$0x3FAB] =	sst s10  }
0x32: {  	s10 =	sld [smem:$0x3FA9];
	_ =	sdelay $0x3  }
0x33: {  	p0 =	seq.s32 s10, $0x1;
	s10 =	sld [smem:$0x3FAB];
	_ =	sdelay $0x3  }
0x34: {  	[smem:$0x3FAB] =	sst s10  }
0x35: {  	s10 =	sld [smem:$0x3FAA];
	_ =	sdelay $0x3  }
0x36: {  	p1 =	seq.s32 s10, $0x1;
	s10 =	sld [smem:$0x3FAB];
	_ =	sdelay $0x3  }
0x37: {  	[smem:$0x3FAB] =	sst s10  }
0x38: {  	s10 =	sld [smem:$0x3FAC]  }
0x39: {  	_ = 	snop;
	(pc) =	sbr.ind lr, $3  }
0x3a: {  	_ = 	snop  }
0x3b: {  	_ = 	snop  }
0x3c: {  	p2 =	seq.s32 s10, $0x1;
	s10 =	sld [smem:$0x3FAB]  }
0x3d: {  	_ =	shalt  }
0x3e: {  	_ =	shalt  }
0x3f: {  	_ =	shalt  }
0x40: {  	_ =	shalt  }
0x41: {  	_ =	shalt  }
0x42: {  	_ =	shalt  }
0x43: {  	_ =	shalt  }
0x44: {  	_ =	shalt  }
0x45: {  	_ =	shalt  }
0x46: {  	_ =	shalt  }
0x47: {  	_ =	shalt  }
0x48: {  	_ =	shalt  }
0x49: {  	_ =	shalt  }
0x4a: {  	_ =	shalt  }
0x4b: {  	_ =	shalt  }
0x4c: {  	_ =	shalt  }
0x4d: {  	_ =	shalt  }
0x4e: {  	_ =	shalt  }
0x4f: {  	_ =	shalt  }
0x50: {  	_ =	shalt  }
0x51: {  	_ =	shalt  }
0x52: {  	_ =	shalt  }
0x53: {  	_ =	shalt  }
0x54: {  	_ =	shalt  }
0x55: {  	_ =	shalt  }
0x56: {  	_ =	shalt  }
0x57: {  	_ =	shalt  }
0x58: {  	_ =	shalt  }
0x59: {  	_ =	shalt  }
0x5a: {  	_ =	shalt  }
0x5b: {  	_ =	shalt  }
0x5c: {  	_ =	shalt  }
0x5d: {  	_ =	shalt  }
0x5e: {  	_ =	shalt  }
0x5f: {  	_ =	shalt  }
0x60: {  	_ =	shalt  }
0x61: {  	_ =	shalt  }
0x62: {  	_ =	shalt  }
0x63: {  	_ =	shalt  }
0x64: {  	_ =	shalt  }
0x65: {  	_ =	shalt  }
0x66: {  	_ =	shalt  }
0x67: {  	_ =	shalt  }
0x68: {  	_ =	shalt  }
0x69: {  	_ =	shalt  }
0x6a: {  	_ =	shalt  }
0x6b: {  	_ =	shalt  }
0x6c: {  	_ =	shalt  }
0x6d: {  	_ =	shalt  }
0x6e: {  	_ =	shalt  }
0x6f: {  	_ =	shalt  }
0x70: {  	_ =	shalt  }
0x71: {  	_ =	shalt  }
0x72: {  	_ =	shalt  }
0x73: {  	_ =	shalt  }
0x74: {  	_ =	shalt  }
0x75: {  	_ =	shalt  }
0x76: {  	_ =	shalt  }
0x77: {  	_ =	shalt  }
0x78: {  	_ =	shalt  }
0x79: {  	_ =	shalt  }
0x7a: {  	_ =	shalt  }
0x7b: {  	_ =	shalt  }
0x7c: {  	_ =	shalt  }
0x7d: {  	_ =	shalt  }
0x7e: {  	_ =	shalt  }
0x7f: {  	_ =	shalt  }
0x80: {  	_ =	shalt  }
0x81: {  	_ =	shalt  }
0x82: {  	_ =	shalt  }
0x83: {  	_ =	shalt  }
0x84: {  	_ =	shalt  }
0x85: {  	_ =	shalt  }
0x86: {  	_ =	shalt  }
0x87: {  	_ =	shalt  }
.Lfunc_end0:
.L_simem_size_0:
called_computation.2_lowered:
.L_overlay_start_0:
0x88: {  	s2 =	sld [smem:$0x3FD9]  }
0x89: {  	s3 =	sld [smem:$0x3FFE];
	_ =	sdelay $0x1  }
0x8a: {  	s1 =	srdreg.scid  }
0x8b: {  	s0 =	sand.u32 $0x1, s1  }
0x8c: {  	s17 =	sshll.u32 s0, $0xA;
	s2 =	sadd.s32 s3, s2  }
0x8d: {  	s2 =	sadd.s32 s2, s17  }
0x8e: {  	[smem:$0x3FB7] =	sst s2  }
0x8f: {  	_ = 	snop  }
0x90: {  	(tm) =	ssettm $0x1  }
0x91: {  	s18 =	sld [smem:$0x3FFB];
	_ =	sdelay $0x3  }
0x92: {  	_ =	strace s18  }
0x93: {  	s2 =	sld [smem:$0x3FFC];
	_ =	sdelay $0x3  }
0x94: {  	_ =	strace s2  }
0x95: {  	s2 =	sld [smem:$0x3FFD];
	_ =	sdelay $0x3  }
0x96: {  	_ =	strace s2  }
0x97: {  	_ =	strace $0x8FFFFFFF  }
0x98: {  	s19 =	sld [smem:$0x3FDB];
	_ =	sdelay $0x1  }
0x99: {  	s20 =	simm.s32 $_scs_section_size  }
0x9a: {  	s4 =	simm.s32 $_size__tile_overlayer_lowered;
	s5 =	simm.s32 $_tile_overlayer_lowered  }
0x9b: {  	s6 =	simm.s32 $0x1BFF;
	s21 =	sshll.u32 s5, $0x1;
	s3 =	sadd.s32 s20, s19  }
0x9c: {  	s22 =	simm.s32 $0x0;
	s4 =	sshll.u32 s4, $0x1;
	s5 =	sadd.s32 s21, s3  }
0x9d: {  	[timem:s22], [sflag:s6] =	dma.local [hbm:s5], s4  }
0x9e: {  	_ =	swait.ge [sflag:s6], s4  }
0x9f: {  	s4 =	ssub.s32 $0x0, s4;
	[sflag:s6] =	ssyncset.done $0x0  }
0xa0: {  	[sflag:s6] =	ssyncadd.s32 s4;
	_ =	sdelay $0x1  }
0xa1: {  	s23 =	simm.s32 $0x1B8B  }
0xa2: {  	_ =	swait.ge [sflag:s23], $0x1  }
0xa3: {  	[sflag:s23] =	ssyncset.done $0x0  }
0xa4: {  	[sflag:s23] =	ssyncadd.s32 $0xFFFFFFFF  }
0xa5: {  	s4 =	sld [smem:$0x0]  }
0xa6: {  	s5 =	sand.u32 $0xFFFFFFFE, s1  }
0xa7: {  	p0 =	sne.s32 s1, s5  }
0xa8: {  	s5 =	sshll.u32 @p0 s5, $0xE  }
0xa9: {  	s5 =	sadd.s32 @p0 $0x11B8D, s5;
	s6 =	sshll.u32 @p0 s4, $0x11  }
0xaa: {  	s5 =	sor.u32 @p0 s6, s5  }
0xab: {  	[sflag:s5] =	ssyncadd.remote.s32 @p0 $0x1;
	_ =	sdelay $0x1  }
0xac: {  	s5 =	simm.s32 @p0 $0x1B8D  }
0xad: {  	_ =	swait.eq @p0 [sflag:s5], $0x1  }
0xae: {  	[sflag:s5] =	ssyncadd.s32 @p0 $0xFFFFFFFF  }
0xaf: {  	s6 =	sshll.u32 @!p0 s1, $0xE  }
0xb0: {  	s6 =	sor.u32 @!p0 $0x4000, s6;
	s5 =	simm.s32 @!p0 $0x1B8D  }
0xb1: {  	s4 =	sshll.u32 @!p0 s4, $0x11;
	s6 =	sadd.s32 @!p0 $0x11B8D, s6;
	_ =	swait.eq @!p0 [sflag:s5], $0x1  }
0xb2: {  	s4 =	sor.u32 @!p0 s4, s6;
	[sflag:s5] =	ssyncadd.s32 @!p0 $0xFFFFFFFF  }
0xb3: {  	s25 =	simm.s32 $0x1B8E;
	s24 =	sld [smem:$0x3FFE];
	[sflag:s4] =	ssyncadd.remote.s32 @!p0 $0x1  }
0xb4: {  	s26 =	simm.s32 $execute0_lowered;
	[smem:$0x3FD2] =	sst s25  }
0xb5: {  	s5 =	sshll.u32 s26, $0x1;
	_ =	strace $0x80000062;
	[dreg:$0x1] =	wrdreg $0xFFFFFFFF  }
0xb6: {  	s28 =	simm.s32 $_size_execute0_lowered;
	s3 =	sadd.s32 s3, s5;
	[dreg:$0x0] =	wrdreg $0x0  }
0xb7: {  	s5 =	sshll.u32 s28, $0x1;
	[dreg:$0x2] =	wrdreg s3  }
0xb8: {  	[dreg:$0x3] =	wrdreg s5  }
0xb9: {  	[dreg:$0x4] =	wrdreg $0xC0  }
0xba: {  	_ =	task [dreg:s22], $0x5FFFF  }
0xbb: {  	[dreg:$0x1] =	wrdreg $0xFFFFFFFF  }
0xbc: {  	[dreg:$0x0] =	wrdreg $0x60  }
0xbd: {  	[dreg:$0x2] =	wrdreg s24  }
0xbe: {  	[dreg:$0x3] =	wrdreg $0x0  }
0xbf: {  	[dreg:$0x4] =	wrdreg $0xA  }
0xc0: {  	_ =	task.clear_ibuf [dreg:s22], $0x5FFFF;
	_ =	strace $0x90000062  }
0xc1: {  	s29 =	simm.s32 $0xA;
	_ =	strace $0x8000006A  }
0xc2: {  	_ =	swait.ge [sflag:s29], $0x1  }
0xc3: {  	[sflag:s29] =	ssyncadd.s32 $0xFFFFFFFF  }
0xc4: {  	_ =	strace $0x9000006A  }
0xc5: {  	_ =	sfence  }
0xc6: {  	s30 =	sld [smem:$0x0];
	_ =	sdelay $0x2  }
0xc7: {  	s31 =	sshll.u32 s1, $0xD;
	s1 =	sshrl.u32 s1, $0x2  }
0xc8: {  	s4 =	sand.u32 $0x4000, s31;
	s1 =	sadd.s32 s1, s30  }
0xc9: {  	s0 =	sor.u32 s4, s0;
	s1 =	sshll.u32 s1, $0x11  }
0xca: {  	s0 =	sor.u32 s1, s0  }
0xcb: {  	s0 =	sadd.s32 $0x8F2B, s0  }
0xcc: {  	[sflag:s0] =	ssyncadd.remote.s32 $0x1  }
0xcd: {  	_ =	sfence.sel $0xFFFF  }
0xce: {  	[dreg:$0x0] =	wrdreg $0xFFFFFFFF;
	(pc) =	sbr.abs _section_cstart, $3  }
0xcf: {  	[dreg:$0x1] =	wrdreg $0xFFFFFFFF  }
0xd0: {  	_ =	task.clear_ibuf [dreg:s22], $0x2FFFF;
	_ =	strace $0x9FFFFFFF  }
0xd1: {  	(tm) =	ssettm $0x7FFFFFFF  }
tec
execute0_lowered:
.L_overlay_start_1:
0x0: {  	(tag) =	ssettag $0x1  }
0x1: {  	s0 =	rddreg [dreg:$0x0]  }
0x2: {  	s2 =	rddreg [dreg:$0x1]  }
0x3: {  	s11 =	stileid.u32;
	s1 =	srdreg.scid;
	s3 =	simm.s32 $0x0  }
0x4: {  	s18 =	simm.s32 $0x80;
	s19 =	simm.s32 $0x5;
	s20 =	simm.s32 $0x1  }
0x5: {  	s21 =	simm.s32 $0x0;
	s6 =	smul.u32 $0x13C00, s11;
	s1 =	sand.u32 $0x1, s1  }
0x6: {  	[smem:$0x7FF] =	sst s3;
	s5 =	sadd.s32 $0x5B3A00, s0;
	s23 =	smul.u32 $0x4F000, s11  }
0x7: {  	s4 =	sadd.s32 $0x5E00, s0;
	s7 =	smul.u32 $0x13C000, s1;
	_ =	strace $0x80000063  }
0x8: {  	s9 =	sshll.u32 s1, $0x4;
	s1 =	ssub.s32 $0x2, s1;
	s8 =	sshrl.u32 s6, $0x3  }
0x9: {  	s24 =	sor.u32 s11, s9;
	s25 =	sshrl.u32 s1, $0x1;
	s11 =	sshll.u32 s11, $0x6  }
0xa: {  	s8 =	sadd.s32 s8, s0;
	s6 =	sadd.s32 s6, s7;
	s10 =	smul.u32 $0x9, s24  }
0xb: {  	s7 =	sshrl.u32 s23, $0x2;
	s1 =	ssub.s32 s1, s25;
	s9 =	smul.u32 $0xA, s24  }
0xc: {  	p0 =	slt.u32 s24, $0xC;
	s6 =	sshrl.u32 s6, $0x3;
	s15 =	sadd.s32 s7, s2  }
0xd: {  	s26 =	sadd.s32 $0x44BA00, s8;
	s0 =	sadd.s32 s6, s0;
	s6 =	sadd.s32 $0xC, s10  }
0xe: {  	s8 =	sor.u32 $0x1C01, s11;
	s14 =	smax.u32 s1, $0x1;
	s6 =	smov.u32 @p0 s9  }
0xf: {  	[dreg:$0x3] =	wrdreg s26;
	s9 =	simm.s32 $0xA;
	s28 =	sshll.u32 s6, $0xB  }
0x10: {  	s0 =	sadd.s32 $0x9BE00, s0;
	s29 =	sshll.u32 s6, $0x4;
	s10 =	sand.u32 $0x1FFFF800, s28  }
0x11: {  	[dreg:$0x6] =	wrdreg s0;
	s11 =	sand.u32 $0x1FFFFFF0, s29;
	s30 =	sadd.s32 s4, s10  }
0x12: {  	s9 =	simm.s32 @!p0 $0x9;
	s31 =	sadd.s32 s5, s11;
	[dreg:$0x4] =	wrdreg s30  }
0x13: {  	s15 =	sshrl.u32 s15, $0x3;
	s12 =	sadd.s32 $0xFFFFFFFF, s9;
	[dreg:$0x5] =	wrdreg s31  }
.LBB2_1:
0x14: {  	s0 =	rddreg [dreg:$0x3]  }
0x15: {  	[spmem:s15], [sflag:s8] =	dma.local [hbm:s0], $0x2780  }
0x16: {  	_ =	swait.ge [sflag:s20], $0x2780  }
0x17: {  	[sflag:s20] =	ssyncset.done $0x0  }
0x18: {  	[sflag:s20] =	ssyncadd.s32 $0xFFFFD880  }
0x19: {  	s1 =	simm.s32 $0x13C00;
	[bflag:$0x0] =	sbarrier.arrive $0xFFFF  }
0x1a: {  	s31 =	simm.s32 $0x1BC00;
	p1 =	sne.s32 s12, $0x1;
	_ =	strace $0x80000064  }
.Ltmp0:
0x1b: {  	p0 =	seq.s32 s9, $0x1;
	s29 =	rddreg [dreg:$0x4];
	(pc) =	sbr.rel @!p1 .LBB2_2-.Ltmp0, $4  }
0x1c: {  	[tilespmem:s1], [sflag:$0x1] =	stream.linear.gather [hbm4b:s29+s3], $0x4000, $0x200038;
	[tilespmem:$0x1BD00] =	vst v63  }
0x1d: {  	s22 =	simm.s32 $0x1;
	s23 =	simm.s32 $0x1;
	s30 =	rddreg [dreg:$0x5]  }
0x1e: {  	[tilespmem:s31], [sflag:$0x3] =	stream.linear.gather [hbm4b:s30+s3], $0x80, $0x200038;
	[tilespmem:$0x1BD00] =	vst v63  }
0x1f: {  	s22 =	simm.s32 @p0 $0x0;
	p0 =	por $0x0, $0x0;
	_ =	strace $0x90000064  }
0x20: {  	p0 =	seq.s32 s22, $0x0;
	s23 =	simm.s32 $0x2;
	s17 =	simm.s32 $0x0  }
0x21: {  	p1 =	sne.s32 s12, $0x2;
	s31 =	simm.s32 $0x1;
	s0 =	sadd.s32 @!p0 s6, s22  }
0x22: {  	s1 =	sand.u32 @!p0 $0x1, s20;
	s26 =	simm.s32 @!p0 $0x0;
	s29 =	simm.s32 @!p0 $0x1  }
0x23: {  	_ =	strace @!p0 $0x80000065;
	s16 =	sshll.u32 @!p0 s0, $0xB;
	s24 =	sshll.u32 @!p0 s1, $0xE  }
0x24: {  	s25 =	sadd.s32 @!p0 $0x1, s1;
	s0 =	sshll.u32 @!p0 s0, $0x4;
	s28 =	sshll.u32 @!p0 s1, $0x7  }
0x25: {  	s1 =	sadd.s32 @!p0 $0x3, s1;
	s29 =	simm.s32 @p0 $0x0;
	s16 =	sand.u32 @!p0 $0x1FFFF800, s16  }
0x26: {  	s24 =	sor.u32 @!p0 $0x13C00, s24;
	s0 =	sand.u32 @!p0 $0x1FFFFFF0, s0;
	s16 =	sadd.s32 @!p0 s4, s16  }
0x27: {  	[tilespmem:s24], [sflag:s25] =	stream.linear.gather @!p0 [hbm4b:s16+s26], $0x4000, $0x200038;
	[tilespmem:$0x1BD00] =	vst v63  }
0x28: {  	s28 =	sor.u32 @!p0 $0x1BC00, s28;
	s0 =	sadd.s32 @!p0 s5, s0;
	_ =	strace @!p0 $0x90000065  }
0x29: {  	s24 =	sadd.s32 $0x1, s29;
	s25 =	sand.u32 $0x1, s3;
	_ =	strace @!p0 $0x80000066  }
0x2a: {  	[tilespmem:s28], [sflag:s1] =	stream.linear.gather @!p0 [hbm4b:s0+s26], $0x80, $0x200038;
	[tilespmem:$0x1BD00] =	vst v63  }
0x2b: {  	s29 =	sadd.s32 $0x1, s22;
	s30 =	sadd.s32 $0x1, s25;
	_ =	strace @!p0 $0x90000066  }
0x2c: {  	s26 =	simm.s32 $0x0;
	s0 =	sadd.s32 $0x3, s25;
	_ =	strace $0x80000067  }
0x2d: {  	s1 =	sand.u32 $0x4000, s17;
	s28 =	simm.s32 $0x0;
	_ =	swait.ge [sflag:s30], $0x4000  }
0x2e: {  	s16 =	sand.u32 $0x80, s26;
	s26 =	simm.s32 @!p0 $0x2;
	[sflag:s30] =	ssyncset.done $0x0  }
.Ltmp1:
0x2f: {  	s1 =	sor.u32 $0x13C00, s1;
	[sflag:s30] =	ssyncadd.s32 $0xFFFFC000;
	(pc) =	sbr.rel @!p1 .LBB2_4-.Ltmp1, $4  }
0x30: {  	s26 =	smov.u32 @p0 s20;
	p0 =	sne.s32 s22, $0x0;
	_ =	strace $0x90000067  }
0x31: {  	s31 =	simm.s32 @!p0 $0x0;
	p0 =	seq.s32 s29, s9;
	_ =	strace $0x80000068  }
0x32: {  	s16 =	sor.u32 $0x1BC00, s16;
	s29 =	simm.s32 @p0 $0x0;
	_ =	swait.ge [sflag:s0], $0x80  }
0x33: {  	s25 =	sadd.s32 $0x0, s31;
	p0 =	por $0x1, $0x1;
	[sflag:s0] =	ssyncset.done $0x0  }
.LBB2_5:
0x34: {  	s30 =	smov.u32 s26  }
0x35: {  	s23 =	sadd.s32 $0x1, s23;
	p1 =	seq.s32 s22, s29;
	s28 =	sadd.s32 s31, s28  }
0x36: {  	s26 =	sadd.s32 @!p1 s6, s29;
	s31 =	sand.u32 @!p1 $0x1, s30;
	[sflag:s0] =	ssyncadd.s32 $0xFFFFFF80  }
0x37: {  	s0 =	sshll.u32 @!p1 s31, $0xE;
	s17 =	sshll.u32 @!p1 s26, $0xB;
	_ =	strace $0x90000068  }
0x38: {  	s7 =	sand.u32 @!p1 $0x1, s24;
	s17 =	sand.u32 @!p1 $0x1FFFF800, s17;
	_ =	strace $0x80000069  }
0x39: {  	[spmem:s2] =	stream.indirect.scatter.add.f32 [tilespmem:s1], [sflag:$0x5], $0x80, s16, s18, $0x2000b8;
	[tilespmem:$0x1BD00] =	vst v63  }
0x3a: {  	s26 =	sshll.u32 @!p1 s26, $0x4;
	s1 =	sadd.s32 @!p1 $0x1, s31;
	s16 =	simm.s32 @!p1 $0x0  }
0x3b: {  	s0 =	sor.u32 @!p1 $0x13C00, s0;
	s26 =	sand.u32 @!p1 $0x1FFFFFF0, s26;
	s31 =	sshll.u32 @!p1 s7, $0x7  }
0x3c: {  	s10 =	simm.s32 @!p1 $0x1;
	s31 =	sor.u32 @!p1 $0x1BC00, s31;
	_ =	swait.ge [sflag:s19], $0x4000  }
0x3d: {  	s17 =	sadd.s32 @!p1 s4, s17;
	s7 =	sadd.s32 @!p1 $0x3, s7;
	[sflag:s19] =	ssyncset.done $0x0  }
0x3e: {  	s10 =	simm.s32 @p1 $0x0;
	s11 =	sadd.s32 @!p1 s5, s26;
	[sflag:s19] =	ssyncadd.s32 $0xFFFFC000  }
0x3f: {  	s24 =	sadd.s32 s24, s10;
	s10 =	sshll.u32 s28, $0xE;
	_ =	strace $0x90000069  }
0x40: {  	s13 =	sshll.u32 s25, $0x7;
	s26 =	sand.u32 $0x1, s28;
	_ =	strace @!p1 $0x80000065  }
0x41: {  	[tilespmem:s0], [sflag:s1] =	stream.linear.gather @!p1 [hbm4b:s17+s16], $0x4000, $0x200038;
	[tilespmem:$0x1BD00] =	vst v63  }
0x42: {  	s13 =	sand.u32 $0x80, s13;
	s1 =	sadd.s32 $0x1, s26;
	_ =	strace @!p1 $0x90000065  }
0x43: {  	s26 =	sadd.s32 @!p1 $0x1, s30;
	s0 =	sand.u32 $0x1, s25;
	_ =	strace @!p1 $0x80000066  }
0x44: {  	[tilespmem:s31], [sflag:s7] =	stream.linear.gather @!p1 [hbm4b:s11+s16], $0x80, $0x200038;
	[tilespmem:$0x1BD00] =	vst v63  }
0x45: {  	s26 =	smov.u32 @p1 s30;
	s0 =	sadd.s32 $0x3, s0;
	_ =	strace @!p1 $0x90000066  }
0x46: {  	p1 =	sne.s32 s12, s23;
	_ =	strace $0x80000067  }
0x47: {  	p2 =	sne.s32 s22, s29;
	_ =	swait.ge [sflag:s1], $0x4000  }
0x48: {  	s22 =	smov.u32 s29;
	s31 =	simm.s32 $0x1;
	[sflag:s1] =	ssyncset.done $0x0  }
.Ltmp2:
0x49: {  	[sflag:s1] =	ssyncadd.s32 $0xFFFFC000;
	s1 =	sand.u32 $0x4000, s10;
	(pc) =	sbr.rel @p1 .LBB2_5-.Ltmp2, $4  }
0x4a: {  	s29 =	sadd.s32 $0x1, s29;
	s31 =	simm.s32 @!p2 $0x0;
	_ =	strace $0x90000067  }
0x4b: {  	p2 =	seq.s32 s29, s9;
	s1 =	sor.u32 $0x13C00, s1;
	_ =	strace $0x80000068  }
0x4c: {  	s16 =	sor.u32 $0x1BC00, s13;
	s29 =	simm.s32 @p2 $0x0;
	_ =	swait.ge [sflag:s0], $0x80  }
0x4d: {  	s25 =	sadd.s32 s31, s25;
	[sflag:s0] =	ssyncset.done $0x0  }
0x4e: {  	s30 =	smov.u32 s22;
	s22 =	smov.u32 s29  }
.LBB2_7:
0x4f: {  	[sflag:s0] =	ssyncadd.s32 @p0 $0xFFFFFF80  }
0x50: {  	_ =	strace @p0 $0x90000068  }
0x51: {  	p1 =	seq.s32 s30, s22;
	_ =	strace @p0 $0x80000069  }
0x52: {  	[spmem:s2] =	stream.indirect.scatter.add.f32 @p0 [tilespmem:s1], [sflag:$0x5], $0x80, s16, s18, $0x2000b8;
	[tilespmem:$0x1BD00] =	vst v63  }
0x53: {  	s0 =	sadd.s32 @!p1 s6, s22;
	s11 =	simm.s32 @!p1 $0x0;
	_ =	swait.ge @p0 [sflag:s19], $0x4000  }
0x54: {  	s7 =	sshll.u32 @!p1 s0, $0xB;
	s0 =	sshll.u32 @!p1 s0, $0x4;
	[sflag:s19] =	ssyncset.done @p0 $0x0  }
0x55: {  	s1 =	sand.u32 @!p1 $0x1, s26;
	s7 =	sand.u32 @!p1 $0x1FFFF800, s7;
	[sflag:s19] =	ssyncadd.s32 @p0 $0xFFFFC000  }
0x56: {  	s10 =	sshll.u32 @!p1 s1, $0xE;
	s1 =	sadd.s32 @!p1 $0x1, s1;
	_ =	strace @p0 $0x90000069  }
0x57: {  	s7 =	sadd.s32 @!p1 s4, s7;
	s10 =	sor.u32 @!p1 $0x13C00, s10;
	_ =	strace @!p1 $0x80000065  }
0x58: {  	[tilespmem:s10], [sflag:s1] =	stream.linear.gather @!p1 [hbm4b:s7+s11], $0x4000, $0x200038;
	[tilespmem:$0x1BD00] =	vst v63  }
0x59: {  	s0 =	sand.u32 @!p1 $0x1FFFFFF0, s0;
	s1 =	sand.u32 @!p1 $0x1, s24  }
0x5a: {  	s0 =	sadd.s32 @!p1 s5, s0;
	s7 =	sshll.u32 @!p1 s1, $0x7;
	_ =	strace @!p1 $0x90000065  }
0x5b: {  	s1 =	sadd.s32 @!p1 $0x3, s1;
	s7 =	sor.u32 @!p1 $0x1BC00, s7;
	_ =	strace @!p1 $0x80000066  }
0x5c: {  	[tilespmem:s7], [sflag:s1] =	stream.linear.gather @!p1 [hbm4b:s0+s11], $0x80, $0x200038;
	[tilespmem:$0x1BD00] =	vst v63  }
0x5d: {  	s1 =	sadd.s32 @p0 s31, s28;
	s0 =	simm.s32 $0x0  }
0x5e: {  	s0 =	smov.u32 @p0 s1  }
0x5f: {  	_ =	strace @!p1 $0x90000066;
	s1 =	sand.u32 $0x1, s0  }
0x60: {  	_ =	strace $0x80000067;
	s1 =	sadd.s32 $0x1, s1  }
0x61: {  	_ =	swait.ge [sflag:s1], $0x4000  }
0x62: {  	[sflag:s1] =	ssyncset.done $0x0  }
0x63: {  	[sflag:s1] =	ssyncadd.s32 $0xFFFFC000  }
0x64: {  	s13 =	sand.u32 $0x1, s25;
	_ =	strace $0x90000067  }
0x65: {  	s1 =	sadd.s32 $0x3, s13;
	_ =	strace $0x80000068  }
0x66: {  	_ =	swait.ge [sflag:s1], $0x80  }
0x67: {  	[sflag:s1] =	ssyncset.done $0x0  }
0x68: {  	s17 =	sshll.u32 s25, $0x7;
	s16 =	sshll.u32 s0, $0xE;
	[sflag:s1] =	ssyncadd.s32 $0xFFFFFF80  }
0x69: {  	s28 =	sand.u32 $0x80, s17;
	s7 =	sand.u32 $0x4000, s16;
	_ =	strace $0x90000068  }
0x6a: {  	s7 =	sor.u32 $0x13C00, s7;
	s1 =	sor.u32 $0x1BC00, s28;
	_ =	strace $0x80000069  }
0x6b: {  	[spmem:s2] =	stream.indirect.scatter.add.f32 [tilespmem:s7], [sflag:$0x5], $0x80, s1, s18, $0x2000b8;
	[tilespmem:$0x1BD00] =	vst v63  }
0x6c: {  	s1 =	sadd.s32 $0x1, s22  }
0x6d: {  	p0 =	seq.s32 s1, s9  }
0x6e: {  	_ =	swait.ge [sflag:s19], $0x4000;
	s1 =	simm.s32 @p0 $0x0;
	p0 =	sge.u32 s23, s12  }
0x6f: {  	[sflag:s19] =	ssyncset.done $0x0;
	p2 =	seq.s32 @!p0 s22, s1  }
0x70: {  	s7 =	sadd.s32 @!p1 $0x1, s26;
	[sflag:s19] =	ssyncadd.s32 $0xFFFFC000;
	p0 =	por p2, p0  }
0x71: {  	s7 =	smov.u32 @p1 s26;
	_ =	strace $0x90000069;
	s1 =	sadd.s32 @!p0 s6, s1  }
0x72: {  	s7 =	sand.u32 @!p0 $0x1, s7;
	_ =	strace @!p0 $0x80000065;
	s11 =	sshll.u32 @!p0 s1, $0xB  }
0x73: {  	s13 =	simm.s32 @!p0 $0x0;
	s10 =	sshll.u32 @!p0 s7, $0xE;
	s11 =	sand.u32 @!p0 $0x1FFFF800, s11  }
0x74: {  	s7 =	sadd.s32 @!p0 $0x1, s7;
	s10 =	sor.u32 @!p0 $0x13C00, s10;
	s11 =	sadd.s32 @!p0 s4, s11  }
0x75: {  	[tilespmem:s10], [sflag:s7] =	stream.linear.gather @!p0 [hbm4b:s11+s13], $0x4000, $0x200038;
	[tilespmem:$0x1BD00] =	vst v63  }
0x76: {  	s7 =	simm.s32 @!p1 $0x1  }
0x77: {  	s7 =	simm.s32 @p1 $0x0  }
0x78: {  	s1 =	sshll.u32 @!p0 s1, $0x4;
	s7 =	sadd.s32 s24, s7  }
0x79: {  	s1 =	sand.u32 @!p0 $0x1FFFFFF0, s1;
	s7 =	sand.u32 @!p0 $0x1, s7  }
0x7a: {  	s1 =	sadd.s32 @!p0 s5, s1;
	_ =	strace @!p0 $0x90000065;
	s10 =	sshll.u32 @!p0 s7, $0x7  }
0x7b: {  	_ =	strace @!p0 $0x80000066;
	s7 =	sadd.s32 @!p0 $0x3, s7;
	s10 =	sor.u32 @!p0 $0x1BC00, s10  }
0x7c: {  	[tilespmem:s10], [sflag:s7] =	stream.linear.gather @!p0 [hbm4b:s1+s13], $0x80, $0x200038;
	[tilespmem:$0x1BD00] =	vst v63  }
0x7d: {  	p1 =	sne.s32 s30, s22;
	s1 =	simm.s32 $0x1  }
0x7e: {  	s1 =	simm.s32 @!p1 $0x0  }
0x7f: {  	s0 =	sadd.s32 s1, s0  }
0x80: {  	_ =	strace @!p0 $0x90000066;
	s29 =	sand.u32 $0x1, s0  }
0x81: {  	_ =	strace $0x80000067;
	s7 =	sadd.s32 $0x1, s29  }
0x82: {  	_ =	swait.ge [sflag:s7], $0x4000  }
0x83: {  	[sflag:s7] =	ssyncset.done $0x0  }
0x84: {  	s1 =	sadd.s32 s1, s25;
	[sflag:s7] =	ssyncadd.s32 $0xFFFFC000  }
0x85: {  	s30 =	sand.u32 $0x1, s1;
	_ =	strace $0x90000067  }
0x86: {  	s7 =	sadd.s32 $0x3, s30;
	_ =	strace $0x80000068  }
0x87: {  	_ =	swait.ge [sflag:s7], $0x80  }
0x88: {  	[sflag:s7] =	ssyncset.done $0x0  }
0x89: {  	s0 =	sshll.u32 s0, $0xE;
	s1 =	sshll.u32 s1, $0x7;
	[sflag:s7] =	ssyncadd.s32 $0xFFFFFF80  }
0x8a: {  	s0 =	sand.u32 $0x4000, s0;
	s1 =	sand.u32 $0x80, s1;
	_ =	strace $0x90000068  }
0x8b: {  	s0 =	sor.u32 $0x13C00, s0;
	s1 =	sor.u32 $0x1BC00, s1;
	_ =	strace $0x80000069  }
0x8c: {  	[spmem:s2] =	stream.indirect.scatter.add.f32 [tilespmem:s0], [sflag:$0x5], $0x80, s1, s18, $0x2000b8;
	[tilespmem:$0x1BD00] =	vst v63  }
0x8d: {  	_ =	swait.ge [sflag:s19], $0x4000  }
0x8e: {  	[sflag:s19] =	ssyncset.done $0x0  }
0x8f: {  	[sflag:s19] =	ssyncadd.s32 $0xFFFFC000  }
0x90: {  	_ =	strace $0x90000069  }
0x91: {  	s21 =	sadd.s32 $0x1, s21;
	[bflag:$0x0] =	sbarrier.arrive $0xFFFF  }
0x92: {  	p0 =	sne.s32 s21, s14;
	s31 =	rddreg [dreg:$0x6]  }
0x93: {  	[hbm:s31], [sflag:s8] =	dma.local [spmem:s15], $0x2780  }
.Ltmp3:
0x94: {  	_ = 	snop;
	(pc) =	sbr.rel @p0 .LBB2_1-.Ltmp3, $4  }
.Ltmp4:
0x95: {  	_ = 	snop;
	(pc) =	sbr.rel @!p0 .LBB2_8-.Ltmp4, $4  }
0x96: {  	_ =	swait.ge [sflag:s20], $0x2780  }
0x97: {  	[sflag:s20] =	ssyncset.done $0x0  }
0x98: {  	[sflag:s20] =	ssyncadd.s32 $0xFFFFD880  }
0x99: {  	_ = 	snop  }
.LBB2_2:
.Ltmp5:
0x9a: {  	(pc) =	sbr.rel .LBB2_7-.Ltmp5, $3  }
0x9b: {  	_ =	sdelay $0x1  }
0x9c: {  	s30 =	simm.s32 $0x0;
	s28 =	simm.s32 $0x0  }
0x9d: {  	s26 =	simm.s32 $0x1;
	s24 =	simm.s32 $0x1;
	s25 =	simm.s32 $0x0  }
.LBB2_4:
.Ltmp6:
0x9e: {  	(pc) =	sbr.rel .LBB2_7-.Ltmp6, $2  }
0x9f: {  	_ =	sdelay $0x2  }
0xa0: {  	s30 =	smov.u32 s22;
	s22 =	smov.u32 s29;
	s28 =	simm.s32 $0x0  }
.LBB2_8:
0xa1: {  	_ =	sfence.sel $0x180000  }
0xa2: {  	[bflag:$0x0] =	sbarrier.arrive $0xFFFF  }
0xa3: {  	_ =	strace $0x90000063  }
0xa4: {  	s0 =	stileid.u32;
	[bflag:$0x2] =	sbarrier.arrive $0xFFFF  }
0xa5: {  	p0 =	sne.s32 s0, $0x0;
	s0 =	rddreg [dreg:$0x2]  }
0xa6: {  	s0 =	sadd.s32 @!p0 $0x100000, s0  }
0xa7: {  	[sflag:s0] =	ssyncadd.tile.s32 @!p0 $0x1;
	_ =	shalt  }
.Lfunc_end2:
_tile_overlayer_lowered:
.L_overlay_start_2:
0xa8: {  	(tag) =	ssettag $0x2  }
0xa9: {  	s0 =	rddreg [dreg:$0x0];
	s2 =	stileid.u32  }
0xaa: {  	s1 =	rddreg [dreg:$0x1];
	p0 =	sne.s32 s2, $0x0  }
0xab: {  	s3 =	rddreg [dreg:$0x2];
	[bflag:$0x3] =	sbarrier.arrive $0xFFFF;
	s2 =	simm.s32 @!p0 $0x1C01  }
0xac: {  	[timem:s3], [sflag:s2] =	dma.local @!p0 [hbm:s0], s1  }
0xad: {  	s0 =	simm.s32 @!p0 $0x1  }
0xae: {  	_ =	swait.ge @!p0 [sflag:s0], s1  }
0xaf: {  	s1 =	ssub.s32 @!p0 $0x0, s1;
	[sflag:s0] =	ssyncset.done @!p0 $0x0  }
0xb0: {  	[sflag:s0] =	ssyncadd.s32 @!p0 s1  }
0xb1: {  	[bflag:$0x3] =	sbarrier.arrive $0xFFFF  }
0xb2: {  	_ =	shalt  }

// kernel: kernel.20.cloned.1.call-start
scs
__scs_entry_jumppad:
0x0: {  	(pc) =	sbr.rel $0x88, $3  }
0x1: {  	(tag) =	ssettag $0x0;
	lr =	simm.s32 $0x1  }
0x2: {  	[smem:$0x3F90] =	sst lr;
	_ =	strace $0xD0000000  }
0x3: {  	_ = 	snop  }
0x4: {  	_ = 	snop  }
0x5: {  	_ = 	snop  }
0x6: {  	_ = 	snop  }
0x7: {  	_ = 	snop  }
__scs_overlays_trampoline_lowered:
0x8: {  	[smem:$0x3F9F] =	sst s0  }
0x9: {  	[smem:$0x3FA0] =	sst s1  }
0xa: {  	[smem:$0x3FA1] =	sst s2  }
0xb: {  	[smem:$0x3FA2] =	sst s3  }
0xc: {  	[smem:$0x3FA3] =	sst s4  }
0xd: {  	[smem:$0x3FA4] =	sst s5  }
0xe: {  	[smem:$0x3FA5] =	sst s6  }
0xf: {  	[smem:$0x3FA6] =	sst s7  }
0x10: {  	[smem:$0x3FA7] =	sst s8  }
0x11: {  	[smem:$0x3FA8] =	sst s9;
	s0 =	simm.s32 @!p0 $0x0  }
0x12: {  	s1 =	sld [smem:$0x3F8E];
	s0 =	simm.s32 @p0 $0x1  }
0x13: {  	[smem:$0x3FA9] =	sst s0;
	s0 =	simm.s32 @!p1 $0x0  }
0x14: {  	s2 =	sld [smem:$0x3F8D];
	s0 =	simm.s32 @p1 $0x1  }
0x15: {  	[smem:$0x3FAA] =	sst s0;
	s0 =	simm.s32 @!p2 $0x0  }
0x16: {  	s3 =	sld [smem:$0x3FDB];
	s0 =	simm.s32 @p2 $0x1  }
0x17: {  	s4 =	simm.s32 $0x1BF5;
	[smem:$0x3FAC] =	sst s0  }
0x18: {  	s0 =	sld [smem:$0x3F8F];
	_ =	swait.ge [sflag:s4], $0x0  }
0x19: {  	s7 =	sld [smem:$0x3F90]  }
0x1a: {  	s8 =	sadd.s32 $0xFFFFE003, lr  }
0x1b: {  	s9 =	sadd.s32 $0xFFFFFEF7, lr;
	s5 =	simm.s32 $0xFFFFFFFF;
	p2 =	slt.u32 s8, $0xFFFFF086  }
0x1c: {  	p1 =	slt.u32 s9, $0xF7A;
	s5 =	simm.s32 @!p2 $0x0  }
0x1d: {  	s5 =	simm.s32 @p1 $0x1;
	p0 =	seq.s32 s7, s2  }
0x1e: {  	s7 =	smul.u32 @!p0 $0xF7A, s2;
	p2 =	seq.s32 @!p0 s5, $0x0  }
0x1f: {  	s9 =	smul.u32 $0xF7A, s1;
	s8 =	simm.s32 @!p0 $0x1BF5;
	p2 =	por !p2, p0  }
0x20: {  	[sflag:s8] =	ssyncset.s32 @!p0 $0xFFFFF086;
	s6 =	sadd.s32 @!p0 s3, s7;
	s7 =	simm.s32 @!p0 $0x108  }
0x21: {  	s3 =	sadd.s32 s3, s9;
	s6 =	sadd.s32 @!p0 $0x88, s6;
	s7 =	simm.s32 @p2 $0x1082  }
0x22: {  	[simem:s7], [sflag:s8] =	dma.local @!p0 [hbm:s6], $0xF7A  }
0x23: {  	s9 =	sor.u32 $0xD0000000, s2;
	s6 =	simm.s32 $0x108;
	_ =	swait.ge @!p0 [sflag:s8], $0x0  }
0x24: {  	s3 =	sadd.s32 $0x88, s3;
	s6 =	simm.s32 @!p1 $0x1082;
	[sflag:s4] =	ssyncset.s32 $0xFFFFF086  }
0x25: {  	[simem:s6], [sflag:s4] =	dma.local [hbm:s3], $0xF7A  }
0x26: {  	[smem:$0x3F90] =	sst s1;
	(tag) =	ssettag s2;
	_ =	strace s9  }
0x27: {  	s1 =	sld [smem:$0x3FA0]  }
0x28: {  	s2 =	sld [smem:$0x3FA1]  }
0x29: {  	s4 =	sld [smem:$0x3FA3]  }
0x2a: {  	p0 =	seq.s32 s5, $0x0;
	s5 =	sld [smem:$0x3FA4]  }
0x2b: {  	s6 =	sld [smem:$0x3FA5]  }
0x2c: {  	s7 =	sld [smem:$0x3FA6]  }
0x2d: {  	s3 =	simm.s32 $0x108;
	s8 =	sld [smem:$0x3FA7]  }
0x2e: {  	s3 =	simm.s32 @!p0 $0x1082;
	s9 =	sld [smem:$0x3FA8]  }
0x2f: {  	lr =	sadd.s32 s0, s3;
	s0 =	sld [smem:$0x3F9F]  }
0x30: {  	s3 =	sld [smem:$0x3FA2]  }
0x31: {  	[smem:$0x3FAB] =	sst s10  }
0x32: {  	s10 =	sld [smem:$0x3FA9];
	_ =	sdelay $0x3  }
0x33: {  	p0 =	seq.s32 s10, $0x1;
	s10 =	sld [smem:$0x3FAB];
	_ =	sdelay $0x3  }
0x34: {  	[smem:$0x3FAB] =	sst s10  }
0x35: {  	s10 =	sld [smem:$0x3FAA];
	_ =	sdelay $0x3  }
0x36: {  	p1 =	seq.s32 s10, $0x1;
	s10 =	sld [smem:$0x3FAB];
	_ =	sdelay $0x3  }
0x37: {  	[smem:$0x3FAB] =	sst s10  }
0x38: {  	s10 =	sld [smem:$0x3FAC]  }
0x39: {  	_ = 	snop;
	(pc) =	sbr.ind lr, $3  }
0x3a: {  	_ = 	snop  }
0x3b: {  	_ = 	snop  }
0x3c: {  	p2 =	seq.s32 s10, $0x1;
	s10 =	sld [smem:$0x3FAB]  }
0x3d: {  	_ =	shalt  }
0x3e: {  	_ =	shalt  }
0x3f: {  	_ =	shalt  }
0x40: {  	_ =	shalt  }
0x41: {  	_ =	shalt  }
0x42: {  	_ =	shalt  }
0x43: {  	_ =	shalt  }
0x44: {  	_ =	shalt  }
0x45: {  	_ =	shalt  }
0x46: {  	_ =	shalt  }
0x47: {  	_ =	shalt  }
0x48: {  	_ =	shalt  }
0x49: {  	_ =	shalt  }
0x4a: {  	_ =	shalt  }
0x4b: {  	_ =	shalt  }
0x4c: {  	_ =	shalt  }
0x4d: {  	_ =	shalt  }
0x4e: {  	_ =	shalt  }
0x4f: {  	_ =	shalt  }
0x50: {  	_ =	shalt  }
0x51: {  	_ =	shalt  }
0x52: {  	_ =	shalt  }
0x53: {  	_ =	shalt  }
0x54: {  	_ =	shalt  }
0x55: {  	_ =	shalt  }
0x56: {  	_ =	shalt  }
0x57: {  	_ =	shalt  }
0x58: {  	_ =	shalt  }
0x59: {  	_ =	shalt  }
0x5a: {  	_ =	shalt  }
0x5b: {  	_ =	shalt  }
0x5c: {  	_ =	shalt  }
0x5d: {  	_ =	shalt  }
0x5e: {  	_ =	shalt  }
0x5f: {  	_ =	shalt  }
0x60: {  	_ =	shalt  }
0x61: {  	_ =	shalt  }
0x62: {  	_ =	shalt  }
0x63: {  	_ =	shalt  }
0x64: {  	_ =	shalt  }
0x65: {  	_ =	shalt  }
0x66: {  	_ =	shalt  }
0x67: {  	_ =	shalt  }
0x68: {  	_ =	shalt  }
0x69: {  	_ =	shalt  }
0x6a: {  	_ =	shalt  }
0x6b: {  	_ =	shalt  }
0x6c: {  	_ =	shalt  }
0x6d: {  	_ =	shalt  }
0x6e: {  	_ =	shalt  }
0x6f: {  	_ =	shalt  }
0x70: {  	_ =	shalt  }
0x71: {  	_ =	shalt  }
0x72: {  	_ =	shalt  }
0x73: {  	_ =	shalt  }
0x74: {  	_ =	shalt  }
0x75: {  	_ =	shalt  }
0x76: {  	_ =	shalt  }
0x77: {  	_ =	shalt  }
0x78: {  	_ =	shalt  }
0x79: {  	_ =	shalt  }
0x7a: {  	_ =	shalt  }
0x7b: {  	_ =	shalt  }
0x7c: {  	_ =	shalt  }
0x7d: {  	_ =	shalt  }
0x7e: {  	_ =	shalt  }
0x7f: {  	_ =	shalt  }
0x80: {  	_ =	shalt  }
0x81: {  	_ =	shalt  }
0x82: {  	_ =	shalt  }
0x83: {  	_ =	shalt  }
0x84: {  	_ =	shalt  }
0x85: {  	_ =	shalt  }
0x86: {  	_ =	shalt  }
0x87: {  	_ =	shalt  }
.Lfunc_end0:
.L_simem_size_0:
called_computation.3_lowered:
.L_overlay_start_0:
0x88: {  	s2 =	sld [smem:$0x3FD9]  }
0x89: {  	s3 =	sld [smem:$0x3FFE];
	_ =	sdelay $0x1  }
0x8a: {  	s1 =	srdreg.scid  }
0x8b: {  	s0 =	sand.u32 $0x1, s1  }
0x8c: {  	s17 =	sshll.u32 s0, $0xA;
	s2 =	sadd.s32 s3, s2  }
0x8d: {  	s2 =	sadd.s32 s2, s17  }
0x8e: {  	[smem:$0x3FB7] =	sst s2  }
0x8f: {  	_ = 	snop  }
0x90: {  	s18 =	sld [smem:$0x3FD0];
	(tm) =	ssettm $0x1  }
0x91: {  	s19 =	sld [smem:$0x3FFB];
	_ =	sdelay $0x3  }
0x92: {  	_ =	strace s19  }
0x93: {  	s2 =	sld [smem:$0x3FFC];
	_ =	sdelay $0x3  }
0x94: {  	_ =	strace s2  }
0x95: {  	s2 =	sld [smem:$0x3FFD];
	_ =	sdelay $0x3  }
0x96: {  	_ =	strace s2  }
0x97: {  	_ =	strace $0x8FFFFFFF  }
0x98: {  	s20 =	sld [smem:$0x3FDB];
	_ =	sdelay $0x1  }
0x99: {  	s4 =	simm.s32 $_scs_section_size  }
0x9a: {  	s5 =	simm.s32 $_size__tile_overlayer_lowered;
	s6 =	simm.s32 $_tile_overlayer_lowered  }
0x9b: {  	s7 =	simm.s32 $0x1BFF;
	s21 =	sshll.u32 s6, $0x1;
	s4 =	sadd.s32 s4, s20  }
0x9c: {  	s22 =	simm.s32 $0x0;
	s5 =	sshll.u32 s5, $0x1;
	s6 =	sadd.s32 s21, s4  }
0x9d: {  	[timem:s22], [sflag:s7] =	dma.local [hbm:s6], s5  }
0x9e: {  	_ =	swait.ge [sflag:s7], s5  }
0x9f: {  	s5 =	ssub.s32 $0x0, s5;
	[sflag:s7] =	ssyncset.done $0x0  }
0xa0: {  	[sflag:s7] =	ssyncadd.s32 s5;
	_ =	sdelay $0x1  }
0xa1: {  	s23 =	simm.s32 $0x1B8B  }
0xa2: {  	_ =	swait.ge [sflag:s23], $0x1  }
0xa3: {  	[sflag:s23] =	ssyncset.done $0x0  }
0xa4: {  	[sflag:s23] =	ssyncadd.s32 $0xFFFFFFFF  }
0xa5: {  	s5 =	sld [smem:$0x0]  }
0xa6: {  	s6 =	sand.u32 $0xFFFFFFFE, s1  }
0xa7: {  	p0 =	sne.s32 s1, s6  }
0xa8: {  	s6 =	sshll.u32 @p0 s6, $0xE  }
0xa9: {  	s6 =	sadd.s32 @p0 $0x11B8D, s6;
	s7 =	sshll.u32 @p0 s5, $0x11  }
0xaa: {  	s6 =	sor.u32 @p0 s7, s6  }
0xab: {  	[sflag:s6] =	ssyncadd.remote.s32 @p0 $0x1;
	_ =	sdelay $0x1  }
0xac: {  	s6 =	simm.s32 @p0 $0x1B8D  }
0xad: {  	_ =	swait.eq @p0 [sflag:s6], $0x1  }
0xae: {  	[sflag:s6] =	ssyncadd.s32 @p0 $0xFFFFFFFF  }
0xaf: {  	s7 =	sshll.u32 @!p0 s1, $0xE  }
0xb0: {  	s7 =	sor.u32 @!p0 $0x4000, s7;
	s6 =	simm.s32 @!p0 $0x1B8D  }
0xb1: {  	s5 =	sshll.u32 @!p0 s5, $0x11;
	s7 =	sadd.s32 @!p0 $0x11B8D, s7;
	_ =	swait.eq @!p0 [sflag:s6], $0x1  }
0xb2: {  	s5 =	sor.u32 @!p0 s5, s7;
	[sflag:s6] =	ssyncadd.s32 @!p0 $0xFFFFFFFF  }
0xb3: {  	s25 =	simm.s32 $0x1B8E;
	s24 =	sld [smem:$0x3FFE];
	[sflag:s5] =	ssyncadd.remote.s32 @!p0 $0x1  }
0xb4: {  	s26 =	simm.s32 $execute0_lowered;
	[smem:$0x3FD2] =	sst s25  }
0xb5: {  	s6 =	sshll.u32 s26, $0x1;
	_ =	strace $0x80000059;
	[dreg:$0x1] =	wrdreg $0xFFFFFFFF  }
0xb6: {  	s28 =	simm.s32 $_size_execute0_lowered;
	s4 =	sadd.s32 s4, s6;
	[dreg:$0x0] =	wrdreg $0x0  }
0xb7: {  	s6 =	sshll.u32 s28, $0x1;
	[dreg:$0x2] =	wrdreg s4  }
0xb8: {  	[dreg:$0x3] =	wrdreg s6  }
0xb9: {  	[dreg:$0x4] =	wrdreg $0xC0  }
0xba: {  	_ =	task [dreg:s22], $0x5FFFF  }
0xbb: {  	[dreg:$0x1] =	wrdreg $0xFFFFFFFF  }
0xbc: {  	[dreg:$0x0] =	wrdreg $0x60  }
0xbd: {  	[dreg:$0x2] =	wrdreg s24  }
0xbe: {  	[dreg:$0x3] =	wrdreg s18  }
0xbf: {  	[dreg:$0x4] =	wrdreg $0x0  }
0xc0: {  	[dreg:$0x5] =	wrdreg $0xB  }
0xc1: {  	_ =	task.clear_ibuf [dreg:s22], $0x6FFFF;
	_ =	strace $0x90000059  }
0xc2: {  	s29 =	simm.s32 $0xB;
	_ =	strace $0x80000061  }
0xc3: {  	_ =	swait.ge [sflag:s29], $0x1  }
0xc4: {  	[sflag:s29] =	ssyncadd.s32 $0xFFFFFFFF  }
0xc5: {  	_ =	strace $0x90000061  }
0xc6: {  	_ =	sfence  }
0xc7: {  	s30 =	sld [smem:$0x0];
	_ =	sdelay $0x2  }
0xc8: {  	s31 =	sshll.u32 s1, $0xD;
	s1 =	sshrl.u32 s1, $0x2  }
0xc9: {  	s4 =	sand.u32 $0x4000, s31;
	s1 =	sadd.s32 s1, s30  }
0xca: {  	s0 =	sor.u32 s4, s0;
	s1 =	sshll.u32 s1, $0x11  }
0xcb: {  	s0 =	sor.u32 s1, s0  }
0xcc: {  	s0 =	sadd.s32 $0x8F2B, s0  }
0xcd: {  	[sflag:s0] =	ssyncadd.remote.s32 $0x1  }
0xce: {  	_ =	sfence.sel $0xFFFF  }
0xcf: {  	[dreg:$0x0] =	wrdreg $0xFFFFFFFF;
	(pc) =	sbr.abs _section_cstart, $3  }
0xd0: {  	[dreg:$0x1] =	wrdreg $0xFFFFFFFF  }
0xd1: {  	_ =	task.clear_ibuf [dreg:s22], $0x2FFFF;
	_ =	strace $0x9FFFFFFF  }
0xd2: {  	(tm) =	ssettm $0x7FFFFFFF  }
0xd3: {  	_ =	shalt  }
tec
execute0_lowered:
.L_overlay_start_1:
0x0: {  	(tag) =	ssettag $0x1  }
0x1: {  	s0 =	rddreg [dreg:$0x0]  }
0x2: {  	s2 =	rddreg [dreg:$0x1]  }
0x3: {  	s3 =	rddreg [dreg:$0x2]  }
0x4: {  	s11 =	stileid.u32;
	s1 =	srdreg.scid  }
0x5: {  	s4 =	simm.s32 $0x0;
	s18 =	simm.s32 $0x80;
	s19 =	simm.s32 $0x5  }
0x6: {  	s20 =	simm.s32 $0x1;
	s6 =	smul.u32 $0x13C00, s11;
	s1 =	sand.u32 $0x1, s1  }
0x7: {  	[smem:$0x7FF] =	sst s4;
	s5 =	sadd.s32 $0x4C2200, s0;
	s23 =	smul.u32 $0x4F000, s11  }
0x8: {  	s21 =	simm.s32 $0x0;
	s7 =	smul.u32 $0x13C000, s1;
	_ =	strace $0x8000005A  }
0x9: {  	s9 =	sshll.u32 s1, $0x4;
	s1 =	ssub.s32 $0x2, s1;
	s8 =	sshrl.u32 s6, $0x3  }
0xa: {  	s24 =	sor.u32 s11, s9;
	s25 =	sshrl.u32 s1, $0x1;
	s11 =	sshll.u32 s11, $0x6  }
0xb: {  	s8 =	sadd.s32 s8, s0;
	s6 =	sadd.s32 s6, s7;
	s10 =	smul.u32 $0xA, s24  }
0xc: {  	s7 =	sshrl.u32 s23, $0x2;
	s1 =	ssub.s32 s1, s25;
	s9 =	smul.u32 $0xB, s24  }
0xd: {  	p0 =	slt.u32 s24, $0x5;
	s6 =	sshrl.u32 s6, $0x3;
	s15 =	sadd.s32 s7, s3  }
0xe: {  	s26 =	sadd.s32 $0x44BA00, s8;
	s0 =	sadd.s32 s6, s0;
	s6 =	sadd.s32 $0x5, s10  }
0xf: {  	s8 =	sor.u32 $0x1C01, s11;
	s14 =	smax.u32 s1, $0x1;
	s6 =	smov.u32 @p0 s9  }
0x10: {  	[dreg:$0x4] =	wrdreg s26;
	s9 =	simm.s32 $0xB;
	s28 =	sshll.u32 s6, $0xB  }
0x11: {  	s0 =	sadd.s32 $0x564A00, s0;
	s29 =	sshll.u32 s6, $0x4;
	s10 =	sand.u32 $0x1FFFF800, s28  }
0x12: {  	[dreg:$0x7] =	wrdreg s0;
	s11 =	sand.u32 $0x1FFFFFF0, s29;
	s30 =	sadd.s32 s5, s10  }
0x13: {  	s9 =	simm.s32 @!p0 $0xA;
	s31 =	sadd.s32 s2, s11;
	[dreg:$0x5] =	wrdreg s30  }
0x14: {  	s15 =	sshrl.u32 s15, $0x3;
	s12 =	sadd.s32 $0xFFFFFFFF, s9;
	[dreg:$0x6] =	wrdreg s31  }
.LBB2_1:
0x15: {  	s0 =	rddreg [dreg:$0x4]  }
0x16: {  	[spmem:s15], [sflag:s8] =	dma.local [hbm:s0], $0x2780  }
0x17: {  	_ =	swait.ge [sflag:s20], $0x2780  }
0x18: {  	[sflag:s20] =	ssyncset.done $0x0  }
0x19: {  	[sflag:s20] =	ssyncadd.s32 $0xFFFFD880  }
0x1a: {  	s1 =	simm.s32 $0x13C00;
	[bflag:$0x0] =	sbarrier.arrive $0xFFFF  }
0x1b: {  	s31 =	simm.s32 $0x1BC00;
	p1 =	sne.s32 s12, $0x1;
	_ =	strace $0x8000005B  }
.Ltmp0:
0x1c: {  	p0 =	seq.s32 s9, $0x1;
	s29 =	rddreg [dreg:$0x5];
	(pc) =	sbr.rel @!p1 .LBB2_2-.Ltmp0, $4  }
0x1d: {  	[tilespmem:s1], [sflag:$0x1] =	stream.linear.gather [hbm4b:s29+s4], $0x4000, $0x200038;
	[tilespmem:$0x1BD00] =	vst v63  }
0x1e: {  	s22 =	simm.s32 $0x1;
	s23 =	simm.s32 $0x1;
	s30 =	rddreg [dreg:$0x6]  }
0x1f: {  	[tilespmem:s31], [sflag:$0x3] =	stream.linear.gather [hbm4b:s30+s4], $0x80, $0x200038;
	[tilespmem:$0x1BD00] =	vst v63  }
0x20: {  	s22 =	simm.s32 @p0 $0x0;
	p0 =	por $0x0, $0x0;
	_ =	strace $0x9000005B  }
0x21: {  	p0 =	seq.s32 s22, $0x0;
	s23 =	simm.s32 $0x2;
	s17 =	simm.s32 $0x0  }
0x22: {  	p1 =	sne.s32 s12, $0x2;
	s31 =	simm.s32 $0x1;
	s0 =	sadd.s32 @!p0 s6, s22  }
0x23: {  	s1 =	sand.u32 @!p0 $0x1, s20;
	s26 =	simm.s32 @!p0 $0x0;
	s29 =	simm.s32 @!p0 $0x1  }
0x24: {  	_ =	strace @!p0 $0x8000005C;
	s16 =	sshll.u32 @!p0 s0, $0xB;
	s24 =	sshll.u32 @!p0 s1, $0xE  }
0x25: {  	s25 =	sadd.s32 @!p0 $0x1, s1;
	s0 =	sshll.u32 @!p0 s0, $0x4;
	s28 =	sshll.u32 @!p0 s1, $0x7  }
0x26: {  	s1 =	sadd.s32 @!p0 $0x3, s1;
	s29 =	simm.s32 @p0 $0x0;
	s16 =	sand.u32 @!p0 $0x1FFFF800, s16  }
0x27: {  	s24 =	sor.u32 @!p0 $0x13C00, s24;
	s0 =	sand.u32 @!p0 $0x1FFFFFF0, s0;
	s16 =	sadd.s32 @!p0 s5, s16  }
0x28: {  	[tilespmem:s24], [sflag:s25] =	stream.linear.gather @!p0 [hbm4b:s16+s26], $0x4000, $0x200038;
	[tilespmem:$0x1BD00] =	vst v63  }
0x29: {  	s28 =	sor.u32 @!p0 $0x1BC00, s28;
	s0 =	sadd.s32 @!p0 s2, s0;
	_ =	strace @!p0 $0x9000005C  }
0x2a: {  	s24 =	sadd.s32 $0x1, s29;
	s25 =	sand.u32 $0x1, s4;
	_ =	strace @!p0 $0x8000005D  }
0x2b: {  	[tilespmem:s28], [sflag:s1] =	stream.linear.gather @!p0 [hbm4b:s0+s26], $0x80, $0x200038;
	[tilespmem:$0x1BD00] =	vst v63  }
0x2c: {  	s29 =	sadd.s32 $0x1, s22;
	s30 =	sadd.s32 $0x1, s25;
	_ =	strace @!p0 $0x9000005D  }
0x2d: {  	s26 =	simm.s32 $0x0;
	s0 =	sadd.s32 $0x3, s25;
	_ =	strace $0x8000005E  }
0x2e: {  	s1 =	sand.u32 $0x4000, s17;
	s28 =	simm.s32 $0x0;
	_ =	swait.ge [sflag:s30], $0x4000  }
0x2f: {  	s16 =	sand.u32 $0x80, s26;
	s26 =	simm.s32 @!p0 $0x2;
	[sflag:s30] =	ssyncset.done $0x0  }
.Ltmp1:
0x30: {  	s1 =	sor.u32 $0x13C00, s1;
	[sflag:s30] =	ssyncadd.s32 $0xFFFFC000;
	(pc) =	sbr.rel @!p1 .LBB2_4-.Ltmp1, $4  }
0x31: {  	s26 =	smov.u32 @p0 s20;
	p0 =	sne.s32 s22, $0x0;
	_ =	strace $0x9000005E  }
0x32: {  	s31 =	simm.s32 @!p0 $0x0;
	p0 =	seq.s32 s29, s9;
	_ =	strace $0x8000005F  }
0x33: {  	s16 =	sor.u32 $0x1BC00, s16;
	s29 =	simm.s32 @p0 $0x0;
	_ =	swait.ge [sflag:s0], $0x80  }
0x34: {  	s25 =	sadd.s32 $0x0, s31;
	p0 =	por $0x1, $0x1;
	[sflag:s0] =	ssyncset.done $0x0  }
.LBB2_5:
0x35: {  	s30 =	smov.u32 s26  }
0x36: {  	s23 =	sadd.s32 $0x1, s23;
	p1 =	seq.s32 s22, s29;
	s28 =	sadd.s32 s31, s28  }
0x37: {  	s26 =	sadd.s32 @!p1 s6, s29;
	s31 =	sand.u32 @!p1 $0x1, s30;
	[sflag:s0] =	ssyncadd.s32 $0xFFFFFF80  }
0x38: {  	s0 =	sshll.u32 @!p1 s31, $0xE;
	s17 =	sshll.u32 @!p1 s26, $0xB;
	_ =	strace $0x9000005F  }
0x39: {  	s7 =	sand.u32 @!p1 $0x1, s24;
	s17 =	sand.u32 @!p1 $0x1FFFF800, s17;
	_ =	strace $0x80000060  }
0x3a: {  	[spmem:s3] =	stream.indirect.scatter.add.f32 [tilespmem:s1], [sflag:$0x5], $0x80, s16, s18, $0x2000b8;
	[tilespmem:$0x1BD00] =	vst v63  }
0x3b: {  	s26 =	sshll.u32 @!p1 s26, $0x4;
	s1 =	sadd.s32 @!p1 $0x1, s31;
	s16 =	simm.s32 @!p1 $0x0  }
0x3c: {  	s0 =	sor.u32 @!p1 $0x13C00, s0;
	s26 =	sand.u32 @!p1 $0x1FFFFFF0, s26;
	s31 =	sshll.u32 @!p1 s7, $0x7  }
0x3d: {  	s10 =	simm.s32 @!p1 $0x1;
	s31 =	sor.u32 @!p1 $0x1BC00, s31;
	_ =	swait.ge [sflag:s19], $0x4000  }
0x3e: {  	s17 =	sadd.s32 @!p1 s5, s17;
	s7 =	sadd.s32 @!p1 $0x3, s7;
	[sflag:s19] =	ssyncset.done $0x0  }
0x3f: {  	s10 =	simm.s32 @p1 $0x0;
	s11 =	sadd.s32 @!p1 s2, s26;
	[sflag:s19] =	ssyncadd.s32 $0xFFFFC000  }
0x40: {  	s24 =	sadd.s32 s24, s10;
	s10 =	sshll.u32 s28, $0xE;
	_ =	strace $0x90000060  }
0x41: {  	s13 =	sshll.u32 s25, $0x7;
	s26 =	sand.u32 $0x1, s28;
	_ =	strace @!p1 $0x8000005C  }
0x42: {  	[tilespmem:s0], [sflag:s1] =	stream.linear.gather @!p1 [hbm4b:s17+s16], $0x4000, $0x200038;
	[tilespmem:$0x1BD00] =	vst v63  }
0x43: {  	s13 =	sand.u32 $0x80, s13;
	s1 =	sadd.s32 $0x1, s26;
	_ =	strace @!p1 $0x9000005C  }
0x44: {  	s26 =	sadd.s32 @!p1 $0x1, s30;
	s0 =	sand.u32 $0x1, s25;
	_ =	strace @!p1 $0x8000005D  }
0x45: {  	[tilespmem:s31], [sflag:s7] =	stream.linear.gather @!p1 [hbm4b:s11+s16], $0x80, $0x200038;
	[tilespmem:$0x1BD00] =	vst v63  }
0x46: {  	s26 =	smov.u32 @p1 s30;
	s0 =	sadd.s32 $0x3, s0;
	_ =	strace @!p1 $0x9000005D  }
0x47: {  	p1 =	sne.s32 s12, s23;
	_ =	strace $0x8000005E  }
0x48: {  	p2 =	sne.s32 s22, s29;
	_ =	swait.ge [sflag:s1], $0x4000  }
0x49: {  	s22 =	smov.u32 s29;
	s31 =	simm.s32 $0x1;
	[sflag:s1] =	ssyncset.done $0x0  }
.Ltmp2:
0x4a: {  	[sflag:s1] =	ssyncadd.s32 $0xFFFFC000;
	s1 =	sand.u32 $0x4000, s10;
	(pc) =	sbr.rel @p1 .LBB2_5-.Ltmp2, $4  }
0x4b: {  	s29 =	sadd.s32 $0x1, s29;
	s31 =	simm.s32 @!p2 $0x0;
	_ =	strace $0x9000005E  }
0x4c: {  	p2 =	seq.s32 s29, s9;
	s1 =	sor.u32 $0x13C00, s1;
	_ =	strace $0x8000005F  }
0x4d: {  	s16 =	sor.u32 $0x1BC00, s13;
	s29 =	simm.s32 @p2 $0x0;
	_ =	swait.ge [sflag:s0], $0x80  }
0x4e: {  	s25 =	sadd.s32 s31, s25;
	[sflag:s0] =	ssyncset.done $0x0  }
0x4f: {  	s30 =	smov.u32 s22;
	s22 =	smov.u32 s29  }
.LBB2_7:
0x50: {  	[sflag:s0] =	ssyncadd.s32 @p0 $0xFFFFFF80  }
0x51: {  	_ =	strace @p0 $0x9000005F  }
0x52: {  	p1 =	seq.s32 s30, s22;
	_ =	strace @p0 $0x80000060  }
0x53: {  	[spmem:s3] =	stream.indirect.scatter.add.f32 @p0 [tilespmem:s1], [sflag:$0x5], $0x80, s16, s18, $0x2000b8;
	[tilespmem:$0x1BD00] =	vst v63  }
0x54: {  	s0 =	sadd.s32 @!p1 s6, s22;
	s11 =	simm.s32 @!p1 $0x0;
	_ =	swait.ge @p0 [sflag:s19], $0x4000  }
0x55: {  	s7 =	sshll.u32 @!p1 s0, $0xB;
	s0 =	sshll.u32 @!p1 s0, $0x4;
	[sflag:s19] =	ssyncset.done @p0 $0x0  }
0x56: {  	s1 =	sand.u32 @!p1 $0x1, s26;
	s7 =	sand.u32 @!p1 $0x1FFFF800, s7;
	[sflag:s19] =	ssyncadd.s32 @p0 $0xFFFFC000  }
0x57: {  	s10 =	sshll.u32 @!p1 s1, $0xE;
	s1 =	sadd.s32 @!p1 $0x1, s1;
	_ =	strace @p0 $0x90000060  }
0x58: {  	s7 =	sadd.s32 @!p1 s5, s7;
	s10 =	sor.u32 @!p1 $0x13C00, s10;
	_ =	strace @!p1 $0x8000005C  }
0x59: {  	[tilespmem:s10], [sflag:s1] =	stream.linear.gather @!p1 [hbm4b:s7+s11], $0x4000, $0x200038;
	[tilespmem:$0x1BD00] =	vst v63  }
0x5a: {  	s0 =	sand.u32 @!p1 $0x1FFFFFF0, s0;
	s1 =	sand.u32 @!p1 $0x1, s24  }
0x5b: {  	s0 =	sadd.s32 @!p1 s2, s0;
	s7 =	sshll.u32 @!p1 s1, $0x7;
	_ =	strace @!p1 $0x9000005C  }
0x5c: {  	s1 =	sadd.s32 @!p1 $0x3, s1;
	s7 =	sor.u32 @!p1 $0x1BC00, s7;
	_ =	strace @!p1 $0x8000005D  }
0x5d: {  	[tilespmem:s7], [sflag:s1] =	stream.linear.gather @!p1 [hbm4b:s0+s11], $0x80, $0x200038;
	[tilespmem:$0x1BD00] =	vst v63  }
0x5e: {  	s1 =	sadd.s32 @p0 s31, s28;
	s0 =	simm.s32 $0x0  }
0x5f: {  	s0 =	smov.u32 @p0 s1  }
0x60: {  	_ =	strace @!p1 $0x9000005D;
	s1 =	sand.u32 $0x1, s0  }
0x61: {  	_ =	strace $0x8000005E;
	s1 =	sadd.s32 $0x1, s1  }
0x62: {  	_ =	swait.ge [sflag:s1], $0x4000  }
0x63: {  	[sflag:s1] =	ssyncset.done $0x0  }
0x64: {  	[sflag:s1] =	ssyncadd.s32 $0xFFFFC000  }
0x65: {  	s13 =	sand.u32 $0x1, s25;
	_ =	strace $0x9000005E  }
0x66: {  	s1 =	sadd.s32 $0x3, s13;
	_ =	strace $0x8000005F  }
0x67: {  	_ =	swait.ge [sflag:s1], $0x80  }
0x68: {  	[sflag:s1] =	ssyncset.done $0x0  }
0x69: {  	s17 =	sshll.u32 s25, $0x7;
	s16 =	sshll.u32 s0, $0xE;
	[sflag:s1] =	ssyncadd.s32 $0xFFFFFF80  }
0x6a: {  	s28 =	sand.u32 $0x80, s17;
	s7 =	sand.u32 $0x4000, s16;
	_ =	strace $0x9000005F  }
0x6b: {  	s7 =	sor.u32 $0x13C00, s7;
	s1 =	sor.u32 $0x1BC00, s28;
	_ =	strace $0x80000060  }
0x6c: {  	[spmem:s3] =	stream.indirect.scatter.add.f32 [tilespmem:s7], [sflag:$0x5], $0x80, s1, s18, $0x2000b8;
	[tilespmem:$0x1BD00] =	vst v63  }
0x6d: {  	s1 =	sadd.s32 $0x1, s22  }
0x6e: {  	p0 =	seq.s32 s1, s9  }
0x6f: {  	_ =	swait.ge [sflag:s19], $0x4000;
	s1 =	simm.s32 @p0 $0x0;
	p0 =	sge.u32 s23, s12  }
0x70: {  	[sflag:s19] =	ssyncset.done $0x0;
	p2 =	seq.s32 @!p0 s22, s1  }
0x71: {  	s7 =	sadd.s32 @!p1 $0x1, s26;
	[sflag:s19] =	ssyncadd.s32 $0xFFFFC000;
	p0 =	por p2, p0  }
0x72: {  	s7 =	smov.u32 @p1 s26;
	_ =	strace $0x90000060;
	s1 =	sadd.s32 @!p0 s6, s1  }
0x73: {  	s7 =	sand.u32 @!p0 $0x1, s7;
	_ =	strace @!p0 $0x8000005C;
	s11 =	sshll.u32 @!p0 s1, $0xB  }
0x74: {  	s13 =	simm.s32 @!p0 $0x0;
	s10 =	sshll.u32 @!p0 s7, $0xE;
	s11 =	sand.u32 @!p0 $0x1FFFF800, s11  }
0x75: {  	s7 =	sadd.s32 @!p0 $0x1, s7;
	s10 =	sor.u32 @!p0 $0x13C00, s10;
	s11 =	sadd.s32 @!p0 s5, s11  }
0x76: {  	[tilespmem:s10], [sflag:s7] =	stream.linear.gather @!p0 [hbm4b:s11+s13], $0x4000, $0x200038;
	[tilespmem:$0x1BD00] =	vst v63  }
0x77: {  	s7 =	simm.s32 @!p1 $0x1  }
0x78: {  	s7 =	simm.s32 @p1 $0x0  }
0x79: {  	s1 =	sshll.u32 @!p0 s1, $0x4;
	s7 =	sadd.s32 s24, s7  }
0x7a: {  	s1 =	sand.u32 @!p0 $0x1FFFFFF0, s1;
	s7 =	sand.u32 @!p0 $0x1, s7  }
0x7b: {  	s1 =	sadd.s32 @!p0 s2, s1;
	_ =	strace @!p0 $0x9000005C;
	s10 =	sshll.u32 @!p0 s7, $0x7  }
0x7c: {  	_ =	strace @!p0 $0x8000005D;
	s7 =	sadd.s32 @!p0 $0x3, s7;
	s10 =	sor.u32 @!p0 $0x1BC00, s10  }
0x7d: {  	[tilespmem:s10], [sflag:s7] =	stream.linear.gather @!p0 [hbm4b:s1+s13], $0x80, $0x200038;
	[tilespmem:$0x1BD00] =	vst v63  }
0x7e: {  	p1 =	sne.s32 s30, s22;
	s1 =	simm.s32 $0x1  }
0x7f: {  	s1 =	simm.s32 @!p1 $0x0  }
0x80: {  	s0 =	sadd.s32 s1, s0  }
0x81: {  	_ =	strace @!p0 $0x9000005D;
	s29 =	sand.u32 $0x1, s0  }
0x82: {  	_ =	strace $0x8000005E;
	s7 =	sadd.s32 $0x1, s29  }
0x83: {  	_ =	swait.ge [sflag:s7], $0x4000  }
0x84: {  	[sflag:s7] =	ssyncset.done $0x0  }
0x85: {  	s1 =	sadd.s32 s1, s25;
	[sflag:s7] =	ssyncadd.s32 $0xFFFFC000  }
0x86: {  	s30 =	sand.u32 $0x1, s1;
	_ =	strace $0x9000005E  }
0x87: {  	s7 =	sadd.s32 $0x3, s30;
	_ =	strace $0x8000005F  }
0x88: {  	_ =	swait.ge [sflag:s7], $0x80  }
0x89: {  	[sflag:s7] =	ssyncset.done $0x0  }
0x8a: {  	s0 =	sshll.u32 s0, $0xE;
	s1 =	sshll.u32 s1, $0x7;
	[sflag:s7] =	ssyncadd.s32 $0xFFFFFF80  }
0x8b: {  	s0 =	sand.u32 $0x4000, s0;
	s1 =	sand.u32 $0x80, s1;
	_ =	strace $0x9000005F  }
0x8c: {  	s0 =	sor.u32 $0x13C00, s0;
	s1 =	sor.u32 $0x1BC00, s1;
	_ =	strace $0x80000060  }
0x8d: {  	[spmem:s3] =	stream.indirect.scatter.add.f32 [tilespmem:s0], [sflag:$0x5], $0x80, s1, s18, $0x2000b8;
	[tilespmem:$0x1BD00] =	vst v63  }
0x8e: {  	_ =	swait.ge [sflag:s19], $0x4000  }
0x8f: {  	[sflag:s19] =	ssyncset.done $0x0  }
0x90: {  	[sflag:s19] =	ssyncadd.s32 $0xFFFFC000  }
0x91: {  	_ =	strace $0x90000060  }
0x92: {  	s21 =	sadd.s32 $0x1, s21;
	[bflag:$0x0] =	sbarrier.arrive $0xFFFF  }
0x93: {  	p0 =	sne.s32 s21, s14;
	s31 =	rddreg [dreg:$0x7]  }
0x94: {  	[hbm:s31], [sflag:s8] =	dma.local [spmem:s15], $0x2780  }
.Ltmp3:
0x95: {  	_ = 	snop;
	(pc) =	sbr.rel @p0 .LBB2_1-.Ltmp3, $4  }
.Ltmp4:
0x96: {  	_ = 	snop;
	(pc) =	sbr.rel @!p0 .LBB2_8-.Ltmp4, $4  }
0x97: {  	_ =	swait.ge [sflag:s20], $0x2780  }
0x98: {  	[sflag:s20] =	ssyncset.done $0x0  }
0x99: {  	[sflag:s20] =	ssyncadd.s32 $0xFFFFD880  }
0x9a: {  	_ = 	snop  }
.LBB2_2:
.Ltmp5:
0x9b: {  	(pc) =	sbr.rel .LBB2_7-.Ltmp5, $3  }
0x9c: {  	_ =	sdelay $0x1  }
0x9d: {  	s30 =	simm.s32 $0x0;
	s28 =	simm.s32 $0x0  }
0x9e: {  	s26 =	simm.s32 $0x1;
	s24 =	simm.s32 $0x1;
	s25 =	simm.s32 $0x0  }
.LBB2_4:
.Ltmp6:
0x9f: {  	(pc) =	sbr.rel .LBB2_7-.Ltmp6, $2  }
0xa0: {  	_ =	sdelay $0x2  }
0xa1: {  	s30 =	smov.u32 s22;
	s22 =	smov.u32 s29;
	s28 =	simm.s32 $0x0  }
.LBB2_8:
0xa2: {  	_ =	sfence.sel $0x180000  }
0xa3: {  	[bflag:$0x0] =	sbarrier.arrive $0xFFFF  }
0xa4: {  	_ =	strace $0x9000005A  }
0xa5: {  	s0 =	stileid.u32;
	[bflag:$0x2] =	sbarrier.arrive $0xFFFF  }
0xa6: {  	p0 =	sne.s32 s0, $0x0;
	s0 =	rddreg [dreg:$0x3]  }
0xa7: {  	s0 =	sadd.s32 @!p0 $0x100000, s0  }
0xa8: {  	[sflag:s0] =	ssyncadd.tile.s32 @!p0 $0x1;
	_ =	shalt  }
.Lfunc_end2:
_tile_overlayer_lowered:
.L_overlay_start_2:
0xa9: {  	(tag) =	ssettag $0x2  }
0xaa: {  	s0 =	rddreg [dreg:$0x0];
	s2 =	stileid.u32  }
0xab: {  	s1 =	rddreg [dreg:$0x1];
	p0 =	sne.s32 s2, $0x0  }
0xac: {  	s3 =	rddreg [dreg:$0x2];
	[bflag:$0x3] =	sbarrier.arrive $0xFFFF;
	s2 =	simm.s32 @!p0 $0x1C01  }
0xad: {  	[timem:s3], [sflag:s2] =	dma.local @!p0 [hbm:s0], s1  }
0xae: {  	s0 =	simm.s32 @!p0 $0x1  }
0xaf: {  	_ =	swait.ge @!p0 [sflag:s0], s1  }
0xb0: {  	s1 =	ssub.s32 @!p0 $0x0, s1;
	[sflag:s0] =	ssyncset.done @!p0 $0x0  }
0xb1: {  	[sflag:s0] =	ssyncadd.s32 @!p0 s1  }
0xb2: {  	[bflag:$0x3] =	sbarrier.arrive $0xFFFF  }
0xb3: {  	_ =	shalt  }

</sc_bundles>
